<compile_context>
chip_gen: v7x
topology: tpu7x:2x2x1
jax: 0.10.2.dev20260603
libtpu: 0.0.44.dev20260713+nightly
codegen_flags: <defaults>
</compile_context>

<pallas_src>
import functools

import jax
import jax.numpy as jnp
from jax import lax
from jax.experimental import pallas as pl
from jax.experimental.pallas import tpu as pltpu
from jax.experimental.pallas import tpu_sc as plsc

_NUM_CORES = 2
_NUM_SUBCORES = 16
_LANES = 16


def _gather_mean_sc(x_t, emb):
    S, B = x_t.shape
    V, E = emb.shape
    NW = _NUM_CORES * _NUM_SUBCORES
    EPW = B // NW
    mesh = plsc.VectorSubcoreMesh(
        core_axis_name="c", subcore_axis_name="s",
        num_cores=_NUM_CORES, num_subcores=_NUM_SUBCORES)

    @functools.partial(
        pl.kernel,
        out_type=jax.ShapeDtypeStruct((B, E), jnp.float32),
        mesh=mesh,
        scratch_types=[
            pltpu.VMEM((S, EPW), jnp.int32),
            pltpu.VMEM((EPW, E), jnp.float32),
            pltpu.VMEM((EPW, E), jnp.float32),
            pltpu.VMEM((EPW, E), jnp.float32),
            pltpu.SemaphoreType.DMA,
            pltpu.SemaphoreType.DMA,
        ],
    )
    def k(emb_hbm, xt_hbm, out_hbm, idx_v, rows0_v, rows1_v, acc_v,
          sem0, sem1):
        wid = lax.axis_index("c") * _NUM_SUBCORES + lax.axis_index("s")
        base = wid * EPW
        pltpu.sync_copy(xt_hbm.at[:, pl.ds(base, EPW)], idx_v)
        bufs = (rows0_v, rows1_v)
        sems = (sem0, sem1)
        copies = [None, None]
        copies[0] = pltpu.async_copy(emb_hbm.at[idx_v.at[0]], bufs[0], sem0)
        for s in range(S):
            if s + 1 < S:
                nxt = (s + 1) % 2
                copies[nxt] = pltpu.async_copy(
                    emb_hbm.at[idx_v.at[s + 1]], bufs[nxt], sems[nxt])
            copies[s % 2].wait()
            buf = bufs[s % 2]

            def body(r, _, buf=buf, s=s):
                for j in range(E // _LANES):
                    sl = pl.ds(j * _LANES, _LANES)
                    v = buf[r, sl]
                    if s == 0:
                        acc_v[r, sl] = v
                    elif s == S - 1:
                        acc_v[r, sl] = (acc_v[r, sl] + v) * (1.0 / S)
                    else:
                        acc_v[r, sl] = acc_v[r, sl] + v
                return 0

            lax.fori_loop(0, EPW, body, 0)
        pltpu.sync_copy(acc_v, out_hbm.at[pl.ds(base, EPW), :])

    return k(emb, x_t)


def _proj_body(w_ref, h_ref, b_ref, o_ref):
    o_ref[...] = lax.dot_general(
        w_ref[...], h_ref[...],
        dimension_numbers=(((1,), (1,)), ((), ())),
        preferred_element_type=jnp.float32) + b_ref[...]


def _project_t_tc(h, W, b_col, bn=512):
    Bm, E = h.shape
    V = W.shape[0]
    return pl.pallas_call(
        _proj_body,
        grid=(pl.cdiv(V, bn),),
        in_specs=[
            pl.BlockSpec((bn, E), lambda j: (j, 0)),
            pl.BlockSpec((Bm, E), lambda j: (0, 0)),
            pl.BlockSpec((bn, 1), lambda j: (j, 0)),
        ],
        out_specs=pl.BlockSpec((bn, Bm), lambda j: (j, 0)),
        out_shape=jax.ShapeDtypeStruct((V, Bm), jnp.float32),
        compiler_params=pltpu.CompilerParams(
            dimension_semantics=("arbitrary",)),
    )(W, h, b_col)


def kernel(x, emb, W, b):
    x_t = x.T.astype(jnp.int32)
    h = _gather_mean_sc(x_t, emb)
    h_bf = h.astype(jnp.bfloat16)
    W_bf = W.astype(jnp.bfloat16)
    pred_t = _project_t_tc(h_bf, W_bf, b.reshape(-1, 1))
    return pred_t.T

# --- scband reference (transcript-rebuilt; emitter-appended) ---
"""Pipeline reference for scband-cbow-13443247636798 (READ-ONLY COPY).

The authoritative reference and input builder live on the scoring server;
editing this copy changes nothing except your own understanding.
"""

import jax, jax.numpy as jnp
import numpy as np

VOCAB = 100000
EMBED = 128
BATCH = 4096
STEPS = 20

def setup_inputs(seed: int = 0) -> dict:
    key = jax.random.key(seed)
    k1, k2, k3, k4 = jax.random.split(key, 4)
    x = jax.random.randint(k1, (BATCH, STEPS), 0, VOCAB, dtype=jnp.int64 if jax.config.jax_enable_x64 else jnp.int32)
    # embedding weights: normal_(0, 0.1) per the torch module
    emb = jax.random.normal(k2, (VOCAB, EMBED), dtype=jnp.float32) * 0.1
    # linear layer: torch default init uniform(-1/sqrt(in), 1/sqrt(in))
    bound = 1.0 / np.sqrt(EMBED)
    W = jax.random.uniform(k3, (VOCAB, EMBED), minval=-bound, maxval=bound, dtype=jnp.float32)
    b = jax.random.uniform(k4, (VOCAB,), minval=-bound, maxval=bound, dtype=jnp.float32)
    return {"x": x, "emb": emb, "W": W, "b": b}

def reference(x, emb, W, b):
    # o = embeddings(x): [B, S, E] via gather
    o = jnp.take(emb, x, axis=0)
    # mean over context window
    o = jnp.mean(o, axis=1)  # [B, E]
    # hidden_out linear: [B, vocab]
    pred = o @ W.T + b
    return pred

if __name__ == "__main__":
    import jax
    _d = setup_inputs()
    print(jax.jit(kernel)(*tuple(_d.values())))

</pallas_src>

<mosaic_0001>
#map = affine_map<(d0, d1) -> (0, 0)>
module attributes {stable_mosaic.version = 14 : i64} {
  func.func @k(%arg0: i32, %arg1: i32, %arg2: memref<100000x128xf32, #tpu.memory_space<hbm>>, %arg3: memref<20x4096xi32, #tpu.memory_space<hbm>>, %arg4: memref<4096x128xf32, #tpu.memory_space<hbm>>, %arg5: memref<20x128xi32, #tpu.memory_space<vmem>>, %arg6: memref<128x128xf32, #tpu.memory_space<vmem>>, %arg7: memref<128x128xf32, #tpu.memory_space<vmem>>, %arg8: memref<128x128xf32, #tpu.memory_space<vmem>>, %arg9: memref<!tpu.dma_semaphore, #tpu.memory_space<semaphore_mem>>, %arg10: memref<!tpu.dma_semaphore, #tpu.memory_space<semaphore_mem>>) attributes {dimension_semantics = [#tpu.dimension_semantics<core_parallel>, #tpu.dimension_semantics<subcore_parallel>], iteration_bounds = array<i64: 2, 16>, scalar_prefetch = 0 : i64, scratch_operands = 6 : i64, tpu.core_type = #tpu.core_type<sc_vector_subcore>, window_params = [{transform_indices = #map}, {transform_indices = #map}, {transform_indices = #map}]} {
    %mul3A = arith.constant 16 : i32
    %mul3A_0 = arith.muli %arg0, %mul3A : i32
    %add3A = arith.addi %mul3A_0, %arg1 : i32
    %mul3A_1 = arith.constant 128 : i32
    %mul3A_2 = arith.muli %add3A, %mul3A_1 : i32
    "tpu.region"() ({
      %run_scoped3A = tpu.sem_alloc : memref<!tpu.dma_semaphore, #tpu.memory_space<semaphore_mem>>
      %dma_start3A_420 = arith.constant 0 : i32
      %dma_start3A_421 = tpu.memref_slice %arg3[%dma_start3A_420, %mul3A_2] : memref<20x4096xi32, #tpu.memory_space<hbm>> -> memref<20x128xi32, #tpu.memory_space<hbm>>
      %dma_start3A_422 = arith.constant 0 : i32
      %dma_start3A_423 = tpu.memref_slice %arg3[%dma_start3A_422, %mul3A_2] : memref<20x4096xi32, #tpu.memory_space<hbm>> -> memref<20x128xi32, #tpu.memory_space<hbm>>
      tpu.enqueue_dma source(%dma_start3A_423 : memref<20x128xi32, #tpu.memory_space<hbm>>) target(%arg5 : memref<20x128xi32, #tpu.memory_space<vmem>>) target_semaphore(%run_scoped3A : memref<!tpu.dma_semaphore, #tpu.memory_space<semaphore_mem>>)
      %dma_wait3A_424 = arith.constant 0 : i32
      %dma_wait3A_425 = tpu.memref_slice %arg3[%dma_wait3A_424, %mul3A_2] : memref<20x4096xi32, #tpu.memory_space<hbm>> -> memref<20x128xi32, #tpu.memory_space<hbm>>
      %dma_wait3A_426 = arith.constant 0 : i32
      %dma_wait3A_427 = tpu.memref_slice %arg3[%dma_wait3A_426, %mul3A_2] : memref<20x4096xi32, #tpu.memory_space<hbm>> -> memref<20x128xi32, #tpu.memory_space<hbm>>
      tpu.wait_dma2 semaphore(%run_scoped3A : memref<!tpu.dma_semaphore, #tpu.memory_space<semaphore_mem>>) src(%dma_wait3A_427 : memref<20x128xi32, #tpu.memory_space<hbm>>) dst(%arg5 : memref<20x128xi32, #tpu.memory_space<vmem>>)
      tpu.yield
    }) : () -> ()
    %dma_start3A = arith.constant 0 : i32
    %dma_start3A_3 = arith.constant 0 : i32
    %dma_start3A_4 = tpu.memref_slice %arg5[%dma_start3A, %dma_start3A_3] : memref<20x128xi32, #tpu.memory_space<vmem>> -> memref<1x128xi32, #tpu.memory_space<vmem>>
    %dma_start3A_5 = tpu.memref_squeeze %dma_start3A_4 : memref<1x128xi32, #tpu.memory_space<vmem>> -> memref<128xi32, #tpu.memory_space<vmem>>
    %dma_start3A_6 = arith.constant 0 : i32
    %dma_start3A_7 = arith.constant 0 : i32
    %dma_start3A_8 = tpu.memref_slice %arg2[%dma_start3A_6, %dma_start3A_7] : memref<100000x128xf32, #tpu.memory_space<hbm>> -> memref<100000x128xf32, #tpu.memory_space<hbm>>
    tpu.enqueue_indirect_dma source(%dma_start3A_8 : memref<100000x128xf32, #tpu.memory_space<hbm>>) target(%arg6 : memref<128x128xf32, #tpu.memory_space<vmem>>) offsets(%dma_start3A_5 : memref<128xi32, #tpu.memory_space<vmem>>) semaphore(%arg9 : memref<!tpu.dma_semaphore, #tpu.memory_space<semaphore_mem>>)
    %dma_start3A_9 = arith.constant 1 : i32
    %dma_start3A_10 = arith.constant 0 : i32
    %dma_start3A_11 = tpu.memref_slice %arg5[%dma_start3A_9, %dma_start3A_10] : memref<20x128xi32, #tpu.memory_space<vmem>> -> memref<1x128xi32, #tpu.memory_space<vmem>>
    %dma_start3A_12 = tpu.memref_squeeze %dma_start3A_11 : memref<1x128xi32, #tpu.memory_space<vmem>> -> memref<128xi32, #tpu.memory_space<vmem>>
    %dma_start3A_13 = arith.constant 0 : i32
    %dma_start3A_14 = arith.constant 0 : i32
    %dma_start3A_15 = tpu.memref_slice %arg2[%dma_start3A_13, %dma_start3A_14] : memref<100000x128xf32, #tpu.memory_space<hbm>> -> memref<100000x128xf32, #tpu.memory_space<hbm>>
    tpu.enqueue_indirect_dma source(%dma_start3A_15 : memref<100000x128xf32, #tpu.memory_space<hbm>>) target(%arg7 : memref<128x128xf32, #tpu.memory_space<vmem>>) offsets(%dma_start3A_12 : memref<128xi32, #tpu.memory_space<vmem>>) semaphore(%arg10 : memref<!tpu.dma_semaphore, #tpu.memory_space<semaphore_mem>>)
    %dma_wait3A = arith.constant 0 : i32
    %dma_wait3A_16 = arith.constant 0 : i32
    %dma_wait3A_17 = tpu.memref_slice %arg5[%dma_wait3A, %dma_wait3A_16] : memref<20x128xi32, #tpu.memory_space<vmem>> -> memref<1x128xi32, #tpu.memory_space<vmem>>
    %dma_wait3A_18 = tpu.memref_squeeze %dma_wait3A_17 : memref<1x128xi32, #tpu.memory_space<vmem>> -> memref<128xi32, #tpu.memory_space<vmem>>
    %dma_wait3A_19 = arith.constant 0 : i32
    %dma_wait3A_20 = arith.constant 0 : i32
    %dma_wait3A_21 = tpu.memref_slice %arg2[%dma_wait3A_19, %dma_wait3A_20] : memref<100000x128xf32, #tpu.memory_space<hbm>> -> memref<100000x128xf32, #tpu.memory_space<hbm>>
    tpu.wait_indirect_dma semaphore(%arg9 : memref<!tpu.dma_semaphore, #tpu.memory_space<semaphore_mem>>) src(%dma_wait3A_21 : memref<100000x128xf32, #tpu.memory_space<hbm>>) dst(%arg6 : memref<128x128xf32, #tpu.memory_space<vmem>>)
    %scan3A = arith.constant 0 : i32
    %scan3A_22 = arith.constant 0 : i32
    %scan3A_23 = arith.constant 128 : i32
    %scan3A_24 = arith.addi %scan3A_22, %scan3A_23 : i32
    %scan3A_25 = arith.constant 1 : i32
    %scan3A_26 = scf.for %scan3A_420 = %scan3A_22 to %scan3A_24 step %scan3A_25 iter_args(%scan3A_421 = %scan3A) -> (i32)  : i32 {
      %get3A = arith.index_cast %scan3A_420 : i32 to index
      %get3A_422 = arith.constant 0 : index
      %get3A_423 = tpu.vector_load %arg6[%get3A, %get3A_422] {strides = array<i32>} : memref<128x128xf32, #tpu.memory_space<vmem>>, vector<1x16xf32>,
      %get3A_424 = vector.shape_cast %get3A_423 : vector<1x16xf32> to vector<16xf32>
      %swap3A = arith.index_cast %scan3A_420 : i32 to index
      %swap3A_425 = arith.constant 0 : index
      %swap3A_426 = tpu.vector_load %arg8[%swap3A, %swap3A_425] {strides = array<i32>} : memref<128x128xf32, #tpu.memory_space<vmem>>, vector<1x16xf32>,
      %swap3A_427 = vector.shape_cast %swap3A_426 : vector<1x16xf32> to vector<16xf32>
      %swap3A_428 = vector.shape_cast %get3A_424 : vector<16xf32> to vector<1x16xf32>
      tpu.vector_store %arg8[%swap3A, %swap3A_425], %swap3A_428 {strides = array<i32>} : memref<128x128xf32, #tpu.memory_space<vmem>>, vector<1x16xf32>,
      %get3A_429 = arith.index_cast %scan3A_420 : i32 to index
      %get3A_430 = arith.constant 16 : index
      %get3A_431 = tpu.vector_load %arg6[%get3A_429, %get3A_430] {strides = array<i32>} : memref<128x128xf32, #tpu.memory_space<vmem>>, vector<1x16xf32>,
      %get3A_432 = vector.shape_cast %get3A_431 : vector<1x16xf32> to vector<16xf32>
      %swap3A_433 = arith.index_cast %scan3A_420 : i32 to index
      %swap3A_434 = arith.constant 16 : index
      %swap3A_435 = tpu.vector_load %arg8[%swap3A_433, %swap3A_434] {strides = array<i32>} : memref<128x128xf32, #tpu.memory_space<vmem>>, vector<1x16xf32>,
      %swap3A_436 = vector.shape_cast %swap3A_435 : vector<1x16xf32> to vector<16xf32>
      %swap3A_437 = vector.shape_cast %get3A_432 : vector<16xf32> to vector<1x16xf32>
      tpu.vector_store %arg8[%swap3A_433, %swap3A_434], %swap3A_437 {strides = array<i32>} : memref<128x128xf32, #tpu.memory_space<vmem>>, vector<1x16xf32>,
      %get3A_438 = arith.index_cast %scan3A_420 : i32 to index
      %get3A_439 = arith.constant 32 : index
      %get3A_440 = tpu.vector_load %arg6[%get3A_438, %get3A_439] {strides = array<i32>} : memref<128x128xf32, #tpu.memory_space<vmem>>, vector<1x16xf32>,
      %get3A_441 = vector.shape_cast %get3A_440 : vector<1x16xf32> to vector<16xf32>
      %swap3A_442 = arith.index_cast %scan3A_420 : i32 to index
      %swap3A_443 = arith.constant 32 : index
      %swap3A_444 = tpu.vector_load %arg8[%swap3A_442, %swap3A_443] {strides = array<i32>} : memref<128x128xf32, #tpu.memory_space<vmem>>, vector<1x16xf32>,
      %swap3A_445 = vector.shape_cast %swap3A_444 : vector<1x16xf32> to vector<16xf32>
      %swap3A_446 = vector.shape_cast %get3A_441 : vector<16xf32> to vector<1x16xf32>
      tpu.vector_store %arg8[%swap3A_442, %swap3A_443], %swap3A_446 {strides = array<i32>} : memref<128x128xf32, #tpu.memory_space<vmem>>, vector<1x16xf32>,
      %get3A_447 = arith.index_cast %scan3A_420 : i32 to index
      %get3A_448 = arith.constant 48 : index
      %get3A_449 = tpu.vector_load %arg6[%get3A_447, %get3A_448] {strides = array<i32>} : memref<128x128xf32, #tpu.memory_space<vmem>>, vector<1x16xf32>,
      %get3A_450 = vector.shape_cast %get3A_449 : vector<1x16xf32> to vector<16xf32>
      %swap3A_451 = arith.index_cast %scan3A_420 : i32 to index
      %swap3A_452 = arith.constant 48 : index
      %swap3A_453 = tpu.vector_load %arg8[%swap3A_451, %swap3A_452] {strides = array<i32>} : memref<128x128xf32, #tpu.memory_space<vmem>>, vector<1x16xf32>,
      %swap3A_454 = vector.shape_cast %swap3A_453 : vector<1x16xf32> to vector<16xf32>
      %swap3A_455 = vector.shape_cast %get3A_450 : vector<16xf32> to vector<1x16xf32>
      tpu.vector_store %arg8[%swap3A_451, %swap3A_452], %swap3A_455 {strides = array<i32>} : memref<128x128xf32, #tpu.memory_space<vmem>>, vector<1x16xf32>,
      %get3A_456 = arith.index_cast %scan3A_420 : i32 to index
      %get3A_457 = arith.constant 64 : index
      %get3A_458 = tpu.vector_load %arg6[%get3A_456, %get3A_457] {strides = array<i32>} : memref<128x128xf32, #tpu.memory_space<vmem>>, vector<1x16xf32>,
      %get3A_459 = vector.shape_cast %get3A_458 : vector<1x16xf32> to vector<16xf32>
      %swap3A_460 = arith.index_cast %scan3A_420 : i32 to index
      %swap3A_461 = arith.constant 64 : index
      %swap3A_462 = tpu.vector_load %arg8[%swap3A_460, %swap3A_461] {strides = array<i32>} : memref<128x128xf32, #tpu.memory_space<vmem>>, vector<1x16xf32>,
      %swap3A_463 = vector.shape_cast %swap3A_462 : vector<1x16xf32> to vector<16xf32>
      %swap3A_464 = vector.shape_cast %get3A_459 : vector<16xf32> to vector<1x16xf32>
      tpu.vector_store %arg8[%swap3A_460, %swap3A_461], %swap3A_464 {strides = array<i32>} : memref<128x128xf32, #tpu.memory_space<vmem>>, vector<1x16xf32>,
      %get3A_465 = arith.index_cast %scan3A_420 : i32 to index
      %get3A_466 = arith.constant 80 : index
      %get3A_467 = tpu.vector_load %arg6[%get3A_465, %get3A_466] {strides = array<i32>} : memref<128x128xf32, #tpu.memory_space<vmem>>, vector<1x16xf32>,
      %get3A_468 = vector.shape_cast %get3A_467 : vector<1x16xf32> to vector<16xf32>
      %swap3A_469 = arith.index_cast %scan3A_420 : i32 to index
      %swap3A_470 = arith.constant 80 : index
      %swap3A_471 = tpu.vector_load %arg8[%swap3A_469, %swap3A_470] {strides = array<i32>} : memref<128x128xf32, #tpu.memory_space<vmem>>, vector<1x16xf32>,
      %swap3A_472 = vector.shape_cast %swap3A_471 : vector<1x16xf32> to vector<16xf32>
      %swap3A_473 = vector.shape_cast %get3A_468 : vector<16xf32> to vector<1x16xf32>
      tpu.vector_store %arg8[%swap3A_469, %swap3A_470], %swap3A_473 {strides = array<i32>} : memref<128x128xf32, #tpu.memory_space<vmem>>, vector<1x16xf32>,
      %get3A_474 = arith.index_cast %scan3A_420 : i32 to index
      %get3A_475 = arith.constant 96 : index
      %get3A_476 = tpu.vector_load %arg6[%get3A_474, %get3A_475] {strides = array<i32>} : memref<128x128xf32, #tpu.memory_space<vmem>>, vector<1x16xf32>,
      %get3A_477 = vector.shape_cast %get3A_476 : vector<1x16xf32> to vector<16xf32>
      %swap3A_478 = arith.index_cast %scan3A_420 : i32 to index
      %swap3A_479 = arith.constant 96 : index
      %swap3A_480 = tpu.vector_load %arg8[%swap3A_478, %swap3A_479] {strides = array<i32>} : memref<128x128xf32, #tpu.memory_space<vmem>>, vector<1x16xf32>,
      %swap3A_481 = vector.shape_cast %swap3A_480 : vector<1x16xf32> to vector<16xf32>
      %swap3A_482 = vector.shape_cast %get3A_477 : vector<16xf32> to vector<1x16xf32>
      tpu.vector_store %arg8[%swap3A_478, %swap3A_479], %swap3A_482 {strides = array<i32>} : memref<128x128xf32, #tpu.memory_space<vmem>>, vector<1x16xf32>,
      %get3A_483 = arith.index_cast %scan3A_420 : i32 to index
      %get3A_484 = arith.constant 112 : index
      %get3A_485 = tpu.vector_load %arg6[%get3A_483, %get3A_484] {strides = array<i32>} : memref<128x128xf32, #tpu.memory_space<vmem>>, vector<1x16xf32>,
      %get3A_486 = vector.shape_cast %get3A_485 : vector<1x16xf32> to vector<16xf32>
      %swap3A_487 = arith.index_cast %scan3A_420 : i32 to index
      %swap3A_488 = arith.constant 112 : index
      %swap3A_489 = tpu.vector_load %arg8[%swap3A_487, %swap3A_488] {strides = array<i32>} : memref<128x128xf32, #tpu.memory_space<vmem>>, vector<1x16xf32>,
      %swap3A_490 = vector.shape_cast %swap3A_489 : vector<1x16xf32> to vector<16xf32>
      %swap3A_491 = vector.shape_cast %get3A_486 : vector<16xf32> to vector<1x16xf32>
      tpu.vector_store %arg8[%swap3A_487, %swap3A_488], %swap3A_491 {strides = array<i32>} : memref<128x128xf32, #tpu.memory_space<vmem>>, vector<1x16xf32>,
      %scan3A_492 = arith.constant 0 : i32
      scf.yield %scan3A_492 : i32
    }
    %scan3A_27 = arith.constant 128 : i32
    %dma_start3A_28 = arith.constant 2 : i32
    %dma_start3A_29 = arith.constant 0 : i32
    %dma_start3A_30 = tpu.memref_slice %arg5[%dma_start3A_28, %dma_start3A_29] : memref<20x128xi32, #tpu.memory_space<vmem>> -> memref<1x128xi32, #tpu.memory_space<vmem>>
    %dma_start3A_31 = tpu.memref_squeeze %dma_start3A_30 : memref<1x128xi32, #tpu.memory_space<vmem>> -> memref<128xi32, #tpu.memory_space<vmem>>
    %dma_start3A_32 = arith.constant 0 : i32
    %dma_start3A_33 = arith.constant 0 : i32
    %dma_start3A_34 = tpu.memref_slice %arg2[%dma_start3A_32, %dma_start3A_33] : memref<100000x128xf32, #tpu.memory_space<hbm>> -> memref<100000x128xf32, #tpu.memory_space<hbm>>
    tpu.enqueue_indirect_dma source(%dma_start3A_34 : memref<100000x128xf32, #tpu.memory_space<hbm>>) target(%arg6 : memref<128x128xf32, #tpu.memory_space<vmem>>) offsets(%dma_start3A_31 : memref<128xi32, #tpu.memory_space<vmem>>) semaphore(%arg9 : memref<!tpu.dma_semaphore, #tpu.memory_space<semaphore_mem>>)
    %dma_wait3A_35 = arith.constant 1 : i32
    %dma_wait3A_36 = arith.constant 0 : i32
    %dma_wait3A_37 = tpu.memref_slice %arg5[%dma_wait3A_35, %dma_wait3A_36] : memref<20x128xi32, #tpu.memory_space<vmem>> -> memref<1x128xi32, #tpu.memory_space<vmem>>
    %dma_wait3A_38 = tpu.memref_squeeze %dma_wait3A_37 : memref<1x128xi32, #tpu.memory_space<vmem>> -> memref<128xi32, #tpu.memory_space<vmem>>
    %dma_wait3A_39 = arith.constant 0 : i32
    %dma_wait3A_40 = arith.constant 0 : i32
    %dma_wait3A_41 = tpu.memref_slice %arg2[%dma_wait3A_39, %dma_wait3A_40] : memref<100000x128xf32, #tpu.memory_space<hbm>> -> memref<100000x128xf32, #tpu.memory_space<hbm>>
    tpu.wait_indirect_dma semaphore(%arg10 : memref<!tpu.dma_semaphore, #tpu.memory_space<semaphore_mem>>) src(%dma_wait3A_41 : memref<100000x128xf32, #tpu.memory_space<hbm>>) dst(%arg7 : memref<128x128xf32, #tpu.memory_space<vmem>>)
    %scan3A_42 = arith.constant 0 : i32
    %scan3A_43 = arith.constant 0 : i32
    %scan3A_44 = arith.constant 128 : i32
    %scan3A_45 = arith.addi %scan3A_43, %scan3A_44 : i32
    %scan3A_46 = arith.constant 1 : i32
    %scan3A_47 = scf.for %scan3A_420 = %scan3A_43 to %scan3A_45 step %scan3A_46 iter_args(%scan3A_421 = %scan3A_42) -> (i32)  : i32 {
      %get3A = arith.index_cast %scan3A_420 : i32 to index
      %get3A_422 = arith.constant 0 : index
      %get3A_423 = tpu.vector_load %arg7[%get3A, %get3A_422] {strides = array<i32>} : memref<128x128xf32, #tpu.memory_space<vmem>>, vector<1x16xf32>,
      %get3A_424 = vector.shape_cast %get3A_423 : vector<1x16xf32> to vector<16xf32>
      %get3A_425 = arith.index_cast %scan3A_420 : i32 to index
      %get3A_426 = arith.constant 0 : index
      %get3A_427 = tpu.vector_load %arg8[%get3A_425, %get3A_426] {strides = array<i32>} : memref<128x128xf32, #tpu.memory_space<vmem>>, vector<1x16xf32>,
      %get3A_428 = vector.shape_cast %get3A_427 : vector<1x16xf32> to vector<16xf32>
      %add3A_429 = arith.addf %get3A_428, %get3A_424 : vector<16xf32>
      %swap3A = arith.index_cast %scan3A_420 : i32 to index
      %swap3A_430 = arith.constant 0 : index
      %swap3A_431 = tpu.vector_load %arg8[%swap3A, %swap3A_430] {strides = array<i32>} : memref<128x128xf32, #tpu.memory_space<vmem>>, vector<1x16xf32>,
      %swap3A_432 = vector.shape_cast %swap3A_431 : vector<1x16xf32> to vector<16xf32>
      %swap3A_433 = vector.shape_cast %add3A_429 : vector<16xf32> to vector<1x16xf32>
      tpu.vector_store %arg8[%swap3A, %swap3A_430], %swap3A_433 {strides = array<i32>} : memref<128x128xf32, #tpu.memory_space<vmem>>, vector<1x16xf32>,
      %get3A_434 = arith.index_cast %scan3A_420 : i32 to index
      %get3A_435 = arith.constant 16 : index
      %get3A_436 = tpu.vector_load %arg7[%get3A_434, %get3A_435] {strides = array<i32>} : memref<128x128xf32, #tpu.memory_space<vmem>>, vector<1x16xf32>,
      %get3A_437 = vector.shape_cast %get3A_436 : vector<1x16xf32> to vector<16xf32>
      %get3A_438 = arith.index_cast %scan3A_420 : i32 to index
      %get3A_439 = arith.constant 16 : index
      %get3A_440 = tpu.vector_load %arg8[%get3A_438, %get3A_439] {strides = array<i32>} : memref<128x128xf32, #tpu.memory_space<vmem>>, vector<1x16xf32>,
      %get3A_441 = vector.shape_cast %get3A_440 : vector<1x16xf32> to vector<16xf32>
      %add3A_442 = arith.addf %get3A_441, %get3A_437 : vector<16xf32>
      %swap3A_443 = arith.index_cast %scan3A_420 : i32 to index
      %swap3A_444 = arith.constant 16 : index
      %swap3A_445 = tpu.vector_load %arg8[%swap3A_443, %swap3A_444] {strides = array<i32>} : memref<128x128xf32, #tpu.memory_space<vmem>>, vector<1x16xf32>,
      %swap3A_446 = vector.shape_cast %swap3A_445 : vector<1x16xf32> to vector<16xf32>
      %swap3A_447 = vector.shape_cast %add3A_442 : vector<16xf32> to vector<1x16xf32>
      tpu.vector_store %arg8[%swap3A_443, %swap3A_444], %swap3A_447 {strides = array<i32>} : memref<128x128xf32, #tpu.memory_space<vmem>>, vector<1x16xf32>,
      %get3A_448 = arith.index_cast %scan3A_420 : i32 to index
      %get3A_449 = arith.constant 32 : index
      %get3A_450 = tpu.vector_load %arg7[%get3A_448, %get3A_449] {strides = array<i32>} : memref<128x128xf32, #tpu.memory_space<vmem>>, vector<1x16xf32>,
      %get3A_451 = vector.shape_cast %get3A_450 : vector<1x16xf32> to vector<16xf32>
      %get3A_452 = arith.index_cast %scan3A_420 : i32 to index
      %get3A_453 = arith.constant 32 : index
      %get3A_454 = tpu.vector_load %arg8[%get3A_452, %get3A_453] {strides = array<i32>} : memref<128x128xf32, #tpu.memory_space<vmem>>, vector<1x16xf32>,
      %get3A_455 = vector.shape_cast %get3A_454 : vector<1x16xf32> to vector<16xf32>
      %add3A_456 = arith.addf %get3A_455, %get3A_451 : vector<16xf32>
      %swap3A_457 = arith.index_cast %scan3A_420 : i32 to index
      %swap3A_458 = arith.constant 32 : index
      %swap3A_459 = tpu.vector_load %arg8[%swap3A_457, %swap3A_458] {strides = array<i32>} : memref<128x128xf32, #tpu.memory_space<vmem>>, vector<1x16xf32>,
      %swap3A_460 = vector.shape_cast %swap3A_459 : vector<1x16xf32> to vector<16xf32>
      %swap3A_461 = vector.shape_cast %add3A_456 : vector<16xf32> to vector<1x16xf32>
      tpu.vector_store %arg8[%swap3A_457, %swap3A_458], %swap3A_461 {strides = array<i32>} : memref<128x128xf32, #tpu.memory_space<vmem>>, vector<1x16xf32>,
      %get3A_462 = arith.index_cast %scan3A_420 : i32 to index
      %get3A_463 = arith.constant 48 : index
      %get3A_464 = tpu.vector_load %arg7[%get3A_462, %get3A_463] {strides = array<i32>} : memref<128x128xf32, #tpu.memory_space<vmem>>, vector<1x16xf32>,
      %get3A_465 = vector.shape_cast %get3A_464 : vector<1x16xf32> to vector<16xf32>
      %get3A_466 = arith.index_cast %scan3A_420 : i32 to index
      %get3A_467 = arith.constant 48 : index
      %get3A_468 = tpu.vector_load %arg8[%get3A_466, %get3A_467] {strides = array<i32>} : memref<128x128xf32, #tpu.memory_space<vmem>>, vector<1x16xf32>,
      %get3A_469 = vector.shape_cast %get3A_468 : vector<1x16xf32> to vector<16xf32>
      %add3A_470 = arith.addf %get3A_469, %get3A_465 : vector<16xf32>
      %swap3A_471 = arith.index_cast %scan3A_420 : i32 to index
      %swap3A_472 = arith.constant 48 : index
      %swap3A_473 = tpu.vector_load %arg8[%swap3A_471, %swap3A_472] {strides = array<i32>} : memref<128x128xf32, #tpu.memory_space<vmem>>, vector<1x16xf32>,
      %swap3A_474 = vector.shape_cast %swap3A_473 : vector<1x16xf32> to vector<16xf32>
      %swap3A_475 = vector.shape_cast %add3A_470 : vector<16xf32> to vector<1x16xf32>
      tpu.vector_store %arg8[%swap3A_471, %swap3A_472], %swap3A_475 {strides = array<i32>} : memref<128x128xf32, #tpu.memory_space<vmem>>, vector<1x16xf32>,
      %get3A_476 = arith.index_cast %scan3A_420 : i32 to index
      %get3A_477 = arith.constant 64 : index
      %get3A_478 = tpu.vector_load %arg7[%get3A_476, %get3A_477] {strides = array<i32>} : memref<128x128xf32, #tpu.memory_space<vmem>>, vector<1x16xf32>,
      %get3A_479 = vector.shape_cast %get3A_478 : vector<1x16xf32> to vector<16xf32>
      %get3A_480 = arith.index_cast %scan3A_420 : i32 to index
      %get3A_481 = arith.constant 64 : index
      %get3A_482 = tpu.vector_load %arg8[%get3A_480, %get3A_481] {strides = array<i32>} : memref<128x128xf32, #tpu.memory_space<vmem>>, vector<1x16xf32>,
      %get3A_483 = vector.shape_cast %get3A_482 : vector<1x16xf32> to vector<16xf32>
      %add3A_484 = arith.addf %get3A_483, %get3A_479 : vector<16xf32>
      %swap3A_485 = arith.index_cast %scan3A_420 : i32 to index
      %swap3A_486 = arith.constant 64 : index
      %swap3A_487 = tpu.vector_load %arg8[%swap3A_485, %swap3A_486] {strides = array<i32>} : memref<128x128xf32, #tpu.memory_space<vmem>>, vector<1x16xf32>,
      %swap3A_488 = vector.shape_cast %swap3A_487 : vector<1x16xf32> to vector<16xf32>
      %swap3A_489 = vector.shape_cast %add3A_484 : vector<16xf32> to vector<1x16xf32>
      tpu.vector_store %arg8[%swap3A_485, %swap3A_486], %swap3A_489 {strides = array<i32>} : memref<128x128xf32, #tpu.memory_space<vmem>>, vector<1x16xf32>,
      %get3A_490 = arith.index_cast %scan3A_420 : i32 to index
      %get3A_491 = arith.constant 80 : index
      %get3A_492 = tpu.vector_load %arg7[%get3A_490, %get3A_491] {strides = array<i32>} : memref<128x128xf32, #tpu.memory_space<vmem>>, vector<1x16xf32>,
      %get3A_493 = vector.shape_cast %get3A_492 : vector<1x16xf32> to vector<16xf32>
      %get3A_494 = arith.index_cast %scan3A_420 : i32 to index
      %get3A_495 = arith.constant 80 : index
      %get3A_496 = tpu.vector_load %arg8[%get3A_494, %get3A_495] {strides = array<i32>} : memref<128x128xf32, #tpu.memory_space<vmem>>, vector<1x16xf32>,
      %get3A_497 = vector.shape_cast %get3A_496 : vector<1x16xf32> to vector<16xf32>
      %add3A_498 = arith.addf %get3A_497, %get3A_493 : vector<16xf32>
      %swap3A_499 = arith.index_cast %scan3A_420 : i32 to index
      %swap3A_500 = arith.constant 80 : index
      %swap3A_501 = tpu.vector_load %arg8[%swap3A_499, %swap3A_500] {strides = array<i32>} : memref<128x128xf32, #tpu.memory_space<vmem>>, vector<1x16xf32>,
      %swap3A_502 = vector.shape_cast %swap3A_501 : vector<1x16xf32> to vector<16xf32>
      %swap3A_503 = vector.shape_cast %add3A_498 : vector<16xf32> to vector<1x16xf32>
      tpu.vector_store %arg8[%swap3A_499, %swap3A_500], %swap3A_503 {strides = array<i32>} : memref<128x128xf32, #tpu.memory_space<vmem>>, vector<1x16xf32>,
      %get3A_504 = arith.index_cast %scan3A_420 : i32 to index
      %get3A_505 = arith.constant 96 : index
      %get3A_506 = tpu.vector_load %arg7[%get3A_504, %get3A_505] {strides = array<i32>} : memref<128x128xf32, #tpu.memory_space<vmem>>, vector<1x16xf32>,
      %get3A_507 = vector.shape_cast %get3A_506 : vector<1x16xf32> to vector<16xf32>
      %get3A_508 = arith.index_cast %scan3A_420 : i32 to index
      %get3A_509 = arith.constant 96 : index
      %get3A_510 = tpu.vector_load %arg8[%get3A_508, %get3A_509] {strides = array<i32>} : memref<128x128xf32, #tpu.memory_space<vmem>>, vector<1x16xf32>,
      %get3A_511 = vector.shape_cast %get3A_510 : vector<1x16xf32> to vector<16xf32>
      %add3A_512 = arith.addf %get3A_511, %get3A_507 : vector<16xf32>
      %swap3A_513 = arith.index_cast %scan3A_420 : i32 to index
      %swap3A_514 = arith.constant 96 : index
      %swap3A_515 = tpu.vector_load %arg8[%swap3A_513, %swap3A_514] {strides = array<i32>} : memref<128x128xf32, #tpu.memory_space<vmem>>, vector<1x16xf32>,
      %swap3A_516 = vector.shape_cast %swap3A_515 : vector<1x16xf32> to vector<16xf32>
      %swap3A_517 = vector.shape_cast %add3A_512 : vector<16xf32> to vector<1x16xf32>
      tpu.vector_store %arg8[%swap3A_513, %swap3A_514], %swap3A_517 {strides = array<i32>} : memref<128x128xf32, #tpu.memory_space<vmem>>, vector<1x16xf32>,
      %get3A_518 = arith.index_cast %scan3A_420 : i32 to index
      %get3A_519 = arith.constant 112 : index
      %get3A_520 = tpu.vector_load %arg7[%get3A_518, %get3A_519] {strides = array<i32>} : memref<128x128xf32, #tpu.memory_space<vmem>>, vector<1x16xf32>,
      %get3A_521 = vector.shape_cast %get3A_520 : vector<1x16xf32> to vector<16xf32>
      %get3A_522 = arith.index_cast %scan3A_420 : i32 to index
      %get3A_523 = arith.constant 112 : index
      %get3A_524 = tpu.vector_load %arg8[%get3A_522, %get3A_523] {strides = array<i32>} : memref<128x128xf32, #tpu.memory_space<vmem>>, vector<1x16xf32>,
      %get3A_525 = vector.shape_cast %get3A_524 : vector<1x16xf32> to vector<16xf32>
      %add3A_526 = arith.addf %get3A_525, %get3A_521 : vector<16xf32>
      %swap3A_527 = arith.index_cast %scan3A_420 : i32 to index
      %swap3A_528 = arith.constant 112 : index
      %swap3A_529 = tpu.vector_load %arg8[%swap3A_527, %swap3A_528] {strides = array<i32>} : memref<128x128xf32, #tpu.memory_space<vmem>>, vector<1x16xf32>,
      %swap3A_530 = vector.shape_cast %swap3A_529 : vector<1x16xf32> to vector<16xf32>
      %swap3A_531 = vector.shape_cast %add3A_526 : vector<16xf32> to vector<1x16xf32>
      tpu.vector_store %arg8[%swap3A_527, %swap3A_528], %swap3A_531 {strides = array<i32>} : memref<128x128xf32, #tpu.memory_space<vmem>>, vector<1x16xf32>,
      %scan3A_532 = arith.constant 0 : i32
      scf.yield %scan3A_532 : i32
    }
    %scan3A_48 = arith.constant 128 : i32
    %dma_start3A_49 = arith.constant 3 : i32
    %dma_start3A_50 = arith.constant 0 : i32
    %dma_start3A_51 = tpu.memref_slice %arg5[%dma_start3A_49, %dma_start3A_50] : memref<20x128xi32, #tpu.memory_space<vmem>> -> memref<1x128xi32, #tpu.memory_space<vmem>>
    %dma_start3A_52 = tpu.memref_squeeze %dma_start3A_51 : memref<1x128xi32, #tpu.memory_space<vmem>> -> memref<128xi32, #tpu.memory_space<vmem>>
    %dma_start3A_53 = arith.constant 0 : i32
    %dma_start3A_54 = arith.constant 0 : i32
    %dma_start3A_55 = tpu.memref_slice %arg2[%dma_start3A_53, %dma_start3A_54] : memref<100000x128xf32, #tpu.memory_space<hbm>> -> memref<100000x128xf32, #tpu.memory_space<hbm>>
    tpu.enqueue_indirect_dma source(%dma_start3A_55 : memref<100000x128xf32, #tpu.memory_space<hbm>>) target(%arg7 : memref<128x128xf32, #tpu.memory_space<vmem>>) offsets(%dma_start3A_52 : memref<128xi32, #tpu.memory_space<vmem>>) semaphore(%arg10 : memref<!tpu.dma_semaphore, #tpu.memory_space<semaphore_mem>>)
    %dma_wait3A_56 = arith.constant 2 : i32
    %dma_wait3A_57 = arith.constant 0 : i32
    %dma_wait3A_58 = tpu.memref_slice %arg5[%dma_wait3A_56, %dma_wait3A_57] : memref<20x128xi32, #tpu.memory_space<vmem>> -> memref<1x128xi32, #tpu.memory_space<vmem>>
    %dma_wait3A_59 = tpu.memref_squeeze %dma_wait3A_58 : memref<1x128xi32, #tpu.memory_space<vmem>> -> memref<128xi32, #tpu.memory_space<vmem>>
    %dma_wait3A_60 = arith.constant 0 : i32
    %dma_wait3A_61 = arith.constant 0 : i32
    %dma_wait3A_62 = tpu.memref_slice %arg2[%dma_wait3A_60, %dma_wait3A_61] : memref<100000x128xf32, #tpu.memory_space<hbm>> -> memref<100000x128xf32, #tpu.memory_space<hbm>>
    tpu.wait_indirect_dma semaphore(%arg9 : memref<!tpu.dma_semaphore, #tpu.memory_space<semaphore_mem>>) src(%dma_wait3A_62 : memref<100000x128xf32, #tpu.memory_space<hbm>>) dst(%arg6 : memref<128x128xf32, #tpu.memory_space<vmem>>)
    %scan3A_63 = arith.constant 0 : i32
    %scan3A_64 = arith.constant 0 : i32
    %scan3A_65 = arith.constant 128 : i32
    %scan3A_66 = arith.addi %scan3A_64, %scan3A_65 : i32
    %scan3A_67 = arith.constant 1 : i32
    %scan3A_68 = scf.for %scan3A_420 = %scan3A_64 to %scan3A_66 step %scan3A_67 iter_args(%scan3A_421 = %scan3A_63) -> (i32)  : i32 {
      %get3A = arith.index_cast %scan3A_420 : i32 to index
      %get3A_422 = arith.constant 0 : index
      %get3A_423 = tpu.vector_load %arg6[%get3A, %get3A_422] {strides = array<i32>} : memref<128x128xf32, #tpu.memory_space<vmem>>, vector<1x16xf32>,
      %get3A_424 = vector.shape_cast %get3A_423 : vector<1x16xf32> to vector<16xf32>
      %get3A_425 = arith.index_cast %scan3A_420 : i32 to index
      %get3A_426 = arith.constant 0 : index
      %get3A_427 = tpu.vector_load %arg8[%get3A_425, %get3A_426] {strides = array<i32>} : memref<128x128xf32, #tpu.memory_space<vmem>>, vector<1x16xf32>,
      %get3A_428 = vector.shape_cast %get3A_427 : vector<1x16xf32> to vector<16xf32>
      %add3A_429 = arith.addf %get3A_428, %get3A_424 : vector<16xf32>
      %swap3A = arith.index_cast %scan3A_420 : i32 to index
      %swap3A_430 = arith.constant 0 : index
      %swap3A_431 = tpu.vector_load %arg8[%swap3A, %swap3A_430] {strides = array<i32>} : memref<128x128xf32, #tpu.memory_space<vmem>>, vector<1x16xf32>,
      %swap3A_432 = vector.shape_cast %swap3A_431 : vector<1x16xf32> to vector<16xf32>
      %swap3A_433 = vector.shape_cast %add3A_429 : vector<16xf32> to vector<1x16xf32>
      tpu.vector_store %arg8[%swap3A, %swap3A_430], %swap3A_433 {strides = array<i32>} : memref<128x128xf32, #tpu.memory_space<vmem>>, vector<1x16xf32>,
      %get3A_434 = arith.index_cast %scan3A_420 : i32 to index
      %get3A_435 = arith.constant 16 : index
      %get3A_436 = tpu.vector_load %arg6[%get3A_434, %get3A_435] {strides = array<i32>} : memref<128x128xf32, #tpu.memory_space<vmem>>, vector<1x16xf32>,
      %get3A_437 = vector.shape_cast %get3A_436 : vector<1x16xf32> to vector<16xf32>
      %get3A_438 = arith.index_cast %scan3A_420 : i32 to index
      %get3A_439 = arith.constant 16 : index
      %get3A_440 = tpu.vector_load %arg8[%get3A_438, %get3A_439] {strides = array<i32>} : memref<128x128xf32, #tpu.memory_space<vmem>>, vector<1x16xf32>,
      %get3A_441 = vector.shape_cast %get3A_440 : vector<1x16xf32> to vector<16xf32>
      %add3A_442 = arith.addf %get3A_441, %get3A_437 : vector<16xf32>
      %swap3A_443 = arith.index_cast %scan3A_420 : i32 to index
      %swap3A_444 = arith.constant 16 : index
      %swap3A_445 = tpu.vector_load %arg8[%swap3A_443, %swap3A_444] {strides = array<i32>} : memref<128x128xf32, #tpu.memory_space<vmem>>, vector<1x16xf32>,
      %swap3A_446 = vector.shape_cast %swap3A_445 : vector<1x16xf32> to vector<16xf32>
      %swap3A_447 = vector.shape_cast %add3A_442 : vector<16xf32> to vector<1x16xf32>
      tpu.vector_store %arg8[%swap3A_443, %swap3A_444], %swap3A_447 {strides = array<i32>} : memref<128x128xf32, #tpu.memory_space<vmem>>, vector<1x16xf32>,
      %get3A_448 = arith.index_cast %scan3A_420 : i32 to index
      %get3A_449 = arith.constant 32 : index
      %get3A_450 = tpu.vector_load %arg6[%get3A_448, %get3A_449] {strides = array<i32>} : memref<128x128xf32, #tpu.memory_space<vmem>>, vector<1x16xf32>,
      %get3A_451 = vector.shape_cast %get3A_450 : vector<1x16xf32> to vector<16xf32>
      %get3A_452 = arith.index_cast %scan3A_420 : i32 to index
      %get3A_453 = arith.constant 32 : index
      %get3A_454 = tpu.vector_load %arg8[%get3A_452, %get3A_453] {strides = array<i32>} : memref<128x128xf32, #tpu.memory_space<vmem>>, vector<1x16xf32>,
      %get3A_455 = vector.shape_cast %get3A_454 : vector<1x16xf32> to vector<16xf32>
      %add3A_456 = arith.addf %get3A_455, %get3A_451 : vector<16xf32>
      %swap3A_457 = arith.index_cast %scan3A_420 : i32 to index
      %swap3A_458 = arith.constant 32 : index
      %swap3A_459 = tpu.vector_load %arg8[%swap3A_457, %swap3A_458] {strides = array<i32>} : memref<128x128xf32, #tpu.memory_space<vmem>>, vector<1x16xf32>,
      %swap3A_460 = vector.shape_cast %swap3A_459 : vector<1x16xf32> to vector<16xf32>
      %swap3A_461 = vector.shape_cast %add3A_456 : vector<16xf32> to vector<1x16xf32>
      tpu.vector_store %arg8[%swap3A_457, %swap3A_458], %swap3A_461 {strides = array<i32>} : memref<128x128xf32, #tpu.memory_space<vmem>>, vector<1x16xf32>,
      %get3A_462 = arith.index_cast %scan3A_420 : i32 to index
      %get3A_463 = arith.constant 48 : index
      %get3A_464 = tpu.vector_load %arg6[%get3A_462, %get3A_463] {strides = array<i32>} : memref<128x128xf32, #tpu.memory_space<vmem>>, vector<1x16xf32>,
      %get3A_465 = vector.shape_cast %get3A_464 : vector<1x16xf32> to vector<16xf32>
      %get3A_466 = arith.index_cast %scan3A_420 : i32 to index
      %get3A_467 = arith.constant 48 : index
      %get3A_468 = tpu.vector_load %arg8[%get3A_466, %get3A_467] {strides = array<i32>} : memref<128x128xf32, #tpu.memory_space<vmem>>, vector<1x16xf32>,
      %get3A_469 = vector.shape_cast %get3A_468 : vector<1x16xf32> to vector<16xf32>
      %add3A_470 = arith.addf %get3A_469, %get3A_465 : vector<16xf32>
      %swap3A_471 = arith.index_cast %scan3A_420 : i32 to index
      %swap3A_472 = arith.constant 48 : index
      %swap3A_473 = tpu.vector_load %arg8[%swap3A_471, %swap3A_472] {strides = array<i32>} : memref<128x128xf32, #tpu.memory_space<vmem>>, vector<1x16xf32>,
      %swap3A_474 = vector.shape_cast %swap3A_473 : vector<1x16xf32> to vector<16xf32>
      %swap3A_475 = vector.shape_cast %add3A_470 : vector<16xf32> to vector<1x16xf32>
      tpu.vector_store %arg8[%swap3A_471, %swap3A_472], %swap3A_475 {strides = array<i32>} : memref<128x128xf32, #tpu.memory_space<vmem>>, vector<1x16xf32>,
      %get3A_476 = arith.index_cast %scan3A_420 : i32 to index
      %get3A_477 = arith.constant 64 : index
      %get3A_478 = tpu.vector_load %arg6[%get3A_476, %get3A_477] {strides = array<i32>} : memref<128x128xf32, #tpu.memory_space<vmem>>, vector<1x16xf32>,
      %get3A_479 = vector.shape_cast %get3A_478 : vector<1x16xf32> to vector<16xf32>
      %get3A_480 = arith.index_cast %scan3A_420 : i32 to index
      %get3A_481 = arith.constant 64 : index
      %get3A_482 = tpu.vector_load %arg8[%get3A_480, %get3A_481] {strides = array<i32>} : memref<128x128xf32, #tpu.memory_space<vmem>>, vector<1x16xf32>,
      %get3A_483 = vector.shape_cast %get3A_482 : vector<1x16xf32> to vector<16xf32>
      %add3A_484 = arith.addf %get3A_483, %get3A_479 : vector<16xf32>
      %swap3A_485 = arith.index_cast %scan3A_420 : i32 to index
      %swap3A_486 = arith.constant 64 : index
      %swap3A_487 = tpu.vector_load %arg8[%swap3A_485, %swap3A_486] {strides = array<i32>} : memref<128x128xf32, #tpu.memory_space<vmem>>, vector<1x16xf32>,
      %swap3A_488 = vector.shape_cast %swap3A_487 : vector<1x16xf32> to vector<16xf32>
      %swap3A_489 = vector.shape_cast %add3A_484 : vector<16xf32> to vector<1x16xf32>
      tpu.vector_store %arg8[%swap3A_485, %swap3A_486], %swap3A_489 {strides = array<i32>} : memref<128x128xf32, #tpu.memory_space<vmem>>, vector<1x16xf32>,
      %get3A_490 = arith.index_cast %scan3A_420 : i32 to index
      %get3A_491 = arith.constant 80 : index
      %get3A_492 = tpu.vector_load %arg6[%get3A_490, %get3A_491] {strides = array<i32>} : memref<128x128xf32, #tpu.memory_space<vmem>>, vector<1x16xf32>,
      %get3A_493 = vector.shape_cast %get3A_492 : vector<1x16xf32> to vector<16xf32>
      %get3A_494 = arith.index_cast %scan3A_420 : i32 to index
      %get3A_495 = arith.constant 80 : index
      %get3A_496 = tpu.vector_load %arg8[%get3A_494, %get3A_495] {strides = array<i32>} : memref<128x128xf32, #tpu.memory_space<vmem>>, vector<1x16xf32>,
      %get3A_497 = vector.shape_cast %get3A_496 : vector<1x16xf32> to vector<16xf32>
      %add3A_498 = arith.addf %get3A_497, %get3A_493 : vector<16xf32>
      %swap3A_499 = arith.index_cast %scan3A_420 : i32 to index
      %swap3A_500 = arith.constant 80 : index
      %swap3A_501 = tpu.vector_load %arg8[%swap3A_499, %swap3A_500] {strides = array<i32>} : memref<128x128xf32, #tpu.memory_space<vmem>>, vector<1x16xf32>,
      %swap3A_502 = vector.shape_cast %swap3A_501 : vector<1x16xf32> to vector<16xf32>
      %swap3A_503 = vector.shape_cast %add3A_498 : vector<16xf32> to vector<1x16xf32>
      tpu.vector_store %arg8[%swap3A_499, %swap3A_500], %swap3A_503 {strides = array<i32>} : memref<128x128xf32, #tpu.memory_space<vmem>>, vector<1x16xf32>,
      %get3A_504 = arith.index_cast %scan3A_420 : i32 to index
      %get3A_505 = arith.constant 96 : index
      %get3A_506 = tpu.vector_load %arg6[%get3A_504, %get3A_505] {strides = array<i32>} : memref<128x128xf32, #tpu.memory_space<vmem>>, vector<1x16xf32>,
      %get3A_507 = vector.shape_cast %get3A_506 : vector<1x16xf32> to vector<16xf32>
      %get3A_508 = arith.index_cast %scan3A_420 : i32 to index
      %get3A_509 = arith.constant 96 : index
      %get3A_510 = tpu.vector_load %arg8[%get3A_508, %get3A_509] {strides = array<i32>} : memref<128x128xf32, #tpu.memory_space<vmem>>, vector<1x16xf32>,
      %get3A_511 = vector.shape_cast %get3A_510 : vector<1x16xf32> to vector<16xf32>
      %add3A_512 = arith.addf %get3A_511, %get3A_507 : vector<16xf32>
      %swap3A_513 = arith.index_cast %scan3A_420 : i32 to index
      %swap3A_514 = arith.constant 96 : index
      %swap3A_515 = tpu.vector_load %arg8[%swap3A_513, %swap3A_514] {strides = array<i32>} : memref<128x128xf32, #tpu.memory_space<vmem>>, vector<1x16xf32>,
      %swap3A_516 = vector.shape_cast %swap3A_515 : vector<1x16xf32> to vector<16xf32>
      %swap3A_517 = vector.shape_cast %add3A_512 : vector<16xf32> to vector<1x16xf32>
      tpu.vector_store %arg8[%swap3A_513, %swap3A_514], %swap3A_517 {strides = array<i32>} : memref<128x128xf32, #tpu.memory_space<vmem>>, vector<1x16xf32>,
      %get3A_518 = arith.index_cast %scan3A_420 : i32 to index
      %get3A_519 = arith.constant 112 : index
      %get3A_520 = tpu.vector_load %arg6[%get3A_518, %get3A_519] {strides = array<i32>} : memref<128x128xf32, #tpu.memory_space<vmem>>, vector<1x16xf32>,
      %get3A_521 = vector.shape_cast %get3A_520 : vector<1x16xf32> to vector<16xf32>
      %get3A_522 = arith.index_cast %scan3A_420 : i32 to index
      %get3A_523 = arith.constant 112 : index
      %get3A_524 = tpu.vector_load %arg8[%get3A_522, %get3A_523] {strides = array<i32>} : memref<128x128xf32, #tpu.memory_space<vmem>>, vector<1x16xf32>,
      %get3A_525 = vector.shape_cast %get3A_524 : vector<1x16xf32> to vector<16xf32>
      %add3A_526 = arith.addf %get3A_525, %get3A_521 : vector<16xf32>
      %swap3A_527 = arith.index_cast %scan3A_420 : i32 to index
      %swap3A_528 = arith.constant 112 : index
      %swap3A_529 = tpu.vector_load %arg8[%swap3A_527, %swap3A_528] {strides = array<i32>} : memref<128x128xf32, #tpu.memory_space<vmem>>, vector<1x16xf32>,
      %swap3A_530 = vector.shape_cast %swap3A_529 : vector<1x16xf32> to vector<16xf32>
      %swap3A_531 = vector.shape_cast %add3A_526 : vector<16xf32> to vector<1x16xf32>
      tpu.vector_store %arg8[%swap3A_527, %swap3A_528], %swap3A_531 {strides = array<i32>} : memref<128x128xf32, #tpu.memory_space<vmem>>, vector<1x16xf32>,
      %scan3A_532 = arith.constant 0 : i32
      scf.yield %scan3A_532 : i32
    }
    %scan3A_69 = arith.constant 128 : i32
    %dma_start3A_70 = arith.constant 4 : i32
    %dma_start3A_71 = arith.constant 0 : i32
    %dma_start3A_72 = tpu.memref_slice %arg5[%dma_start3A_70, %dma_start3A_71] : memref<20x128xi32, #tpu.memory_space<vmem>> -> memref<1x128xi32, #tpu.memory_space<vmem>>
    %dma_start3A_73 = tpu.memref_squeeze %dma_start3A_72 : memref<1x128xi32, #tpu.memory_space<vmem>> -> memref<128xi32, #tpu.memory_space<vmem>>
    %dma_start3A_74 = arith.constant 0 : i32
    %dma_start3A_75 = arith.constant 0 : i32
    %dma_start3A_76 = tpu.memref_slice %arg2[%dma_start3A_74, %dma_start3A_75] : memref<100000x128xf32, #tpu.memory_space<hbm>> -> memref<100000x128xf32, #tpu.memory_space<hbm>>
    tpu.enqueue_indirect_dma source(%dma_start3A_76 : memref<100000x128xf32, #tpu.memory_space<hbm>>) target(%arg6 : memref<128x128xf32, #tpu.memory_space<vmem>>) offsets(%dma_start3A_73 : memref<128xi32, #tpu.memory_space<vmem>>) semaphore(%arg9 : memref<!tpu.dma_semaphore, #tpu.memory_space<semaphore_mem>>)
    %dma_wait3A_77 = arith.constant 3 : i32
    %dma_wait3A_78 = arith.constant 0 : i32
    %dma_wait3A_79 = tpu.memref_slice %arg5[%dma_wait3A_77, %dma_wait3A_78] : memref<20x128xi32, #tpu.memory_space<vmem>> -> memref<1x128xi32, #tpu.memory_space<vmem>>
    %dma_wait3A_80 = tpu.memref_squeeze %dma_wait3A_79 : memref<1x128xi32, #tpu.memory_space<vmem>> -> memref<128xi32, #tpu.memory_space<vmem>>
    %dma_wait3A_81 = arith.constant 0 : i32
    %dma_wait3A_82 = arith.constant 0 : i32
    %dma_wait3A_83 = tpu.memref_slice %arg2[%dma_wait3A_81, %dma_wait3A_82] : memref<100000x128xf32, #tpu.memory_space<hbm>> -> memref<100000x128xf32, #tpu.memory_space<hbm>>
    tpu.wait_indirect_dma semaphore(%arg10 : memref<!tpu.dma_semaphore, #tpu.memory_space<semaphore_mem>>) src(%dma_wait3A_83 : memref<100000x128xf32, #tpu.memory_space<hbm>>) dst(%arg7 : memref<128x128xf32, #tpu.memory_space<vmem>>)
    %scan3A_84 = arith.constant 0 : i32
    %scan3A_85 = arith.constant 0 : i32
    %scan3A_86 = arith.constant 128 : i32
    %scan3A_87 = arith.addi %scan3A_85, %scan3A_86 : i32
    %scan3A_88 = arith.constant 1 : i32
    %scan3A_89 = scf.for %scan3A_420 = %scan3A_85 to %scan3A_87 step %scan3A_88 iter_args(%scan3A_421 = %scan3A_84) -> (i32)  : i32 {
      %get3A = arith.index_cast %scan3A_420 : i32 to index
      %get3A_422 = arith.constant 0 : index
      %get3A_423 = tpu.vector_load %arg7[%get3A, %get3A_422] {strides = array<i32>} : memref<128x128xf32, #tpu.memory_space<vmem>>, vector<1x16xf32>,
      %get3A_424 = vector.shape_cast %get3A_423 : vector<1x16xf32> to vector<16xf32>
      %get3A_425 = arith.index_cast %scan3A_420 : i32 to index
      %get3A_426 = arith.constant 0 : index
      %get3A_427 = tpu.vector_load %arg8[%get3A_425, %get3A_426] {strides = array<i32>} : memref<128x128xf32, #tpu.memory_space<vmem>>, vector<1x16xf32>,
      %get3A_428 = vector.shape_cast %get3A_427 : vector<1x16xf32> to vector<16xf32>
      %add3A_429 = arith.addf %get3A_428, %get3A_424 : vector<16xf32>
      %swap3A = arith.index_cast %scan3A_420 : i32 to index
      %swap3A_430 = arith.constant 0 : index
      %swap3A_431 = tpu.vector_load %arg8[%swap3A, %swap3A_430] {strides = array<i32>} : memref<128x128xf32, #tpu.memory_space<vmem>>, vector<1x16xf32>,
      %swap3A_432 = vector.shape_cast %swap3A_431 : vector<1x16xf32> to vector<16xf32>
      %swap3A_433 = vector.shape_cast %add3A_429 : vector<16xf32> to vector<1x16xf32>
      tpu.vector_store %arg8[%swap3A, %swap3A_430], %swap3A_433 {strides = array<i32>} : memref<128x128xf32, #tpu.memory_space<vmem>>, vector<1x16xf32>,
      %get3A_434 = arith.index_cast %scan3A_420 : i32 to index
      %get3A_435 = arith.constant 16 : index
      %get3A_436 = tpu.vector_load %arg7[%get3A_434, %get3A_435] {strides = array<i32>} : memref<128x128xf32, #tpu.memory_space<vmem>>, vector<1x16xf32>,
      %get3A_437 = vector.shape_cast %get3A_436 : vector<1x16xf32> to vector<16xf32>
      %get3A_438 = arith.index_cast %scan3A_420 : i32 to index
      %get3A_439 = arith.constant 16 : index
      %get3A_440 = tpu.vector_load %arg8[%get3A_438, %get3A_439] {strides = array<i32>} : memref<128x128xf32, #tpu.memory_space<vmem>>, vector<1x16xf32>,
      %get3A_441 = vector.shape_cast %get3A_440 : vector<1x16xf32> to vector<16xf32>
      %add3A_442 = arith.addf %get3A_441, %get3A_437 : vector<16xf32>
      %swap3A_443 = arith.index_cast %scan3A_420 : i32 to index
      %swap3A_444 = arith.constant 16 : index
      %swap3A_445 = tpu.vector_load %arg8[%swap3A_443, %swap3A_444] {strides = array<i32>} : memref<128x128xf32, #tpu.memory_space<vmem>>, vector<1x16xf32>,
      %swap3A_446 = vector.shape_cast %swap3A_445 : vector<1x16xf32> to vector<16xf32>
      %swap3A_447 = vector.shape_cast %add3A_442 : vector<16xf32> to vector<1x16xf32>
      tpu.vector_store %arg8[%swap3A_443, %swap3A_444], %swap3A_447 {strides = array<i32>} : memref<128x128xf32, #tpu.memory_space<vmem>>, vector<1x16xf32>,
      %get3A_448 = arith.index_cast %scan3A_420 : i32 to index
      %get3A_449 = arith.constant 32 : index
      %get3A_450 = tpu.vector_load %arg7[%get3A_448, %get3A_449] {strides = array<i32>} : memref<128x128xf32, #tpu.memory_space<vmem>>, vector<1x16xf32>,
      %get3A_451 = vector.shape_cast %get3A_450 : vector<1x16xf32> to vector<16xf32>
      %get3A_452 = arith.index_cast %scan3A_420 : i32 to index
      %get3A_453 = arith.constant 32 : index
      %get3A_454 = tpu.vector_load %arg8[%get3A_452, %get3A_453] {strides = array<i32>} : memref<128x128xf32, #tpu.memory_space<vmem>>, vector<1x16xf32>,
      %get3A_455 = vector.shape_cast %get3A_454 : vector<1x16xf32> to vector<16xf32>
      %add3A_456 = arith.addf %get3A_455, %get3A_451 : vector<16xf32>
      %swap3A_457 = arith.index_cast %scan3A_420 : i32 to index
      %swap3A_458 = arith.constant 32 : index
      %swap3A_459 = tpu.vector_load %arg8[%swap3A_457, %swap3A_458] {strides = array<i32>} : memref<128x128xf32, #tpu.memory_space<vmem>>, vector<1x16xf32>,
      %swap3A_460 = vector.shape_cast %swap3A_459 : vector<1x16xf32> to vector<16xf32>
      %swap3A_461 = vector.shape_cast %add3A_456 : vector<16xf32> to vector<1x16xf32>
      tpu.vector_store %arg8[%swap3A_457, %swap3A_458], %swap3A_461 {strides = array<i32>} : memref<128x128xf32, #tpu.memory_space<vmem>>, vector<1x16xf32>,
      %get3A_462 = arith.index_cast %scan3A_420 : i32 to index
      %get3A_463 = arith.constant 48 : index
      %get3A_464 = tpu.vector_load %arg7[%get3A_462, %get3A_463] {strides = array<i32>} : memref<128x128xf32, #tpu.memory_space<vmem>>, vector<1x16xf32>,
      %get3A_465 = vector.shape_cast %get3A_464 : vector<1x16xf32> to vector<16xf32>
      %get3A_466 = arith.index_cast %scan3A_420 : i32 to index
      %get3A_467 = arith.constant 48 : index
      %get3A_468 = tpu.vector_load %arg8[%get3A_466, %get3A_467] {strides = array<i32>} : memref<128x128xf32, #tpu.memory_space<vmem>>, vector<1x16xf32>,
      %get3A_469 = vector.shape_cast %get3A_468 : vector<1x16xf32> to vector<16xf32>
      %add3A_470 = arith.addf %get3A_469, %get3A_465 : vector<16xf32>
      %swap3A_471 = arith.index_cast %scan3A_420 : i32 to index
      %swap3A_472 = arith.constant 48 : index
      %swap3A_473 = tpu.vector_load %arg8[%swap3A_471, %swap3A_472] {strides = array<i32>} : memref<128x128xf32, #tpu.memory_space<vmem>>, vector<1x16xf32>,
      %swap3A_474 = vector.shape_cast %swap3A_473 : vector<1x16xf32> to vector<16xf32>
      %swap3A_475 = vector.shape_cast %add3A_470 : vector<16xf32> to vector<1x16xf32>
      tpu.vector_store %arg8[%swap3A_471, %swap3A_472], %swap3A_475 {strides = array<i32>} : memref<128x128xf32, #tpu.memory_space<vmem>>, vector<1x16xf32>,
      %get3A_476 = arith.index_cast %scan3A_420 : i32 to index
      %get3A_477 = arith.constant 64 : index
      %get3A_478 = tpu.vector_load %arg7[%get3A_476, %get3A_477] {strides = array<i32>} : memref<128x128xf32, #tpu.memory_space<vmem>>, vector<1x16xf32>,
      %get3A_479 = vector.shape_cast %get3A_478 : vector<1x16xf32> to vector<16xf32>
      %get3A_480 = arith.index_cast %scan3A_420 : i32 to index
      %get3A_481 = arith.constant 64 : index
      %get3A_482 = tpu.vector_load %arg8[%get3A_480, %get3A_481] {strides = array<i32>} : memref<128x128xf32, #tpu.memory_space<vmem>>, vector<1x16xf32>,
      %get3A_483 = vector.shape_cast %get3A_482 : vector<1x16xf32> to vector<16xf32>
      %add3A_484 = arith.addf %get3A_483, %get3A_479 : vector<16xf32>
      %swap3A_485 = arith.index_cast %scan3A_420 : i32 to index
      %swap3A_486 = arith.constant 64 : index
      %swap3A_487 = tpu.vector_load %arg8[%swap3A_485, %swap3A_486] {strides = array<i32>} : memref<128x128xf32, #tpu.memory_space<vmem>>, vector<1x16xf32>,
      %swap3A_488 = vector.shape_cast %swap3A_487 : vector<1x16xf32> to vector<16xf32>
      %swap3A_489 = vector.shape_cast %add3A_484 : vector<16xf32> to vector<1x16xf32>
      tpu.vector_store %arg8[%swap3A_485, %swap3A_486], %swap3A_489 {strides = array<i32>} : memref<128x128xf32, #tpu.memory_space<vmem>>, vector<1x16xf32>,
      %get3A_490 = arith.index_cast %scan3A_420 : i32 to index
      %get3A_491 = arith.constant 80 : index
      %get3A_492 = tpu.vector_load %arg7[%get3A_490, %get3A_491] {strides = array<i32>} : memref<128x128xf32, #tpu.memory_space<vmem>>, vector<1x16xf32>,
      %get3A_493 = vector.shape_cast %get3A_492 : vector<1x16xf32> to vector<16xf32>
      %get3A_494 = arith.index_cast %scan3A_420 : i32 to index
      %get3A_495 = arith.constant 80 : index
      %get3A_496 = tpu.vector_load %arg8[%get3A_494, %get3A_495] {strides = array<i32>} : memref<128x128xf32, #tpu.memory_space<vmem>>, vector<1x16xf32>,
      %get3A_497 = vector.shape_cast %get3A_496 : vector<1x16xf32> to vector<16xf32>
      %add3A_498 = arith.addf %get3A_497, %get3A_493 : vector<16xf32>
      %swap3A_499 = arith.index_cast %scan3A_420 : i32 to index
      %swap3A_500 = arith.constant 80 : index
      %swap3A_501 = tpu.vector_load %arg8[%swap3A_499, %swap3A_500] {strides = array<i32>} : memref<128x128xf32, #tpu.memory_space<vmem>>, vector<1x16xf32>,
      %swap3A_502 = vector.shape_cast %swap3A_501 : vector<1x16xf32> to vector<16xf32>
      %swap3A_503 = vector.shape_cast %add3A_498 : vector<16xf32> to vector<1x16xf32>
      tpu.vector_store %arg8[%swap3A_499, %swap3A_500], %swap3A_503 {strides = array<i32>} : memref<128x128xf32, #tpu.memory_space<vmem>>, vector<1x16xf32>,
      %get3A_504 = arith.index_cast %scan3A_420 : i32 to index
      %get3A_505 = arith.constant 96 : index
      %get3A_506 = tpu.vector_load %arg7[%get3A_504, %get3A_505] {strides = array<i32>} : memref<128x128xf32, #tpu.memory_space<vmem>>, vector<1x16xf32>,
      %get3A_507 = vector.shape_cast %get3A_506 : vector<1x16xf32> to vector<16xf32>
      %get3A_508 = arith.index_cast %scan3A_420 : i32 to index
      %get3A_509 = arith.constant 96 : index
      %get3A_510 = tpu.vector_load %arg8[%get3A_508, %get3A_509] {strides = array<i32>} : memref<128x128xf32, #tpu.memory_space<vmem>>, vector<1x16xf32>,
      %get3A_511 = vector.shape_cast %get3A_510 : vector<1x16xf32> to vector<16xf32>
      %add3A_512 = arith.addf %get3A_511, %get3A_507 : vector<16xf32>
      %swap3A_513 = arith.index_cast %scan3A_420 : i32 to index
      %swap3A_514 = arith.constant 96 : index
      %swap3A_515 = tpu.vector_load %arg8[%swap3A_513, %swap3A_514] {strides = array<i32>} : memref<128x128xf32, #tpu.memory_space<vmem>>, vector<1x16xf32>,
      %swap3A_516 = vector.shape_cast %swap3A_515 : vector<1x16xf32> to vector<16xf32>
      %swap3A_517 = vector.shape_cast %add3A_512 : vector<16xf32> to vector<1x16xf32>
      tpu.vector_store %arg8[%swap3A_513, %swap3A_514], %swap3A_517 {strides = array<i32>} : memref<128x128xf32, #tpu.memory_space<vmem>>, vector<1x16xf32>,
      %get3A_518 = arith.index_cast %scan3A_420 : i32 to index
      %get3A_519 = arith.constant 112 : index
      %get3A_520 = tpu.vector_load %arg7[%get3A_518, %get3A_519] {strides = array<i32>} : memref<128x128xf32, #tpu.memory_space<vmem>>, vector<1x16xf32>,
      %get3A_521 = vector.shape_cast %get3A_520 : vector<1x16xf32> to vector<16xf32>
      %get3A_522 = arith.index_cast %scan3A_420 : i32 to index
      %get3A_523 = arith.constant 112 : index
      %get3A_524 = tpu.vector_load %arg8[%get3A_522, %get3A_523] {strides = array<i32>} : memref<128x128xf32, #tpu.memory_space<vmem>>, vector<1x16xf32>,
      %get3A_525 = vector.shape_cast %get3A_524 : vector<1x16xf32> to vector<16xf32>
      %add3A_526 = arith.addf %get3A_525, %get3A_521 : vector<16xf32>
      %swap3A_527 = arith.index_cast %scan3A_420 : i32 to index
      %swap3A_528 = arith.constant 112 : index
      %swap3A_529 = tpu.vector_load %arg8[%swap3A_527, %swap3A_528] {strides = array<i32>} : memref<128x128xf32, #tpu.memory_space<vmem>>, vector<1x16xf32>,
      %swap3A_530 = vector.shape_cast %swap3A_529 : vector<1x16xf32> to vector<16xf32>
      %swap3A_531 = vector.shape_cast %add3A_526 : vector<16xf32> to vector<1x16xf32>
      tpu.vector_store %arg8[%swap3A_527, %swap3A_528], %swap3A_531 {strides = array<i32>} : memref<128x128xf32, #tpu.memory_space<vmem>>, vector<1x16xf32>,
      %scan3A_532 = arith.constant 0 : i32
      scf.yield %scan3A_532 : i32
    }
    %scan3A_90 = arith.constant 128 : i32
    %dma_start3A_91 = arith.constant 5 : i32
    %dma_start3A_92 = arith.constant 0 : i32
    %dma_start3A_93 = tpu.memref_slice %arg5[%dma_start3A_91, %dma_start3A_92] : memref<20x128xi32, #tpu.memory_space<vmem>> -> memref<1x128xi32, #tpu.memory_space<vmem>>
    %dma_start3A_94 = tpu.memref_squeeze %dma_start3A_93 : memref<1x128xi32, #tpu.memory_space<vmem>> -> memref<128xi32, #tpu.memory_space<vmem>>
    %dma_start3A_95 = arith.constant 0 : i32
    %dma_start3A_96 = arith.constant 0 : i32
    %dma_start3A_97 = tpu.memref_slice %arg2[%dma_start3A_95, %dma_start3A_96] : memref<100000x128xf32, #tpu.memory_space<hbm>> -> memref<100000x128xf32, #tpu.memory_space<hbm>>
    tpu.enqueue_indirect_dma source(%dma_start3A_97 : memref<100000x128xf32, #tpu.memory_space<hbm>>) target(%arg7 : memref<128x128xf32, #tpu.memory_space<vmem>>) offsets(%dma_start3A_94 : memref<128xi32, #tpu.memory_space<vmem>>) semaphore(%arg10 : memref<!tpu.dma_semaphore, #tpu.memory_space<semaphore_mem>>)
    %dma_wait3A_98 = arith.constant 4 : i32
    %dma_wait3A_99 = arith.constant 0 : i32
    %dma_wait3A_100 = tpu.memref_slice %arg5[%dma_wait3A_98, %dma_wait3A_99] : memref<20x128xi32, #tpu.memory_space<vmem>> -> memref<1x128xi32, #tpu.memory_space<vmem>>
    %dma_wait3A_101 = tpu.memref_squeeze %dma_wait3A_100 : memref<1x128xi32, #tpu.memory_space<vmem>> -> memref<128xi32, #tpu.memory_space<vmem>>
    %dma_wait3A_102 = arith.constant 0 : i32
    %dma_wait3A_103 = arith.constant 0 : i32
    %dma_wait3A_104 = tpu.memref_slice %arg2[%dma_wait3A_102, %dma_wait3A_103] : memref<100000x128xf32, #tpu.memory_space<hbm>> -> memref<100000x128xf32, #tpu.memory_space<hbm>>
    tpu.wait_indirect_dma semaphore(%arg9 : memref<!tpu.dma_semaphore, #tpu.memory_space<semaphore_mem>>) src(%dma_wait3A_104 : memref<100000x128xf32, #tpu.memory_space<hbm>>) dst(%arg6 : memref<128x128xf32, #tpu.memory_space<vmem>>)
    %scan3A_105 = arith.constant 0 : i32
    %scan3A_106 = arith.constant 0 : i32
    %scan3A_107 = arith.constant 128 : i32
    %scan3A_108 = arith.addi %scan3A_106, %scan3A_107 : i32
    %scan3A_109 = arith.constant 1 : i32
    %scan3A_110 = scf.for %scan3A_420 = %scan3A_106 to %scan3A_108 step %scan3A_109 iter_args(%scan3A_421 = %scan3A_105) -> (i32)  : i32 {
      %get3A = arith.index_cast %scan3A_420 : i32 to index
      %get3A_422 = arith.constant 0 : index
      %get3A_423 = tpu.vector_load %arg6[%get3A, %get3A_422] {strides = array<i32>} : memref<128x128xf32, #tpu.memory_space<vmem>>, vector<1x16xf32>,
      %get3A_424 = vector.shape_cast %get3A_423 : vector<1x16xf32> to vector<16xf32>
      %get3A_425 = arith.index_cast %scan3A_420 : i32 to index
      %get3A_426 = arith.constant 0 : index
      %get3A_427 = tpu.vector_load %arg8[%get3A_425, %get3A_426] {strides = array<i32>} : memref<128x128xf32, #tpu.memory_space<vmem>>, vector<1x16xf32>,
      %get3A_428 = vector.shape_cast %get3A_427 : vector<1x16xf32> to vector<16xf32>
      %add3A_429 = arith.addf %get3A_428, %get3A_424 : vector<16xf32>
      %swap3A = arith.index_cast %scan3A_420 : i32 to index
      %swap3A_430 = arith.constant 0 : index
      %swap3A_431 = tpu.vector_load %arg8[%swap3A, %swap3A_430] {strides = array<i32>} : memref<128x128xf32, #tpu.memory_space<vmem>>, vector<1x16xf32>,
      %swap3A_432 = vector.shape_cast %swap3A_431 : vector<1x16xf32> to vector<16xf32>
      %swap3A_433 = vector.shape_cast %add3A_429 : vector<16xf32> to vector<1x16xf32>
      tpu.vector_store %arg8[%swap3A, %swap3A_430], %swap3A_433 {strides = array<i32>} : memref<128x128xf32, #tpu.memory_space<vmem>>, vector<1x16xf32>,
      %get3A_434 = arith.index_cast %scan3A_420 : i32 to index
      %get3A_435 = arith.constant 16 : index
      %get3A_436 = tpu.vector_load %arg6[%get3A_434, %get3A_435] {strides = array<i32>} : memref<128x128xf32, #tpu.memory_space<vmem>>, vector<1x16xf32>,
      %get3A_437 = vector.shape_cast %get3A_436 : vector<1x16xf32> to vector<16xf32>
      %get3A_438 = arith.index_cast %scan3A_420 : i32 to index
      %get3A_439 = arith.constant 16 : index
      %get3A_440 = tpu.vector_load %arg8[%get3A_438, %get3A_439] {strides = array<i32>} : memref<128x128xf32, #tpu.memory_space<vmem>>, vector<1x16xf32>,
      %get3A_441 = vector.shape_cast %get3A_440 : vector<1x16xf32> to vector<16xf32>
      %add3A_442 = arith.addf %get3A_441, %get3A_437 : vector<16xf32>
      %swap3A_443 = arith.index_cast %scan3A_420 : i32 to index
      %swap3A_444 = arith.constant 16 : index
      %swap3A_445 = tpu.vector_load %arg8[%swap3A_443, %swap3A_444] {strides = array<i32>} : memref<128x128xf32, #tpu.memory_space<vmem>>, vector<1x16xf32>,
      %swap3A_446 = vector.shape_cast %swap3A_445 : vector<1x16xf32> to vector<16xf32>
      %swap3A_447 = vector.shape_cast %add3A_442 : vector<16xf32> to vector<1x16xf32>
      tpu.vector_store %arg8[%swap3A_443, %swap3A_444], %swap3A_447 {strides = array<i32>} : memref<128x128xf32, #tpu.memory_space<vmem>>, vector<1x16xf32>,
      %get3A_448 = arith.index_cast %scan3A_420 : i32 to index
      %get3A_449 = arith.constant 32 : index
      %get3A_450 = tpu.vector_load %arg6[%get3A_448, %get3A_449] {strides = array<i32>} : memref<128x128xf32, #tpu.memory_space<vmem>>, vector<1x16xf32>,
      %get3A_451 = vector.shape_cast %get3A_450 : vector<1x16xf32> to vector<16xf32>
      %get3A_452 = arith.index_cast %scan3A_420 : i32 to index
      %get3A_453 = arith.constant 32 : index
      %get3A_454 = tpu.vector_load %arg8[%get3A_452, %get3A_453] {strides = array<i32>} : memref<128x128xf32, #tpu.memory_space<vmem>>, vector<1x16xf32>,
      %get3A_455 = vector.shape_cast %get3A_454 : vector<1x16xf32> to vector<16xf32>
      %add3A_456 = arith.addf %get3A_455, %get3A_451 : vector<16xf32>
      %swap3A_457 = arith.index_cast %scan3A_420 : i32 to index
      %swap3A_458 = arith.constant 32 : index
      %swap3A_459 = tpu.vector_load %arg8[%swap3A_457, %swap3A_458] {strides = array<i32>} : memref<128x128xf32, #tpu.memory_space<vmem>>, vector<1x16xf32>,
      %swap3A_460 = vector.shape_cast %swap3A_459 : vector<1x16xf32> to vector<16xf32>
      %swap3A_461 = vector.shape_cast %add3A_456 : vector<16xf32> to vector<1x16xf32>
      tpu.vector_store %arg8[%swap3A_457, %swap3A_458], %swap3A_461 {strides = array<i32>} : memref<128x128xf32, #tpu.memory_space<vmem>>, vector<1x16xf32>,
      %get3A_462 = arith.index_cast %scan3A_420 : i32 to index
      %get3A_463 = arith.constant 48 : index
      %get3A_464 = tpu.vector_load %arg6[%get3A_462, %get3A_463] {strides = array<i32>} : memref<128x128xf32, #tpu.memory_space<vmem>>, vector<1x16xf32>,
      %get3A_465 = vector.shape_cast %get3A_464 : vector<1x16xf32> to vector<16xf32>
      %get3A_466 = arith.index_cast %scan3A_420 : i32 to index
      %get3A_467 = arith.constant 48 : index
      %get3A_468 = tpu.vector_load %arg8[%get3A_466, %get3A_467] {strides = array<i32>} : memref<128x128xf32, #tpu.memory_space<vmem>>, vector<1x16xf32>,
      %get3A_469 = vector.shape_cast %get3A_468 : vector<1x16xf32> to vector<16xf32>
      %add3A_470 = arith.addf %get3A_469, %get3A_465 : vector<16xf32>
      %swap3A_471 = arith.index_cast %scan3A_420 : i32 to index
      %swap3A_472 = arith.constant 48 : index
      %swap3A_473 = tpu.vector_load %arg8[%swap3A_471, %swap3A_472] {strides = array<i32>} : memref<128x128xf32, #tpu.memory_space<vmem>>, vector<1x16xf32>,
      %swap3A_474 = vector.shape_cast %swap3A_473 : vector<1x16xf32> to vector<16xf32>
      %swap3A_475 = vector.shape_cast %add3A_470 : vector<16xf32> to vector<1x16xf32>
      tpu.vector_store %arg8[%swap3A_471, %swap3A_472], %swap3A_475 {strides = array<i32>} : memref<128x128xf32, #tpu.memory_space<vmem>>, vector<1x16xf32>,
      %get3A_476 = arith.index_cast %scan3A_420 : i32 to index
      %get3A_477 = arith.constant 64 : index
      %get3A_478 = tpu.vector_load %arg6[%get3A_476, %get3A_477] {strides = array<i32>} : memref<128x128xf32, #tpu.memory_space<vmem>>, vector<1x16xf32>,
      %get3A_479 = vector.shape_cast %get3A_478 : vector<1x16xf32> to vector<16xf32>
      %get3A_480 = arith.index_cast %scan3A_420 : i32 to index
      %get3A_481 = arith.constant 64 : index
      %get3A_482 = tpu.vector_load %arg8[%get3A_480, %get3A_481] {strides = array<i32>} : memref<128x128xf32, #tpu.memory_space<vmem>>, vector<1x16xf32>,
      %get3A_483 = vector.shape_cast %get3A_482 : vector<1x16xf32> to vector<16xf32>
      %add3A_484 = arith.addf %get3A_483, %get3A_479 : vector<16xf32>
      %swap3A_485 = arith.index_cast %scan3A_420 : i32 to index
      %swap3A_486 = arith.constant 64 : index
      %swap3A_487 = tpu.vector_load %arg8[%swap3A_485, %swap3A_486] {strides = array<i32>} : memref<128x128xf32, #tpu.memory_space<vmem>>, vector<1x16xf32>,
      %swap3A_488 = vector.shape_cast %swap3A_487 : vector<1x16xf32> to vector<16xf32>
      %swap3A_489 = vector.shape_cast %add3A_484 : vector<16xf32> to vector<1x16xf32>
      tpu.vector_store %arg8[%swap3A_485, %swap3A_486], %swap3A_489 {strides = array<i32>} : memref<128x128xf32, #tpu.memory_space<vmem>>, vector<1x16xf32>,
      %get3A_490 = arith.index_cast %scan3A_420 : i32 to index
      %get3A_491 = arith.constant 80 : index
      %get3A_492 = tpu.vector_load %arg6[%get3A_490, %get3A_491] {strides = array<i32>} : memref<128x128xf32, #tpu.memory_space<vmem>>, vector<1x16xf32>,
      %get3A_493 = vector.shape_cast %get3A_492 : vector<1x16xf32> to vector<16xf32>
      %get3A_494 = arith.index_cast %scan3A_420 : i32 to index
      %get3A_495 = arith.constant 80 : index
      %get3A_496 = tpu.vector_load %arg8[%get3A_494, %get3A_495] {strides = array<i32>} : memref<128x128xf32, #tpu.memory_space<vmem>>, vector<1x16xf32>,
      %get3A_497 = vector.shape_cast %get3A_496 : vector<1x16xf32> to vector<16xf32>
      %add3A_498 = arith.addf %get3A_497, %get3A_493 : vector<16xf32>
      %swap3A_499 = arith.index_cast %scan3A_420 : i32 to index
      %swap3A_500 = arith.constant 80 : index
      %swap3A_501 = tpu.vector_load %arg8[%swap3A_499, %swap3A_500] {strides = array<i32>} : memref<128x128xf32, #tpu.memory_space<vmem>>, vector<1x16xf32>,
      %swap3A_502 = vector.shape_cast %swap3A_501 : vector<1x16xf32> to vector<16xf32>
      %swap3A_503 = vector.shape_cast %add3A_498 : vector<16xf32> to vector<1x16xf32>
      tpu.vector_store %arg8[%swap3A_499, %swap3A_500], %swap3A_503 {strides = array<i32>} : memref<128x128xf32, #tpu.memory_space<vmem>>, vector<1x16xf32>,
      %get3A_504 = arith.index_cast %scan3A_420 : i32 to index
      %get3A_505 = arith.constant 96 : index
      %get3A_506 = tpu.vector_load %arg6[%get3A_504, %get3A_505] {strides = array<i32>} : memref<128x128xf32, #tpu.memory_space<vmem>>, vector<1x16xf32>,
      %get3A_507 = vector.shape_cast %get3A_506 : vector<1x16xf32> to vector<16xf32>
      %get3A_508 = arith.index_cast %scan3A_420 : i32 to index
      %get3A_509 = arith.constant 96 : index
      %get3A_510 = tpu.vector_load %arg8[%get3A_508, %get3A_509] {strides = array<i32>} : memref<128x128xf32, #tpu.memory_space<vmem>>, vector<1x16xf32>,
      %get3A_511 = vector.shape_cast %get3A_510 : vector<1x16xf32> to vector<16xf32>
      %add3A_512 = arith.addf %get3A_511, %get3A_507 : vector<16xf32>
      %swap3A_513 = arith.index_cast %scan3A_420 : i32 to index
      %swap3A_514 = arith.constant 96 : index
      %swap3A_515 = tpu.vector_load %arg8[%swap3A_513, %swap3A_514] {strides = array<i32>} : memref<128x128xf32, #tpu.memory_space<vmem>>, vector<1x16xf32>,
      %swap3A_516 = vector.shape_cast %swap3A_515 : vector<1x16xf32> to vector<16xf32>
      %swap3A_517 = vector.shape_cast %add3A_512 : vector<16xf32> to vector<1x16xf32>
      tpu.vector_store %arg8[%swap3A_513, %swap3A_514], %swap3A_517 {strides = array<i32>} : memref<128x128xf32, #tpu.memory_space<vmem>>, vector<1x16xf32>,
      %get3A_518 = arith.index_cast %scan3A_420 : i32 to index
      %get3A_519 = arith.constant 112 : index
      %get3A_520 = tpu.vector_load %arg6[%get3A_518, %get3A_519] {strides = array<i32>} : memref<128x128xf32, #tpu.memory_space<vmem>>, vector<1x16xf32>,
      %get3A_521 = vector.shape_cast %get3A_520 : vector<1x16xf32> to vector<16xf32>
      %get3A_522 = arith.index_cast %scan3A_420 : i32 to index
      %get3A_523 = arith.constant 112 : index
      %get3A_524 = tpu.vector_load %arg8[%get3A_522, %get3A_523] {strides = array<i32>} : memref<128x128xf32, #tpu.memory_space<vmem>>, vector<1x16xf32>,
      %get3A_525 = vector.shape_cast %get3A_524 : vector<1x16xf32> to vector<16xf32>
      %add3A_526 = arith.addf %get3A_525, %get3A_521 : vector<16xf32>
      %swap3A_527 = arith.index_cast %scan3A_420 : i32 to index
      %swap3A_528 = arith.constant 112 : index
      %swap3A_529 = tpu.vector_load %arg8[%swap3A_527, %swap3A_528] {strides = array<i32>} : memref<128x128xf32, #tpu.memory_space<vmem>>, vector<1x16xf32>,
      %swap3A_530 = vector.shape_cast %swap3A_529 : vector<1x16xf32> to vector<16xf32>
      %swap3A_531 = vector.shape_cast %add3A_526 : vector<16xf32> to vector<1x16xf32>
      tpu.vector_store %arg8[%swap3A_527, %swap3A_528], %swap3A_531 {strides = array<i32>} : memref<128x128xf32, #tpu.memory_space<vmem>>, vector<1x16xf32>,
      %scan3A_532 = arith.constant 0 : i32
      scf.yield %scan3A_532 : i32
    }
    %scan3A_111 = arith.constant 128 : i32
    %dma_start3A_112 = arith.constant 6 : i32
    %dma_start3A_113 = arith.constant 0 : i32
    %dma_start3A_114 = tpu.memref_slice %arg5[%dma_start3A_112, %dma_start3A_113] : memref<20x128xi32, #tpu.memory_space<vmem>> -> memref<1x128xi32, #tpu.memory_space<vmem>>
    %dma_start3A_115 = tpu.memref_squeeze %dma_start3A_114 : memref<1x128xi32, #tpu.memory_space<vmem>> -> memref<128xi32, #tpu.memory_space<vmem>>
    %dma_start3A_116 = arith.constant 0 : i32
    %dma_start3A_117 = arith.constant 0 : i32
    %dma_start3A_118 = tpu.memref_slice %arg2[%dma_start3A_116, %dma_start3A_117] : memref<100000x128xf32, #tpu.memory_space<hbm>> -> memref<100000x128xf32, #tpu.memory_space<hbm>>
    tpu.enqueue_indirect_dma source(%dma_start3A_118 : memref<100000x128xf32, #tpu.memory_space<hbm>>) target(%arg6 : memref<128x128xf32, #tpu.memory_space<vmem>>) offsets(%dma_start3A_115 : memref<128xi32, #tpu.memory_space<vmem>>) semaphore(%arg9 : memref<!tpu.dma_semaphore, #tpu.memory_space<semaphore_mem>>)
    %dma_wait3A_119 = arith.constant 5 : i32
    %dma_wait3A_120 = arith.constant 0 : i32
    %dma_wait3A_121 = tpu.memref_slice %arg5[%dma_wait3A_119, %dma_wait3A_120] : memref<20x128xi32, #tpu.memory_space<vmem>> -> memref<1x128xi32, #tpu.memory_space<vmem>>
    %dma_wait3A_122 = tpu.memref_squeeze %dma_wait3A_121 : memref<1x128xi32, #tpu.memory_space<vmem>> -> memref<128xi32, #tpu.memory_space<vmem>>
    %dma_wait3A_123 = arith.constant 0 : i32
    %dma_wait3A_124 = arith.constant 0 : i32
    %dma_wait3A_125 = tpu.memref_slice %arg2[%dma_wait3A_123, %dma_wait3A_124] : memref<100000x128xf32, #tpu.memory_space<hbm>> -> memref<100000x128xf32, #tpu.memory_space<hbm>>
    tpu.wait_indirect_dma semaphore(%arg10 : memref<!tpu.dma_semaphore, #tpu.memory_space<semaphore_mem>>) src(%dma_wait3A_125 : memref<100000x128xf32, #tpu.memory_space<hbm>>) dst(%arg7 : memref<128x128xf32, #tpu.memory_space<vmem>>)
    %scan3A_126 = arith.constant 0 : i32
    %scan3A_127 = arith.constant 0 : i32
    %scan3A_128 = arith.constant 128 : i32
    %scan3A_129 = arith.addi %scan3A_127, %scan3A_128 : i32
    %scan3A_130 = arith.constant 1 : i32
    %scan3A_131 = scf.for %scan3A_420 = %scan3A_127 to %scan3A_129 step %scan3A_130 iter_args(%scan3A_421 = %scan3A_126) -> (i32)  : i32 {
      %get3A = arith.index_cast %scan3A_420 : i32 to index
      %get3A_422 = arith.constant 0 : index
      %get3A_423 = tpu.vector_load %arg7[%get3A, %get3A_422] {strides = array<i32>} : memref<128x128xf32, #tpu.memory_space<vmem>>, vector<1x16xf32>,
      %get3A_424 = vector.shape_cast %get3A_423 : vector<1x16xf32> to vector<16xf32>
      %get3A_425 = arith.index_cast %scan3A_420 : i32 to index
      %get3A_426 = arith.constant 0 : index
      %get3A_427 = tpu.vector_load %arg8[%get3A_425, %get3A_426] {strides = array<i32>} : memref<128x128xf32, #tpu.memory_space<vmem>>, vector<1x16xf32>,
      %get3A_428 = vector.shape_cast %get3A_427 : vector<1x16xf32> to vector<16xf32>
      %add3A_429 = arith.addf %get3A_428, %get3A_424 : vector<16xf32>
      %swap3A = arith.index_cast %scan3A_420 : i32 to index
      %swap3A_430 = arith.constant 0 : index
      %swap3A_431 = tpu.vector_load %arg8[%swap3A, %swap3A_430] {strides = array<i32>} : memref<128x128xf32, #tpu.memory_space<vmem>>, vector<1x16xf32>,
      %swap3A_432 = vector.shape_cast %swap3A_431 : vector<1x16xf32> to vector<16xf32>
      %swap3A_433 = vector.shape_cast %add3A_429 : vector<16xf32> to vector<1x16xf32>
      tpu.vector_store %arg8[%swap3A, %swap3A_430], %swap3A_433 {strides = array<i32>} : memref<128x128xf32, #tpu.memory_space<vmem>>, vector<1x16xf32>,
      %get3A_434 = arith.index_cast %scan3A_420 : i32 to index
      %get3A_435 = arith.constant 16 : index
      %get3A_436 = tpu.vector_load %arg7[%get3A_434, %get3A_435] {strides = array<i32>} : memref<128x128xf32, #tpu.memory_space<vmem>>, vector<1x16xf32>,
      %get3A_437 = vector.shape_cast %get3A_436 : vector<1x16xf32> to vector<16xf32>
      %get3A_438 = arith.index_cast %scan3A_420 : i32 to index
      %get3A_439 = arith.constant 16 : index
      %get3A_440 = tpu.vector_load %arg8[%get3A_438, %get3A_439] {strides = array<i32>} : memref<128x128xf32, #tpu.memory_space<vmem>>, vector<1x16xf32>,
      %get3A_441 = vector.shape_cast %get3A_440 : vector<1x16xf32> to vector<16xf32>
      %add3A_442 = arith.addf %get3A_441, %get3A_437 : vector<16xf32>
      %swap3A_443 = arith.index_cast %scan3A_420 : i32 to index
      %swap3A_444 = arith.constant 16 : index
      %swap3A_445 = tpu.vector_load %arg8[%swap3A_443, %swap3A_444] {strides = array<i32>} : memref<128x128xf32, #tpu.memory_space<vmem>>, vector<1x16xf32>,
      %swap3A_446 = vector.shape_cast %swap3A_445 : vector<1x16xf32> to vector<16xf32>
      %swap3A_447 = vector.shape_cast %add3A_442 : vector<16xf32> to vector<1x16xf32>
      tpu.vector_store %arg8[%swap3A_443, %swap3A_444], %swap3A_447 {strides = array<i32>} : memref<128x128xf32, #tpu.memory_space<vmem>>, vector<1x16xf32>,
      %get3A_448 = arith.index_cast %scan3A_420 : i32 to index
      %get3A_449 = arith.constant 32 : index
      %get3A_450 = tpu.vector_load %arg7[%get3A_448, %get3A_449] {strides = array<i32>} : memref<128x128xf32, #tpu.memory_space<vmem>>, vector<1x16xf32>,
      %get3A_451 = vector.shape_cast %get3A_450 : vector<1x16xf32> to vector<16xf32>
      %get3A_452 = arith.index_cast %scan3A_420 : i32 to index
      %get3A_453 = arith.constant 32 : index
      %get3A_454 = tpu.vector_load %arg8[%get3A_452, %get3A_453] {strides = array<i32>} : memref<128x128xf32, #tpu.memory_space<vmem>>, vector<1x16xf32>,
      %get3A_455 = vector.shape_cast %get3A_454 : vector<1x16xf32> to vector<16xf32>
      %add3A_456 = arith.addf %get3A_455, %get3A_451 : vector<16xf32>
      %swap3A_457 = arith.index_cast %scan3A_420 : i32 to index
      %swap3A_458 = arith.constant 32 : index
      %swap3A_459 = tpu.vector_load %arg8[%swap3A_457, %swap3A_458] {strides = array<i32>} : memref<128x128xf32, #tpu.memory_space<vmem>>, vector<1x16xf32>,
      %swap3A_460 = vector.shape_cast %swap3A_459 : vector<1x16xf32> to vector<16xf32>
      %swap3A_461 = vector.shape_cast %add3A_456 : vector<16xf32> to vector<1x16xf32>
      tpu.vector_store %arg8[%swap3A_457, %swap3A_458], %swap3A_461 {strides = array<i32>} : memref<128x128xf32, #tpu.memory_space<vmem>>, vector<1x16xf32>,
      %get3A_462 = arith.index_cast %scan3A_420 : i32 to index
      %get3A_463 = arith.constant 48 : index
      %get3A_464 = tpu.vector_load %arg7[%get3A_462, %get3A_463] {strides = array<i32>} : memref<128x128xf32, #tpu.memory_space<vmem>>, vector<1x16xf32>,
      %get3A_465 = vector.shape_cast %get3A_464 : vector<1x16xf32> to vector<16xf32>
      %get3A_466 = arith.index_cast %scan3A_420 : i32 to index
      %get3A_467 = arith.constant 48 : index
      %get3A_468 = tpu.vector_load %arg8[%get3A_466, %get3A_467] {strides = array<i32>} : memref<128x128xf32, #tpu.memory_space<vmem>>, vector<1x16xf32>,
      %get3A_469 = vector.shape_cast %get3A_468 : vector<1x16xf32> to vector<16xf32>
      %add3A_470 = arith.addf %get3A_469, %get3A_465 : vector<16xf32>
      %swap3A_471 = arith.index_cast %scan3A_420 : i32 to index
      %swap3A_472 = arith.constant 48 : index
      %swap3A_473 = tpu.vector_load %arg8[%swap3A_471, %swap3A_472] {strides = array<i32>} : memref<128x128xf32, #tpu.memory_space<vmem>>, vector<1x16xf32>,
      %swap3A_474 = vector.shape_cast %swap3A_473 : vector<1x16xf32> to vector<16xf32>
      %swap3A_475 = vector.shape_cast %add3A_470 : vector<16xf32> to vector<1x16xf32>
      tpu.vector_store %arg8[%swap3A_471, %swap3A_472], %swap3A_475 {strides = array<i32>} : memref<128x128xf32, #tpu.memory_space<vmem>>, vector<1x16xf32>,
      %get3A_476 = arith.index_cast %scan3A_420 : i32 to index
      %get3A_477 = arith.constant 64 : index
      %get3A_478 = tpu.vector_load %arg7[%get3A_476, %get3A_477] {strides = array<i32>} : memref<128x128xf32, #tpu.memory_space<vmem>>, vector<1x16xf32>,
      %get3A_479 = vector.shape_cast %get3A_478 : vector<1x16xf32> to vector<16xf32>
      %get3A_480 = arith.index_cast %scan3A_420 : i32 to index
      %get3A_481 = arith.constant 64 : index
      %get3A_482 = tpu.vector_load %arg8[%get3A_480, %get3A_481] {strides = array<i32>} : memref<128x128xf32, #tpu.memory_space<vmem>>, vector<1x16xf32>,
      %get3A_483 = vector.shape_cast %get3A_482 : vector<1x16xf32> to vector<16xf32>
      %add3A_484 = arith.addf %get3A_483, %get3A_479 : vector<16xf32>
      %swap3A_485 = arith.index_cast %scan3A_420 : i32 to index
      %swap3A_486 = arith.constant 64 : index
      %swap3A_487 = tpu.vector_load %arg8[%swap3A_485, %swap3A_486] {strides = array<i32>} : memref<128x128xf32, #tpu.memory_space<vmem>>, vector<1x16xf32>,
      %swap3A_488 = vector.shape_cast %swap3A_487 : vector<1x16xf32> to vector<16xf32>
      %swap3A_489 = vector.shape_cast %add3A_484 : vector<16xf32> to vector<1x16xf32>
      tpu.vector_store %arg8[%swap3A_485, %swap3A_486], %swap3A_489 {strides = array<i32>} : memref<128x128xf32, #tpu.memory_space<vmem>>, vector<1x16xf32>,
      %get3A_490 = arith.index_cast %scan3A_420 : i32 to index
      %get3A_491 = arith.constant 80 : index
      %get3A_492 = tpu.vector_load %arg7[%get3A_490, %get3A_491] {strides = array<i32>} : memref<128x128xf32, #tpu.memory_space<vmem>>, vector<1x16xf32>,
      %get3A_493 = vector.shape_cast %get3A_492 : vector<1x16xf32> to vector<16xf32>
      %get3A_494 = arith.index_cast %scan3A_420 : i32 to index
      %get3A_495 = arith.constant 80 : index
      %get3A_496 = tpu.vector_load %arg8[%get3A_494, %get3A_495] {strides = array<i32>} : memref<128x128xf32, #tpu.memory_space<vmem>>, vector<1x16xf32>,
      %get3A_497 = vector.shape_cast %get3A_496 : vector<1x16xf32> to vector<16xf32>
      %add3A_498 = arith.addf %get3A_497, %get3A_493 : vector<16xf32>
      %swap3A_499 = arith.index_cast %scan3A_420 : i32 to index
      %swap3A_500 = arith.constant 80 : index
      %swap3A_501 = tpu.vector_load %arg8[%swap3A_499, %swap3A_500] {strides = array<i32>} : memref<128x128xf32, #tpu.memory_space<vmem>>, vector<1x16xf32>,
      %swap3A_502 = vector.shape_cast %swap3A_501 : vector<1x16xf32> to vector<16xf32>
      %swap3A_503 = vector.shape_cast %add3A_498 : vector<16xf32> to vector<1x16xf32>
      tpu.vector_store %arg8[%swap3A_499, %swap3A_500], %swap3A_503 {strides = array<i32>} : memref<128x128xf32, #tpu.memory_space<vmem>>, vector<1x16xf32>,
      %get3A_504 = arith.index_cast %scan3A_420 : i32 to index
      %get3A_505 = arith.constant 96 : index
      %get3A_506 = tpu.vector_load %arg7[%get3A_504, %get3A_505] {strides = array<i32>} : memref<128x128xf32, #tpu.memory_space<vmem>>, vector<1x16xf32>,
      %get3A_507 = vector.shape_cast %get3A_506 : vector<1x16xf32> to vector<16xf32>
      %get3A_508 = arith.index_cast %scan3A_420 : i32 to index
      %get3A_509 = arith.constant 96 : index
      %get3A_510 = tpu.vector_load %arg8[%get3A_508, %get3A_509] {strides = array<i32>} : memref<128x128xf32, #tpu.memory_space<vmem>>, vector<1x16xf32>,
      %get3A_511 = vector.shape_cast %get3A_510 : vector<1x16xf32> to vector<16xf32>
      %add3A_512 = arith.addf %get3A_511, %get3A_507 : vector<16xf32>
      %swap3A_513 = arith.index_cast %scan3A_420 : i32 to index
      %swap3A_514 = arith.constant 96 : index
      %swap3A_515 = tpu.vector_load %arg8[%swap3A_513, %swap3A_514] {strides = array<i32>} : memref<128x128xf32, #tpu.memory_space<vmem>>, vector<1x16xf32>,
      %swap3A_516 = vector.shape_cast %swap3A_515 : vector<1x16xf32> to vector<16xf32>
      %swap3A_517 = vector.shape_cast %add3A_512 : vector<16xf32> to vector<1x16xf32>
      tpu.vector_store %arg8[%swap3A_513, %swap3A_514], %swap3A_517 {strides = array<i32>} : memref<128x128xf32, #tpu.memory_space<vmem>>, vector<1x16xf32>,
      %get3A_518 = arith.index_cast %scan3A_420 : i32 to index
      %get3A_519 = arith.constant 112 : index
      %get3A_520 = tpu.vector_load %arg7[%get3A_518, %get3A_519] {strides = array<i32>} : memref<128x128xf32, #tpu.memory_space<vmem>>, vector<1x16xf32>,
      %get3A_521 = vector.shape_cast %get3A_520 : vector<1x16xf32> to vector<16xf32>
      %get3A_522 = arith.index_cast %scan3A_420 : i32 to index
      %get3A_523 = arith.constant 112 : index
      %get3A_524 = tpu.vector_load %arg8[%get3A_522, %get3A_523] {strides = array<i32>} : memref<128x128xf32, #tpu.memory_space<vmem>>, vector<1x16xf32>,
      %get3A_525 = vector.shape_cast %get3A_524 : vector<1x16xf32> to vector<16xf32>
      %add3A_526 = arith.addf %get3A_525, %get3A_521 : vector<16xf32>
      %swap3A_527 = arith.index_cast %scan3A_420 : i32 to index
      %swap3A_528 = arith.constant 112 : index
      %swap3A_529 = tpu.vector_load %arg8[%swap3A_527, %swap3A_528] {strides = array<i32>} : memref<128x128xf32, #tpu.memory_space<vmem>>, vector<1x16xf32>,
      %swap3A_530 = vector.shape_cast %swap3A_529 : vector<1x16xf32> to vector<16xf32>
      %swap3A_531 = vector.shape_cast %add3A_526 : vector<16xf32> to vector<1x16xf32>
      tpu.vector_store %arg8[%swap3A_527, %swap3A_528], %swap3A_531 {strides = array<i32>} : memref<128x128xf32, #tpu.memory_space<vmem>>, vector<1x16xf32>,
      %scan3A_532 = arith.constant 0 : i32
      scf.yield %scan3A_532 : i32
    }
    %scan3A_132 = arith.constant 128 : i32
    %dma_start3A_133 = arith.constant 7 : i32
    %dma_start3A_134 = arith.constant 0 : i32
    %dma_start3A_135 = tpu.memref_slice %arg5[%dma_start3A_133, %dma_start3A_134] : memref<20x128xi32, #tpu.memory_space<vmem>> -> memref<1x128xi32, #tpu.memory_space<vmem>>
    %dma_start3A_136 = tpu.memref_squeeze %dma_start3A_135 : memref<1x128xi32, #tpu.memory_space<vmem>> -> memref<128xi32, #tpu.memory_space<vmem>>
    %dma_start3A_137 = arith.constant 0 : i32
    %dma_start3A_138 = arith.constant 0 : i32
    %dma_start3A_139 = tpu.memref_slice %arg2[%dma_start3A_137, %dma_start3A_138] : memref<100000x128xf32, #tpu.memory_space<hbm>> -> memref<100000x128xf32, #tpu.memory_space<hbm>>
    tpu.enqueue_indirect_dma source(%dma_start3A_139 : memref<100000x128xf32, #tpu.memory_space<hbm>>) target(%arg7 : memref<128x128xf32, #tpu.memory_space<vmem>>) offsets(%dma_start3A_136 : memref<128xi32, #tpu.memory_space<vmem>>) semaphore(%arg10 : memref<!tpu.dma_semaphore, #tpu.memory_space<semaphore_mem>>)
    %dma_wait3A_140 = arith.constant 6 : i32
    %dma_wait3A_141 = arith.constant 0 : i32
    %dma_wait3A_142 = tpu.memref_slice %arg5[%dma_wait3A_140, %dma_wait3A_141] : memref<20x128xi32, #tpu.memory_space<vmem>> -> memref<1x128xi32, #tpu.memory_space<vmem>>
    %dma_wait3A_143 = tpu.memref_squeeze %dma_wait3A_142 : memref<1x128xi32, #tpu.memory_space<vmem>> -> memref<128xi32, #tpu.memory_space<vmem>>
    %dma_wait3A_144 = arith.constant 0 : i32
    %dma_wait3A_145 = arith.constant 0 : i32
    %dma_wait3A_146 = tpu.memref_slice %arg2[%dma_wait3A_144, %dma_wait3A_145] : memref<100000x128xf32, #tpu.memory_space<hbm>> -> memref<100000x128xf32, #tpu.memory_space<hbm>>
    tpu.wait_indirect_dma semaphore(%arg9 : memref<!tpu.dma_semaphore, #tpu.memory_space<semaphore_mem>>) src(%dma_wait3A_146 : memref<100000x128xf32, #tpu.memory_space<hbm>>) dst(%arg6 : memref<128x128xf32, #tpu.memory_space<vmem>>)
    %scan3A_147 = arith.constant 0 : i32
    %scan3A_148 = arith.constant 0 : i32
    %scan3A_149 = arith.constant 128 : i32
    %scan3A_150 = arith.addi %scan3A_148, %scan3A_149 : i32
    %scan3A_151 = arith.constant 1 : i32
    %scan3A_152 = scf.for %scan3A_420 = %scan3A_148 to %scan3A_150 step %scan3A_151 iter_args(%scan3A_421 = %scan3A_147) -> (i32)  : i32 {
      %get3A = arith.index_cast %scan3A_420 : i32 to index
      %get3A_422 = arith.constant 0 : index
      %get3A_423 = tpu.vector_load %arg6[%get3A, %get3A_422] {strides = array<i32>} : memref<128x128xf32, #tpu.memory_space<vmem>>, vector<1x16xf32>,
      %get3A_424 = vector.shape_cast %get3A_423 : vector<1x16xf32> to vector<16xf32>
      %get3A_425 = arith.index_cast %scan3A_420 : i32 to index
      %get3A_426 = arith.constant 0 : index
      %get3A_427 = tpu.vector_load %arg8[%get3A_425, %get3A_426] {strides = array<i32>} : memref<128x128xf32, #tpu.memory_space<vmem>>, vector<1x16xf32>,
      %get3A_428 = vector.shape_cast %get3A_427 : vector<1x16xf32> to vector<16xf32>
      %add3A_429 = arith.addf %get3A_428, %get3A_424 : vector<16xf32>
      %swap3A = arith.index_cast %scan3A_420 : i32 to index
      %swap3A_430 = arith.constant 0 : index
      %swap3A_431 = tpu.vector_load %arg8[%swap3A, %swap3A_430] {strides = array<i32>} : memref<128x128xf32, #tpu.memory_space<vmem>>, vector<1x16xf32>,
      %swap3A_432 = vector.shape_cast %swap3A_431 : vector<1x16xf32> to vector<16xf32>
      %swap3A_433 = vector.shape_cast %add3A_429 : vector<16xf32> to vector<1x16xf32>
      tpu.vector_store %arg8[%swap3A, %swap3A_430], %swap3A_433 {strides = array<i32>} : memref<128x128xf32, #tpu.memory_space<vmem>>, vector<1x16xf32>,
      %get3A_434 = arith.index_cast %scan3A_420 : i32 to index
      %get3A_435 = arith.constant 16 : index
      %get3A_436 = tpu.vector_load %arg6[%get3A_434, %get3A_435] {strides = array<i32>} : memref<128x128xf32, #tpu.memory_space<vmem>>, vector<1x16xf32>,
      %get3A_437 = vector.shape_cast %get3A_436 : vector<1x16xf32> to vector<16xf32>
      %get3A_438 = arith.index_cast %scan3A_420 : i32 to index
      %get3A_439 = arith.constant 16 : index
      %get3A_440 = tpu.vector_load %arg8[%get3A_438, %get3A_439] {strides = array<i32>} : memref<128x128xf32, #tpu.memory_space<vmem>>, vector<1x16xf32>,
      %get3A_441 = vector.shape_cast %get3A_440 : vector<1x16xf32> to vector<16xf32>
      %add3A_442 = arith.addf %get3A_441, %get3A_437 : vector<16xf32>
      %swap3A_443 = arith.index_cast %scan3A_420 : i32 to index
      %swap3A_444 = arith.constant 16 : index
      %swap3A_445 = tpu.vector_load %arg8[%swap3A_443, %swap3A_444] {strides = array<i32>} : memref<128x128xf32, #tpu.memory_space<vmem>>, vector<1x16xf32>,
      %swap3A_446 = vector.shape_cast %swap3A_445 : vector<1x16xf32> to vector<16xf32>
      %swap3A_447 = vector.shape_cast %add3A_442 : vector<16xf32> to vector<1x16xf32>
      tpu.vector_store %arg8[%swap3A_443, %swap3A_444], %swap3A_447 {strides = array<i32>} : memref<128x128xf32, #tpu.memory_space<vmem>>, vector<1x16xf32>,
      %get3A_448 = arith.index_cast %scan3A_420 : i32 to index
      %get3A_449 = arith.constant 32 : index
      %get3A_450 = tpu.vector_load %arg6[%get3A_448, %get3A_449] {strides = array<i32>} : memref<128x128xf32, #tpu.memory_space<vmem>>, vector<1x16xf32>,
      %get3A_451 = vector.shape_cast %get3A_450 : vector<1x16xf32> to vector<16xf32>
      %get3A_452 = arith.index_cast %scan3A_420 : i32 to index
      %get3A_453 = arith.constant 32 : index
      %get3A_454 = tpu.vector_load %arg8[%get3A_452, %get3A_453] {strides = array<i32>} : memref<128x128xf32, #tpu.memory_space<vmem>>, vector<1x16xf32>,
      %get3A_455 = vector.shape_cast %get3A_454 : vector<1x16xf32> to vector<16xf32>
      %add3A_456 = arith.addf %get3A_455, %get3A_451 : vector<16xf32>
      %swap3A_457 = arith.index_cast %scan3A_420 : i32 to index
      %swap3A_458 = arith.constant 32 : index
      %swap3A_459 = tpu.vector_load %arg8[%swap3A_457, %swap3A_458] {strides = array<i32>} : memref<128x128xf32, #tpu.memory_space<vmem>>, vector<1x16xf32>,
      %swap3A_460 = vector.shape_cast %swap3A_459 : vector<1x16xf32> to vector<16xf32>
      %swap3A_461 = vector.shape_cast %add3A_456 : vector<16xf32> to vector<1x16xf32>
      tpu.vector_store %arg8[%swap3A_457, %swap3A_458], %swap3A_461 {strides = array<i32>} : memref<128x128xf32, #tpu.memory_space<vmem>>, vector<1x16xf32>,
      %get3A_462 = arith.index_cast %scan3A_420 : i32 to index
      %get3A_463 = arith.constant 48 : index
      %get3A_464 = tpu.vector_load %arg6[%get3A_462, %get3A_463] {strides = array<i32>} : memref<128x128xf32, #tpu.memory_space<vmem>>, vector<1x16xf32>,
      %get3A_465 = vector.shape_cast %get3A_464 : vector<1x16xf32> to vector<16xf32>
      %get3A_466 = arith.index_cast %scan3A_420 : i32 to index
      %get3A_467 = arith.constant 48 : index
      %get3A_468 = tpu.vector_load %arg8[%get3A_466, %get3A_467] {strides = array<i32>} : memref<128x128xf32, #tpu.memory_space<vmem>>, vector<1x16xf32>,
      %get3A_469 = vector.shape_cast %get3A_468 : vector<1x16xf32> to vector<16xf32>
      %add3A_470 = arith.addf %get3A_469, %get3A_465 : vector<16xf32>
      %swap3A_471 = arith.index_cast %scan3A_420 : i32 to index
      %swap3A_472 = arith.constant 48 : index
      %swap3A_473 = tpu.vector_load %arg8[%swap3A_471, %swap3A_472] {strides = array<i32>} : memref<128x128xf32, #tpu.memory_space<vmem>>, vector<1x16xf32>,
      %swap3A_474 = vector.shape_cast %swap3A_473 : vector<1x16xf32> to vector<16xf32>
      %swap3A_475 = vector.shape_cast %add3A_470 : vector<16xf32> to vector<1x16xf32>
      tpu.vector_store %arg8[%swap3A_471, %swap3A_472], %swap3A_475 {strides = array<i32>} : memref<128x128xf32, #tpu.memory_space<vmem>>, vector<1x16xf32>,
      %get3A_476 = arith.index_cast %scan3A_420 : i32 to index
      %get3A_477 = arith.constant 64 : index
      %get3A_478 = tpu.vector_load %arg6[%get3A_476, %get3A_477] {strides = array<i32>} : memref<128x128xf32, #tpu.memory_space<vmem>>, vector<1x16xf32>,
      %get3A_479 = vector.shape_cast %get3A_478 : vector<1x16xf32> to vector<16xf32>
      %get3A_480 = arith.index_cast %scan3A_420 : i32 to index
      %get3A_481 = arith.constant 64 : index
      %get3A_482 = tpu.vector_load %arg8[%get3A_480, %get3A_481] {strides = array<i32>} : memref<128x128xf32, #tpu.memory_space<vmem>>, vector<1x16xf32>,
      %get3A_483 = vector.shape_cast %get3A_482 : vector<1x16xf32> to vector<16xf32>
      %add3A_484 = arith.addf %get3A_483, %get3A_479 : vector<16xf32>
      %swap3A_485 = arith.index_cast %scan3A_420 : i32 to index
      %swap3A_486 = arith.constant 64 : index
      %swap3A_487 = tpu.vector_load %arg8[%swap3A_485, %swap3A_486] {strides = array<i32>} : memref<128x128xf32, #tpu.memory_space<vmem>>, vector<1x16xf32>,
      %swap3A_488 = vector.shape_cast %swap3A_487 : vector<1x16xf32> to vector<16xf32>
      %swap3A_489 = vector.shape_cast %add3A_484 : vector<16xf32> to vector<1x16xf32>
      tpu.vector_store %arg8[%swap3A_485, %swap3A_486], %swap3A_489 {strides = array<i32>} : memref<128x128xf32, #tpu.memory_space<vmem>>, vector<1x16xf32>,
      %get3A_490 = arith.index_cast %scan3A_420 : i32 to index
      %get3A_491 = arith.constant 80 : index
      %get3A_492 = tpu.vector_load %arg6[%get3A_490, %get3A_491] {strides = array<i32>} : memref<128x128xf32, #tpu.memory_space<vmem>>, vector<1x16xf32>,
      %get3A_493 = vector.shape_cast %get3A_492 : vector<1x16xf32> to vector<16xf32>
      %get3A_494 = arith.index_cast %scan3A_420 : i32 to index
      %get3A_495 = arith.constant 80 : index
      %get3A_496 = tpu.vector_load %arg8[%get3A_494, %get3A_495] {strides = array<i32>} : memref<128x128xf32, #tpu.memory_space<vmem>>, vector<1x16xf32>,
      %get3A_497 = vector.shape_cast %get3A_496 : vector<1x16xf32> to vector<16xf32>
      %add3A_498 = arith.addf %get3A_497, %get3A_493 : vector<16xf32>
      %swap3A_499 = arith.index_cast %scan3A_420 : i32 to index
      %swap3A_500 = arith.constant 80 : index
      %swap3A_501 = tpu.vector_load %arg8[%swap3A_499, %swap3A_500] {strides = array<i32>} : memref<128x128xf32, #tpu.memory_space<vmem>>, vector<1x16xf32>,
      %swap3A_502 = vector.shape_cast %swap3A_501 : vector<1x16xf32> to vector<16xf32>
      %swap3A_503 = vector.shape_cast %add3A_498 : vector<16xf32> to vector<1x16xf32>
      tpu.vector_store %arg8[%swap3A_499, %swap3A_500], %swap3A_503 {strides = array<i32>} : memref<128x128xf32, #tpu.memory_space<vmem>>, vector<1x16xf32>,
      %get3A_504 = arith.index_cast %scan3A_420 : i32 to index
      %get3A_505 = arith.constant 96 : index
      %get3A_506 = tpu.vector_load %arg6[%get3A_504, %get3A_505] {strides = array<i32>} : memref<128x128xf32, #tpu.memory_space<vmem>>, vector<1x16xf32>,
      %get3A_507 = vector.shape_cast %get3A_506 : vector<1x16xf32> to vector<16xf32>
      %get3A_508 = arith.index_cast %scan3A_420 : i32 to index
      %get3A_509 = arith.constant 96 : index
      %get3A_510 = tpu.vector_load %arg8[%get3A_508, %get3A_509] {strides = array<i32>} : memref<128x128xf32, #tpu.memory_space<vmem>>, vector<1x16xf32>,
      %get3A_511 = vector.shape_cast %get3A_510 : vector<1x16xf32> to vector<16xf32>
      %add3A_512 = arith.addf %get3A_511, %get3A_507 : vector<16xf32>
      %swap3A_513 = arith.index_cast %scan3A_420 : i32 to index
      %swap3A_514 = arith.constant 96 : index
      %swap3A_515 = tpu.vector_load %arg8[%swap3A_513, %swap3A_514] {strides = array<i32>} : memref<128x128xf32, #tpu.memory_space<vmem>>, vector<1x16xf32>,
      %swap3A_516 = vector.shape_cast %swap3A_515 : vector<1x16xf32> to vector<16xf32>
      %swap3A_517 = vector.shape_cast %add3A_512 : vector<16xf32> to vector<1x16xf32>
      tpu.vector_store %arg8[%swap3A_513, %swap3A_514], %swap3A_517 {strides = array<i32>} : memref<128x128xf32, #tpu.memory_space<vmem>>, vector<1x16xf32>,
      %get3A_518 = arith.index_cast %scan3A_420 : i32 to index
      %get3A_519 = arith.constant 112 : index
      %get3A_520 = tpu.vector_load %arg6[%get3A_518, %get3A_519] {strides = array<i32>} : memref<128x128xf32, #tpu.memory_space<vmem>>, vector<1x16xf32>,
      %get3A_521 = vector.shape_cast %get3A_520 : vector<1x16xf32> to vector<16xf32>
      %get3A_522 = arith.index_cast %scan3A_420 : i32 to index
      %get3A_523 = arith.constant 112 : index
      %get3A_524 = tpu.vector_load %arg8[%get3A_522, %get3A_523] {strides = array<i32>} : memref<128x128xf32, #tpu.memory_space<vmem>>, vector<1x16xf32>,
      %get3A_525 = vector.shape_cast %get3A_524 : vector<1x16xf32> to vector<16xf32>
      %add3A_526 = arith.addf %get3A_525, %get3A_521 : vector<16xf32>
      %swap3A_527 = arith.index_cast %scan3A_420 : i32 to index
      %swap3A_528 = arith.constant 112 : index
      %swap3A_529 = tpu.vector_load %arg8[%swap3A_527, %swap3A_528] {strides = array<i32>} : memref<128x128xf32, #tpu.memory_space<vmem>>, vector<1x16xf32>,
      %swap3A_530 = vector.shape_cast %swap3A_529 : vector<1x16xf32> to vector<16xf32>
      %swap3A_531 = vector.shape_cast %add3A_526 : vector<16xf32> to vector<1x16xf32>
      tpu.vector_store %arg8[%swap3A_527, %swap3A_528], %swap3A_531 {strides = array<i32>} : memref<128x128xf32, #tpu.memory_space<vmem>>, vector<1x16xf32>,
      %scan3A_532 = arith.constant 0 : i32
      scf.yield %scan3A_532 : i32
    }
    %scan3A_153 = arith.constant 128 : i32
    %dma_start3A_154 = arith.constant 8 : i32
    %dma_start3A_155 = arith.constant 0 : i32
    %dma_start3A_156 = tpu.memref_slice %arg5[%dma_start3A_154, %dma_start3A_155] : memref<20x128xi32, #tpu.memory_space<vmem>> -> memref<1x128xi32, #tpu.memory_space<vmem>>
    %dma_start3A_157 = tpu.memref_squeeze %dma_start3A_156 : memref<1x128xi32, #tpu.memory_space<vmem>> -> memref<128xi32, #tpu.memory_space<vmem>>
    %dma_start3A_158 = arith.constant 0 : i32
    %dma_start3A_159 = arith.constant 0 : i32
    %dma_start3A_160 = tpu.memref_slice %arg2[%dma_start3A_158, %dma_start3A_159] : memref<100000x128xf32, #tpu.memory_space<hbm>> -> memref<100000x128xf32, #tpu.memory_space<hbm>>
    tpu.enqueue_indirect_dma source(%dma_start3A_160 : memref<100000x128xf32, #tpu.memory_space<hbm>>) target(%arg6 : memref<128x128xf32, #tpu.memory_space<vmem>>) offsets(%dma_start3A_157 : memref<128xi32, #tpu.memory_space<vmem>>) semaphore(%arg9 : memref<!tpu.dma_semaphore, #tpu.memory_space<semaphore_mem>>)
    %dma_wait3A_161 = arith.constant 7 : i32
    %dma_wait3A_162 = arith.constant 0 : i32
    %dma_wait3A_163 = tpu.memref_slice %arg5[%dma_wait3A_161, %dma_wait3A_162] : memref<20x128xi32, #tpu.memory_space<vmem>> -> memref<1x128xi32, #tpu.memory_space<vmem>>
    %dma_wait3A_164 = tpu.memref_squeeze %dma_wait3A_163 : memref<1x128xi32, #tpu.memory_space<vmem>> -> memref<128xi32, #tpu.memory_space<vmem>>
    %dma_wait3A_165 = arith.constant 0 : i32
    %dma_wait3A_166 = arith.constant 0 : i32
    %dma_wait3A_167 = tpu.memref_slice %arg2[%dma_wait3A_165, %dma_wait3A_166] : memref<100000x128xf32, #tpu.memory_space<hbm>> -> memref<100000x128xf32, #tpu.memory_space<hbm>>
    tpu.wait_indirect_dma semaphore(%arg10 : memref<!tpu.dma_semaphore, #tpu.memory_space<semaphore_mem>>) src(%dma_wait3A_167 : memref<100000x128xf32, #tpu.memory_space<hbm>>) dst(%arg7 : memref<128x128xf32, #tpu.memory_space<vmem>>)
    %scan3A_168 = arith.constant 0 : i32
    %scan3A_169 = arith.constant 0 : i32
    %scan3A_170 = arith.constant 128 : i32
    %scan3A_171 = arith.addi %scan3A_169, %scan3A_170 : i32
    %scan3A_172 = arith.constant 1 : i32
    %scan3A_173 = scf.for %scan3A_420 = %scan3A_169 to %scan3A_171 step %scan3A_172 iter_args(%scan3A_421 = %scan3A_168) -> (i32)  : i32 {
      %get3A = arith.index_cast %scan3A_420 : i32 to index
      %get3A_422 = arith.constant 0 : index
      %get3A_423 = tpu.vector_load %arg7[%get3A, %get3A_422] {strides = array<i32>} : memref<128x128xf32, #tpu.memory_space<vmem>>, vector<1x16xf32>,
      %get3A_424 = vector.shape_cast %get3A_423 : vector<1x16xf32> to vector<16xf32>
      %get3A_425 = arith.index_cast %scan3A_420 : i32 to index
      %get3A_426 = arith.constant 0 : index
      %get3A_427 = tpu.vector_load %arg8[%get3A_425, %get3A_426] {strides = array<i32>} : memref<128x128xf32, #tpu.memory_space<vmem>>, vector<1x16xf32>,
      %get3A_428 = vector.shape_cast %get3A_427 : vector<1x16xf32> to vector<16xf32>
      %add3A_429 = arith.addf %get3A_428, %get3A_424 : vector<16xf32>
      %swap3A = arith.index_cast %scan3A_420 : i32 to index
      %swap3A_430 = arith.constant 0 : index
      %swap3A_431 = tpu.vector_load %arg8[%swap3A, %swap3A_430] {strides = array<i32>} : memref<128x128xf32, #tpu.memory_space<vmem>>, vector<1x16xf32>,
      %swap3A_432 = vector.shape_cast %swap3A_431 : vector<1x16xf32> to vector<16xf32>
      %swap3A_433 = vector.shape_cast %add3A_429 : vector<16xf32> to vector<1x16xf32>
      tpu.vector_store %arg8[%swap3A, %swap3A_430], %swap3A_433 {strides = array<i32>} : memref<128x128xf32, #tpu.memory_space<vmem>>, vector<1x16xf32>,
      %get3A_434 = arith.index_cast %scan3A_420 : i32 to index
      %get3A_435 = arith.constant 16 : index
      %get3A_436 = tpu.vector_load %arg7[%get3A_434, %get3A_435] {strides = array<i32>} : memref<128x128xf32, #tpu.memory_space<vmem>>, vector<1x16xf32>,
      %get3A_437 = vector.shape_cast %get3A_436 : vector<1x16xf32> to vector<16xf32>
      %get3A_438 = arith.index_cast %scan3A_420 : i32 to index
      %get3A_439 = arith.constant 16 : index
      %get3A_440 = tpu.vector_load %arg8[%get3A_438, %get3A_439] {strides = array<i32>} : memref<128x128xf32, #tpu.memory_space<vmem>>, vector<1x16xf32>,
      %get3A_441 = vector.shape_cast %get3A_440 : vector<1x16xf32> to vector<16xf32>
      %add3A_442 = arith.addf %get3A_441, %get3A_437 : vector<16xf32>
      %swap3A_443 = arith.index_cast %scan3A_420 : i32 to index
      %swap3A_444 = arith.constant 16 : index
      %swap3A_445 = tpu.vector_load %arg8[%swap3A_443, %swap3A_444] {strides = array<i32>} : memref<128x128xf32, #tpu.memory_space<vmem>>, vector<1x16xf32>,
      %swap3A_446 = vector.shape_cast %swap3A_445 : vector<1x16xf32> to vector<16xf32>
      %swap3A_447 = vector.shape_cast %add3A_442 : vector<16xf32> to vector<1x16xf32>
      tpu.vector_store %arg8[%swap3A_443, %swap3A_444], %swap3A_447 {strides = array<i32>} : memref<128x128xf32, #tpu.memory_space<vmem>>, vector<1x16xf32>,
      %get3A_448 = arith.index_cast %scan3A_420 : i32 to index
      %get3A_449 = arith.constant 32 : index
      %get3A_450 = tpu.vector_load %arg7[%get3A_448, %get3A_449] {strides = array<i32>} : memref<128x128xf32, #tpu.memory_space<vmem>>, vector<1x16xf32>,
      %get3A_451 = vector.shape_cast %get3A_450 : vector<1x16xf32> to vector<16xf32>
      %get3A_452 = arith.index_cast %scan3A_420 : i32 to index
      %get3A_453 = arith.constant 32 : index
      %get3A_454 = tpu.vector_load %arg8[%get3A_452, %get3A_453] {strides = array<i32>} : memref<128x128xf32, #tpu.memory_space<vmem>>, vector<1x16xf32>,
      %get3A_455 = vector.shape_cast %get3A_454 : vector<1x16xf32> to vector<16xf32>
      %add3A_456 = arith.addf %get3A_455, %get3A_451 : vector<16xf32>
      %swap3A_457 = arith.index_cast %scan3A_420 : i32 to index
      %swap3A_458 = arith.constant 32 : index
      %swap3A_459 = tpu.vector_load %arg8[%swap3A_457, %swap3A_458] {strides = array<i32>} : memref<128x128xf32, #tpu.memory_space<vmem>>, vector<1x16xf32>,
      %swap3A_460 = vector.shape_cast %swap3A_459 : vector<1x16xf32> to vector<16xf32>
      %swap3A_461 = vector.shape_cast %add3A_456 : vector<16xf32> to vector<1x16xf32>
      tpu.vector_store %arg8[%swap3A_457, %swap3A_458], %swap3A_461 {strides = array<i32>} : memref<128x128xf32, #tpu.memory_space<vmem>>, vector<1x16xf32>,
      %get3A_462 = arith.index_cast %scan3A_420 : i32 to index
      %get3A_463 = arith.constant 48 : index
      %get3A_464 = tpu.vector_load %arg7[%get3A_462, %get3A_463] {strides = array<i32>} : memref<128x128xf32, #tpu.memory_space<vmem>>, vector<1x16xf32>,
      %get3A_465 = vector.shape_cast %get3A_464 : vector<1x16xf32> to vector<16xf32>
      %get3A_466 = arith.index_cast %scan3A_420 : i32 to index
      %get3A_467 = arith.constant 48 : index
      %get3A_468 = tpu.vector_load %arg8[%get3A_466, %get3A_467] {strides = array<i32>} : memref<128x128xf32, #tpu.memory_space<vmem>>, vector<1x16xf32>,
      %get3A_469 = vector.shape_cast %get3A_468 : vector<1x16xf32> to vector<16xf32>
      %add3A_470 = arith.addf %get3A_469, %get3A_465 : vector<16xf32>
      %swap3A_471 = arith.index_cast %scan3A_420 : i32 to index
      %swap3A_472 = arith.constant 48 : index
      %swap3A_473 = tpu.vector_load %arg8[%swap3A_471, %swap3A_472] {strides = array<i32>} : memref<128x128xf32, #tpu.memory_space<vmem>>, vector<1x16xf32>,
      %swap3A_474 = vector.shape_cast %swap3A_473 : vector<1x16xf32> to vector<16xf32>
      %swap3A_475 = vector.shape_cast %add3A_470 : vector<16xf32> to vector<1x16xf32>
      tpu.vector_store %arg8[%swap3A_471, %swap3A_472], %swap3A_475 {strides = array<i32>} : memref<128x128xf32, #tpu.memory_space<vmem>>, vector<1x16xf32>,
      %get3A_476 = arith.index_cast %scan3A_420 : i32 to index
      %get3A_477 = arith.constant 64 : index
      %get3A_478 = tpu.vector_load %arg7[%get3A_476, %get3A_477] {strides = array<i32>} : memref<128x128xf32, #tpu.memory_space<vmem>>, vector<1x16xf32>,
      %get3A_479 = vector.shape_cast %get3A_478 : vector<1x16xf32> to vector<16xf32>
      %get3A_480 = arith.index_cast %scan3A_420 : i32 to index
      %get3A_481 = arith.constant 64 : index
      %get3A_482 = tpu.vector_load %arg8[%get3A_480, %get3A_481] {strides = array<i32>} : memref<128x128xf32, #tpu.memory_space<vmem>>, vector<1x16xf32>,
      %get3A_483 = vector.shape_cast %get3A_482 : vector<1x16xf32> to vector<16xf32>
      %add3A_484 = arith.addf %get3A_483, %get3A_479 : vector<16xf32>
      %swap3A_485 = arith.index_cast %scan3A_420 : i32 to index
      %swap3A_486 = arith.constant 64 : index
      %swap3A_487 = tpu.vector_load %arg8[%swap3A_485, %swap3A_486] {strides = array<i32>} : memref<128x128xf32, #tpu.memory_space<vmem>>, vector<1x16xf32>,
      %swap3A_488 = vector.shape_cast %swap3A_487 : vector<1x16xf32> to vector<16xf32>
      %swap3A_489 = vector.shape_cast %add3A_484 : vector<16xf32> to vector<1x16xf32>
      tpu.vector_store %arg8[%swap3A_485, %swap3A_486], %swap3A_489 {strides = array<i32>} : memref<128x128xf32, #tpu.memory_space<vmem>>, vector<1x16xf32>,
      %get3A_490 = arith.index_cast %scan3A_420 : i32 to index
      %get3A_491 = arith.constant 80 : index
      %get3A_492 = tpu.vector_load %arg7[%get3A_490, %get3A_491] {strides = array<i32>} : memref<128x128xf32, #tpu.memory_space<vmem>>, vector<1x16xf32>,
      %get3A_493 = vector.shape_cast %get3A_492 : vector<1x16xf32> to vector<16xf32>
      %get3A_494 = arith.index_cast %scan3A_420 : i32 to index
      %get3A_495 = arith.constant 80 : index
      %get3A_496 = tpu.vector_load %arg8[%get3A_494, %get3A_495] {strides = array<i32>} : memref<128x128xf32, #tpu.memory_space<vmem>>, vector<1x16xf32>,
      %get3A_497 = vector.shape_cast %get3A_496 : vector<1x16xf32> to vector<16xf32>
      %add3A_498 = arith.addf %get3A_497, %get3A_493 : vector<16xf32>
      %swap3A_499 = arith.index_cast %scan3A_420 : i32 to index
      %swap3A_500 = arith.constant 80 : index
      %swap3A_501 = tpu.vector_load %arg8[%swap3A_499, %swap3A_500] {strides = array<i32>} : memref<128x128xf32, #tpu.memory_space<vmem>>, vector<1x16xf32>,
      %swap3A_502 = vector.shape_cast %swap3A_501 : vector<1x16xf32> to vector<16xf32>
      %swap3A_503 = vector.shape_cast %add3A_498 : vector<16xf32> to vector<1x16xf32>
      tpu.vector_store %arg8[%swap3A_499, %swap3A_500], %swap3A_503 {strides = array<i32>} : memref<128x128xf32, #tpu.memory_space<vmem>>, vector<1x16xf32>,
      %get3A_504 = arith.index_cast %scan3A_420 : i32 to index
      %get3A_505 = arith.constant 96 : index
      %get3A_506 = tpu.vector_load %arg7[%get3A_504, %get3A_505] {strides = array<i32>} : memref<128x128xf32, #tpu.memory_space<vmem>>, vector<1x16xf32>,
      %get3A_507 = vector.shape_cast %get3A_506 : vector<1x16xf32> to vector<16xf32>
      %get3A_508 = arith.index_cast %scan3A_420 : i32 to index
      %get3A_509 = arith.constant 96 : index
      %get3A_510 = tpu.vector_load %arg8[%get3A_508, %get3A_509] {strides = array<i32>} : memref<128x128xf32, #tpu.memory_space<vmem>>, vector<1x16xf32>,
      %get3A_511 = vector.shape_cast %get3A_510 : vector<1x16xf32> to vector<16xf32>
      %add3A_512 = arith.addf %get3A_511, %get3A_507 : vector<16xf32>
      %swap3A_513 = arith.index_cast %scan3A_420 : i32 to index
      %swap3A_514 = arith.constant 96 : index
      %swap3A_515 = tpu.vector_load %arg8[%swap3A_513, %swap3A_514] {strides = array<i32>} : memref<128x128xf32, #tpu.memory_space<vmem>>, vector<1x16xf32>,
      %swap3A_516 = vector.shape_cast %swap3A_515 : vector<1x16xf32> to vector<16xf32>
      %swap3A_517 = vector.shape_cast %add3A_512 : vector<16xf32> to vector<1x16xf32>
      tpu.vector_store %arg8[%swap3A_513, %swap3A_514], %swap3A_517 {strides = array<i32>} : memref<128x128xf32, #tpu.memory_space<vmem>>, vector<1x16xf32>,
      %get3A_518 = arith.index_cast %scan3A_420 : i32 to index
      %get3A_519 = arith.constant 112 : index
      %get3A_520 = tpu.vector_load %arg7[%get3A_518, %get3A_519] {strides = array<i32>} : memref<128x128xf32, #tpu.memory_space<vmem>>, vector<1x16xf32>,
      %get3A_521 = vector.shape_cast %get3A_520 : vector<1x16xf32> to vector<16xf32>
      %get3A_522 = arith.index_cast %scan3A_420 : i32 to index
      %get3A_523 = arith.constant 112 : index
      %get3A_524 = tpu.vector_load %arg8[%get3A_522, %get3A_523] {strides = array<i32>} : memref<128x128xf32, #tpu.memory_space<vmem>>, vector<1x16xf32>,
      %get3A_525 = vector.shape_cast %get3A_524 : vector<1x16xf32> to vector<16xf32>
      %add3A_526 = arith.addf %get3A_525, %get3A_521 : vector<16xf32>
      %swap3A_527 = arith.index_cast %scan3A_420 : i32 to index
      %swap3A_528 = arith.constant 112 : index
      %swap3A_529 = tpu.vector_load %arg8[%swap3A_527, %swap3A_528] {strides = array<i32>} : memref<128x128xf32, #tpu.memory_space<vmem>>, vector<1x16xf32>,
      %swap3A_530 = vector.shape_cast %swap3A_529 : vector<1x16xf32> to vector<16xf32>
      %swap3A_531 = vector.shape_cast %add3A_526 : vector<16xf32> to vector<1x16xf32>
      tpu.vector_store %arg8[%swap3A_527, %swap3A_528], %swap3A_531 {strides = array<i32>} : memref<128x128xf32, #tpu.memory_space<vmem>>, vector<1x16xf32>,
      %scan3A_532 = arith.constant 0 : i32
      scf.yield %scan3A_532 : i32
    }
    %scan3A_174 = arith.constant 128 : i32
    %dma_start3A_175 = arith.constant 9 : i32
    %dma_start3A_176 = arith.constant 0 : i32
    %dma_start3A_177 = tpu.memref_slice %arg5[%dma_start3A_175, %dma_start3A_176] : memref<20x128xi32, #tpu.memory_space<vmem>> -> memref<1x128xi32, #tpu.memory_space<vmem>>
    %dma_start3A_178 = tpu.memref_squeeze %dma_start3A_177 : memref<1x128xi32, #tpu.memory_space<vmem>> -> memref<128xi32, #tpu.memory_space<vmem>>
    %dma_start3A_179 = arith.constant 0 : i32
    %dma_start3A_180 = arith.constant 0 : i32
    %dma_start3A_181 = tpu.memref_slice %arg2[%dma_start3A_179, %dma_start3A_180] : memref<100000x128xf32, #tpu.memory_space<hbm>> -> memref<100000x128xf32, #tpu.memory_space<hbm>>
    tpu.enqueue_indirect_dma source(%dma_start3A_181 : memref<100000x128xf32, #tpu.memory_space<hbm>>) target(%arg7 : memref<128x128xf32, #tpu.memory_space<vmem>>) offsets(%dma_start3A_178 : memref<128xi32, #tpu.memory_space<vmem>>) semaphore(%arg10 : memref<!tpu.dma_semaphore, #tpu.memory_space<semaphore_mem>>)
    %dma_wait3A_182 = arith.constant 8 : i32
    %dma_wait3A_183 = arith.constant 0 : i32
    %dma_wait3A_184 = tpu.memref_slice %arg5[%dma_wait3A_182, %dma_wait3A_183] : memref<20x128xi32, #tpu.memory_space<vmem>> -> memref<1x128xi32, #tpu.memory_space<vmem>>
    %dma_wait3A_185 = tpu.memref_squeeze %dma_wait3A_184 : memref<1x128xi32, #tpu.memory_space<vmem>> -> memref<128xi32, #tpu.memory_space<vmem>>
    %dma_wait3A_186 = arith.constant 0 : i32
    %dma_wait3A_187 = arith.constant 0 : i32
    %dma_wait3A_188 = tpu.memref_slice %arg2[%dma_wait3A_186, %dma_wait3A_187] : memref<100000x128xf32, #tpu.memory_space<hbm>> -> memref<100000x128xf32, #tpu.memory_space<hbm>>
    tpu.wait_indirect_dma semaphore(%arg9 : memref<!tpu.dma_semaphore, #tpu.memory_space<semaphore_mem>>) src(%dma_wait3A_188 : memref<100000x128xf32, #tpu.memory_space<hbm>>) dst(%arg6 : memref<128x128xf32, #tpu.memory_space<vmem>>)
    %scan3A_189 = arith.constant 0 : i32
    %scan3A_190 = arith.constant 0 : i32
    %scan3A_191 = arith.constant 128 : i32
    %scan3A_192 = arith.addi %scan3A_190, %scan3A_191 : i32
    %scan3A_193 = arith.constant 1 : i32
    %scan3A_194 = scf.for %scan3A_420 = %scan3A_190 to %scan3A_192 step %scan3A_193 iter_args(%scan3A_421 = %scan3A_189) -> (i32)  : i32 {
      %get3A = arith.index_cast %scan3A_420 : i32 to index
      %get3A_422 = arith.constant 0 : index
      %get3A_423 = tpu.vector_load %arg6[%get3A, %get3A_422] {strides = array<i32>} : memref<128x128xf32, #tpu.memory_space<vmem>>, vector<1x16xf32>,
      %get3A_424 = vector.shape_cast %get3A_423 : vector<1x16xf32> to vector<16xf32>
      %get3A_425 = arith.index_cast %scan3A_420 : i32 to index
      %get3A_426 = arith.constant 0 : index
      %get3A_427 = tpu.vector_load %arg8[%get3A_425, %get3A_426] {strides = array<i32>} : memref<128x128xf32, #tpu.memory_space<vmem>>, vector<1x16xf32>,
      %get3A_428 = vector.shape_cast %get3A_427 : vector<1x16xf32> to vector<16xf32>
      %add3A_429 = arith.addf %get3A_428, %get3A_424 : vector<16xf32>
      %swap3A = arith.index_cast %scan3A_420 : i32 to index
      %swap3A_430 = arith.constant 0 : index
      %swap3A_431 = tpu.vector_load %arg8[%swap3A, %swap3A_430] {strides = array<i32>} : memref<128x128xf32, #tpu.memory_space<vmem>>, vector<1x16xf32>,
      %swap3A_432 = vector.shape_cast %swap3A_431 : vector<1x16xf32> to vector<16xf32>
      %swap3A_433 = vector.shape_cast %add3A_429 : vector<16xf32> to vector<1x16xf32>
      tpu.vector_store %arg8[%swap3A, %swap3A_430], %swap3A_433 {strides = array<i32>} : memref<128x128xf32, #tpu.memory_space<vmem>>, vector<1x16xf32>,
      %get3A_434 = arith.index_cast %scan3A_420 : i32 to index
      %get3A_435 = arith.constant 16 : index
      %get3A_436 = tpu.vector_load %arg6[%get3A_434, %get3A_435] {strides = array<i32>} : memref<128x128xf32, #tpu.memory_space<vmem>>, vector<1x16xf32>,
      %get3A_437 = vector.shape_cast %get3A_436 : vector<1x16xf32> to vector<16xf32>
      %get3A_438 = arith.index_cast %scan3A_420 : i32 to index
      %get3A_439 = arith.constant 16 : index
      %get3A_440 = tpu.vector_load %arg8[%get3A_438, %get3A_439] {strides = array<i32>} : memref<128x128xf32, #tpu.memory_space<vmem>>, vector<1x16xf32>,
      %get3A_441 = vector.shape_cast %get3A_440 : vector<1x16xf32> to vector<16xf32>
      %add3A_442 = arith.addf %get3A_441, %get3A_437 : vector<16xf32>
      %swap3A_443 = arith.index_cast %scan3A_420 : i32 to index
      %swap3A_444 = arith.constant 16 : index
      %swap3A_445 = tpu.vector_load %arg8[%swap3A_443, %swap3A_444] {strides = array<i32>} : memref<128x128xf32, #tpu.memory_space<vmem>>, vector<1x16xf32>,
      %swap3A_446 = vector.shape_cast %swap3A_445 : vector<1x16xf32> to vector<16xf32>
      %swap3A_447 = vector.shape_cast %add3A_442 : vector<16xf32> to vector<1x16xf32>
      tpu.vector_store %arg8[%swap3A_443, %swap3A_444], %swap3A_447 {strides = array<i32>} : memref<128x128xf32, #tpu.memory_space<vmem>>, vector<1x16xf32>,
      %get3A_448 = arith.index_cast %scan3A_420 : i32 to index
      %get3A_449 = arith.constant 32 : index
      %get3A_450 = tpu.vector_load %arg6[%get3A_448, %get3A_449] {strides = array<i32>} : memref<128x128xf32, #tpu.memory_space<vmem>>, vector<1x16xf32>,
      %get3A_451 = vector.shape_cast %get3A_450 : vector<1x16xf32> to vector<16xf32>
      %get3A_452 = arith.index_cast %scan3A_420 : i32 to index
      %get3A_453 = arith.constant 32 : index
      %get3A_454 = tpu.vector_load %arg8[%get3A_452, %get3A_453] {strides = array<i32>} : memref<128x128xf32, #tpu.memory_space<vmem>>, vector<1x16xf32>,
      %get3A_455 = vector.shape_cast %get3A_454 : vector<1x16xf32> to vector<16xf32>
      %add3A_456 = arith.addf %get3A_455, %get3A_451 : vector<16xf32>
      %swap3A_457 = arith.index_cast %scan3A_420 : i32 to index
      %swap3A_458 = arith.constant 32 : index
      %swap3A_459 = tpu.vector_load %arg8[%swap3A_457, %swap3A_458] {strides = array<i32>} : memref<128x128xf32, #tpu.memory_space<vmem>>, vector<1x16xf32>,
      %swap3A_460 = vector.shape_cast %swap3A_459 : vector<1x16xf32> to vector<16xf32>
      %swap3A_461 = vector.shape_cast %add3A_456 : vector<16xf32> to vector<1x16xf32>
      tpu.vector_store %arg8[%swap3A_457, %swap3A_458], %swap3A_461 {strides = array<i32>} : memref<128x128xf32, #tpu.memory_space<vmem>>, vector<1x16xf32>,
      %get3A_462 = arith.index_cast %scan3A_420 : i32 to index
      %get3A_463 = arith.constant 48 : index
      %get3A_464 = tpu.vector_load %arg6[%get3A_462, %get3A_463] {strides = array<i32>} : memref<128x128xf32, #tpu.memory_space<vmem>>, vector<1x16xf32>,
      %get3A_465 = vector.shape_cast %get3A_464 : vector<1x16xf32> to vector<16xf32>
      %get3A_466 = arith.index_cast %scan3A_420 : i32 to index
      %get3A_467 = arith.constant 48 : index
      %get3A_468 = tpu.vector_load %arg8[%get3A_466, %get3A_467] {strides = array<i32>} : memref<128x128xf32, #tpu.memory_space<vmem>>, vector<1x16xf32>,
      %get3A_469 = vector.shape_cast %get3A_468 : vector<1x16xf32> to vector<16xf32>
      %add3A_470 = arith.addf %get3A_469, %get3A_465 : vector<16xf32>
      %swap3A_471 = arith.index_cast %scan3A_420 : i32 to index
      %swap3A_472 = arith.constant 48 : index
      %swap3A_473 = tpu.vector_load %arg8[%swap3A_471, %swap3A_472] {strides = array<i32>} : memref<128x128xf32, #tpu.memory_space<vmem>>, vector<1x16xf32>,
      %swap3A_474 = vector.shape_cast %swap3A_473 : vector<1x16xf32> to vector<16xf32>
      %swap3A_475 = vector.shape_cast %add3A_470 : vector<16xf32> to vector<1x16xf32>
      tpu.vector_store %arg8[%swap3A_471, %swap3A_472], %swap3A_475 {strides = array<i32>} : memref<128x128xf32, #tpu.memory_space<vmem>>, vector<1x16xf32>,
      %get3A_476 = arith.index_cast %scan3A_420 : i32 to index
      %get3A_477 = arith.constant 64 : index
      %get3A_478 = tpu.vector_load %arg6[%get3A_476, %get3A_477] {strides = array<i32>} : memref<128x128xf32, #tpu.memory_space<vmem>>, vector<1x16xf32>,
      %get3A_479 = vector.shape_cast %get3A_478 : vector<1x16xf32> to vector<16xf32>
      %get3A_480 = arith.index_cast %scan3A_420 : i32 to index
      %get3A_481 = arith.constant 64 : index
      %get3A_482 = tpu.vector_load %arg8[%get3A_480, %get3A_481] {strides = array<i32>} : memref<128x128xf32, #tpu.memory_space<vmem>>, vector<1x16xf32>,
      %get3A_483 = vector.shape_cast %get3A_482 : vector<1x16xf32> to vector<16xf32>
      %add3A_484 = arith.addf %get3A_483, %get3A_479 : vector<16xf32>
      %swap3A_485 = arith.index_cast %scan3A_420 : i32 to index
      %swap3A_486 = arith.constant 64 : index
      %swap3A_487 = tpu.vector_load %arg8[%swap3A_485, %swap3A_486] {strides = array<i32>} : memref<128x128xf32, #tpu.memory_space<vmem>>, vector<1x16xf32>,
      %swap3A_488 = vector.shape_cast %swap3A_487 : vector<1x16xf32> to vector<16xf32>
      %swap3A_489 = vector.shape_cast %add3A_484 : vector<16xf32> to vector<1x16xf32>
      tpu.vector_store %arg8[%swap3A_485, %swap3A_486], %swap3A_489 {strides = array<i32>} : memref<128x128xf32, #tpu.memory_space<vmem>>, vector<1x16xf32>,
      %get3A_490 = arith.index_cast %scan3A_420 : i32 to index
      %get3A_491 = arith.constant 80 : index
      %get3A_492 = tpu.vector_load %arg6[%get3A_490, %get3A_491] {strides = array<i32>} : memref<128x128xf32, #tpu.memory_space<vmem>>, vector<1x16xf32>,
      %get3A_493 = vector.shape_cast %get3A_492 : vector<1x16xf32> to vector<16xf32>
      %get3A_494 = arith.index_cast %scan3A_420 : i32 to index
      %get3A_495 = arith.constant 80 : index
      %get3A_496 = tpu.vector_load %arg8[%get3A_494, %get3A_495] {strides = array<i32>} : memref<128x128xf32, #tpu.memory_space<vmem>>, vector<1x16xf32>,
      %get3A_497 = vector.shape_cast %get3A_496 : vector<1x16xf32> to vector<16xf32>
      %add3A_498 = arith.addf %get3A_497, %get3A_493 : vector<16xf32>
      %swap3A_499 = arith.index_cast %scan3A_420 : i32 to index
      %swap3A_500 = arith.constant 80 : index
      %swap3A_501 = tpu.vector_load %arg8[%swap3A_499, %swap3A_500] {strides = array<i32>} : memref<128x128xf32, #tpu.memory_space<vmem>>, vector<1x16xf32>,
      %swap3A_502 = vector.shape_cast %swap3A_501 : vector<1x16xf32> to vector<16xf32>
      %swap3A_503 = vector.shape_cast %add3A_498 : vector<16xf32> to vector<1x16xf32>
      tpu.vector_store %arg8[%swap3A_499, %swap3A_500], %swap3A_503 {strides = array<i32>} : memref<128x128xf32, #tpu.memory_space<vmem>>, vector<1x16xf32>,
      %get3A_504 = arith.index_cast %scan3A_420 : i32 to index
      %get3A_505 = arith.constant 96 : index
      %get3A_506 = tpu.vector_load %arg6[%get3A_504, %get3A_505] {strides = array<i32>} : memref<128x128xf32, #tpu.memory_space<vmem>>, vector<1x16xf32>,
      %get3A_507 = vector.shape_cast %get3A_506 : vector<1x16xf32> to vector<16xf32>
      %get3A_508 = arith.index_cast %scan3A_420 : i32 to index
      %get3A_509 = arith.constant 96 : index
      %get3A_510 = tpu.vector_load %arg8[%get3A_508, %get3A_509] {strides = array<i32>} : memref<128x128xf32, #tpu.memory_space<vmem>>, vector<1x16xf32>,
      %get3A_511 = vector.shape_cast %get3A_510 : vector<1x16xf32> to vector<16xf32>
      %add3A_512 = arith.addf %get3A_511, %get3A_507 : vector<16xf32>
      %swap3A_513 = arith.index_cast %scan3A_420 : i32 to index
      %swap3A_514 = arith.constant 96 : index
      %swap3A_515 = tpu.vector_load %arg8[%swap3A_513, %swap3A_514] {strides = array<i32>} : memref<128x128xf32, #tpu.memory_space<vmem>>, vector<1x16xf32>,
      %swap3A_516 = vector.shape_cast %swap3A_515 : vector<1x16xf32> to vector<16xf32>
      %swap3A_517 = vector.shape_cast %add3A_512 : vector<16xf32> to vector<1x16xf32>
      tpu.vector_store %arg8[%swap3A_513, %swap3A_514], %swap3A_517 {strides = array<i32>} : memref<128x128xf32, #tpu.memory_space<vmem>>, vector<1x16xf32>,
      %get3A_518 = arith.index_cast %scan3A_420 : i32 to index
      %get3A_519 = arith.constant 112 : index
      %get3A_520 = tpu.vector_load %arg6[%get3A_518, %get3A_519] {strides = array<i32>} : memref<128x128xf32, #tpu.memory_space<vmem>>, vector<1x16xf32>,
      %get3A_521 = vector.shape_cast %get3A_520 : vector<1x16xf32> to vector<16xf32>
      %get3A_522 = arith.index_cast %scan3A_420 : i32 to index
      %get3A_523 = arith.constant 112 : index
      %get3A_524 = tpu.vector_load %arg8[%get3A_522, %get3A_523] {strides = array<i32>} : memref<128x128xf32, #tpu.memory_space<vmem>>, vector<1x16xf32>,
      %get3A_525 = vector.shape_cast %get3A_524 : vector<1x16xf32> to vector<16xf32>
      %add3A_526 = arith.addf %get3A_525, %get3A_521 : vector<16xf32>
      %swap3A_527 = arith.index_cast %scan3A_420 : i32 to index
      %swap3A_528 = arith.constant 112 : index
      %swap3A_529 = tpu.vector_load %arg8[%swap3A_527, %swap3A_528] {strides = array<i32>} : memref<128x128xf32, #tpu.memory_space<vmem>>, vector<1x16xf32>,
      %swap3A_530 = vector.shape_cast %swap3A_529 : vector<1x16xf32> to vector<16xf32>
      %swap3A_531 = vector.shape_cast %add3A_526 : vector<16xf32> to vector<1x16xf32>
      tpu.vector_store %arg8[%swap3A_527, %swap3A_528], %swap3A_531 {strides = array<i32>} : memref<128x128xf32, #tpu.memory_space<vmem>>, vector<1x16xf32>,
      %scan3A_532 = arith.constant 0 : i32
      scf.yield %scan3A_532 : i32
    }
    %scan3A_195 = arith.constant 128 : i32
    %dma_start3A_196 = arith.constant 10 : i32
    %dma_start3A_197 = arith.constant 0 : i32
    %dma_start3A_198 = tpu.memref_slice %arg5[%dma_start3A_196, %dma_start3A_197] : memref<20x128xi32, #tpu.memory_space<vmem>> -> memref<1x128xi32, #tpu.memory_space<vmem>>
    %dma_start3A_199 = tpu.memref_squeeze %dma_start3A_198 : memref<1x128xi32, #tpu.memory_space<vmem>> -> memref<128xi32, #tpu.memory_space<vmem>>
    %dma_start3A_200 = arith.constant 0 : i32
    %dma_start3A_201 = arith.constant 0 : i32
    %dma_start3A_202 = tpu.memref_slice %arg2[%dma_start3A_200, %dma_start3A_201] : memref<100000x128xf32, #tpu.memory_space<hbm>> -> memref<100000x128xf32, #tpu.memory_space<hbm>>
    tpu.enqueue_indirect_dma source(%dma_start3A_202 : memref<100000x128xf32, #tpu.memory_space<hbm>>) target(%arg6 : memref<128x128xf32, #tpu.memory_space<vmem>>) offsets(%dma_start3A_199 : memref<128xi32, #tpu.memory_space<vmem>>) semaphore(%arg9 : memref<!tpu.dma_semaphore, #tpu.memory_space<semaphore_mem>>)
    %dma_wait3A_203 = arith.constant 9 : i32
    %dma_wait3A_204 = arith.constant 0 : i32
    %dma_wait3A_205 = tpu.memref_slice %arg5[%dma_wait3A_203, %dma_wait3A_204] : memref<20x128xi32, #tpu.memory_space<vmem>> -> memref<1x128xi32, #tpu.memory_space<vmem>>
    %dma_wait3A_206 = tpu.memref_squeeze %dma_wait3A_205 : memref<1x128xi32, #tpu.memory_space<vmem>> -> memref<128xi32, #tpu.memory_space<vmem>>
    %dma_wait3A_207 = arith.constant 0 : i32
    %dma_wait3A_208 = arith.constant 0 : i32
    %dma_wait3A_209 = tpu.memref_slice %arg2[%dma_wait3A_207, %dma_wait3A_208] : memref<100000x128xf32, #tpu.memory_space<hbm>> -> memref<100000x128xf32, #tpu.memory_space<hbm>>
    tpu.wait_indirect_dma semaphore(%arg10 : memref<!tpu.dma_semaphore, #tpu.memory_space<semaphore_mem>>) src(%dma_wait3A_209 : memref<100000x128xf32, #tpu.memory_space<hbm>>) dst(%arg7 : memref<128x128xf32, #tpu.memory_space<vmem>>)
    %scan3A_210 = arith.constant 0 : i32
    %scan3A_211 = arith.constant 0 : i32
    %scan3A_212 = arith.constant 128 : i32
    %scan3A_213 = arith.addi %scan3A_211, %scan3A_212 : i32
    %scan3A_214 = arith.constant 1 : i32
    %scan3A_215 = scf.for %scan3A_420 = %scan3A_211 to %scan3A_213 step %scan3A_214 iter_args(%scan3A_421 = %scan3A_210) -> (i32)  : i32 {
      %get3A = arith.index_cast %scan3A_420 : i32 to index
      %get3A_422 = arith.constant 0 : index
      %get3A_423 = tpu.vector_load %arg7[%get3A, %get3A_422] {strides = array<i32>} : memref<128x128xf32, #tpu.memory_space<vmem>>, vector<1x16xf32>,
      %get3A_424 = vector.shape_cast %get3A_423 : vector<1x16xf32> to vector<16xf32>
      %get3A_425 = arith.index_cast %scan3A_420 : i32 to index
      %get3A_426 = arith.constant 0 : index
      %get3A_427 = tpu.vector_load %arg8[%get3A_425, %get3A_426] {strides = array<i32>} : memref<128x128xf32, #tpu.memory_space<vmem>>, vector<1x16xf32>,
      %get3A_428 = vector.shape_cast %get3A_427 : vector<1x16xf32> to vector<16xf32>
      %add3A_429 = arith.addf %get3A_428, %get3A_424 : vector<16xf32>
      %swap3A = arith.index_cast %scan3A_420 : i32 to index
      %swap3A_430 = arith.constant 0 : index
      %swap3A_431 = tpu.vector_load %arg8[%swap3A, %swap3A_430] {strides = array<i32>} : memref<128x128xf32, #tpu.memory_space<vmem>>, vector<1x16xf32>,
      %swap3A_432 = vector.shape_cast %swap3A_431 : vector<1x16xf32> to vector<16xf32>
      %swap3A_433 = vector.shape_cast %add3A_429 : vector<16xf32> to vector<1x16xf32>
      tpu.vector_store %arg8[%swap3A, %swap3A_430], %swap3A_433 {strides = array<i32>} : memref<128x128xf32, #tpu.memory_space<vmem>>, vector<1x16xf32>,
      %get3A_434 = arith.index_cast %scan3A_420 : i32 to index
      %get3A_435 = arith.constant 16 : index
      %get3A_436 = tpu.vector_load %arg7[%get3A_434, %get3A_435] {strides = array<i32>} : memref<128x128xf32, #tpu.memory_space<vmem>>, vector<1x16xf32>,
      %get3A_437 = vector.shape_cast %get3A_436 : vector<1x16xf32> to vector<16xf32>
      %get3A_438 = arith.index_cast %scan3A_420 : i32 to index
      %get3A_439 = arith.constant 16 : index
      %get3A_440 = tpu.vector_load %arg8[%get3A_438, %get3A_439] {strides = array<i32>} : memref<128x128xf32, #tpu.memory_space<vmem>>, vector<1x16xf32>,
      %get3A_441 = vector.shape_cast %get3A_440 : vector<1x16xf32> to vector<16xf32>
      %add3A_442 = arith.addf %get3A_441, %get3A_437 : vector<16xf32>
      %swap3A_443 = arith.index_cast %scan3A_420 : i32 to index
      %swap3A_444 = arith.constant 16 : index
      %swap3A_445 = tpu.vector_load %arg8[%swap3A_443, %swap3A_444] {strides = array<i32>} : memref<128x128xf32, #tpu.memory_space<vmem>>, vector<1x16xf32>,
      %swap3A_446 = vector.shape_cast %swap3A_445 : vector<1x16xf32> to vector<16xf32>
      %swap3A_447 = vector.shape_cast %add3A_442 : vector<16xf32> to vector<1x16xf32>
      tpu.vector_store %arg8[%swap3A_443, %swap3A_444], %swap3A_447 {strides = array<i32>} : memref<128x128xf32, #tpu.memory_space<vmem>>, vector<1x16xf32>,
      %get3A_448 = arith.index_cast %scan3A_420 : i32 to index
      %get3A_449 = arith.constant 32 : index
      %get3A_450 = tpu.vector_load %arg7[%get3A_448, %get3A_449] {strides = array<i32>} : memref<128x128xf32, #tpu.memory_space<vmem>>, vector<1x16xf32>,
      %get3A_451 = vector.shape_cast %get3A_450 : vector<1x16xf32> to vector<16xf32>
      %get3A_452 = arith.index_cast %scan3A_420 : i32 to index
      %get3A_453 = arith.constant 32 : index
      %get3A_454 = tpu.vector_load %arg8[%get3A_452, %get3A_453] {strides = array<i32>} : memref<128x128xf32, #tpu.memory_space<vmem>>, vector<1x16xf32>,
      %get3A_455 = vector.shape_cast %get3A_454 : vector<1x16xf32> to vector<16xf32>
      %add3A_456 = arith.addf %get3A_455, %get3A_451 : vector<16xf32>
      %swap3A_457 = arith.index_cast %scan3A_420 : i32 to index
      %swap3A_458 = arith.constant 32 : index
      %swap3A_459 = tpu.vector_load %arg8[%swap3A_457, %swap3A_458] {strides = array<i32>} : memref<128x128xf32, #tpu.memory_space<vmem>>, vector<1x16xf32>,
      %swap3A_460 = vector.shape_cast %swap3A_459 : vector<1x16xf32> to vector<16xf32>
      %swap3A_461 = vector.shape_cast %add3A_456 : vector<16xf32> to vector<1x16xf32>
      tpu.vector_store %arg8[%swap3A_457, %swap3A_458], %swap3A_461 {strides = array<i32>} : memref<128x128xf32, #tpu.memory_space<vmem>>, vector<1x16xf32>,
      %get3A_462 = arith.index_cast %scan3A_420 : i32 to index
      %get3A_463 = arith.constant 48 : index
      %get3A_464 = tpu.vector_load %arg7[%get3A_462, %get3A_463] {strides = array<i32>} : memref<128x128xf32, #tpu.memory_space<vmem>>, vector<1x16xf32>,
      %get3A_465 = vector.shape_cast %get3A_464 : vector<1x16xf32> to vector<16xf32>
      %get3A_466 = arith.index_cast %scan3A_420 : i32 to index
      %get3A_467 = arith.constant 48 : index
      %get3A_468 = tpu.vector_load %arg8[%get3A_466, %get3A_467] {strides = array<i32>} : memref<128x128xf32, #tpu.memory_space<vmem>>, vector<1x16xf32>,
      %get3A_469 = vector.shape_cast %get3A_468 : vector<1x16xf32> to vector<16xf32>
      %add3A_470 = arith.addf %get3A_469, %get3A_465 : vector<16xf32>
      %swap3A_471 = arith.index_cast %scan3A_420 : i32 to index
      %swap3A_472 = arith.constant 48 : index
      %swap3A_473 = tpu.vector_load %arg8[%swap3A_471, %swap3A_472] {strides = array<i32>} : memref<128x128xf32, #tpu.memory_space<vmem>>, vector<1x16xf32>,
      %swap3A_474 = vector.shape_cast %swap3A_473 : vector<1x16xf32> to vector<16xf32>
      %swap3A_475 = vector.shape_cast %add3A_470 : vector<16xf32> to vector<1x16xf32>
      tpu.vector_store %arg8[%swap3A_471, %swap3A_472], %swap3A_475 {strides = array<i32>} : memref<128x128xf32, #tpu.memory_space<vmem>>, vector<1x16xf32>,
      %get3A_476 = arith.index_cast %scan3A_420 : i32 to index
      %get3A_477 = arith.constant 64 : index
      %get3A_478 = tpu.vector_load %arg7[%get3A_476, %get3A_477] {strides = array<i32>} : memref<128x128xf32, #tpu.memory_space<vmem>>, vector<1x16xf32>,
      %get3A_479 = vector.shape_cast %get3A_478 : vector<1x16xf32> to vector<16xf32>
      %get3A_480 = arith.index_cast %scan3A_420 : i32 to index
      %get3A_481 = arith.constant 64 : index
      %get3A_482 = tpu.vector_load %arg8[%get3A_480, %get3A_481] {strides = array<i32>} : memref<128x128xf32, #tpu.memory_space<vmem>>, vector<1x16xf32>,
      %get3A_483 = vector.shape_cast %get3A_482 : vector<1x16xf32> to vector<16xf32>
      %add3A_484 = arith.addf %get3A_483, %get3A_479 : vector<16xf32>
      %swap3A_485 = arith.index_cast %scan3A_420 : i32 to index
      %swap3A_486 = arith.constant 64 : index
      %swap3A_487 = tpu.vector_load %arg8[%swap3A_485, %swap3A_486] {strides = array<i32>} : memref<128x128xf32, #tpu.memory_space<vmem>>, vector<1x16xf32>,
      %swap3A_488 = vector.shape_cast %swap3A_487 : vector<1x16xf32> to vector<16xf32>
      %swap3A_489 = vector.shape_cast %add3A_484 : vector<16xf32> to vector<1x16xf32>
      tpu.vector_store %arg8[%swap3A_485, %swap3A_486], %swap3A_489 {strides = array<i32>} : memref<128x128xf32, #tpu.memory_space<vmem>>, vector<1x16xf32>,
      %get3A_490 = arith.index_cast %scan3A_420 : i32 to index
      %get3A_491 = arith.constant 80 : index
      %get3A_492 = tpu.vector_load %arg7[%get3A_490, %get3A_491] {strides = array<i32>} : memref<128x128xf32, #tpu.memory_space<vmem>>, vector<1x16xf32>,
      %get3A_493 = vector.shape_cast %get3A_492 : vector<1x16xf32> to vector<16xf32>
      %get3A_494 = arith.index_cast %scan3A_420 : i32 to index
      %get3A_495 = arith.constant 80 : index
      %get3A_496 = tpu.vector_load %arg8[%get3A_494, %get3A_495] {strides = array<i32>} : memref<128x128xf32, #tpu.memory_space<vmem>>, vector<1x16xf32>,
      %get3A_497 = vector.shape_cast %get3A_496 : vector<1x16xf32> to vector<16xf32>
      %add3A_498 = arith.addf %get3A_497, %get3A_493 : vector<16xf32>
      %swap3A_499 = arith.index_cast %scan3A_420 : i32 to index
      %swap3A_500 = arith.constant 80 : index
      %swap3A_501 = tpu.vector_load %arg8[%swap3A_499, %swap3A_500] {strides = array<i32>} : memref<128x128xf32, #tpu.memory_space<vmem>>, vector<1x16xf32>,
      %swap3A_502 = vector.shape_cast %swap3A_501 : vector<1x16xf32> to vector<16xf32>
      %swap3A_503 = vector.shape_cast %add3A_498 : vector<16xf32> to vector<1x16xf32>
      tpu.vector_store %arg8[%swap3A_499, %swap3A_500], %swap3A_503 {strides = array<i32>} : memref<128x128xf32, #tpu.memory_space<vmem>>, vector<1x16xf32>,
      %get3A_504 = arith.index_cast %scan3A_420 : i32 to index
      %get3A_505 = arith.constant 96 : index
      %get3A_506 = tpu.vector_load %arg7[%get3A_504, %get3A_505] {strides = array<i32>} : memref<128x128xf32, #tpu.memory_space<vmem>>, vector<1x16xf32>,
      %get3A_507 = vector.shape_cast %get3A_506 : vector<1x16xf32> to vector<16xf32>
      %get3A_508 = arith.index_cast %scan3A_420 : i32 to index
      %get3A_509 = arith.constant 96 : index
      %get3A_510 = tpu.vector_load %arg8[%get3A_508, %get3A_509] {strides = array<i32>} : memref<128x128xf32, #tpu.memory_space<vmem>>, vector<1x16xf32>,
      %get3A_511 = vector.shape_cast %get3A_510 : vector<1x16xf32> to vector<16xf32>
      %add3A_512 = arith.addf %get3A_511, %get3A_507 : vector<16xf32>
      %swap3A_513 = arith.index_cast %scan3A_420 : i32 to index
      %swap3A_514 = arith.constant 96 : index
      %swap3A_515 = tpu.vector_load %arg8[%swap3A_513, %swap3A_514] {strides = array<i32>} : memref<128x128xf32, #tpu.memory_space<vmem>>, vector<1x16xf32>,
      %swap3A_516 = vector.shape_cast %swap3A_515 : vector<1x16xf32> to vector<16xf32>
      %swap3A_517 = vector.shape_cast %add3A_512 : vector<16xf32> to vector<1x16xf32>
      tpu.vector_store %arg8[%swap3A_513, %swap3A_514], %swap3A_517 {strides = array<i32>} : memref<128x128xf32, #tpu.memory_space<vmem>>, vector<1x16xf32>,
      %get3A_518 = arith.index_cast %scan3A_420 : i32 to index
      %get3A_519 = arith.constant 112 : index
      %get3A_520 = tpu.vector_load %arg7[%get3A_518, %get3A_519] {strides = array<i32>} : memref<128x128xf32, #tpu.memory_space<vmem>>, vector<1x16xf32>,
      %get3A_521 = vector.shape_cast %get3A_520 : vector<1x16xf32> to vector<16xf32>
      %get3A_522 = arith.index_cast %scan3A_420 : i32 to index
      %get3A_523 = arith.constant 112 : index
      %get3A_524 = tpu.vector_load %arg8[%get3A_522, %get3A_523] {strides = array<i32>} : memref<128x128xf32, #tpu.memory_space<vmem>>, vector<1x16xf32>,
      %get3A_525 = vector.shape_cast %get3A_524 : vector<1x16xf32> to vector<16xf32>
      %add3A_526 = arith.addf %get3A_525, %get3A_521 : vector<16xf32>
      %swap3A_527 = arith.index_cast %scan3A_420 : i32 to index
      %swap3A_528 = arith.constant 112 : index
      %swap3A_529 = tpu.vector_load %arg8[%swap3A_527, %swap3A_528] {strides = array<i32>} : memref<128x128xf32, #tpu.memory_space<vmem>>, vector<1x16xf32>,
      %swap3A_530 = vector.shape_cast %swap3A_529 : vector<1x16xf32> to vector<16xf32>
      %swap3A_531 = vector.shape_cast %add3A_526 : vector<16xf32> to vector<1x16xf32>
      tpu.vector_store %arg8[%swap3A_527, %swap3A_528], %swap3A_531 {strides = array<i32>} : memref<128x128xf32, #tpu.memory_space<vmem>>, vector<1x16xf32>,
      %scan3A_532 = arith.constant 0 : i32
      scf.yield %scan3A_532 : i32
    }
    %scan3A_216 = arith.constant 128 : i32
    %dma_start3A_217 = arith.constant 11 : i32
    %dma_start3A_218 = arith.constant 0 : i32
    %dma_start3A_219 = tpu.memref_slice %arg5[%dma_start3A_217, %dma_start3A_218] : memref<20x128xi32, #tpu.memory_space<vmem>> -> memref<1x128xi32, #tpu.memory_space<vmem>>
    %dma_start3A_220 = tpu.memref_squeeze %dma_start3A_219 : memref<1x128xi32, #tpu.memory_space<vmem>> -> memref<128xi32, #tpu.memory_space<vmem>>
    %dma_start3A_221 = arith.constant 0 : i32
    %dma_start3A_222 = arith.constant 0 : i32
    %dma_start3A_223 = tpu.memref_slice %arg2[%dma_start3A_221, %dma_start3A_222] : memref<100000x128xf32, #tpu.memory_space<hbm>> -> memref<100000x128xf32, #tpu.memory_space<hbm>>
    tpu.enqueue_indirect_dma source(%dma_start3A_223 : memref<100000x128xf32, #tpu.memory_space<hbm>>) target(%arg7 : memref<128x128xf32, #tpu.memory_space<vmem>>) offsets(%dma_start3A_220 : memref<128xi32, #tpu.memory_space<vmem>>) semaphore(%arg10 : memref<!tpu.dma_semaphore, #tpu.memory_space<semaphore_mem>>)
    %dma_wait3A_224 = arith.constant 10 : i32
    %dma_wait3A_225 = arith.constant 0 : i32
    %dma_wait3A_226 = tpu.memref_slice %arg5[%dma_wait3A_224, %dma_wait3A_225] : memref<20x128xi32, #tpu.memory_space<vmem>> -> memref<1x128xi32, #tpu.memory_space<vmem>>
    %dma_wait3A_227 = tpu.memref_squeeze %dma_wait3A_226 : memref<1x128xi32, #tpu.memory_space<vmem>> -> memref<128xi32, #tpu.memory_space<vmem>>
    %dma_wait3A_228 = arith.constant 0 : i32
    %dma_wait3A_229 = arith.constant 0 : i32
    %dma_wait3A_230 = tpu.memref_slice %arg2[%dma_wait3A_228, %dma_wait3A_229] : memref<100000x128xf32, #tpu.memory_space<hbm>> -> memref<100000x128xf32, #tpu.memory_space<hbm>>
    tpu.wait_indirect_dma semaphore(%arg9 : memref<!tpu.dma_semaphore, #tpu.memory_space<semaphore_mem>>) src(%dma_wait3A_230 : memref<100000x128xf32, #tpu.memory_space<hbm>>) dst(%arg6 : memref<128x128xf32, #tpu.memory_space<vmem>>)
    %scan3A_231 = arith.constant 0 : i32
    %scan3A_232 = arith.constant 0 : i32
    %scan3A_233 = arith.constant 128 : i32
    %scan3A_234 = arith.addi %scan3A_232, %scan3A_233 : i32
    %scan3A_235 = arith.constant 1 : i32
    %scan3A_236 = scf.for %scan3A_420 = %scan3A_232 to %scan3A_234 step %scan3A_235 iter_args(%scan3A_421 = %scan3A_231) -> (i32)  : i32 {
      %get3A = arith.index_cast %scan3A_420 : i32 to index
      %get3A_422 = arith.constant 0 : index
      %get3A_423 = tpu.vector_load %arg6[%get3A, %get3A_422] {strides = array<i32>} : memref<128x128xf32, #tpu.memory_space<vmem>>, vector<1x16xf32>,
      %get3A_424 = vector.shape_cast %get3A_423 : vector<1x16xf32> to vector<16xf32>
      %get3A_425 = arith.index_cast %scan3A_420 : i32 to index
      %get3A_426 = arith.constant 0 : index
      %get3A_427 = tpu.vector_load %arg8[%get3A_425, %get3A_426] {strides = array<i32>} : memref<128x128xf32, #tpu.memory_space<vmem>>, vector<1x16xf32>,
      %get3A_428 = vector.shape_cast %get3A_427 : vector<1x16xf32> to vector<16xf32>
      %add3A_429 = arith.addf %get3A_428, %get3A_424 : vector<16xf32>
      %swap3A = arith.index_cast %scan3A_420 : i32 to index
      %swap3A_430 = arith.constant 0 : index
      %swap3A_431 = tpu.vector_load %arg8[%swap3A, %swap3A_430] {strides = array<i32>} : memref<128x128xf32, #tpu.memory_space<vmem>>, vector<1x16xf32>,
      %swap3A_432 = vector.shape_cast %swap3A_431 : vector<1x16xf32> to vector<16xf32>
      %swap3A_433 = vector.shape_cast %add3A_429 : vector<16xf32> to vector<1x16xf32>
      tpu.vector_store %arg8[%swap3A, %swap3A_430], %swap3A_433 {strides = array<i32>} : memref<128x128xf32, #tpu.memory_space<vmem>>, vector<1x16xf32>,
      %get3A_434 = arith.index_cast %scan3A_420 : i32 to index
      %get3A_435 = arith.constant 16 : index
      %get3A_436 = tpu.vector_load %arg6[%get3A_434, %get3A_435] {strides = array<i32>} : memref<128x128xf32, #tpu.memory_space<vmem>>, vector<1x16xf32>,
      %get3A_437 = vector.shape_cast %get3A_436 : vector<1x16xf32> to vector<16xf32>
      %get3A_438 = arith.index_cast %scan3A_420 : i32 to index
      %get3A_439 = arith.constant 16 : index
      %get3A_440 = tpu.vector_load %arg8[%get3A_438, %get3A_439] {strides = array<i32>} : memref<128x128xf32, #tpu.memory_space<vmem>>, vector<1x16xf32>,
      %get3A_441 = vector.shape_cast %get3A_440 : vector<1x16xf32> to vector<16xf32>
      %add3A_442 = arith.addf %get3A_441, %get3A_437 : vector<16xf32>
      %swap3A_443 = arith.index_cast %scan3A_420 : i32 to index
      %swap3A_444 = arith.constant 16 : index
      %swap3A_445 = tpu.vector_load %arg8[%swap3A_443, %swap3A_444] {strides = array<i32>} : memref<128x128xf32, #tpu.memory_space<vmem>>, vector<1x16xf32>,
      %swap3A_446 = vector.shape_cast %swap3A_445 : vector<1x16xf32> to vector<16xf32>
      %swap3A_447 = vector.shape_cast %add3A_442 : vector<16xf32> to vector<1x16xf32>
      tpu.vector_store %arg8[%swap3A_443, %swap3A_444], %swap3A_447 {strides = array<i32>} : memref<128x128xf32, #tpu.memory_space<vmem>>, vector<1x16xf32>,
      %get3A_448 = arith.index_cast %scan3A_420 : i32 to index
      %get3A_449 = arith.constant 32 : index
      %get3A_450 = tpu.vector_load %arg6[%get3A_448, %get3A_449] {strides = array<i32>} : memref<128x128xf32, #tpu.memory_space<vmem>>, vector<1x16xf32>,
      %get3A_451 = vector.shape_cast %get3A_450 : vector<1x16xf32> to vector<16xf32>
      %get3A_452 = arith.index_cast %scan3A_420 : i32 to index
      %get3A_453 = arith.constant 32 : index
      %get3A_454 = tpu.vector_load %arg8[%get3A_452, %get3A_453] {strides = array<i32>} : memref<128x128xf32, #tpu.memory_space<vmem>>, vector<1x16xf32>,
      %get3A_455 = vector.shape_cast %get3A_454 : vector<1x16xf32> to vector<16xf32>
      %add3A_456 = arith.addf %get3A_455, %get3A_451 : vector<16xf32>
      %swap3A_457 = arith.index_cast %scan3A_420 : i32 to index
      %swap3A_458 = arith.constant 32 : index
      %swap3A_459 = tpu.vector_load %arg8[%swap3A_457, %swap3A_458] {strides = array<i32>} : memref<128x128xf32, #tpu.memory_space<vmem>>, vector<1x16xf32>,
      %swap3A_460 = vector.shape_cast %swap3A_459 : vector<1x16xf32> to vector<16xf32>
      %swap3A_461 = vector.shape_cast %add3A_456 : vector<16xf32> to vector<1x16xf32>
      tpu.vector_store %arg8[%swap3A_457, %swap3A_458], %swap3A_461 {strides = array<i32>} : memref<128x128xf32, #tpu.memory_space<vmem>>, vector<1x16xf32>,
      %get3A_462 = arith.index_cast %scan3A_420 : i32 to index
      %get3A_463 = arith.constant 48 : index
      %get3A_464 = tpu.vector_load %arg6[%get3A_462, %get3A_463] {strides = array<i32>} : memref<128x128xf32, #tpu.memory_space<vmem>>, vector<1x16xf32>,
      %get3A_465 = vector.shape_cast %get3A_464 : vector<1x16xf32> to vector<16xf32>
      %get3A_466 = arith.index_cast %scan3A_420 : i32 to index
      %get3A_467 = arith.constant 48 : index
      %get3A_468 = tpu.vector_load %arg8[%get3A_466, %get3A_467] {strides = array<i32>} : memref<128x128xf32, #tpu.memory_space<vmem>>, vector<1x16xf32>,
      %get3A_469 = vector.shape_cast %get3A_468 : vector<1x16xf32> to vector<16xf32>
      %add3A_470 = arith.addf %get3A_469, %get3A_465 : vector<16xf32>
      %swap3A_471 = arith.index_cast %scan3A_420 : i32 to index
      %swap3A_472 = arith.constant 48 : index
      %swap3A_473 = tpu.vector_load %arg8[%swap3A_471, %swap3A_472] {strides = array<i32>} : memref<128x128xf32, #tpu.memory_space<vmem>>, vector<1x16xf32>,
      %swap3A_474 = vector.shape_cast %swap3A_473 : vector<1x16xf32> to vector<16xf32>
      %swap3A_475 = vector.shape_cast %add3A_470 : vector<16xf32> to vector<1x16xf32>
      tpu.vector_store %arg8[%swap3A_471, %swap3A_472], %swap3A_475 {strides = array<i32>} : memref<128x128xf32, #tpu.memory_space<vmem>>, vector<1x16xf32>,
      %get3A_476 = arith.index_cast %scan3A_420 : i32 to index
      %get3A_477 = arith.constant 64 : index
      %get3A_478 = tpu.vector_load %arg6[%get3A_476, %get3A_477] {strides = array<i32>} : memref<128x128xf32, #tpu.memory_space<vmem>>, vector<1x16xf32>,
      %get3A_479 = vector.shape_cast %get3A_478 : vector<1x16xf32> to vector<16xf32>
      %get3A_480 = arith.index_cast %scan3A_420 : i32 to index
      %get3A_481 = arith.constant 64 : index
      %get3A_482 = tpu.vector_load %arg8[%get3A_480, %get3A_481] {strides = array<i32>} : memref<128x128xf32, #tpu.memory_space<vmem>>, vector<1x16xf32>,
      %get3A_483 = vector.shape_cast %get3A_482 : vector<1x16xf32> to vector<16xf32>
      %add3A_484 = arith.addf %get3A_483, %get3A_479 : vector<16xf32>
      %swap3A_485 = arith.index_cast %scan3A_420 : i32 to index
      %swap3A_486 = arith.constant 64 : index
      %swap3A_487 = tpu.vector_load %arg8[%swap3A_485, %swap3A_486] {strides = array<i32>} : memref<128x128xf32, #tpu.memory_space<vmem>>, vector<1x16xf32>,
      %swap3A_488 = vector.shape_cast %swap3A_487 : vector<1x16xf32> to vector<16xf32>
      %swap3A_489 = vector.shape_cast %add3A_484 : vector<16xf32> to vector<1x16xf32>
      tpu.vector_store %arg8[%swap3A_485, %swap3A_486], %swap3A_489 {strides = array<i32>} : memref<128x128xf32, #tpu.memory_space<vmem>>, vector<1x16xf32>,
      %get3A_490 = arith.index_cast %scan3A_420 : i32 to index
      %get3A_491 = arith.constant 80 : index
      %get3A_492 = tpu.vector_load %arg6[%get3A_490, %get3A_491] {strides = array<i32>} : memref<128x128xf32, #tpu.memory_space<vmem>>, vector<1x16xf32>,
      %get3A_493 = vector.shape_cast %get3A_492 : vector<1x16xf32> to vector<16xf32>
      %get3A_494 = arith.index_cast %scan3A_420 : i32 to index
      %get3A_495 = arith.constant 80 : index
      %get3A_496 = tpu.vector_load %arg8[%get3A_494, %get3A_495] {strides = array<i32>} : memref<128x128xf32, #tpu.memory_space<vmem>>, vector<1x16xf32>,
      %get3A_497 = vector.shape_cast %get3A_496 : vector<1x16xf32> to vector<16xf32>
      %add3A_498 = arith.addf %get3A_497, %get3A_493 : vector<16xf32>
      %swap3A_499 = arith.index_cast %scan3A_420 : i32 to index
      %swap3A_500 = arith.constant 80 : index
      %swap3A_501 = tpu.vector_load %arg8[%swap3A_499, %swap3A_500] {strides = array<i32>} : memref<128x128xf32, #tpu.memory_space<vmem>>, vector<1x16xf32>,
      %swap3A_502 = vector.shape_cast %swap3A_501 : vector<1x16xf32> to vector<16xf32>
      %swap3A_503 = vector.shape_cast %add3A_498 : vector<16xf32> to vector<1x16xf32>
      tpu.vector_store %arg8[%swap3A_499, %swap3A_500], %swap3A_503 {strides = array<i32>} : memref<128x128xf32, #tpu.memory_space<vmem>>, vector<1x16xf32>,
      %get3A_504 = arith.index_cast %scan3A_420 : i32 to index
      %get3A_505 = arith.constant 96 : index
      %get3A_506 = tpu.vector_load %arg6[%get3A_504, %get3A_505] {strides = array<i32>} : memref<128x128xf32, #tpu.memory_space<vmem>>, vector<1x16xf32>,
      %get3A_507 = vector.shape_cast %get3A_506 : vector<1x16xf32> to vector<16xf32>
      %get3A_508 = arith.index_cast %scan3A_420 : i32 to index
      %get3A_509 = arith.constant 96 : index
      %get3A_510 = tpu.vector_load %arg8[%get3A_508, %get3A_509] {strides = array<i32>} : memref<128x128xf32, #tpu.memory_space<vmem>>, vector<1x16xf32>,
      %get3A_511 = vector.shape_cast %get3A_510 : vector<1x16xf32> to vector<16xf32>
      %add3A_512 = arith.addf %get3A_511, %get3A_507 : vector<16xf32>
      %swap3A_513 = arith.index_cast %scan3A_420 : i32 to index
      %swap3A_514 = arith.constant 96 : index
      %swap3A_515 = tpu.vector_load %arg8[%swap3A_513, %swap3A_514] {strides = array<i32>} : memref<128x128xf32, #tpu.memory_space<vmem>>, vector<1x16xf32>,
      %swap3A_516 = vector.shape_cast %swap3A_515 : vector<1x16xf32> to vector<16xf32>
      %swap3A_517 = vector.shape_cast %add3A_512 : vector<16xf32> to vector<1x16xf32>
      tpu.vector_store %arg8[%swap3A_513, %swap3A_514], %swap3A_517 {strides = array<i32>} : memref<128x128xf32, #tpu.memory_space<vmem>>, vector<1x16xf32>,
      %get3A_518 = arith.index_cast %scan3A_420 : i32 to index
      %get3A_519 = arith.constant 112 : index
      %get3A_520 = tpu.vector_load %arg6[%get3A_518, %get3A_519] {strides = array<i32>} : memref<128x128xf32, #tpu.memory_space<vmem>>, vector<1x16xf32>,
      %get3A_521 = vector.shape_cast %get3A_520 : vector<1x16xf32> to vector<16xf32>
      %get3A_522 = arith.index_cast %scan3A_420 : i32 to index
      %get3A_523 = arith.constant 112 : index
      %get3A_524 = tpu.vector_load %arg8[%get3A_522, %get3A_523] {strides = array<i32>} : memref<128x128xf32, #tpu.memory_space<vmem>>, vector<1x16xf32>,
      %get3A_525 = vector.shape_cast %get3A_524 : vector<1x16xf32> to vector<16xf32>
      %add3A_526 = arith.addf %get3A_525, %get3A_521 : vector<16xf32>
      %swap3A_527 = arith.index_cast %scan3A_420 : i32 to index
      %swap3A_528 = arith.constant 112 : index
      %swap3A_529 = tpu.vector_load %arg8[%swap3A_527, %swap3A_528] {strides = array<i32>} : memref<128x128xf32, #tpu.memory_space<vmem>>, vector<1x16xf32>,
      %swap3A_530 = vector.shape_cast %swap3A_529 : vector<1x16xf32> to vector<16xf32>
      %swap3A_531 = vector.shape_cast %add3A_526 : vector<16xf32> to vector<1x16xf32>
      tpu.vector_store %arg8[%swap3A_527, %swap3A_528], %swap3A_531 {strides = array<i32>} : memref<128x128xf32, #tpu.memory_space<vmem>>, vector<1x16xf32>,
      %scan3A_532 = arith.constant 0 : i32
      scf.yield %scan3A_532 : i32
    }
    %scan3A_237 = arith.constant 128 : i32
    %dma_start3A_238 = arith.constant 12 : i32
    %dma_start3A_239 = arith.constant 0 : i32
    %dma_start3A_240 = tpu.memref_slice %arg5[%dma_start3A_238, %dma_start3A_239] : memref<20x128xi32, #tpu.memory_space<vmem>> -> memref<1x128xi32, #tpu.memory_space<vmem>>
    %dma_start3A_241 = tpu.memref_squeeze %dma_start3A_240 : memref<1x128xi32, #tpu.memory_space<vmem>> -> memref<128xi32, #tpu.memory_space<vmem>>
    %dma_start3A_242 = arith.constant 0 : i32
    %dma_start3A_243 = arith.constant 0 : i32
    %dma_start3A_244 = tpu.memref_slice %arg2[%dma_start3A_242, %dma_start3A_243] : memref<100000x128xf32, #tpu.memory_space<hbm>> -> memref<100000x128xf32, #tpu.memory_space<hbm>>
    tpu.enqueue_indirect_dma source(%dma_start3A_244 : memref<100000x128xf32, #tpu.memory_space<hbm>>) target(%arg6 : memref<128x128xf32, #tpu.memory_space<vmem>>) offsets(%dma_start3A_241 : memref<128xi32, #tpu.memory_space<vmem>>) semaphore(%arg9 : memref<!tpu.dma_semaphore, #tpu.memory_space<semaphore_mem>>)
    %dma_wait3A_245 = arith.constant 11 : i32
    %dma_wait3A_246 = arith.constant 0 : i32
    %dma_wait3A_247 = tpu.memref_slice %arg5[%dma_wait3A_245, %dma_wait3A_246] : memref<20x128xi32, #tpu.memory_space<vmem>> -> memref<1x128xi32, #tpu.memory_space<vmem>>
    %dma_wait3A_248 = tpu.memref_squeeze %dma_wait3A_247 : memref<1x128xi32, #tpu.memory_space<vmem>> -> memref<128xi32, #tpu.memory_space<vmem>>
    %dma_wait3A_249 = arith.constant 0 : i32
    %dma_wait3A_250 = arith.constant 0 : i32
    %dma_wait3A_251 = tpu.memref_slice %arg2[%dma_wait3A_249, %dma_wait3A_250] : memref<100000x128xf32, #tpu.memory_space<hbm>> -> memref<100000x128xf32, #tpu.memory_space<hbm>>
    tpu.wait_indirect_dma semaphore(%arg10 : memref<!tpu.dma_semaphore, #tpu.memory_space<semaphore_mem>>) src(%dma_wait3A_251 : memref<100000x128xf32, #tpu.memory_space<hbm>>) dst(%arg7 : memref<128x128xf32, #tpu.memory_space<vmem>>)
    %scan3A_252 = arith.constant 0 : i32
    %scan3A_253 = arith.constant 0 : i32
    %scan3A_254 = arith.constant 128 : i32
    %scan3A_255 = arith.addi %scan3A_253, %scan3A_254 : i32
    %scan3A_256 = arith.constant 1 : i32
    %scan3A_257 = scf.for %scan3A_420 = %scan3A_253 to %scan3A_255 step %scan3A_256 iter_args(%scan3A_421 = %scan3A_252) -> (i32)  : i32 {
      %get3A = arith.index_cast %scan3A_420 : i32 to index
      %get3A_422 = arith.constant 0 : index
      %get3A_423 = tpu.vector_load %arg7[%get3A, %get3A_422] {strides = array<i32>} : memref<128x128xf32, #tpu.memory_space<vmem>>, vector<1x16xf32>,
      %get3A_424 = vector.shape_cast %get3A_423 : vector<1x16xf32> to vector<16xf32>
      %get3A_425 = arith.index_cast %scan3A_420 : i32 to index
      %get3A_426 = arith.constant 0 : index
      %get3A_427 = tpu.vector_load %arg8[%get3A_425, %get3A_426] {strides = array<i32>} : memref<128x128xf32, #tpu.memory_space<vmem>>, vector<1x16xf32>,
      %get3A_428 = vector.shape_cast %get3A_427 : vector<1x16xf32> to vector<16xf32>
      %add3A_429 = arith.addf %get3A_428, %get3A_424 : vector<16xf32>
      %swap3A = arith.index_cast %scan3A_420 : i32 to index
      %swap3A_430 = arith.constant 0 : index
      %swap3A_431 = tpu.vector_load %arg8[%swap3A, %swap3A_430] {strides = array<i32>} : memref<128x128xf32, #tpu.memory_space<vmem>>, vector<1x16xf32>,
      %swap3A_432 = vector.shape_cast %swap3A_431 : vector<1x16xf32> to vector<16xf32>
      %swap3A_433 = vector.shape_cast %add3A_429 : vector<16xf32> to vector<1x16xf32>
      tpu.vector_store %arg8[%swap3A, %swap3A_430], %swap3A_433 {strides = array<i32>} : memref<128x128xf32, #tpu.memory_space<vmem>>, vector<1x16xf32>,
      %get3A_434 = arith.index_cast %scan3A_420 : i32 to index
      %get3A_435 = arith.constant 16 : index
      %get3A_436 = tpu.vector_load %arg7[%get3A_434, %get3A_435] {strides = array<i32>} : memref<128x128xf32, #tpu.memory_space<vmem>>, vector<1x16xf32>,
      %get3A_437 = vector.shape_cast %get3A_436 : vector<1x16xf32> to vector<16xf32>
      %get3A_438 = arith.index_cast %scan3A_420 : i32 to index
      %get3A_439 = arith.constant 16 : index
      %get3A_440 = tpu.vector_load %arg8[%get3A_438, %get3A_439] {strides = array<i32>} : memref<128x128xf32, #tpu.memory_space<vmem>>, vector<1x16xf32>,
      %get3A_441 = vector.shape_cast %get3A_440 : vector<1x16xf32> to vector<16xf32>
      %add3A_442 = arith.addf %get3A_441, %get3A_437 : vector<16xf32>
      %swap3A_443 = arith.index_cast %scan3A_420 : i32 to index
      %swap3A_444 = arith.constant 16 : index
      %swap3A_445 = tpu.vector_load %arg8[%swap3A_443, %swap3A_444] {strides = array<i32>} : memref<128x128xf32, #tpu.memory_space<vmem>>, vector<1x16xf32>,
      %swap3A_446 = vector.shape_cast %swap3A_445 : vector<1x16xf32> to vector<16xf32>
      %swap3A_447 = vector.shape_cast %add3A_442 : vector<16xf32> to vector<1x16xf32>
      tpu.vector_store %arg8[%swap3A_443, %swap3A_444], %swap3A_447 {strides = array<i32>} : memref<128x128xf32, #tpu.memory_space<vmem>>, vector<1x16xf32>,
      %get3A_448 = arith.index_cast %scan3A_420 : i32 to index
      %get3A_449 = arith.constant 32 : index
      %get3A_450 = tpu.vector_load %arg7[%get3A_448, %get3A_449] {strides = array<i32>} : memref<128x128xf32, #tpu.memory_space<vmem>>, vector<1x16xf32>,
      %get3A_451 = vector.shape_cast %get3A_450 : vector<1x16xf32> to vector<16xf32>
      %get3A_452 = arith.index_cast %scan3A_420 : i32 to index
      %get3A_453 = arith.constant 32 : index
      %get3A_454 = tpu.vector_load %arg8[%get3A_452, %get3A_453] {strides = array<i32>} : memref<128x128xf32, #tpu.memory_space<vmem>>, vector<1x16xf32>,
      %get3A_455 = vector.shape_cast %get3A_454 : vector<1x16xf32> to vector<16xf32>
      %add3A_456 = arith.addf %get3A_455, %get3A_451 : vector<16xf32>
      %swap3A_457 = arith.index_cast %scan3A_420 : i32 to index
      %swap3A_458 = arith.constant 32 : index
      %swap3A_459 = tpu.vector_load %arg8[%swap3A_457, %swap3A_458] {strides = array<i32>} : memref<128x128xf32, #tpu.memory_space<vmem>>, vector<1x16xf32>,
      %swap3A_460 = vector.shape_cast %swap3A_459 : vector<1x16xf32> to vector<16xf32>
      %swap3A_461 = vector.shape_cast %add3A_456 : vector<16xf32> to vector<1x16xf32>
      tpu.vector_store %arg8[%swap3A_457, %swap3A_458], %swap3A_461 {strides = array<i32>} : memref<128x128xf32, #tpu.memory_space<vmem>>, vector<1x16xf32>,
      %get3A_462 = arith.index_cast %scan3A_420 : i32 to index
      %get3A_463 = arith.constant 48 : index
      %get3A_464 = tpu.vector_load %arg7[%get3A_462, %get3A_463] {strides = array<i32>} : memref<128x128xf32, #tpu.memory_space<vmem>>, vector<1x16xf32>,
      %get3A_465 = vector.shape_cast %get3A_464 : vector<1x16xf32> to vector<16xf32>
      %get3A_466 = arith.index_cast %scan3A_420 : i32 to index
      %get3A_467 = arith.constant 48 : index
      %get3A_468 = tpu.vector_load %arg8[%get3A_466, %get3A_467] {strides = array<i32>} : memref<128x128xf32, #tpu.memory_space<vmem>>, vector<1x16xf32>,
      %get3A_469 = vector.shape_cast %get3A_468 : vector<1x16xf32> to vector<16xf32>
      %add3A_470 = arith.addf %get3A_469, %get3A_465 : vector<16xf32>
      %swap3A_471 = arith.index_cast %scan3A_420 : i32 to index
      %swap3A_472 = arith.constant 48 : index
      %swap3A_473 = tpu.vector_load %arg8[%swap3A_471, %swap3A_472] {strides = array<i32>} : memref<128x128xf32, #tpu.memory_space<vmem>>, vector<1x16xf32>,
      %swap3A_474 = vector.shape_cast %swap3A_473 : vector<1x16xf32> to vector<16xf32>
      %swap3A_475 = vector.shape_cast %add3A_470 : vector<16xf32> to vector<1x16xf32>
      tpu.vector_store %arg8[%swap3A_471, %swap3A_472], %swap3A_475 {strides = array<i32>} : memref<128x128xf32, #tpu.memory_space<vmem>>, vector<1x16xf32>,
      %get3A_476 = arith.index_cast %scan3A_420 : i32 to index
      %get3A_477 = arith.constant 64 : index
      %get3A_478 = tpu.vector_load %arg7[%get3A_476, %get3A_477] {strides = array<i32>} : memref<128x128xf32, #tpu.memory_space<vmem>>, vector<1x16xf32>,
      %get3A_479 = vector.shape_cast %get3A_478 : vector<1x16xf32> to vector<16xf32>
      %get3A_480 = arith.index_cast %scan3A_420 : i32 to index
      %get3A_481 = arith.constant 64 : index
      %get3A_482 = tpu.vector_load %arg8[%get3A_480, %get3A_481] {strides = array<i32>} : memref<128x128xf32, #tpu.memory_space<vmem>>, vector<1x16xf32>,
      %get3A_483 = vector.shape_cast %get3A_482 : vector<1x16xf32> to vector<16xf32>
      %add3A_484 = arith.addf %get3A_483, %get3A_479 : vector<16xf32>
      %swap3A_485 = arith.index_cast %scan3A_420 : i32 to index
      %swap3A_486 = arith.constant 64 : index
      %swap3A_487 = tpu.vector_load %arg8[%swap3A_485, %swap3A_486] {strides = array<i32>} : memref<128x128xf32, #tpu.memory_space<vmem>>, vector<1x16xf32>,
      %swap3A_488 = vector.shape_cast %swap3A_487 : vector<1x16xf32> to vector<16xf32>
      %swap3A_489 = vector.shape_cast %add3A_484 : vector<16xf32> to vector<1x16xf32>
      tpu.vector_store %arg8[%swap3A_485, %swap3A_486], %swap3A_489 {strides = array<i32>} : memref<128x128xf32, #tpu.memory_space<vmem>>, vector<1x16xf32>,
      %get3A_490 = arith.index_cast %scan3A_420 : i32 to index
      %get3A_491 = arith.constant 80 : index
      %get3A_492 = tpu.vector_load %arg7[%get3A_490, %get3A_491] {strides = array<i32>} : memref<128x128xf32, #tpu.memory_space<vmem>>, vector<1x16xf32>,
      %get3A_493 = vector.shape_cast %get3A_492 : vector<1x16xf32> to vector<16xf32>
      %get3A_494 = arith.index_cast %scan3A_420 : i32 to index
      %get3A_495 = arith.constant 80 : index
      %get3A_496 = tpu.vector_load %arg8[%get3A_494, %get3A_495] {strides = array<i32>} : memref<128x128xf32, #tpu.memory_space<vmem>>, vector<1x16xf32>,
      %get3A_497 = vector.shape_cast %get3A_496 : vector<1x16xf32> to vector<16xf32>
      %add3A_498 = arith.addf %get3A_497, %get3A_493 : vector<16xf32>
      %swap3A_499 = arith.index_cast %scan3A_420 : i32 to index
      %swap3A_500 = arith.constant 80 : index
      %swap3A_501 = tpu.vector_load %arg8[%swap3A_499, %swap3A_500] {strides = array<i32>} : memref<128x128xf32, #tpu.memory_space<vmem>>, vector<1x16xf32>,
      %swap3A_502 = vector.shape_cast %swap3A_501 : vector<1x16xf32> to vector<16xf32>
      %swap3A_503 = vector.shape_cast %add3A_498 : vector<16xf32> to vector<1x16xf32>
      tpu.vector_store %arg8[%swap3A_499, %swap3A_500], %swap3A_503 {strides = array<i32>} : memref<128x128xf32, #tpu.memory_space<vmem>>, vector<1x16xf32>,
      %get3A_504 = arith.index_cast %scan3A_420 : i32 to index
      %get3A_505 = arith.constant 96 : index
      %get3A_506 = tpu.vector_load %arg7[%get3A_504, %get3A_505] {strides = array<i32>} : memref<128x128xf32, #tpu.memory_space<vmem>>, vector<1x16xf32>,
      %get3A_507 = vector.shape_cast %get3A_506 : vector<1x16xf32> to vector<16xf32>
      %get3A_508 = arith.index_cast %scan3A_420 : i32 to index
      %get3A_509 = arith.constant 96 : index
      %get3A_510 = tpu.vector_load %arg8[%get3A_508, %get3A_509] {strides = array<i32>} : memref<128x128xf32, #tpu.memory_space<vmem>>, vector<1x16xf32>,
      %get3A_511 = vector.shape_cast %get3A_510 : vector<1x16xf32> to vector<16xf32>
      %add3A_512 = arith.addf %get3A_511, %get3A_507 : vector<16xf32>
      %swap3A_513 = arith.index_cast %scan3A_420 : i32 to index
      %swap3A_514 = arith.constant 96 : index
      %swap3A_515 = tpu.vector_load %arg8[%swap3A_513, %swap3A_514] {strides = array<i32>} : memref<128x128xf32, #tpu.memory_space<vmem>>, vector<1x16xf32>,
      %swap3A_516 = vector.shape_cast %swap3A_515 : vector<1x16xf32> to vector<16xf32>
      %swap3A_517 = vector.shape_cast %add3A_512 : vector<16xf32> to vector<1x16xf32>
      tpu.vector_store %arg8[%swap3A_513, %swap3A_514], %swap3A_517 {strides = array<i32>} : memref<128x128xf32, #tpu.memory_space<vmem>>, vector<1x16xf32>,
      %get3A_518 = arith.index_cast %scan3A_420 : i32 to index
      %get3A_519 = arith.constant 112 : index
      %get3A_520 = tpu.vector_load %arg7[%get3A_518, %get3A_519] {strides = array<i32>} : memref<128x128xf32, #tpu.memory_space<vmem>>, vector<1x16xf32>,
      %get3A_521 = vector.shape_cast %get3A_520 : vector<1x16xf32> to vector<16xf32>
      %get3A_522 = arith.index_cast %scan3A_420 : i32 to index
      %get3A_523 = arith.constant 112 : index
      %get3A_524 = tpu.vector_load %arg8[%get3A_522, %get3A_523] {strides = array<i32>} : memref<128x128xf32, #tpu.memory_space<vmem>>, vector<1x16xf32>,
      %get3A_525 = vector.shape_cast %get3A_524 : vector<1x16xf32> to vector<16xf32>
      %add3A_526 = arith.addf %get3A_525, %get3A_521 : vector<16xf32>
      %swap3A_527 = arith.index_cast %scan3A_420 : i32 to index
      %swap3A_528 = arith.constant 112 : index
      %swap3A_529 = tpu.vector_load %arg8[%swap3A_527, %swap3A_528] {strides = array<i32>} : memref<128x128xf32, #tpu.memory_space<vmem>>, vector<1x16xf32>,
      %swap3A_530 = vector.shape_cast %swap3A_529 : vector<1x16xf32> to vector<16xf32>
      %swap3A_531 = vector.shape_cast %add3A_526 : vector<16xf32> to vector<1x16xf32>
      tpu.vector_store %arg8[%swap3A_527, %swap3A_528], %swap3A_531 {strides = array<i32>} : memref<128x128xf32, #tpu.memory_space<vmem>>, vector<1x16xf32>,
      %scan3A_532 = arith.constant 0 : i32
      scf.yield %scan3A_532 : i32
    }
    %scan3A_258 = arith.constant 128 : i32
    %dma_start3A_259 = arith.constant 13 : i32
    %dma_start3A_260 = arith.constant 0 : i32
    %dma_start3A_261 = tpu.memref_slice %arg5[%dma_start3A_259, %dma_start3A_260] : memref<20x128xi32, #tpu.memory_space<vmem>> -> memref<1x128xi32, #tpu.memory_space<vmem>>
    %dma_start3A_262 = tpu.memref_squeeze %dma_start3A_261 : memref<1x128xi32, #tpu.memory_space<vmem>> -> memref<128xi32, #tpu.memory_space<vmem>>
    %dma_start3A_263 = arith.constant 0 : i32
    %dma_start3A_264 = arith.constant 0 : i32
    %dma_start3A_265 = tpu.memref_slice %arg2[%dma_start3A_263, %dma_start3A_264] : memref<100000x128xf32, #tpu.memory_space<hbm>> -> memref<100000x128xf32, #tpu.memory_space<hbm>>
    tpu.enqueue_indirect_dma source(%dma_start3A_265 : memref<100000x128xf32, #tpu.memory_space<hbm>>) target(%arg7 : memref<128x128xf32, #tpu.memory_space<vmem>>) offsets(%dma_start3A_262 : memref<128xi32, #tpu.memory_space<vmem>>) semaphore(%arg10 : memref<!tpu.dma_semaphore, #tpu.memory_space<semaphore_mem>>)
    %dma_wait3A_266 = arith.constant 12 : i32
    %dma_wait3A_267 = arith.constant 0 : i32
    %dma_wait3A_268 = tpu.memref_slice %arg5[%dma_wait3A_266, %dma_wait3A_267] : memref<20x128xi32, #tpu.memory_space<vmem>> -> memref<1x128xi32, #tpu.memory_space<vmem>>
    %dma_wait3A_269 = tpu.memref_squeeze %dma_wait3A_268 : memref<1x128xi32, #tpu.memory_space<vmem>> -> memref<128xi32, #tpu.memory_space<vmem>>
    %dma_wait3A_270 = arith.constant 0 : i32
    %dma_wait3A_271 = arith.constant 0 : i32
    %dma_wait3A_272 = tpu.memref_slice %arg2[%dma_wait3A_270, %dma_wait3A_271] : memref<100000x128xf32, #tpu.memory_space<hbm>> -> memref<100000x128xf32, #tpu.memory_space<hbm>>
    tpu.wait_indirect_dma semaphore(%arg9 : memref<!tpu.dma_semaphore, #tpu.memory_space<semaphore_mem>>) src(%dma_wait3A_272 : memref<100000x128xf32, #tpu.memory_space<hbm>>) dst(%arg6 : memref<128x128xf32, #tpu.memory_space<vmem>>)
    %scan3A_273 = arith.constant 0 : i32
    %scan3A_274 = arith.constant 0 : i32
    %scan3A_275 = arith.constant 128 : i32
    %scan3A_276 = arith.addi %scan3A_274, %scan3A_275 : i32
    %scan3A_277 = arith.constant 1 : i32
    %scan3A_278 = scf.for %scan3A_420 = %scan3A_274 to %scan3A_276 step %scan3A_277 iter_args(%scan3A_421 = %scan3A_273) -> (i32)  : i32 {
      %get3A = arith.index_cast %scan3A_420 : i32 to index
      %get3A_422 = arith.constant 0 : index
      %get3A_423 = tpu.vector_load %arg6[%get3A, %get3A_422] {strides = array<i32>} : memref<128x128xf32, #tpu.memory_space<vmem>>, vector<1x16xf32>,
      %get3A_424 = vector.shape_cast %get3A_423 : vector<1x16xf32> to vector<16xf32>
      %get3A_425 = arith.index_cast %scan3A_420 : i32 to index
      %get3A_426 = arith.constant 0 : index
      %get3A_427 = tpu.vector_load %arg8[%get3A_425, %get3A_426] {strides = array<i32>} : memref<128x128xf32, #tpu.memory_space<vmem>>, vector<1x16xf32>,
      %get3A_428 = vector.shape_cast %get3A_427 : vector<1x16xf32> to vector<16xf32>
      %add3A_429 = arith.addf %get3A_428, %get3A_424 : vector<16xf32>
      %swap3A = arith.index_cast %scan3A_420 : i32 to index
      %swap3A_430 = arith.constant 0 : index
      %swap3A_431 = tpu.vector_load %arg8[%swap3A, %swap3A_430] {strides = array<i32>} : memref<128x128xf32, #tpu.memory_space<vmem>>, vector<1x16xf32>,
      %swap3A_432 = vector.shape_cast %swap3A_431 : vector<1x16xf32> to vector<16xf32>
      %swap3A_433 = vector.shape_cast %add3A_429 : vector<16xf32> to vector<1x16xf32>
      tpu.vector_store %arg8[%swap3A, %swap3A_430], %swap3A_433 {strides = array<i32>} : memref<128x128xf32, #tpu.memory_space<vmem>>, vector<1x16xf32>,
      %get3A_434 = arith.index_cast %scan3A_420 : i32 to index
      %get3A_435 = arith.constant 16 : index
      %get3A_436 = tpu.vector_load %arg6[%get3A_434, %get3A_435] {strides = array<i32>} : memref<128x128xf32, #tpu.memory_space<vmem>>, vector<1x16xf32>,
      %get3A_437 = vector.shape_cast %get3A_436 : vector<1x16xf32> to vector<16xf32>
      %get3A_438 = arith.index_cast %scan3A_420 : i32 to index
      %get3A_439 = arith.constant 16 : index
      %get3A_440 = tpu.vector_load %arg8[%get3A_438, %get3A_439] {strides = array<i32>} : memref<128x128xf32, #tpu.memory_space<vmem>>, vector<1x16xf32>,
      %get3A_441 = vector.shape_cast %get3A_440 : vector<1x16xf32> to vector<16xf32>
      %add3A_442 = arith.addf %get3A_441, %get3A_437 : vector<16xf32>
      %swap3A_443 = arith.index_cast %scan3A_420 : i32 to index
      %swap3A_444 = arith.constant 16 : index
      %swap3A_445 = tpu.vector_load %arg8[%swap3A_443, %swap3A_444] {strides = array<i32>} : memref<128x128xf32, #tpu.memory_space<vmem>>, vector<1x16xf32>,
      %swap3A_446 = vector.shape_cast %swap3A_445 : vector<1x16xf32> to vector<16xf32>
      %swap3A_447 = vector.shape_cast %add3A_442 : vector<16xf32> to vector<1x16xf32>
      tpu.vector_store %arg8[%swap3A_443, %swap3A_444], %swap3A_447 {strides = array<i32>} : memref<128x128xf32, #tpu.memory_space<vmem>>, vector<1x16xf32>,
      %get3A_448 = arith.index_cast %scan3A_420 : i32 to index
      %get3A_449 = arith.constant 32 : index
      %get3A_450 = tpu.vector_load %arg6[%get3A_448, %get3A_449] {strides = array<i32>} : memref<128x128xf32, #tpu.memory_space<vmem>>, vector<1x16xf32>,
      %get3A_451 = vector.shape_cast %get3A_450 : vector<1x16xf32> to vector<16xf32>
      %get3A_452 = arith.index_cast %scan3A_420 : i32 to index
      %get3A_453 = arith.constant 32 : index
      %get3A_454 = tpu.vector_load %arg8[%get3A_452, %get3A_453] {strides = array<i32>} : memref<128x128xf32, #tpu.memory_space<vmem>>, vector<1x16xf32>,
      %get3A_455 = vector.shape_cast %get3A_454 : vector<1x16xf32> to vector<16xf32>
      %add3A_456 = arith.addf %get3A_455, %get3A_451 : vector<16xf32>
      %swap3A_457 = arith.index_cast %scan3A_420 : i32 to index
      %swap3A_458 = arith.constant 32 : index
      %swap3A_459 = tpu.vector_load %arg8[%swap3A_457, %swap3A_458] {strides = array<i32>} : memref<128x128xf32, #tpu.memory_space<vmem>>, vector<1x16xf32>,
      %swap3A_460 = vector.shape_cast %swap3A_459 : vector<1x16xf32> to vector<16xf32>
      %swap3A_461 = vector.shape_cast %add3A_456 : vector<16xf32> to vector<1x16xf32>
      tpu.vector_store %arg8[%swap3A_457, %swap3A_458], %swap3A_461 {strides = array<i32>} : memref<128x128xf32, #tpu.memory_space<vmem>>, vector<1x16xf32>,
      %get3A_462 = arith.index_cast %scan3A_420 : i32 to index
      %get3A_463 = arith.constant 48 : index
      %get3A_464 = tpu.vector_load %arg6[%get3A_462, %get3A_463] {strides = array<i32>} : memref<128x128xf32, #tpu.memory_space<vmem>>, vector<1x16xf32>,
      %get3A_465 = vector.shape_cast %get3A_464 : vector<1x16xf32> to vector<16xf32>
      %get3A_466 = arith.index_cast %scan3A_420 : i32 to index
      %get3A_467 = arith.constant 48 : index
      %get3A_468 = tpu.vector_load %arg8[%get3A_466, %get3A_467] {strides = array<i32>} : memref<128x128xf32, #tpu.memory_space<vmem>>, vector<1x16xf32>,
      %get3A_469 = vector.shape_cast %get3A_468 : vector<1x16xf32> to vector<16xf32>
      %add3A_470 = arith.addf %get3A_469, %get3A_465 : vector<16xf32>
      %swap3A_471 = arith.index_cast %scan3A_420 : i32 to index
      %swap3A_472 = arith.constant 48 : index
      %swap3A_473 = tpu.vector_load %arg8[%swap3A_471, %swap3A_472] {strides = array<i32>} : memref<128x128xf32, #tpu.memory_space<vmem>>, vector<1x16xf32>,
      %swap3A_474 = vector.shape_cast %swap3A_473 : vector<1x16xf32> to vector<16xf32>
      %swap3A_475 = vector.shape_cast %add3A_470 : vector<16xf32> to vector<1x16xf32>
      tpu.vector_store %arg8[%swap3A_471, %swap3A_472], %swap3A_475 {strides = array<i32>} : memref<128x128xf32, #tpu.memory_space<vmem>>, vector<1x16xf32>,
      %get3A_476 = arith.index_cast %scan3A_420 : i32 to index
      %get3A_477 = arith.constant 64 : index
      %get3A_478 = tpu.vector_load %arg6[%get3A_476, %get3A_477] {strides = array<i32>} : memref<128x128xf32, #tpu.memory_space<vmem>>, vector<1x16xf32>,
      %get3A_479 = vector.shape_cast %get3A_478 : vector<1x16xf32> to vector<16xf32>
      %get3A_480 = arith.index_cast %scan3A_420 : i32 to index
      %get3A_481 = arith.constant 64 : index
      %get3A_482 = tpu.vector_load %arg8[%get3A_480, %get3A_481] {strides = array<i32>} : memref<128x128xf32, #tpu.memory_space<vmem>>, vector<1x16xf32>,
      %get3A_483 = vector.shape_cast %get3A_482 : vector<1x16xf32> to vector<16xf32>
      %add3A_484 = arith.addf %get3A_483, %get3A_479 : vector<16xf32>
      %swap3A_485 = arith.index_cast %scan3A_420 : i32 to index
      %swap3A_486 = arith.constant 64 : index
      %swap3A_487 = tpu.vector_load %arg8[%swap3A_485, %swap3A_486] {strides = array<i32>} : memref<128x128xf32, #tpu.memory_space<vmem>>, vector<1x16xf32>,
      %swap3A_488 = vector.shape_cast %swap3A_487 : vector<1x16xf32> to vector<16xf32>
      %swap3A_489 = vector.shape_cast %add3A_484 : vector<16xf32> to vector<1x16xf32>
      tpu.vector_store %arg8[%swap3A_485, %swap3A_486], %swap3A_489 {strides = array<i32>} : memref<128x128xf32, #tpu.memory_space<vmem>>, vector<1x16xf32>,
      %get3A_490 = arith.index_cast %scan3A_420 : i32 to index
      %get3A_491 = arith.constant 80 : index
      %get3A_492 = tpu.vector_load %arg6[%get3A_490, %get3A_491] {strides = array<i32>} : memref<128x128xf32, #tpu.memory_space<vmem>>, vector<1x16xf32>,
      %get3A_493 = vector.shape_cast %get3A_492 : vector<1x16xf32> to vector<16xf32>
      %get3A_494 = arith.index_cast %scan3A_420 : i32 to index
      %get3A_495 = arith.constant 80 : index
      %get3A_496 = tpu.vector_load %arg8[%get3A_494, %get3A_495] {strides = array<i32>} : memref<128x128xf32, #tpu.memory_space<vmem>>, vector<1x16xf32>,
      %get3A_497 = vector.shape_cast %get3A_496 : vector<1x16xf32> to vector<16xf32>
      %add3A_498 = arith.addf %get3A_497, %get3A_493 : vector<16xf32>
      %swap3A_499 = arith.index_cast %scan3A_420 : i32 to index
      %swap3A_500 = arith.constant 80 : index
      %swap3A_501 = tpu.vector_load %arg8[%swap3A_499, %swap3A_500] {strides = array<i32>} : memref<128x128xf32, #tpu.memory_space<vmem>>, vector<1x16xf32>,
      %swap3A_502 = vector.shape_cast %swap3A_501 : vector<1x16xf32> to vector<16xf32>
      %swap3A_503 = vector.shape_cast %add3A_498 : vector<16xf32> to vector<1x16xf32>
      tpu.vector_store %arg8[%swap3A_499, %swap3A_500], %swap3A_503 {strides = array<i32>} : memref<128x128xf32, #tpu.memory_space<vmem>>, vector<1x16xf32>,
      %get3A_504 = arith.index_cast %scan3A_420 : i32 to index
      %get3A_505 = arith.constant 96 : index
      %get3A_506 = tpu.vector_load %arg6[%get3A_504, %get3A_505] {strides = array<i32>} : memref<128x128xf32, #tpu.memory_space<vmem>>, vector<1x16xf32>,
      %get3A_507 = vector.shape_cast %get3A_506 : vector<1x16xf32> to vector<16xf32>
      %get3A_508 = arith.index_cast %scan3A_420 : i32 to index
      %get3A_509 = arith.constant 96 : index
      %get3A_510 = tpu.vector_load %arg8[%get3A_508, %get3A_509] {strides = array<i32>} : memref<128x128xf32, #tpu.memory_space<vmem>>, vector<1x16xf32>,
      %get3A_511 = vector.shape_cast %get3A_510 : vector<1x16xf32> to vector<16xf32>
      %add3A_512 = arith.addf %get3A_511, %get3A_507 : vector<16xf32>
      %swap3A_513 = arith.index_cast %scan3A_420 : i32 to index
      %swap3A_514 = arith.constant 96 : index
      %swap3A_515 = tpu.vector_load %arg8[%swap3A_513, %swap3A_514] {strides = array<i32>} : memref<128x128xf32, #tpu.memory_space<vmem>>, vector<1x16xf32>,
      %swap3A_516 = vector.shape_cast %swap3A_515 : vector<1x16xf32> to vector<16xf32>
      %swap3A_517 = vector.shape_cast %add3A_512 : vector<16xf32> to vector<1x16xf32>
      tpu.vector_store %arg8[%swap3A_513, %swap3A_514], %swap3A_517 {strides = array<i32>} : memref<128x128xf32, #tpu.memory_space<vmem>>, vector<1x16xf32>,
      %get3A_518 = arith.index_cast %scan3A_420 : i32 to index
      %get3A_519 = arith.constant 112 : index
      %get3A_520 = tpu.vector_load %arg6[%get3A_518, %get3A_519] {strides = array<i32>} : memref<128x128xf32, #tpu.memory_space<vmem>>, vector<1x16xf32>,
      %get3A_521 = vector.shape_cast %get3A_520 : vector<1x16xf32> to vector<16xf32>
      %get3A_522 = arith.index_cast %scan3A_420 : i32 to index
      %get3A_523 = arith.constant 112 : index
      %get3A_524 = tpu.vector_load %arg8[%get3A_522, %get3A_523] {strides = array<i32>} : memref<128x128xf32, #tpu.memory_space<vmem>>, vector<1x16xf32>,
      %get3A_525 = vector.shape_cast %get3A_524 : vector<1x16xf32> to vector<16xf32>
      %add3A_526 = arith.addf %get3A_525, %get3A_521 : vector<16xf32>
      %swap3A_527 = arith.index_cast %scan3A_420 : i32 to index
      %swap3A_528 = arith.constant 112 : index
      %swap3A_529 = tpu.vector_load %arg8[%swap3A_527, %swap3A_528] {strides = array<i32>} : memref<128x128xf32, #tpu.memory_space<vmem>>, vector<1x16xf32>,
      %swap3A_530 = vector.shape_cast %swap3A_529 : vector<1x16xf32> to vector<16xf32>
      %swap3A_531 = vector.shape_cast %add3A_526 : vector<16xf32> to vector<1x16xf32>
      tpu.vector_store %arg8[%swap3A_527, %swap3A_528], %swap3A_531 {strides = array<i32>} : memref<128x128xf32, #tpu.memory_space<vmem>>, vector<1x16xf32>,
      %scan3A_532 = arith.constant 0 : i32
      scf.yield %scan3A_532 : i32
    }
    %scan3A_279 = arith.constant 128 : i32
    %dma_start3A_280 = arith.constant 14 : i32
    %dma_start3A_281 = arith.constant 0 : i32
    %dma_start3A_282 = tpu.memref_slice %arg5[%dma_start3A_280, %dma_start3A_281] : memref<20x128xi32, #tpu.memory_space<vmem>> -> memref<1x128xi32, #tpu.memory_space<vmem>>
    %dma_start3A_283 = tpu.memref_squeeze %dma_start3A_282 : memref<1x128xi32, #tpu.memory_space<vmem>> -> memref<128xi32, #tpu.memory_space<vmem>>
    %dma_start3A_284 = arith.constant 0 : i32
    %dma_start3A_285 = arith.constant 0 : i32
    %dma_start3A_286 = tpu.memref_slice %arg2[%dma_start3A_284, %dma_start3A_285] : memref<100000x128xf32, #tpu.memory_space<hbm>> -> memref<100000x128xf32, #tpu.memory_space<hbm>>
    tpu.enqueue_indirect_dma source(%dma_start3A_286 : memref<100000x128xf32, #tpu.memory_space<hbm>>) target(%arg6 : memref<128x128xf32, #tpu.memory_space<vmem>>) offsets(%dma_start3A_283 : memref<128xi32, #tpu.memory_space<vmem>>) semaphore(%arg9 : memref<!tpu.dma_semaphore, #tpu.memory_space<semaphore_mem>>)
    %dma_wait3A_287 = arith.constant 13 : i32
    %dma_wait3A_288 = arith.constant 0 : i32
    %dma_wait3A_289 = tpu.memref_slice %arg5[%dma_wait3A_287, %dma_wait3A_288] : memref<20x128xi32, #tpu.memory_space<vmem>> -> memref<1x128xi32, #tpu.memory_space<vmem>>
    %dma_wait3A_290 = tpu.memref_squeeze %dma_wait3A_289 : memref<1x128xi32, #tpu.memory_space<vmem>> -> memref<128xi32, #tpu.memory_space<vmem>>
    %dma_wait3A_291 = arith.constant 0 : i32
    %dma_wait3A_292 = arith.constant 0 : i32
    %dma_wait3A_293 = tpu.memref_slice %arg2[%dma_wait3A_291, %dma_wait3A_292] : memref<100000x128xf32, #tpu.memory_space<hbm>> -> memref<100000x128xf32, #tpu.memory_space<hbm>>
    tpu.wait_indirect_dma semaphore(%arg10 : memref<!tpu.dma_semaphore, #tpu.memory_space<semaphore_mem>>) src(%dma_wait3A_293 : memref<100000x128xf32, #tpu.memory_space<hbm>>) dst(%arg7 : memref<128x128xf32, #tpu.memory_space<vmem>>)
    %scan3A_294 = arith.constant 0 : i32
    %scan3A_295 = arith.constant 0 : i32
    %scan3A_296 = arith.constant 128 : i32
    %scan3A_297 = arith.addi %scan3A_295, %scan3A_296 : i32
    %scan3A_298 = arith.constant 1 : i32
    %scan3A_299 = scf.for %scan3A_420 = %scan3A_295 to %scan3A_297 step %scan3A_298 iter_args(%scan3A_421 = %scan3A_294) -> (i32)  : i32 {
      %get3A = arith.index_cast %scan3A_420 : i32 to index
      %get3A_422 = arith.constant 0 : index
      %get3A_423 = tpu.vector_load %arg7[%get3A, %get3A_422] {strides = array<i32>} : memref<128x128xf32, #tpu.memory_space<vmem>>, vector<1x16xf32>,
      %get3A_424 = vector.shape_cast %get3A_423 : vector<1x16xf32> to vector<16xf32>
      %get3A_425 = arith.index_cast %scan3A_420 : i32 to index
      %get3A_426 = arith.constant 0 : index
      %get3A_427 = tpu.vector_load %arg8[%get3A_425, %get3A_426] {strides = array<i32>} : memref<128x128xf32, #tpu.memory_space<vmem>>, vector<1x16xf32>,
      %get3A_428 = vector.shape_cast %get3A_427 : vector<1x16xf32> to vector<16xf32>
      %add3A_429 = arith.addf %get3A_428, %get3A_424 : vector<16xf32>
      %swap3A = arith.index_cast %scan3A_420 : i32 to index
      %swap3A_430 = arith.constant 0 : index
      %swap3A_431 = tpu.vector_load %arg8[%swap3A, %swap3A_430] {strides = array<i32>} : memref<128x128xf32, #tpu.memory_space<vmem>>, vector<1x16xf32>,
      %swap3A_432 = vector.shape_cast %swap3A_431 : vector<1x16xf32> to vector<16xf32>
      %swap3A_433 = vector.shape_cast %add3A_429 : vector<16xf32> to vector<1x16xf32>
      tpu.vector_store %arg8[%swap3A, %swap3A_430], %swap3A_433 {strides = array<i32>} : memref<128x128xf32, #tpu.memory_space<vmem>>, vector<1x16xf32>,
      %get3A_434 = arith.index_cast %scan3A_420 : i32 to index
      %get3A_435 = arith.constant 16 : index
      %get3A_436 = tpu.vector_load %arg7[%get3A_434, %get3A_435] {strides = array<i32>} : memref<128x128xf32, #tpu.memory_space<vmem>>, vector<1x16xf32>,
      %get3A_437 = vector.shape_cast %get3A_436 : vector<1x16xf32> to vector<16xf32>
      %get3A_438 = arith.index_cast %scan3A_420 : i32 to index
      %get3A_439 = arith.constant 16 : index
      %get3A_440 = tpu.vector_load %arg8[%get3A_438, %get3A_439] {strides = array<i32>} : memref<128x128xf32, #tpu.memory_space<vmem>>, vector<1x16xf32>,
      %get3A_441 = vector.shape_cast %get3A_440 : vector<1x16xf32> to vector<16xf32>
      %add3A_442 = arith.addf %get3A_441, %get3A_437 : vector<16xf32>
      %swap3A_443 = arith.index_cast %scan3A_420 : i32 to index
      %swap3A_444 = arith.constant 16 : index
      %swap3A_445 = tpu.vector_load %arg8[%swap3A_443, %swap3A_444] {strides = array<i32>} : memref<128x128xf32, #tpu.memory_space<vmem>>, vector<1x16xf32>,
      %swap3A_446 = vector.shape_cast %swap3A_445 : vector<1x16xf32> to vector<16xf32>
      %swap3A_447 = vector.shape_cast %add3A_442 : vector<16xf32> to vector<1x16xf32>
      tpu.vector_store %arg8[%swap3A_443, %swap3A_444], %swap3A_447 {strides = array<i32>} : memref<128x128xf32, #tpu.memory_space<vmem>>, vector<1x16xf32>,
      %get3A_448 = arith.index_cast %scan3A_420 : i32 to index
      %get3A_449 = arith.constant 32 : index
      %get3A_450 = tpu.vector_load %arg7[%get3A_448, %get3A_449] {strides = array<i32>} : memref<128x128xf32, #tpu.memory_space<vmem>>, vector<1x16xf32>,
      %get3A_451 = vector.shape_cast %get3A_450 : vector<1x16xf32> to vector<16xf32>
      %get3A_452 = arith.index_cast %scan3A_420 : i32 to index
      %get3A_453 = arith.constant 32 : index
      %get3A_454 = tpu.vector_load %arg8[%get3A_452, %get3A_453] {strides = array<i32>} : memref<128x128xf32, #tpu.memory_space<vmem>>, vector<1x16xf32>,
      %get3A_455 = vector.shape_cast %get3A_454 : vector<1x16xf32> to vector<16xf32>
      %add3A_456 = arith.addf %get3A_455, %get3A_451 : vector<16xf32>
      %swap3A_457 = arith.index_cast %scan3A_420 : i32 to index
      %swap3A_458 = arith.constant 32 : index
      %swap3A_459 = tpu.vector_load %arg8[%swap3A_457, %swap3A_458] {strides = array<i32>} : memref<128x128xf32, #tpu.memory_space<vmem>>, vector<1x16xf32>,
      %swap3A_460 = vector.shape_cast %swap3A_459 : vector<1x16xf32> to vector<16xf32>
      %swap3A_461 = vector.shape_cast %add3A_456 : vector<16xf32> to vector<1x16xf32>
      tpu.vector_store %arg8[%swap3A_457, %swap3A_458], %swap3A_461 {strides = array<i32>} : memref<128x128xf32, #tpu.memory_space<vmem>>, vector<1x16xf32>,
      %get3A_462 = arith.index_cast %scan3A_420 : i32 to index
      %get3A_463 = arith.constant 48 : index
      %get3A_464 = tpu.vector_load %arg7[%get3A_462, %get3A_463] {strides = array<i32>} : memref<128x128xf32, #tpu.memory_space<vmem>>, vector<1x16xf32>,
      %get3A_465 = vector.shape_cast %get3A_464 : vector<1x16xf32> to vector<16xf32>
      %get3A_466 = arith.index_cast %scan3A_420 : i32 to index
      %get3A_467 = arith.constant 48 : index
      %get3A_468 = tpu.vector_load %arg8[%get3A_466, %get3A_467] {strides = array<i32>} : memref<128x128xf32, #tpu.memory_space<vmem>>, vector<1x16xf32>,
      %get3A_469 = vector.shape_cast %get3A_468 : vector<1x16xf32> to vector<16xf32>
      %add3A_470 = arith.addf %get3A_469, %get3A_465 : vector<16xf32>
      %swap3A_471 = arith.index_cast %scan3A_420 : i32 to index
      %swap3A_472 = arith.constant 48 : index
      %swap3A_473 = tpu.vector_load %arg8[%swap3A_471, %swap3A_472] {strides = array<i32>} : memref<128x128xf32, #tpu.memory_space<vmem>>, vector<1x16xf32>,
      %swap3A_474 = vector.shape_cast %swap3A_473 : vector<1x16xf32> to vector<16xf32>
      %swap3A_475 = vector.shape_cast %add3A_470 : vector<16xf32> to vector<1x16xf32>
      tpu.vector_store %arg8[%swap3A_471, %swap3A_472], %swap3A_475 {strides = array<i32>} : memref<128x128xf32, #tpu.memory_space<vmem>>, vector<1x16xf32>,
      %get3A_476 = arith.index_cast %scan3A_420 : i32 to index
      %get3A_477 = arith.constant 64 : index
      %get3A_478 = tpu.vector_load %arg7[%get3A_476, %get3A_477] {strides = array<i32>} : memref<128x128xf32, #tpu.memory_space<vmem>>, vector<1x16xf32>,
      %get3A_479 = vector.shape_cast %get3A_478 : vector<1x16xf32> to vector<16xf32>
      %get3A_480 = arith.index_cast %scan3A_420 : i32 to index
      %get3A_481 = arith.constant 64 : index
      %get3A_482 = tpu.vector_load %arg8[%get3A_480, %get3A_481] {strides = array<i32>} : memref<128x128xf32, #tpu.memory_space<vmem>>, vector<1x16xf32>,
      %get3A_483 = vector.shape_cast %get3A_482 : vector<1x16xf32> to vector<16xf32>
      %add3A_484 = arith.addf %get3A_483, %get3A_479 : vector<16xf32>
      %swap3A_485 = arith.index_cast %scan3A_420 : i32 to index
      %swap3A_486 = arith.constant 64 : index
      %swap3A_487 = tpu.vector_load %arg8[%swap3A_485, %swap3A_486] {strides = array<i32>} : memref<128x128xf32, #tpu.memory_space<vmem>>, vector<1x16xf32>,
      %swap3A_488 = vector.shape_cast %swap3A_487 : vector<1x16xf32> to vector<16xf32>
      %swap3A_489 = vector.shape_cast %add3A_484 : vector<16xf32> to vector<1x16xf32>
      tpu.vector_store %arg8[%swap3A_485, %swap3A_486], %swap3A_489 {strides = array<i32>} : memref<128x128xf32, #tpu.memory_space<vmem>>, vector<1x16xf32>,
      %get3A_490 = arith.index_cast %scan3A_420 : i32 to index
      %get3A_491 = arith.constant 80 : index
      %get3A_492 = tpu.vector_load %arg7[%get3A_490, %get3A_491] {strides = array<i32>} : memref<128x128xf32, #tpu.memory_space<vmem>>, vector<1x16xf32>,
      %get3A_493 = vector.shape_cast %get3A_492 : vector<1x16xf32> to vector<16xf32>
      %get3A_494 = arith.index_cast %scan3A_420 : i32 to index
      %get3A_495 = arith.constant 80 : index
      %get3A_496 = tpu.vector_load %arg8[%get3A_494, %get3A_495] {strides = array<i32>} : memref<128x128xf32, #tpu.memory_space<vmem>>, vector<1x16xf32>,
      %get3A_497 = vector.shape_cast %get3A_496 : vector<1x16xf32> to vector<16xf32>
      %add3A_498 = arith.addf %get3A_497, %get3A_493 : vector<16xf32>
      %swap3A_499 = arith.index_cast %scan3A_420 : i32 to index
      %swap3A_500 = arith.constant 80 : index
      %swap3A_501 = tpu.vector_load %arg8[%swap3A_499, %swap3A_500] {strides = array<i32>} : memref<128x128xf32, #tpu.memory_space<vmem>>, vector<1x16xf32>,
      %swap3A_502 = vector.shape_cast %swap3A_501 : vector<1x16xf32> to vector<16xf32>
      %swap3A_503 = vector.shape_cast %add3A_498 : vector<16xf32> to vector<1x16xf32>
      tpu.vector_store %arg8[%swap3A_499, %swap3A_500], %swap3A_503 {strides = array<i32>} : memref<128x128xf32, #tpu.memory_space<vmem>>, vector<1x16xf32>,
      %get3A_504 = arith.index_cast %scan3A_420 : i32 to index
      %get3A_505 = arith.constant 96 : index
      %get3A_506 = tpu.vector_load %arg7[%get3A_504, %get3A_505] {strides = array<i32>} : memref<128x128xf32, #tpu.memory_space<vmem>>, vector<1x16xf32>,
      %get3A_507 = vector.shape_cast %get3A_506 : vector<1x16xf32> to vector<16xf32>
      %get3A_508 = arith.index_cast %scan3A_420 : i32 to index
      %get3A_509 = arith.constant 96 : index
      %get3A_510 = tpu.vector_load %arg8[%get3A_508, %get3A_509] {strides = array<i32>} : memref<128x128xf32, #tpu.memory_space<vmem>>, vector<1x16xf32>,
      %get3A_511 = vector.shape_cast %get3A_510 : vector<1x16xf32> to vector<16xf32>
      %add3A_512 = arith.addf %get3A_511, %get3A_507 : vector<16xf32>
      %swap3A_513 = arith.index_cast %scan3A_420 : i32 to index
      %swap3A_514 = arith.constant 96 : index
      %swap3A_515 = tpu.vector_load %arg8[%swap3A_513, %swap3A_514] {strides = array<i32>} : memref<128x128xf32, #tpu.memory_space<vmem>>, vector<1x16xf32>,
      %swap3A_516 = vector.shape_cast %swap3A_515 : vector<1x16xf32> to vector<16xf32>
      %swap3A_517 = vector.shape_cast %add3A_512 : vector<16xf32> to vector<1x16xf32>
      tpu.vector_store %arg8[%swap3A_513, %swap3A_514], %swap3A_517 {strides = array<i32>} : memref<128x128xf32, #tpu.memory_space<vmem>>, vector<1x16xf32>,
      %get3A_518 = arith.index_cast %scan3A_420 : i32 to index
      %get3A_519 = arith.constant 112 : index
      %get3A_520 = tpu.vector_load %arg7[%get3A_518, %get3A_519] {strides = array<i32>} : memref<128x128xf32, #tpu.memory_space<vmem>>, vector<1x16xf32>,
      %get3A_521 = vector.shape_cast %get3A_520 : vector<1x16xf32> to vector<16xf32>
      %get3A_522 = arith.index_cast %scan3A_420 : i32 to index
      %get3A_523 = arith.constant 112 : index
      %get3A_524 = tpu.vector_load %arg8[%get3A_522, %get3A_523] {strides = array<i32>} : memref<128x128xf32, #tpu.memory_space<vmem>>, vector<1x16xf32>,
      %get3A_525 = vector.shape_cast %get3A_524 : vector<1x16xf32> to vector<16xf32>
      %add3A_526 = arith.addf %get3A_525, %get3A_521 : vector<16xf32>
      %swap3A_527 = arith.index_cast %scan3A_420 : i32 to index
      %swap3A_528 = arith.constant 112 : index
      %swap3A_529 = tpu.vector_load %arg8[%swap3A_527, %swap3A_528] {strides = array<i32>} : memref<128x128xf32, #tpu.memory_space<vmem>>, vector<1x16xf32>,
      %swap3A_530 = vector.shape_cast %swap3A_529 : vector<1x16xf32> to vector<16xf32>
      %swap3A_531 = vector.shape_cast %add3A_526 : vector<16xf32> to vector<1x16xf32>
      tpu.vector_store %arg8[%swap3A_527, %swap3A_528], %swap3A_531 {strides = array<i32>} : memref<128x128xf32, #tpu.memory_space<vmem>>, vector<1x16xf32>,
      %scan3A_532 = arith.constant 0 : i32
      scf.yield %scan3A_532 : i32
    }
    %scan3A_300 = arith.constant 128 : i32
    %dma_start3A_301 = arith.constant 15 : i32
    %dma_start3A_302 = arith.constant 0 : i32
    %dma_start3A_303 = tpu.memref_slice %arg5[%dma_start3A_301, %dma_start3A_302] : memref<20x128xi32, #tpu.memory_space<vmem>> -> memref<1x128xi32, #tpu.memory_space<vmem>>
    %dma_start3A_304 = tpu.memref_squeeze %dma_start3A_303 : memref<1x128xi32, #tpu.memory_space<vmem>> -> memref<128xi32, #tpu.memory_space<vmem>>
    %dma_start3A_305 = arith.constant 0 : i32
    %dma_start3A_306 = arith.constant 0 : i32
    %dma_start3A_307 = tpu.memref_slice %arg2[%dma_start3A_305, %dma_start3A_306] : memref<100000x128xf32, #tpu.memory_space<hbm>> -> memref<100000x128xf32, #tpu.memory_space<hbm>>
    tpu.enqueue_indirect_dma source(%dma_start3A_307 : memref<100000x128xf32, #tpu.memory_space<hbm>>) target(%arg7 : memref<128x128xf32, #tpu.memory_space<vmem>>) offsets(%dma_start3A_304 : memref<128xi32, #tpu.memory_space<vmem>>) semaphore(%arg10 : memref<!tpu.dma_semaphore, #tpu.memory_space<semaphore_mem>>)
    %dma_wait3A_308 = arith.constant 14 : i32
    %dma_wait3A_309 = arith.constant 0 : i32
    %dma_wait3A_310 = tpu.memref_slice %arg5[%dma_wait3A_308, %dma_wait3A_309] : memref<20x128xi32, #tpu.memory_space<vmem>> -> memref<1x128xi32, #tpu.memory_space<vmem>>
    %dma_wait3A_311 = tpu.memref_squeeze %dma_wait3A_310 : memref<1x128xi32, #tpu.memory_space<vmem>> -> memref<128xi32, #tpu.memory_space<vmem>>
    %dma_wait3A_312 = arith.constant 0 : i32
    %dma_wait3A_313 = arith.constant 0 : i32
    %dma_wait3A_314 = tpu.memref_slice %arg2[%dma_wait3A_312, %dma_wait3A_313] : memref<100000x128xf32, #tpu.memory_space<hbm>> -> memref<100000x128xf32, #tpu.memory_space<hbm>>
    tpu.wait_indirect_dma semaphore(%arg9 : memref<!tpu.dma_semaphore, #tpu.memory_space<semaphore_mem>>) src(%dma_wait3A_314 : memref<100000x128xf32, #tpu.memory_space<hbm>>) dst(%arg6 : memref<128x128xf32, #tpu.memory_space<vmem>>)
    %scan3A_315 = arith.constant 0 : i32
    %scan3A_316 = arith.constant 0 : i32
    %scan3A_317 = arith.constant 128 : i32
    %scan3A_318 = arith.addi %scan3A_316, %scan3A_317 : i32
    %scan3A_319 = arith.constant 1 : i32
    %scan3A_320 = scf.for %scan3A_420 = %scan3A_316 to %scan3A_318 step %scan3A_319 iter_args(%scan3A_421 = %scan3A_315) -> (i32)  : i32 {
      %get3A = arith.index_cast %scan3A_420 : i32 to index
      %get3A_422 = arith.constant 0 : index
      %get3A_423 = tpu.vector_load %arg6[%get3A, %get3A_422] {strides = array<i32>} : memref<128x128xf32, #tpu.memory_space<vmem>>, vector<1x16xf32>,
      %get3A_424 = vector.shape_cast %get3A_423 : vector<1x16xf32> to vector<16xf32>
      %get3A_425 = arith.index_cast %scan3A_420 : i32 to index
      %get3A_426 = arith.constant 0 : index
      %get3A_427 = tpu.vector_load %arg8[%get3A_425, %get3A_426] {strides = array<i32>} : memref<128x128xf32, #tpu.memory_space<vmem>>, vector<1x16xf32>,
      %get3A_428 = vector.shape_cast %get3A_427 : vector<1x16xf32> to vector<16xf32>
      %add3A_429 = arith.addf %get3A_428, %get3A_424 : vector<16xf32>
      %swap3A = arith.index_cast %scan3A_420 : i32 to index
      %swap3A_430 = arith.constant 0 : index
      %swap3A_431 = tpu.vector_load %arg8[%swap3A, %swap3A_430] {strides = array<i32>} : memref<128x128xf32, #tpu.memory_space<vmem>>, vector<1x16xf32>,
      %swap3A_432 = vector.shape_cast %swap3A_431 : vector<1x16xf32> to vector<16xf32>
      %swap3A_433 = vector.shape_cast %add3A_429 : vector<16xf32> to vector<1x16xf32>
      tpu.vector_store %arg8[%swap3A, %swap3A_430], %swap3A_433 {strides = array<i32>} : memref<128x128xf32, #tpu.memory_space<vmem>>, vector<1x16xf32>,
      %get3A_434 = arith.index_cast %scan3A_420 : i32 to index
      %get3A_435 = arith.constant 16 : index
      %get3A_436 = tpu.vector_load %arg6[%get3A_434, %get3A_435] {strides = array<i32>} : memref<128x128xf32, #tpu.memory_space<vmem>>, vector<1x16xf32>,
      %get3A_437 = vector.shape_cast %get3A_436 : vector<1x16xf32> to vector<16xf32>
      %get3A_438 = arith.index_cast %scan3A_420 : i32 to index
      %get3A_439 = arith.constant 16 : index
      %get3A_440 = tpu.vector_load %arg8[%get3A_438, %get3A_439] {strides = array<i32>} : memref<128x128xf32, #tpu.memory_space<vmem>>, vector<1x16xf32>,
      %get3A_441 = vector.shape_cast %get3A_440 : vector<1x16xf32> to vector<16xf32>
      %add3A_442 = arith.addf %get3A_441, %get3A_437 : vector<16xf32>
      %swap3A_443 = arith.index_cast %scan3A_420 : i32 to index
      %swap3A_444 = arith.constant 16 : index
      %swap3A_445 = tpu.vector_load %arg8[%swap3A_443, %swap3A_444] {strides = array<i32>} : memref<128x128xf32, #tpu.memory_space<vmem>>, vector<1x16xf32>,
      %swap3A_446 = vector.shape_cast %swap3A_445 : vector<1x16xf32> to vector<16xf32>
      %swap3A_447 = vector.shape_cast %add3A_442 : vector<16xf32> to vector<1x16xf32>
      tpu.vector_store %arg8[%swap3A_443, %swap3A_444], %swap3A_447 {strides = array<i32>} : memref<128x128xf32, #tpu.memory_space<vmem>>, vector<1x16xf32>,
      %get3A_448 = arith.index_cast %scan3A_420 : i32 to index
      %get3A_449 = arith.constant 32 : index
      %get3A_450 = tpu.vector_load %arg6[%get3A_448, %get3A_449] {strides = array<i32>} : memref<128x128xf32, #tpu.memory_space<vmem>>, vector<1x16xf32>,
      %get3A_451 = vector.shape_cast %get3A_450 : vector<1x16xf32> to vector<16xf32>
      %get3A_452 = arith.index_cast %scan3A_420 : i32 to index
      %get3A_453 = arith.constant 32 : index
      %get3A_454 = tpu.vector_load %arg8[%get3A_452, %get3A_453] {strides = array<i32>} : memref<128x128xf32, #tpu.memory_space<vmem>>, vector<1x16xf32>,
      %get3A_455 = vector.shape_cast %get3A_454 : vector<1x16xf32> to vector<16xf32>
      %add3A_456 = arith.addf %get3A_455, %get3A_451 : vector<16xf32>
      %swap3A_457 = arith.index_cast %scan3A_420 : i32 to index
      %swap3A_458 = arith.constant 32 : index
      %swap3A_459 = tpu.vector_load %arg8[%swap3A_457, %swap3A_458] {strides = array<i32>} : memref<128x128xf32, #tpu.memory_space<vmem>>, vector<1x16xf32>,
      %swap3A_460 = vector.shape_cast %swap3A_459 : vector<1x16xf32> to vector<16xf32>
      %swap3A_461 = vector.shape_cast %add3A_456 : vector<16xf32> to vector<1x16xf32>
      tpu.vector_store %arg8[%swap3A_457, %swap3A_458], %swap3A_461 {strides = array<i32>} : memref<128x128xf32, #tpu.memory_space<vmem>>, vector<1x16xf32>,
      %get3A_462 = arith.index_cast %scan3A_420 : i32 to index
      %get3A_463 = arith.constant 48 : index
      %get3A_464 = tpu.vector_load %arg6[%get3A_462, %get3A_463] {strides = array<i32>} : memref<128x128xf32, #tpu.memory_space<vmem>>, vector<1x16xf32>,
      %get3A_465 = vector.shape_cast %get3A_464 : vector<1x16xf32> to vector<16xf32>
      %get3A_466 = arith.index_cast %scan3A_420 : i32 to index
      %get3A_467 = arith.constant 48 : index
      %get3A_468 = tpu.vector_load %arg8[%get3A_466, %get3A_467] {strides = array<i32>} : memref<128x128xf32, #tpu.memory_space<vmem>>, vector<1x16xf32>,
      %get3A_469 = vector.shape_cast %get3A_468 : vector<1x16xf32> to vector<16xf32>
      %add3A_470 = arith.addf %get3A_469, %get3A_465 : vector<16xf32>
      %swap3A_471 = arith.index_cast %scan3A_420 : i32 to index
      %swap3A_472 = arith.constant 48 : index
      %swap3A_473 = tpu.vector_load %arg8[%swap3A_471, %swap3A_472] {strides = array<i32>} : memref<128x128xf32, #tpu.memory_space<vmem>>, vector<1x16xf32>,
      %swap3A_474 = vector.shape_cast %swap3A_473 : vector<1x16xf32> to vector<16xf32>
      %swap3A_475 = vector.shape_cast %add3A_470 : vector<16xf32> to vector<1x16xf32>
      tpu.vector_store %arg8[%swap3A_471, %swap3A_472], %swap3A_475 {strides = array<i32>} : memref<128x128xf32, #tpu.memory_space<vmem>>, vector<1x16xf32>,
      %get3A_476 = arith.index_cast %scan3A_420 : i32 to index
      %get3A_477 = arith.constant 64 : index
      %get3A_478 = tpu.vector_load %arg6[%get3A_476, %get3A_477] {strides = array<i32>} : memref<128x128xf32, #tpu.memory_space<vmem>>, vector<1x16xf32>,
      %get3A_479 = vector.shape_cast %get3A_478 : vector<1x16xf32> to vector<16xf32>
      %get3A_480 = arith.index_cast %scan3A_420 : i32 to index
      %get3A_481 = arith.constant 64 : index
      %get3A_482 = tpu.vector_load %arg8[%get3A_480, %get3A_481] {strides = array<i32>} : memref<128x128xf32, #tpu.memory_space<vmem>>, vector<1x16xf32>,
      %get3A_483 = vector.shape_cast %get3A_482 : vector<1x16xf32> to vector<16xf32>
      %add3A_484 = arith.addf %get3A_483, %get3A_479 : vector<16xf32>
      %swap3A_485 = arith.index_cast %scan3A_420 : i32 to index
      %swap3A_486 = arith.constant 64 : index
      %swap3A_487 = tpu.vector_load %arg8[%swap3A_485, %swap3A_486] {strides = array<i32>} : memref<128x128xf32, #tpu.memory_space<vmem>>, vector<1x16xf32>,
      %swap3A_488 = vector.shape_cast %swap3A_487 : vector<1x16xf32> to vector<16xf32>
      %swap3A_489 = vector.shape_cast %add3A_484 : vector<16xf32> to vector<1x16xf32>
      tpu.vector_store %arg8[%swap3A_485, %swap3A_486], %swap3A_489 {strides = array<i32>} : memref<128x128xf32, #tpu.memory_space<vmem>>, vector<1x16xf32>,
      %get3A_490 = arith.index_cast %scan3A_420 : i32 to index
      %get3A_491 = arith.constant 80 : index
      %get3A_492 = tpu.vector_load %arg6[%get3A_490, %get3A_491] {strides = array<i32>} : memref<128x128xf32, #tpu.memory_space<vmem>>, vector<1x16xf32>,
      %get3A_493 = vector.shape_cast %get3A_492 : vector<1x16xf32> to vector<16xf32>
      %get3A_494 = arith.index_cast %scan3A_420 : i32 to index
      %get3A_495 = arith.constant 80 : index
      %get3A_496 = tpu.vector_load %arg8[%get3A_494, %get3A_495] {strides = array<i32>} : memref<128x128xf32, #tpu.memory_space<vmem>>, vector<1x16xf32>,
      %get3A_497 = vector.shape_cast %get3A_496 : vector<1x16xf32> to vector<16xf32>
      %add3A_498 = arith.addf %get3A_497, %get3A_493 : vector<16xf32>
      %swap3A_499 = arith.index_cast %scan3A_420 : i32 to index
      %swap3A_500 = arith.constant 80 : index
      %swap3A_501 = tpu.vector_load %arg8[%swap3A_499, %swap3A_500] {strides = array<i32>} : memref<128x128xf32, #tpu.memory_space<vmem>>, vector<1x16xf32>,
      %swap3A_502 = vector.shape_cast %swap3A_501 : vector<1x16xf32> to vector<16xf32>
      %swap3A_503 = vector.shape_cast %add3A_498 : vector<16xf32> to vector<1x16xf32>
      tpu.vector_store %arg8[%swap3A_499, %swap3A_500], %swap3A_503 {strides = array<i32>} : memref<128x128xf32, #tpu.memory_space<vmem>>, vector<1x16xf32>,
      %get3A_504 = arith.index_cast %scan3A_420 : i32 to index
      %get3A_505 = arith.constant 96 : index
      %get3A_506 = tpu.vector_load %arg6[%get3A_504, %get3A_505] {strides = array<i32>} : memref<128x128xf32, #tpu.memory_space<vmem>>, vector<1x16xf32>,
      %get3A_507 = vector.shape_cast %get3A_506 : vector<1x16xf32> to vector<16xf32>
      %get3A_508 = arith.index_cast %scan3A_420 : i32 to index
      %get3A_509 = arith.constant 96 : index
      %get3A_510 = tpu.vector_load %arg8[%get3A_508, %get3A_509] {strides = array<i32>} : memref<128x128xf32, #tpu.memory_space<vmem>>, vector<1x16xf32>,
      %get3A_511 = vector.shape_cast %get3A_510 : vector<1x16xf32> to vector<16xf32>
      %add3A_512 = arith.addf %get3A_511, %get3A_507 : vector<16xf32>
      %swap3A_513 = arith.index_cast %scan3A_420 : i32 to index
      %swap3A_514 = arith.constant 96 : index
      %swap3A_515 = tpu.vector_load %arg8[%swap3A_513, %swap3A_514] {strides = array<i32>} : memref<128x128xf32, #tpu.memory_space<vmem>>, vector<1x16xf32>,
      %swap3A_516 = vector.shape_cast %swap3A_515 : vector<1x16xf32> to vector<16xf32>
      %swap3A_517 = vector.shape_cast %add3A_512 : vector<16xf32> to vector<1x16xf32>
      tpu.vector_store %arg8[%swap3A_513, %swap3A_514], %swap3A_517 {strides = array<i32>} : memref<128x128xf32, #tpu.memory_space<vmem>>, vector<1x16xf32>,
      %get3A_518 = arith.index_cast %scan3A_420 : i32 to index
      %get3A_519 = arith.constant 112 : index
      %get3A_520 = tpu.vector_load %arg6[%get3A_518, %get3A_519] {strides = array<i32>} : memref<128x128xf32, #tpu.memory_space<vmem>>, vector<1x16xf32>,
      %get3A_521 = vector.shape_cast %get3A_520 : vector<1x16xf32> to vector<16xf32>
      %get3A_522 = arith.index_cast %scan3A_420 : i32 to index
      %get3A_523 = arith.constant 112 : index
      %get3A_524 = tpu.vector_load %arg8[%get3A_522, %get3A_523] {strides = array<i32>} : memref<128x128xf32, #tpu.memory_space<vmem>>, vector<1x16xf32>,
      %get3A_525 = vector.shape_cast %get3A_524 : vector<1x16xf32> to vector<16xf32>
      %add3A_526 = arith.addf %get3A_525, %get3A_521 : vector<16xf32>
      %swap3A_527 = arith.index_cast %scan3A_420 : i32 to index
      %swap3A_528 = arith.constant 112 : index
      %swap3A_529 = tpu.vector_load %arg8[%swap3A_527, %swap3A_528] {strides = array<i32>} : memref<128x128xf32, #tpu.memory_space<vmem>>, vector<1x16xf32>,
      %swap3A_530 = vector.shape_cast %swap3A_529 : vector<1x16xf32> to vector<16xf32>
      %swap3A_531 = vector.shape_cast %add3A_526 : vector<16xf32> to vector<1x16xf32>
      tpu.vector_store %arg8[%swap3A_527, %swap3A_528], %swap3A_531 {strides = array<i32>} : memref<128x128xf32, #tpu.memory_space<vmem>>, vector<1x16xf32>,
      %scan3A_532 = arith.constant 0 : i32
      scf.yield %scan3A_532 : i32
    }
    %scan3A_321 = arith.constant 128 : i32
    %dma_start3A_322 = arith.constant 16 : i32
    %dma_start3A_323 = arith.constant 0 : i32
    %dma_start3A_324 = tpu.memref_slice %arg5[%dma_start3A_322, %dma_start3A_323] : memref<20x128xi32, #tpu.memory_space<vmem>> -> memref<1x128xi32, #tpu.memory_space<vmem>>
    %dma_start3A_325 = tpu.memref_squeeze %dma_start3A_324 : memref<1x128xi32, #tpu.memory_space<vmem>> -> memref<128xi32, #tpu.memory_space<vmem>>
    %dma_start3A_326 = arith.constant 0 : i32
    %dma_start3A_327 = arith.constant 0 : i32
    %dma_start3A_328 = tpu.memref_slice %arg2[%dma_start3A_326, %dma_start3A_327] : memref<100000x128xf32, #tpu.memory_space<hbm>> -> memref<100000x128xf32, #tpu.memory_space<hbm>>
    tpu.enqueue_indirect_dma source(%dma_start3A_328 : memref<100000x128xf32, #tpu.memory_space<hbm>>) target(%arg6 : memref<128x128xf32, #tpu.memory_space<vmem>>) offsets(%dma_start3A_325 : memref<128xi32, #tpu.memory_space<vmem>>) semaphore(%arg9 : memref<!tpu.dma_semaphore, #tpu.memory_space<semaphore_mem>>)
    %dma_wait3A_329 = arith.constant 15 : i32
    %dma_wait3A_330 = arith.constant 0 : i32
    %dma_wait3A_331 = tpu.memref_slice %arg5[%dma_wait3A_329, %dma_wait3A_330] : memref<20x128xi32, #tpu.memory_space<vmem>> -> memref<1x128xi32, #tpu.memory_space<vmem>>
    %dma_wait3A_332 = tpu.memref_squeeze %dma_wait3A_331 : memref<1x128xi32, #tpu.memory_space<vmem>> -> memref<128xi32, #tpu.memory_space<vmem>>
    %dma_wait3A_333 = arith.constant 0 : i32
    %dma_wait3A_334 = arith.constant 0 : i32
    %dma_wait3A_335 = tpu.memref_slice %arg2[%dma_wait3A_333, %dma_wait3A_334] : memref<100000x128xf32, #tpu.memory_space<hbm>> -> memref<100000x128xf32, #tpu.memory_space<hbm>>
    tpu.wait_indirect_dma semaphore(%arg10 : memref<!tpu.dma_semaphore, #tpu.memory_space<semaphore_mem>>) src(%dma_wait3A_335 : memref<100000x128xf32, #tpu.memory_space<hbm>>) dst(%arg7 : memref<128x128xf32, #tpu.memory_space<vmem>>)
    %scan3A_336 = arith.constant 0 : i32
    %scan3A_337 = arith.constant 0 : i32
    %scan3A_338 = arith.constant 128 : i32
    %scan3A_339 = arith.addi %scan3A_337, %scan3A_338 : i32
    %scan3A_340 = arith.constant 1 : i32
    %scan3A_341 = scf.for %scan3A_420 = %scan3A_337 to %scan3A_339 step %scan3A_340 iter_args(%scan3A_421 = %scan3A_336) -> (i32)  : i32 {
      %get3A = arith.index_cast %scan3A_420 : i32 to index
      %get3A_422 = arith.constant 0 : index
      %get3A_423 = tpu.vector_load %arg7[%get3A, %get3A_422] {strides = array<i32>} : memref<128x128xf32, #tpu.memory_space<vmem>>, vector<1x16xf32>,
      %get3A_424 = vector.shape_cast %get3A_423 : vector<1x16xf32> to vector<16xf32>
      %get3A_425 = arith.index_cast %scan3A_420 : i32 to index
      %get3A_426 = arith.constant 0 : index
      %get3A_427 = tpu.vector_load %arg8[%get3A_425, %get3A_426] {strides = array<i32>} : memref<128x128xf32, #tpu.memory_space<vmem>>, vector<1x16xf32>,
      %get3A_428 = vector.shape_cast %get3A_427 : vector<1x16xf32> to vector<16xf32>
      %add3A_429 = arith.addf %get3A_428, %get3A_424 : vector<16xf32>
      %swap3A = arith.index_cast %scan3A_420 : i32 to index
      %swap3A_430 = arith.constant 0 : index
      %swap3A_431 = tpu.vector_load %arg8[%swap3A, %swap3A_430] {strides = array<i32>} : memref<128x128xf32, #tpu.memory_space<vmem>>, vector<1x16xf32>,
      %swap3A_432 = vector.shape_cast %swap3A_431 : vector<1x16xf32> to vector<16xf32>
      %swap3A_433 = vector.shape_cast %add3A_429 : vector<16xf32> to vector<1x16xf32>
      tpu.vector_store %arg8[%swap3A, %swap3A_430], %swap3A_433 {strides = array<i32>} : memref<128x128xf32, #tpu.memory_space<vmem>>, vector<1x16xf32>,
      %get3A_434 = arith.index_cast %scan3A_420 : i32 to index
      %get3A_435 = arith.constant 16 : index
      %get3A_436 = tpu.vector_load %arg7[%get3A_434, %get3A_435] {strides = array<i32>} : memref<128x128xf32, #tpu.memory_space<vmem>>, vector<1x16xf32>,
      %get3A_437 = vector.shape_cast %get3A_436 : vector<1x16xf32> to vector<16xf32>
      %get3A_438 = arith.index_cast %scan3A_420 : i32 to index
      %get3A_439 = arith.constant 16 : index
      %get3A_440 = tpu.vector_load %arg8[%get3A_438, %get3A_439] {strides = array<i32>} : memref<128x128xf32, #tpu.memory_space<vmem>>, vector<1x16xf32>,
      %get3A_441 = vector.shape_cast %get3A_440 : vector<1x16xf32> to vector<16xf32>
      %add3A_442 = arith.addf %get3A_441, %get3A_437 : vector<16xf32>
      %swap3A_443 = arith.index_cast %scan3A_420 : i32 to index
      %swap3A_444 = arith.constant 16 : index
      %swap3A_445 = tpu.vector_load %arg8[%swap3A_443, %swap3A_444] {strides = array<i32>} : memref<128x128xf32, #tpu.memory_space<vmem>>, vector<1x16xf32>,
      %swap3A_446 = vector.shape_cast %swap3A_445 : vector<1x16xf32> to vector<16xf32>
      %swap3A_447 = vector.shape_cast %add3A_442 : vector<16xf32> to vector<1x16xf32>
      tpu.vector_store %arg8[%swap3A_443, %swap3A_444], %swap3A_447 {strides = array<i32>} : memref<128x128xf32, #tpu.memory_space<vmem>>, vector<1x16xf32>,
      %get3A_448 = arith.index_cast %scan3A_420 : i32 to index
      %get3A_449 = arith.constant 32 : index
      %get3A_450 = tpu.vector_load %arg7[%get3A_448, %get3A_449] {strides = array<i32>} : memref<128x128xf32, #tpu.memory_space<vmem>>, vector<1x16xf32>,
      %get3A_451 = vector.shape_cast %get3A_450 : vector<1x16xf32> to vector<16xf32>
      %get3A_452 = arith.index_cast %scan3A_420 : i32 to index
      %get3A_453 = arith.constant 32 : index
      %get3A_454 = tpu.vector_load %arg8[%get3A_452, %get3A_453] {strides = array<i32>} : memref<128x128xf32, #tpu.memory_space<vmem>>, vector<1x16xf32>,
      %get3A_455 = vector.shape_cast %get3A_454 : vector<1x16xf32> to vector<16xf32>
      %add3A_456 = arith.addf %get3A_455, %get3A_451 : vector<16xf32>
      %swap3A_457 = arith.index_cast %scan3A_420 : i32 to index
      %swap3A_458 = arith.constant 32 : index
      %swap3A_459 = tpu.vector_load %arg8[%swap3A_457, %swap3A_458] {strides = array<i32>} : memref<128x128xf32, #tpu.memory_space<vmem>>, vector<1x16xf32>,
      %swap3A_460 = vector.shape_cast %swap3A_459 : vector<1x16xf32> to vector<16xf32>
      %swap3A_461 = vector.shape_cast %add3A_456 : vector<16xf32> to vector<1x16xf32>
      tpu.vector_store %arg8[%swap3A_457, %swap3A_458], %swap3A_461 {strides = array<i32>} : memref<128x128xf32, #tpu.memory_space<vmem>>, vector<1x16xf32>,
      %get3A_462 = arith.index_cast %scan3A_420 : i32 to index
      %get3A_463 = arith.constant 48 : index
      %get3A_464 = tpu.vector_load %arg7[%get3A_462, %get3A_463] {strides = array<i32>} : memref<128x128xf32, #tpu.memory_space<vmem>>, vector<1x16xf32>,
      %get3A_465 = vector.shape_cast %get3A_464 : vector<1x16xf32> to vector<16xf32>
      %get3A_466 = arith.index_cast %scan3A_420 : i32 to index
      %get3A_467 = arith.constant 48 : index
      %get3A_468 = tpu.vector_load %arg8[%get3A_466, %get3A_467] {strides = array<i32>} : memref<128x128xf32, #tpu.memory_space<vmem>>, vector<1x16xf32>,
      %get3A_469 = vector.shape_cast %get3A_468 : vector<1x16xf32> to vector<16xf32>
      %add3A_470 = arith.addf %get3A_469, %get3A_465 : vector<16xf32>
      %swap3A_471 = arith.index_cast %scan3A_420 : i32 to index
      %swap3A_472 = arith.constant 48 : index
      %swap3A_473 = tpu.vector_load %arg8[%swap3A_471, %swap3A_472] {strides = array<i32>} : memref<128x128xf32, #tpu.memory_space<vmem>>, vector<1x16xf32>,
      %swap3A_474 = vector.shape_cast %swap3A_473 : vector<1x16xf32> to vector<16xf32>
      %swap3A_475 = vector.shape_cast %add3A_470 : vector<16xf32> to vector<1x16xf32>
      tpu.vector_store %arg8[%swap3A_471, %swap3A_472], %swap3A_475 {strides = array<i32>} : memref<128x128xf32, #tpu.memory_space<vmem>>, vector<1x16xf32>,
      %get3A_476 = arith.index_cast %scan3A_420 : i32 to index
      %get3A_477 = arith.constant 64 : index
      %get3A_478 = tpu.vector_load %arg7[%get3A_476, %get3A_477] {strides = array<i32>} : memref<128x128xf32, #tpu.memory_space<vmem>>, vector<1x16xf32>,
      %get3A_479 = vector.shape_cast %get3A_478 : vector<1x16xf32> to vector<16xf32>
      %get3A_480 = arith.index_cast %scan3A_420 : i32 to index
      %get3A_481 = arith.constant 64 : index
      %get3A_482 = tpu.vector_load %arg8[%get3A_480, %get3A_481] {strides = array<i32>} : memref<128x128xf32, #tpu.memory_space<vmem>>, vector<1x16xf32>,
      %get3A_483 = vector.shape_cast %get3A_482 : vector<1x16xf32> to vector<16xf32>
      %add3A_484 = arith.addf %get3A_483, %get3A_479 : vector<16xf32>
      %swap3A_485 = arith.index_cast %scan3A_420 : i32 to index
      %swap3A_486 = arith.constant 64 : index
      %swap3A_487 = tpu.vector_load %arg8[%swap3A_485, %swap3A_486] {strides = array<i32>} : memref<128x128xf32, #tpu.memory_space<vmem>>, vector<1x16xf32>,
      %swap3A_488 = vector.shape_cast %swap3A_487 : vector<1x16xf32> to vector<16xf32>
      %swap3A_489 = vector.shape_cast %add3A_484 : vector<16xf32> to vector<1x16xf32>
      tpu.vector_store %arg8[%swap3A_485, %swap3A_486], %swap3A_489 {strides = array<i32>} : memref<128x128xf32, #tpu.memory_space<vmem>>, vector<1x16xf32>,
      %get3A_490 = arith.index_cast %scan3A_420 : i32 to index
      %get3A_491 = arith.constant 80 : index
      %get3A_492 = tpu.vector_load %arg7[%get3A_490, %get3A_491] {strides = array<i32>} : memref<128x128xf32, #tpu.memory_space<vmem>>, vector<1x16xf32>,
      %get3A_493 = vector.shape_cast %get3A_492 : vector<1x16xf32> to vector<16xf32>
      %get3A_494 = arith.index_cast %scan3A_420 : i32 to index
      %get3A_495 = arith.constant 80 : index
      %get3A_496 = tpu.vector_load %arg8[%get3A_494, %get3A_495] {strides = array<i32>} : memref<128x128xf32, #tpu.memory_space<vmem>>, vector<1x16xf32>,
      %get3A_497 = vector.shape_cast %get3A_496 : vector<1x16xf32> to vector<16xf32>
      %add3A_498 = arith.addf %get3A_497, %get3A_493 : vector<16xf32>
      %swap3A_499 = arith.index_cast %scan3A_420 : i32 to index
      %swap3A_500 = arith.constant 80 : index
      %swap3A_501 = tpu.vector_load %arg8[%swap3A_499, %swap3A_500] {strides = array<i32>} : memref<128x128xf32, #tpu.memory_space<vmem>>, vector<1x16xf32>,
      %swap3A_502 = vector.shape_cast %swap3A_501 : vector<1x16xf32> to vector<16xf32>
      %swap3A_503 = vector.shape_cast %add3A_498 : vector<16xf32> to vector<1x16xf32>
      tpu.vector_store %arg8[%swap3A_499, %swap3A_500], %swap3A_503 {strides = array<i32>} : memref<128x128xf32, #tpu.memory_space<vmem>>, vector<1x16xf32>,
      %get3A_504 = arith.index_cast %scan3A_420 : i32 to index
      %get3A_505 = arith.constant 96 : index
      %get3A_506 = tpu.vector_load %arg7[%get3A_504, %get3A_505] {strides = array<i32>} : memref<128x128xf32, #tpu.memory_space<vmem>>, vector<1x16xf32>,
      %get3A_507 = vector.shape_cast %get3A_506 : vector<1x16xf32> to vector<16xf32>
      %get3A_508 = arith.index_cast %scan3A_420 : i32 to index
      %get3A_509 = arith.constant 96 : index
      %get3A_510 = tpu.vector_load %arg8[%get3A_508, %get3A_509] {strides = array<i32>} : memref<128x128xf32, #tpu.memory_space<vmem>>, vector<1x16xf32>,
      %get3A_511 = vector.shape_cast %get3A_510 : vector<1x16xf32> to vector<16xf32>
      %add3A_512 = arith.addf %get3A_511, %get3A_507 : vector<16xf32>
      %swap3A_513 = arith.index_cast %scan3A_420 : i32 to index
      %swap3A_514 = arith.constant 96 : index
      %swap3A_515 = tpu.vector_load %arg8[%swap3A_513, %swap3A_514] {strides = array<i32>} : memref<128x128xf32, #tpu.memory_space<vmem>>, vector<1x16xf32>,
      %swap3A_516 = vector.shape_cast %swap3A_515 : vector<1x16xf32> to vector<16xf32>
      %swap3A_517 = vector.shape_cast %add3A_512 : vector<16xf32> to vector<1x16xf32>
      tpu.vector_store %arg8[%swap3A_513, %swap3A_514], %swap3A_517 {strides = array<i32>} : memref<128x128xf32, #tpu.memory_space<vmem>>, vector<1x16xf32>,
      %get3A_518 = arith.index_cast %scan3A_420 : i32 to index
      %get3A_519 = arith.constant 112 : index
      %get3A_520 = tpu.vector_load %arg7[%get3A_518, %get3A_519] {strides = array<i32>} : memref<128x128xf32, #tpu.memory_space<vmem>>, vector<1x16xf32>,
      %get3A_521 = vector.shape_cast %get3A_520 : vector<1x16xf32> to vector<16xf32>
      %get3A_522 = arith.index_cast %scan3A_420 : i32 to index
      %get3A_523 = arith.constant 112 : index
      %get3A_524 = tpu.vector_load %arg8[%get3A_522, %get3A_523] {strides = array<i32>} : memref<128x128xf32, #tpu.memory_space<vmem>>, vector<1x16xf32>,
      %get3A_525 = vector.shape_cast %get3A_524 : vector<1x16xf32> to vector<16xf32>
      %add3A_526 = arith.addf %get3A_525, %get3A_521 : vector<16xf32>
      %swap3A_527 = arith.index_cast %scan3A_420 : i32 to index
      %swap3A_528 = arith.constant 112 : index
      %swap3A_529 = tpu.vector_load %arg8[%swap3A_527, %swap3A_528] {strides = array<i32>} : memref<128x128xf32, #tpu.memory_space<vmem>>, vector<1x16xf32>,
      %swap3A_530 = vector.shape_cast %swap3A_529 : vector<1x16xf32> to vector<16xf32>
      %swap3A_531 = vector.shape_cast %add3A_526 : vector<16xf32> to vector<1x16xf32>
      tpu.vector_store %arg8[%swap3A_527, %swap3A_528], %swap3A_531 {strides = array<i32>} : memref<128x128xf32, #tpu.memory_space<vmem>>, vector<1x16xf32>,
      %scan3A_532 = arith.constant 0 : i32
      scf.yield %scan3A_532 : i32
    }
    %scan3A_342 = arith.constant 128 : i32
    %dma_start3A_343 = arith.constant 17 : i32
    %dma_start3A_344 = arith.constant 0 : i32
    %dma_start3A_345 = tpu.memref_slice %arg5[%dma_start3A_343, %dma_start3A_344] : memref<20x128xi32, #tpu.memory_space<vmem>> -> memref<1x128xi32, #tpu.memory_space<vmem>>
    %dma_start3A_346 = tpu.memref_squeeze %dma_start3A_345 : memref<1x128xi32, #tpu.memory_space<vmem>> -> memref<128xi32, #tpu.memory_space<vmem>>
    %dma_start3A_347 = arith.constant 0 : i32
    %dma_start3A_348 = arith.constant 0 : i32
    %dma_start3A_349 = tpu.memref_slice %arg2[%dma_start3A_347, %dma_start3A_348] : memref<100000x128xf32, #tpu.memory_space<hbm>> -> memref<100000x128xf32, #tpu.memory_space<hbm>>
    tpu.enqueue_indirect_dma source(%dma_start3A_349 : memref<100000x128xf32, #tpu.memory_space<hbm>>) target(%arg7 : memref<128x128xf32, #tpu.memory_space<vmem>>) offsets(%dma_start3A_346 : memref<128xi32, #tpu.memory_space<vmem>>) semaphore(%arg10 : memref<!tpu.dma_semaphore, #tpu.memory_space<semaphore_mem>>)
    %dma_wait3A_350 = arith.constant 16 : i32
    %dma_wait3A_351 = arith.constant 0 : i32
    %dma_wait3A_352 = tpu.memref_slice %arg5[%dma_wait3A_350, %dma_wait3A_351] : memref<20x128xi32, #tpu.memory_space<vmem>> -> memref<1x128xi32, #tpu.memory_space<vmem>>
    %dma_wait3A_353 = tpu.memref_squeeze %dma_wait3A_352 : memref<1x128xi32, #tpu.memory_space<vmem>> -> memref<128xi32, #tpu.memory_space<vmem>>
    %dma_wait3A_354 = arith.constant 0 : i32
    %dma_wait3A_355 = arith.constant 0 : i32
    %dma_wait3A_356 = tpu.memref_slice %arg2[%dma_wait3A_354, %dma_wait3A_355] : memref<100000x128xf32, #tpu.memory_space<hbm>> -> memref<100000x128xf32, #tpu.memory_space<hbm>>
    tpu.wait_indirect_dma semaphore(%arg9 : memref<!tpu.dma_semaphore, #tpu.memory_space<semaphore_mem>>) src(%dma_wait3A_356 : memref<100000x128xf32, #tpu.memory_space<hbm>>) dst(%arg6 : memref<128x128xf32, #tpu.memory_space<vmem>>)
    %scan3A_357 = arith.constant 0 : i32
    %scan3A_358 = arith.constant 0 : i32
    %scan3A_359 = arith.constant 128 : i32
    %scan3A_360 = arith.addi %scan3A_358, %scan3A_359 : i32
    %scan3A_361 = arith.constant 1 : i32
    %scan3A_362 = scf.for %scan3A_420 = %scan3A_358 to %scan3A_360 step %scan3A_361 iter_args(%scan3A_421 = %scan3A_357) -> (i32)  : i32 {
      %get3A = arith.index_cast %scan3A_420 : i32 to index
      %get3A_422 = arith.constant 0 : index
      %get3A_423 = tpu.vector_load %arg6[%get3A, %get3A_422] {strides = array<i32>} : memref<128x128xf32, #tpu.memory_space<vmem>>, vector<1x16xf32>,
      %get3A_424 = vector.shape_cast %get3A_423 : vector<1x16xf32> to vector<16xf32>
      %get3A_425 = arith.index_cast %scan3A_420 : i32 to index
      %get3A_426 = arith.constant 0 : index
      %get3A_427 = tpu.vector_load %arg8[%get3A_425, %get3A_426] {strides = array<i32>} : memref<128x128xf32, #tpu.memory_space<vmem>>, vector<1x16xf32>,
      %get3A_428 = vector.shape_cast %get3A_427 : vector<1x16xf32> to vector<16xf32>
      %add3A_429 = arith.addf %get3A_428, %get3A_424 : vector<16xf32>
      %swap3A = arith.index_cast %scan3A_420 : i32 to index
      %swap3A_430 = arith.constant 0 : index
      %swap3A_431 = tpu.vector_load %arg8[%swap3A, %swap3A_430] {strides = array<i32>} : memref<128x128xf32, #tpu.memory_space<vmem>>, vector<1x16xf32>,
      %swap3A_432 = vector.shape_cast %swap3A_431 : vector<1x16xf32> to vector<16xf32>
      %swap3A_433 = vector.shape_cast %add3A_429 : vector<16xf32> to vector<1x16xf32>
      tpu.vector_store %arg8[%swap3A, %swap3A_430], %swap3A_433 {strides = array<i32>} : memref<128x128xf32, #tpu.memory_space<vmem>>, vector<1x16xf32>,
      %get3A_434 = arith.index_cast %scan3A_420 : i32 to index
      %get3A_435 = arith.constant 16 : index
      %get3A_436 = tpu.vector_load %arg6[%get3A_434, %get3A_435] {strides = array<i32>} : memref<128x128xf32, #tpu.memory_space<vmem>>, vector<1x16xf32>,
      %get3A_437 = vector.shape_cast %get3A_436 : vector<1x16xf32> to vector<16xf32>
      %get3A_438 = arith.index_cast %scan3A_420 : i32 to index
      %get3A_439 = arith.constant 16 : index
      %get3A_440 = tpu.vector_load %arg8[%get3A_438, %get3A_439] {strides = array<i32>} : memref<128x128xf32, #tpu.memory_space<vmem>>, vector<1x16xf32>,
      %get3A_441 = vector.shape_cast %get3A_440 : vector<1x16xf32> to vector<16xf32>
      %add3A_442 = arith.addf %get3A_441, %get3A_437 : vector<16xf32>
      %swap3A_443 = arith.index_cast %scan3A_420 : i32 to index
      %swap3A_444 = arith.constant 16 : index
      %swap3A_445 = tpu.vector_load %arg8[%swap3A_443, %swap3A_444] {strides = array<i32>} : memref<128x128xf32, #tpu.memory_space<vmem>>, vector<1x16xf32>,
      %swap3A_446 = vector.shape_cast %swap3A_445 : vector<1x16xf32> to vector<16xf32>
      %swap3A_447 = vector.shape_cast %add3A_442 : vector<16xf32> to vector<1x16xf32>
      tpu.vector_store %arg8[%swap3A_443, %swap3A_444], %swap3A_447 {strides = array<i32>} : memref<128x128xf32, #tpu.memory_space<vmem>>, vector<1x16xf32>,
      %get3A_448 = arith.index_cast %scan3A_420 : i32 to index
      %get3A_449 = arith.constant 32 : index
      %get3A_450 = tpu.vector_load %arg6[%get3A_448, %get3A_449] {strides = array<i32>} : memref<128x128xf32, #tpu.memory_space<vmem>>, vector<1x16xf32>,
      %get3A_451 = vector.shape_cast %get3A_450 : vector<1x16xf32> to vector<16xf32>
      %get3A_452 = arith.index_cast %scan3A_420 : i32 to index
      %get3A_453 = arith.constant 32 : index
      %get3A_454 = tpu.vector_load %arg8[%get3A_452, %get3A_453] {strides = array<i32>} : memref<128x128xf32, #tpu.memory_space<vmem>>, vector<1x16xf32>,
      %get3A_455 = vector.shape_cast %get3A_454 : vector<1x16xf32> to vector<16xf32>
      %add3A_456 = arith.addf %get3A_455, %get3A_451 : vector<16xf32>
      %swap3A_457 = arith.index_cast %scan3A_420 : i32 to index
      %swap3A_458 = arith.constant 32 : index
      %swap3A_459 = tpu.vector_load %arg8[%swap3A_457, %swap3A_458] {strides = array<i32>} : memref<128x128xf32, #tpu.memory_space<vmem>>, vector<1x16xf32>,
      %swap3A_460 = vector.shape_cast %swap3A_459 : vector<1x16xf32> to vector<16xf32>
      %swap3A_461 = vector.shape_cast %add3A_456 : vector<16xf32> to vector<1x16xf32>
      tpu.vector_store %arg8[%swap3A_457, %swap3A_458], %swap3A_461 {strides = array<i32>} : memref<128x128xf32, #tpu.memory_space<vmem>>, vector<1x16xf32>,
      %get3A_462 = arith.index_cast %scan3A_420 : i32 to index
      %get3A_463 = arith.constant 48 : index
      %get3A_464 = tpu.vector_load %arg6[%get3A_462, %get3A_463] {strides = array<i32>} : memref<128x128xf32, #tpu.memory_space<vmem>>, vector<1x16xf32>,
      %get3A_465 = vector.shape_cast %get3A_464 : vector<1x16xf32> to vector<16xf32>
      %get3A_466 = arith.index_cast %scan3A_420 : i32 to index
      %get3A_467 = arith.constant 48 : index
      %get3A_468 = tpu.vector_load %arg8[%get3A_466, %get3A_467] {strides = array<i32>} : memref<128x128xf32, #tpu.memory_space<vmem>>, vector<1x16xf32>,
      %get3A_469 = vector.shape_cast %get3A_468 : vector<1x16xf32> to vector<16xf32>
      %add3A_470 = arith.addf %get3A_469, %get3A_465 : vector<16xf32>
      %swap3A_471 = arith.index_cast %scan3A_420 : i32 to index
      %swap3A_472 = arith.constant 48 : index
      %swap3A_473 = tpu.vector_load %arg8[%swap3A_471, %swap3A_472] {strides = array<i32>} : memref<128x128xf32, #tpu.memory_space<vmem>>, vector<1x16xf32>,
      %swap3A_474 = vector.shape_cast %swap3A_473 : vector<1x16xf32> to vector<16xf32>
      %swap3A_475 = vector.shape_cast %add3A_470 : vector<16xf32> to vector<1x16xf32>
      tpu.vector_store %arg8[%swap3A_471, %swap3A_472], %swap3A_475 {strides = array<i32>} : memref<128x128xf32, #tpu.memory_space<vmem>>, vector<1x16xf32>,
      %get3A_476 = arith.index_cast %scan3A_420 : i32 to index
      %get3A_477 = arith.constant 64 : index
      %get3A_478 = tpu.vector_load %arg6[%get3A_476, %get3A_477] {strides = array<i32>} : memref<128x128xf32, #tpu.memory_space<vmem>>, vector<1x16xf32>,
      %get3A_479 = vector.shape_cast %get3A_478 : vector<1x16xf32> to vector<16xf32>
      %get3A_480 = arith.index_cast %scan3A_420 : i32 to index
      %get3A_481 = arith.constant 64 : index
      %get3A_482 = tpu.vector_load %arg8[%get3A_480, %get3A_481] {strides = array<i32>} : memref<128x128xf32, #tpu.memory_space<vmem>>, vector<1x16xf32>,
      %get3A_483 = vector.shape_cast %get3A_482 : vector<1x16xf32> to vector<16xf32>
      %add3A_484 = arith.addf %get3A_483, %get3A_479 : vector<16xf32>
      %swap3A_485 = arith.index_cast %scan3A_420 : i32 to index
      %swap3A_486 = arith.constant 64 : index
      %swap3A_487 = tpu.vector_load %arg8[%swap3A_485, %swap3A_486] {strides = array<i32>} : memref<128x128xf32, #tpu.memory_space<vmem>>, vector<1x16xf32>,
      %swap3A_488 = vector.shape_cast %swap3A_487 : vector<1x16xf32> to vector<16xf32>
      %swap3A_489 = vector.shape_cast %add3A_484 : vector<16xf32> to vector<1x16xf32>
      tpu.vector_store %arg8[%swap3A_485, %swap3A_486], %swap3A_489 {strides = array<i32>} : memref<128x128xf32, #tpu.memory_space<vmem>>, vector<1x16xf32>,
      %get3A_490 = arith.index_cast %scan3A_420 : i32 to index
      %get3A_491 = arith.constant 80 : index
      %get3A_492 = tpu.vector_load %arg6[%get3A_490, %get3A_491] {strides = array<i32>} : memref<128x128xf32, #tpu.memory_space<vmem>>, vector<1x16xf32>,
      %get3A_493 = vector.shape_cast %get3A_492 : vector<1x16xf32> to vector<16xf32>
      %get3A_494 = arith.index_cast %scan3A_420 : i32 to index
      %get3A_495 = arith.constant 80 : index
      %get3A_496 = tpu.vector_load %arg8[%get3A_494, %get3A_495] {strides = array<i32>} : memref<128x128xf32, #tpu.memory_space<vmem>>, vector<1x16xf32>,
      %get3A_497 = vector.shape_cast %get3A_496 : vector<1x16xf32> to vector<16xf32>
      %add3A_498 = arith.addf %get3A_497, %get3A_493 : vector<16xf32>
      %swap3A_499 = arith.index_cast %scan3A_420 : i32 to index
      %swap3A_500 = arith.constant 80 : index
      %swap3A_501 = tpu.vector_load %arg8[%swap3A_499, %swap3A_500] {strides = array<i32>} : memref<128x128xf32, #tpu.memory_space<vmem>>, vector<1x16xf32>,
      %swap3A_502 = vector.shape_cast %swap3A_501 : vector<1x16xf32> to vector<16xf32>
      %swap3A_503 = vector.shape_cast %add3A_498 : vector<16xf32> to vector<1x16xf32>
      tpu.vector_store %arg8[%swap3A_499, %swap3A_500], %swap3A_503 {strides = array<i32>} : memref<128x128xf32, #tpu.memory_space<vmem>>, vector<1x16xf32>,
      %get3A_504 = arith.index_cast %scan3A_420 : i32 to index
      %get3A_505 = arith.constant 96 : index
      %get3A_506 = tpu.vector_load %arg6[%get3A_504, %get3A_505] {strides = array<i32>} : memref<128x128xf32, #tpu.memory_space<vmem>>, vector<1x16xf32>,
      %get3A_507 = vector.shape_cast %get3A_506 : vector<1x16xf32> to vector<16xf32>
      %get3A_508 = arith.index_cast %scan3A_420 : i32 to index
      %get3A_509 = arith.constant 96 : index
      %get3A_510 = tpu.vector_load %arg8[%get3A_508, %get3A_509] {strides = array<i32>} : memref<128x128xf32, #tpu.memory_space<vmem>>, vector<1x16xf32>,
      %get3A_511 = vector.shape_cast %get3A_510 : vector<1x16xf32> to vector<16xf32>
      %add3A_512 = arith.addf %get3A_511, %get3A_507 : vector<16xf32>
      %swap3A_513 = arith.index_cast %scan3A_420 : i32 to index
      %swap3A_514 = arith.constant 96 : index
      %swap3A_515 = tpu.vector_load %arg8[%swap3A_513, %swap3A_514] {strides = array<i32>} : memref<128x128xf32, #tpu.memory_space<vmem>>, vector<1x16xf32>,
      %swap3A_516 = vector.shape_cast %swap3A_515 : vector<1x16xf32> to vector<16xf32>
      %swap3A_517 = vector.shape_cast %add3A_512 : vector<16xf32> to vector<1x16xf32>
      tpu.vector_store %arg8[%swap3A_513, %swap3A_514], %swap3A_517 {strides = array<i32>} : memref<128x128xf32, #tpu.memory_space<vmem>>, vector<1x16xf32>,
      %get3A_518 = arith.index_cast %scan3A_420 : i32 to index
      %get3A_519 = arith.constant 112 : index
      %get3A_520 = tpu.vector_load %arg6[%get3A_518, %get3A_519] {strides = array<i32>} : memref<128x128xf32, #tpu.memory_space<vmem>>, vector<1x16xf32>,
      %get3A_521 = vector.shape_cast %get3A_520 : vector<1x16xf32> to vector<16xf32>
      %get3A_522 = arith.index_cast %scan3A_420 : i32 to index
      %get3A_523 = arith.constant 112 : index
      %get3A_524 = tpu.vector_load %arg8[%get3A_522, %get3A_523] {strides = array<i32>} : memref<128x128xf32, #tpu.memory_space<vmem>>, vector<1x16xf32>,
      %get3A_525 = vector.shape_cast %get3A_524 : vector<1x16xf32> to vector<16xf32>
      %add3A_526 = arith.addf %get3A_525, %get3A_521 : vector<16xf32>
      %swap3A_527 = arith.index_cast %scan3A_420 : i32 to index
      %swap3A_528 = arith.constant 112 : index
      %swap3A_529 = tpu.vector_load %arg8[%swap3A_527, %swap3A_528] {strides = array<i32>} : memref<128x128xf32, #tpu.memory_space<vmem>>, vector<1x16xf32>,
      %swap3A_530 = vector.shape_cast %swap3A_529 : vector<1x16xf32> to vector<16xf32>
      %swap3A_531 = vector.shape_cast %add3A_526 : vector<16xf32> to vector<1x16xf32>
      tpu.vector_store %arg8[%swap3A_527, %swap3A_528], %swap3A_531 {strides = array<i32>} : memref<128x128xf32, #tpu.memory_space<vmem>>, vector<1x16xf32>,
      %scan3A_532 = arith.constant 0 : i32
      scf.yield %scan3A_532 : i32
    }
    %scan3A_363 = arith.constant 128 : i32
    %dma_start3A_364 = arith.constant 18 : i32
    %dma_start3A_365 = arith.constant 0 : i32
    %dma_start3A_366 = tpu.memref_slice %arg5[%dma_start3A_364, %dma_start3A_365] : memref<20x128xi32, #tpu.memory_space<vmem>> -> memref<1x128xi32, #tpu.memory_space<vmem>>
    %dma_start3A_367 = tpu.memref_squeeze %dma_start3A_366 : memref<1x128xi32, #tpu.memory_space<vmem>> -> memref<128xi32, #tpu.memory_space<vmem>>
    %dma_start3A_368 = arith.constant 0 : i32
    %dma_start3A_369 = arith.constant 0 : i32
    %dma_start3A_370 = tpu.memref_slice %arg2[%dma_start3A_368, %dma_start3A_369] : memref<100000x128xf32, #tpu.memory_space<hbm>> -> memref<100000x128xf32, #tpu.memory_space<hbm>>
    tpu.enqueue_indirect_dma source(%dma_start3A_370 : memref<100000x128xf32, #tpu.memory_space<hbm>>) target(%arg6 : memref<128x128xf32, #tpu.memory_space<vmem>>) offsets(%dma_start3A_367 : memref<128xi32, #tpu.memory_space<vmem>>) semaphore(%arg9 : memref<!tpu.dma_semaphore, #tpu.memory_space<semaphore_mem>>)
    %dma_wait3A_371 = arith.constant 17 : i32
    %dma_wait3A_372 = arith.constant 0 : i32
    %dma_wait3A_373 = tpu.memref_slice %arg5[%dma_wait3A_371, %dma_wait3A_372] : memref<20x128xi32, #tpu.memory_space<vmem>> -> memref<1x128xi32, #tpu.memory_space<vmem>>
    %dma_wait3A_374 = tpu.memref_squeeze %dma_wait3A_373 : memref<1x128xi32, #tpu.memory_space<vmem>> -> memref<128xi32, #tpu.memory_space<vmem>>
    %dma_wait3A_375 = arith.constant 0 : i32
    %dma_wait3A_376 = arith.constant 0 : i32
    %dma_wait3A_377 = tpu.memref_slice %arg2[%dma_wait3A_375, %dma_wait3A_376] : memref<100000x128xf32, #tpu.memory_space<hbm>> -> memref<100000x128xf32, #tpu.memory_space<hbm>>
    tpu.wait_indirect_dma semaphore(%arg10 : memref<!tpu.dma_semaphore, #tpu.memory_space<semaphore_mem>>) src(%dma_wait3A_377 : memref<100000x128xf32, #tpu.memory_space<hbm>>) dst(%arg7 : memref<128x128xf32, #tpu.memory_space<vmem>>)
    %scan3A_378 = arith.constant 0 : i32
    %scan3A_379 = arith.constant 0 : i32
    %scan3A_380 = arith.constant 128 : i32
    %scan3A_381 = arith.addi %scan3A_379, %scan3A_380 : i32
    %scan3A_382 = arith.constant 1 : i32
    %scan3A_383 = scf.for %scan3A_420 = %scan3A_379 to %scan3A_381 step %scan3A_382 iter_args(%scan3A_421 = %scan3A_378) -> (i32)  : i32 {
      %get3A = arith.index_cast %scan3A_420 : i32 to index
      %get3A_422 = arith.constant 0 : index
      %get3A_423 = tpu.vector_load %arg7[%get3A, %get3A_422] {strides = array<i32>} : memref<128x128xf32, #tpu.memory_space<vmem>>, vector<1x16xf32>,
      %get3A_424 = vector.shape_cast %get3A_423 : vector<1x16xf32> to vector<16xf32>
      %get3A_425 = arith.index_cast %scan3A_420 : i32 to index
      %get3A_426 = arith.constant 0 : index
      %get3A_427 = tpu.vector_load %arg8[%get3A_425, %get3A_426] {strides = array<i32>} : memref<128x128xf32, #tpu.memory_space<vmem>>, vector<1x16xf32>,
      %get3A_428 = vector.shape_cast %get3A_427 : vector<1x16xf32> to vector<16xf32>
      %add3A_429 = arith.addf %get3A_428, %get3A_424 : vector<16xf32>
      %swap3A = arith.index_cast %scan3A_420 : i32 to index
      %swap3A_430 = arith.constant 0 : index
      %swap3A_431 = tpu.vector_load %arg8[%swap3A, %swap3A_430] {strides = array<i32>} : memref<128x128xf32, #tpu.memory_space<vmem>>, vector<1x16xf32>,
      %swap3A_432 = vector.shape_cast %swap3A_431 : vector<1x16xf32> to vector<16xf32>
      %swap3A_433 = vector.shape_cast %add3A_429 : vector<16xf32> to vector<1x16xf32>
      tpu.vector_store %arg8[%swap3A, %swap3A_430], %swap3A_433 {strides = array<i32>} : memref<128x128xf32, #tpu.memory_space<vmem>>, vector<1x16xf32>,
      %get3A_434 = arith.index_cast %scan3A_420 : i32 to index
      %get3A_435 = arith.constant 16 : index
      %get3A_436 = tpu.vector_load %arg7[%get3A_434, %get3A_435] {strides = array<i32>} : memref<128x128xf32, #tpu.memory_space<vmem>>, vector<1x16xf32>,
      %get3A_437 = vector.shape_cast %get3A_436 : vector<1x16xf32> to vector<16xf32>
      %get3A_438 = arith.index_cast %scan3A_420 : i32 to index
      %get3A_439 = arith.constant 16 : index
      %get3A_440 = tpu.vector_load %arg8[%get3A_438, %get3A_439] {strides = array<i32>} : memref<128x128xf32, #tpu.memory_space<vmem>>, vector<1x16xf32>,
      %get3A_441 = vector.shape_cast %get3A_440 : vector<1x16xf32> to vector<16xf32>
      %add3A_442 = arith.addf %get3A_441, %get3A_437 : vector<16xf32>
      %swap3A_443 = arith.index_cast %scan3A_420 : i32 to index
      %swap3A_444 = arith.constant 16 : index
      %swap3A_445 = tpu.vector_load %arg8[%swap3A_443, %swap3A_444] {strides = array<i32>} : memref<128x128xf32, #tpu.memory_space<vmem>>, vector<1x16xf32>,
      %swap3A_446 = vector.shape_cast %swap3A_445 : vector<1x16xf32> to vector<16xf32>
      %swap3A_447 = vector.shape_cast %add3A_442 : vector<16xf32> to vector<1x16xf32>
      tpu.vector_store %arg8[%swap3A_443, %swap3A_444], %swap3A_447 {strides = array<i32>} : memref<128x128xf32, #tpu.memory_space<vmem>>, vector<1x16xf32>,
      %get3A_448 = arith.index_cast %scan3A_420 : i32 to index
      %get3A_449 = arith.constant 32 : index
      %get3A_450 = tpu.vector_load %arg7[%get3A_448, %get3A_449] {strides = array<i32>} : memref<128x128xf32, #tpu.memory_space<vmem>>, vector<1x16xf32>,
      %get3A_451 = vector.shape_cast %get3A_450 : vector<1x16xf32> to vector<16xf32>
      %get3A_452 = arith.index_cast %scan3A_420 : i32 to index
      %get3A_453 = arith.constant 32 : index
      %get3A_454 = tpu.vector_load %arg8[%get3A_452, %get3A_453] {strides = array<i32>} : memref<128x128xf32, #tpu.memory_space<vmem>>, vector<1x16xf32>,
      %get3A_455 = vector.shape_cast %get3A_454 : vector<1x16xf32> to vector<16xf32>
      %add3A_456 = arith.addf %get3A_455, %get3A_451 : vector<16xf32>
      %swap3A_457 = arith.index_cast %scan3A_420 : i32 to index
      %swap3A_458 = arith.constant 32 : index
      %swap3A_459 = tpu.vector_load %arg8[%swap3A_457, %swap3A_458] {strides = array<i32>} : memref<128x128xf32, #tpu.memory_space<vmem>>, vector<1x16xf32>,
      %swap3A_460 = vector.shape_cast %swap3A_459 : vector<1x16xf32> to vector<16xf32>
      %swap3A_461 = vector.shape_cast %add3A_456 : vector<16xf32> to vector<1x16xf32>
      tpu.vector_store %arg8[%swap3A_457, %swap3A_458], %swap3A_461 {strides = array<i32>} : memref<128x128xf32, #tpu.memory_space<vmem>>, vector<1x16xf32>,
      %get3A_462 = arith.index_cast %scan3A_420 : i32 to index
      %get3A_463 = arith.constant 48 : index
      %get3A_464 = tpu.vector_load %arg7[%get3A_462, %get3A_463] {strides = array<i32>} : memref<128x128xf32, #tpu.memory_space<vmem>>, vector<1x16xf32>,
      %get3A_465 = vector.shape_cast %get3A_464 : vector<1x16xf32> to vector<16xf32>
      %get3A_466 = arith.index_cast %scan3A_420 : i32 to index
      %get3A_467 = arith.constant 48 : index
      %get3A_468 = tpu.vector_load %arg8[%get3A_466, %get3A_467] {strides = array<i32>} : memref<128x128xf32, #tpu.memory_space<vmem>>, vector<1x16xf32>,
      %get3A_469 = vector.shape_cast %get3A_468 : vector<1x16xf32> to vector<16xf32>
      %add3A_470 = arith.addf %get3A_469, %get3A_465 : vector<16xf32>
      %swap3A_471 = arith.index_cast %scan3A_420 : i32 to index
      %swap3A_472 = arith.constant 48 : index
      %swap3A_473 = tpu.vector_load %arg8[%swap3A_471, %swap3A_472] {strides = array<i32>} : memref<128x128xf32, #tpu.memory_space<vmem>>, vector<1x16xf32>,
      %swap3A_474 = vector.shape_cast %swap3A_473 : vector<1x16xf32> to vector<16xf32>
      %swap3A_475 = vector.shape_cast %add3A_470 : vector<16xf32> to vector<1x16xf32>
      tpu.vector_store %arg8[%swap3A_471, %swap3A_472], %swap3A_475 {strides = array<i32>} : memref<128x128xf32, #tpu.memory_space<vmem>>, vector<1x16xf32>,
      %get3A_476 = arith.index_cast %scan3A_420 : i32 to index
      %get3A_477 = arith.constant 64 : index
      %get3A_478 = tpu.vector_load %arg7[%get3A_476, %get3A_477] {strides = array<i32>} : memref<128x128xf32, #tpu.memory_space<vmem>>, vector<1x16xf32>,
      %get3A_479 = vector.shape_cast %get3A_478 : vector<1x16xf32> to vector<16xf32>
      %get3A_480 = arith.index_cast %scan3A_420 : i32 to index
      %get3A_481 = arith.constant 64 : index
      %get3A_482 = tpu.vector_load %arg8[%get3A_480, %get3A_481] {strides = array<i32>} : memref<128x128xf32, #tpu.memory_space<vmem>>, vector<1x16xf32>,
      %get3A_483 = vector.shape_cast %get3A_482 : vector<1x16xf32> to vector<16xf32>
      %add3A_484 = arith.addf %get3A_483, %get3A_479 : vector<16xf32>
      %swap3A_485 = arith.index_cast %scan3A_420 : i32 to index
      %swap3A_486 = arith.constant 64 : index
      %swap3A_487 = tpu.vector_load %arg8[%swap3A_485, %swap3A_486] {strides = array<i32>} : memref<128x128xf32, #tpu.memory_space<vmem>>, vector<1x16xf32>,
      %swap3A_488 = vector.shape_cast %swap3A_487 : vector<1x16xf32> to vector<16xf32>
      %swap3A_489 = vector.shape_cast %add3A_484 : vector<16xf32> to vector<1x16xf32>
      tpu.vector_store %arg8[%swap3A_485, %swap3A_486], %swap3A_489 {strides = array<i32>} : memref<128x128xf32, #tpu.memory_space<vmem>>, vector<1x16xf32>,
      %get3A_490 = arith.index_cast %scan3A_420 : i32 to index
      %get3A_491 = arith.constant 80 : index
      %get3A_492 = tpu.vector_load %arg7[%get3A_490, %get3A_491] {strides = array<i32>} : memref<128x128xf32, #tpu.memory_space<vmem>>, vector<1x16xf32>,
      %get3A_493 = vector.shape_cast %get3A_492 : vector<1x16xf32> to vector<16xf32>
      %get3A_494 = arith.index_cast %scan3A_420 : i32 to index
      %get3A_495 = arith.constant 80 : index
      %get3A_496 = tpu.vector_load %arg8[%get3A_494, %get3A_495] {strides = array<i32>} : memref<128x128xf32, #tpu.memory_space<vmem>>, vector<1x16xf32>,
      %get3A_497 = vector.shape_cast %get3A_496 : vector<1x16xf32> to vector<16xf32>
      %add3A_498 = arith.addf %get3A_497, %get3A_493 : vector<16xf32>
      %swap3A_499 = arith.index_cast %scan3A_420 : i32 to index
      %swap3A_500 = arith.constant 80 : index
      %swap3A_501 = tpu.vector_load %arg8[%swap3A_499, %swap3A_500] {strides = array<i32>} : memref<128x128xf32, #tpu.memory_space<vmem>>, vector<1x16xf32>,
      %swap3A_502 = vector.shape_cast %swap3A_501 : vector<1x16xf32> to vector<16xf32>
      %swap3A_503 = vector.shape_cast %add3A_498 : vector<16xf32> to vector<1x16xf32>
      tpu.vector_store %arg8[%swap3A_499, %swap3A_500], %swap3A_503 {strides = array<i32>} : memref<128x128xf32, #tpu.memory_space<vmem>>, vector<1x16xf32>,
      %get3A_504 = arith.index_cast %scan3A_420 : i32 to index
      %get3A_505 = arith.constant 96 : index
      %get3A_506 = tpu.vector_load %arg7[%get3A_504, %get3A_505] {strides = array<i32>} : memref<128x128xf32, #tpu.memory_space<vmem>>, vector<1x16xf32>,
      %get3A_507 = vector.shape_cast %get3A_506 : vector<1x16xf32> to vector<16xf32>
      %get3A_508 = arith.index_cast %scan3A_420 : i32 to index
      %get3A_509 = arith.constant 96 : index
      %get3A_510 = tpu.vector_load %arg8[%get3A_508, %get3A_509] {strides = array<i32>} : memref<128x128xf32, #tpu.memory_space<vmem>>, vector<1x16xf32>,
      %get3A_511 = vector.shape_cast %get3A_510 : vector<1x16xf32> to vector<16xf32>
      %add3A_512 = arith.addf %get3A_511, %get3A_507 : vector<16xf32>
      %swap3A_513 = arith.index_cast %scan3A_420 : i32 to index
      %swap3A_514 = arith.constant 96 : index
      %swap3A_515 = tpu.vector_load %arg8[%swap3A_513, %swap3A_514] {strides = array<i32>} : memref<128x128xf32, #tpu.memory_space<vmem>>, vector<1x16xf32>,
      %swap3A_516 = vector.shape_cast %swap3A_515 : vector<1x16xf32> to vector<16xf32>
      %swap3A_517 = vector.shape_cast %add3A_512 : vector<16xf32> to vector<1x16xf32>
      tpu.vector_store %arg8[%swap3A_513, %swap3A_514], %swap3A_517 {strides = array<i32>} : memref<128x128xf32, #tpu.memory_space<vmem>>, vector<1x16xf32>,
      %get3A_518 = arith.index_cast %scan3A_420 : i32 to index
      %get3A_519 = arith.constant 112 : index
      %get3A_520 = tpu.vector_load %arg7[%get3A_518, %get3A_519] {strides = array<i32>} : memref<128x128xf32, #tpu.memory_space<vmem>>, vector<1x16xf32>,
      %get3A_521 = vector.shape_cast %get3A_520 : vector<1x16xf32> to vector<16xf32>
      %get3A_522 = arith.index_cast %scan3A_420 : i32 to index
      %get3A_523 = arith.constant 112 : index
      %get3A_524 = tpu.vector_load %arg8[%get3A_522, %get3A_523] {strides = array<i32>} : memref<128x128xf32, #tpu.memory_space<vmem>>, vector<1x16xf32>,
      %get3A_525 = vector.shape_cast %get3A_524 : vector<1x16xf32> to vector<16xf32>
      %add3A_526 = arith.addf %get3A_525, %get3A_521 : vector<16xf32>
      %swap3A_527 = arith.index_cast %scan3A_420 : i32 to index
      %swap3A_528 = arith.constant 112 : index
      %swap3A_529 = tpu.vector_load %arg8[%swap3A_527, %swap3A_528] {strides = array<i32>} : memref<128x128xf32, #tpu.memory_space<vmem>>, vector<1x16xf32>,
      %swap3A_530 = vector.shape_cast %swap3A_529 : vector<1x16xf32> to vector<16xf32>
      %swap3A_531 = vector.shape_cast %add3A_526 : vector<16xf32> to vector<1x16xf32>
      tpu.vector_store %arg8[%swap3A_527, %swap3A_528], %swap3A_531 {strides = array<i32>} : memref<128x128xf32, #tpu.memory_space<vmem>>, vector<1x16xf32>,
      %scan3A_532 = arith.constant 0 : i32
      scf.yield %scan3A_532 : i32
    }
    %scan3A_384 = arith.constant 128 : i32
    %dma_start3A_385 = arith.constant 19 : i32
    %dma_start3A_386 = arith.constant 0 : i32
    %dma_start3A_387 = tpu.memref_slice %arg5[%dma_start3A_385, %dma_start3A_386] : memref<20x128xi32, #tpu.memory_space<vmem>> -> memref<1x128xi32, #tpu.memory_space<vmem>>
    %dma_start3A_388 = tpu.memref_squeeze %dma_start3A_387 : memref<1x128xi32, #tpu.memory_space<vmem>> -> memref<128xi32, #tpu.memory_space<vmem>>
    %dma_start3A_389 = arith.constant 0 : i32
    %dma_start3A_390 = arith.constant 0 : i32
    %dma_start3A_391 = tpu.memref_slice %arg2[%dma_start3A_389, %dma_start3A_390] : memref<100000x128xf32, #tpu.memory_space<hbm>> -> memref<100000x128xf32, #tpu.memory_space<hbm>>
    tpu.enqueue_indirect_dma source(%dma_start3A_391 : memref<100000x128xf32, #tpu.memory_space<hbm>>) target(%arg7 : memref<128x128xf32, #tpu.memory_space<vmem>>) offsets(%dma_start3A_388 : memref<128xi32, #tpu.memory_space<vmem>>) semaphore(%arg10 : memref<!tpu.dma_semaphore, #tpu.memory_space<semaphore_mem>>)
    %dma_wait3A_392 = arith.constant 18 : i32
    %dma_wait3A_393 = arith.constant 0 : i32
    %dma_wait3A_394 = tpu.memref_slice %arg5[%dma_wait3A_392, %dma_wait3A_393] : memref<20x128xi32, #tpu.memory_space<vmem>> -> memref<1x128xi32, #tpu.memory_space<vmem>>
    %dma_wait3A_395 = tpu.memref_squeeze %dma_wait3A_394 : memref<1x128xi32, #tpu.memory_space<vmem>> -> memref<128xi32, #tpu.memory_space<vmem>>
    %dma_wait3A_396 = arith.constant 0 : i32
    %dma_wait3A_397 = arith.constant 0 : i32
    %dma_wait3A_398 = tpu.memref_slice %arg2[%dma_wait3A_396, %dma_wait3A_397] : memref<100000x128xf32, #tpu.memory_space<hbm>> -> memref<100000x128xf32, #tpu.memory_space<hbm>>
    tpu.wait_indirect_dma semaphore(%arg9 : memref<!tpu.dma_semaphore, #tpu.memory_space<semaphore_mem>>) src(%dma_wait3A_398 : memref<100000x128xf32, #tpu.memory_space<hbm>>) dst(%arg6 : memref<128x128xf32, #tpu.memory_space<vmem>>)
    %scan3A_399 = arith.constant 0 : i32
    %scan3A_400 = arith.constant 0 : i32
    %scan3A_401 = arith.constant 128 : i32
    %scan3A_402 = arith.addi %scan3A_400, %scan3A_401 : i32
    %scan3A_403 = arith.constant 1 : i32
    %scan3A_404 = scf.for %scan3A_420 = %scan3A_400 to %scan3A_402 step %scan3A_403 iter_args(%scan3A_421 = %scan3A_399) -> (i32)  : i32 {
      %get3A = arith.index_cast %scan3A_420 : i32 to index
      %get3A_422 = arith.constant 0 : index
      %get3A_423 = tpu.vector_load %arg6[%get3A, %get3A_422] {strides = array<i32>} : memref<128x128xf32, #tpu.memory_space<vmem>>, vector<1x16xf32>,
      %get3A_424 = vector.shape_cast %get3A_423 : vector<1x16xf32> to vector<16xf32>
      %get3A_425 = arith.index_cast %scan3A_420 : i32 to index
      %get3A_426 = arith.constant 0 : index
      %get3A_427 = tpu.vector_load %arg8[%get3A_425, %get3A_426] {strides = array<i32>} : memref<128x128xf32, #tpu.memory_space<vmem>>, vector<1x16xf32>,
      %get3A_428 = vector.shape_cast %get3A_427 : vector<1x16xf32> to vector<16xf32>
      %add3A_429 = arith.addf %get3A_428, %get3A_424 : vector<16xf32>
      %swap3A = arith.index_cast %scan3A_420 : i32 to index
      %swap3A_430 = arith.constant 0 : index
      %swap3A_431 = tpu.vector_load %arg8[%swap3A, %swap3A_430] {strides = array<i32>} : memref<128x128xf32, #tpu.memory_space<vmem>>, vector<1x16xf32>,
      %swap3A_432 = vector.shape_cast %swap3A_431 : vector<1x16xf32> to vector<16xf32>
      %swap3A_433 = vector.shape_cast %add3A_429 : vector<16xf32> to vector<1x16xf32>
      tpu.vector_store %arg8[%swap3A, %swap3A_430], %swap3A_433 {strides = array<i32>} : memref<128x128xf32, #tpu.memory_space<vmem>>, vector<1x16xf32>,
      %get3A_434 = arith.index_cast %scan3A_420 : i32 to index
      %get3A_435 = arith.constant 16 : index
      %get3A_436 = tpu.vector_load %arg6[%get3A_434, %get3A_435] {strides = array<i32>} : memref<128x128xf32, #tpu.memory_space<vmem>>, vector<1x16xf32>,
      %get3A_437 = vector.shape_cast %get3A_436 : vector<1x16xf32> to vector<16xf32>
      %get3A_438 = arith.index_cast %scan3A_420 : i32 to index
      %get3A_439 = arith.constant 16 : index
      %get3A_440 = tpu.vector_load %arg8[%get3A_438, %get3A_439] {strides = array<i32>} : memref<128x128xf32, #tpu.memory_space<vmem>>, vector<1x16xf32>,
      %get3A_441 = vector.shape_cast %get3A_440 : vector<1x16xf32> to vector<16xf32>
      %add3A_442 = arith.addf %get3A_441, %get3A_437 : vector<16xf32>
      %swap3A_443 = arith.index_cast %scan3A_420 : i32 to index
      %swap3A_444 = arith.constant 16 : index
      %swap3A_445 = tpu.vector_load %arg8[%swap3A_443, %swap3A_444] {strides = array<i32>} : memref<128x128xf32, #tpu.memory_space<vmem>>, vector<1x16xf32>,
      %swap3A_446 = vector.shape_cast %swap3A_445 : vector<1x16xf32> to vector<16xf32>
      %swap3A_447 = vector.shape_cast %add3A_442 : vector<16xf32> to vector<1x16xf32>
      tpu.vector_store %arg8[%swap3A_443, %swap3A_444], %swap3A_447 {strides = array<i32>} : memref<128x128xf32, #tpu.memory_space<vmem>>, vector<1x16xf32>,
      %get3A_448 = arith.index_cast %scan3A_420 : i32 to index
      %get3A_449 = arith.constant 32 : index
      %get3A_450 = tpu.vector_load %arg6[%get3A_448, %get3A_449] {strides = array<i32>} : memref<128x128xf32, #tpu.memory_space<vmem>>, vector<1x16xf32>,
      %get3A_451 = vector.shape_cast %get3A_450 : vector<1x16xf32> to vector<16xf32>
      %get3A_452 = arith.index_cast %scan3A_420 : i32 to index
      %get3A_453 = arith.constant 32 : index
      %get3A_454 = tpu.vector_load %arg8[%get3A_452, %get3A_453] {strides = array<i32>} : memref<128x128xf32, #tpu.memory_space<vmem>>, vector<1x16xf32>,
      %get3A_455 = vector.shape_cast %get3A_454 : vector<1x16xf32> to vector<16xf32>
      %add3A_456 = arith.addf %get3A_455, %get3A_451 : vector<16xf32>
      %swap3A_457 = arith.index_cast %scan3A_420 : i32 to index
      %swap3A_458 = arith.constant 32 : index
      %swap3A_459 = tpu.vector_load %arg8[%swap3A_457, %swap3A_458] {strides = array<i32>} : memref<128x128xf32, #tpu.memory_space<vmem>>, vector<1x16xf32>,
      %swap3A_460 = vector.shape_cast %swap3A_459 : vector<1x16xf32> to vector<16xf32>
      %swap3A_461 = vector.shape_cast %add3A_456 : vector<16xf32> to vector<1x16xf32>
      tpu.vector_store %arg8[%swap3A_457, %swap3A_458], %swap3A_461 {strides = array<i32>} : memref<128x128xf32, #tpu.memory_space<vmem>>, vector<1x16xf32>,
      %get3A_462 = arith.index_cast %scan3A_420 : i32 to index
      %get3A_463 = arith.constant 48 : index
      %get3A_464 = tpu.vector_load %arg6[%get3A_462, %get3A_463] {strides = array<i32>} : memref<128x128xf32, #tpu.memory_space<vmem>>, vector<1x16xf32>,
      %get3A_465 = vector.shape_cast %get3A_464 : vector<1x16xf32> to vector<16xf32>
      %get3A_466 = arith.index_cast %scan3A_420 : i32 to index
      %get3A_467 = arith.constant 48 : index
      %get3A_468 = tpu.vector_load %arg8[%get3A_466, %get3A_467] {strides = array<i32>} : memref<128x128xf32, #tpu.memory_space<vmem>>, vector<1x16xf32>,
      %get3A_469 = vector.shape_cast %get3A_468 : vector<1x16xf32> to vector<16xf32>
      %add3A_470 = arith.addf %get3A_469, %get3A_465 : vector<16xf32>
      %swap3A_471 = arith.index_cast %scan3A_420 : i32 to index
      %swap3A_472 = arith.constant 48 : index
      %swap3A_473 = tpu.vector_load %arg8[%swap3A_471, %swap3A_472] {strides = array<i32>} : memref<128x128xf32, #tpu.memory_space<vmem>>, vector<1x16xf32>,
      %swap3A_474 = vector.shape_cast %swap3A_473 : vector<1x16xf32> to vector<16xf32>
      %swap3A_475 = vector.shape_cast %add3A_470 : vector<16xf32> to vector<1x16xf32>
      tpu.vector_store %arg8[%swap3A_471, %swap3A_472], %swap3A_475 {strides = array<i32>} : memref<128x128xf32, #tpu.memory_space<vmem>>, vector<1x16xf32>,
      %get3A_476 = arith.index_cast %scan3A_420 : i32 to index
      %get3A_477 = arith.constant 64 : index
      %get3A_478 = tpu.vector_load %arg6[%get3A_476, %get3A_477] {strides = array<i32>} : memref<128x128xf32, #tpu.memory_space<vmem>>, vector<1x16xf32>,
      %get3A_479 = vector.shape_cast %get3A_478 : vector<1x16xf32> to vector<16xf32>
      %get3A_480 = arith.index_cast %scan3A_420 : i32 to index
      %get3A_481 = arith.constant 64 : index
      %get3A_482 = tpu.vector_load %arg8[%get3A_480, %get3A_481] {strides = array<i32>} : memref<128x128xf32, #tpu.memory_space<vmem>>, vector<1x16xf32>,
      %get3A_483 = vector.shape_cast %get3A_482 : vector<1x16xf32> to vector<16xf32>
      %add3A_484 = arith.addf %get3A_483, %get3A_479 : vector<16xf32>
      %swap3A_485 = arith.index_cast %scan3A_420 : i32 to index
      %swap3A_486 = arith.constant 64 : index
      %swap3A_487 = tpu.vector_load %arg8[%swap3A_485, %swap3A_486] {strides = array<i32>} : memref<128x128xf32, #tpu.memory_space<vmem>>, vector<1x16xf32>,
      %swap3A_488 = vector.shape_cast %swap3A_487 : vector<1x16xf32> to vector<16xf32>
      %swap3A_489 = vector.shape_cast %add3A_484 : vector<16xf32> to vector<1x16xf32>
      tpu.vector_store %arg8[%swap3A_485, %swap3A_486], %swap3A_489 {strides = array<i32>} : memref<128x128xf32, #tpu.memory_space<vmem>>, vector<1x16xf32>,
      %get3A_490 = arith.index_cast %scan3A_420 : i32 to index
      %get3A_491 = arith.constant 80 : index
      %get3A_492 = tpu.vector_load %arg6[%get3A_490, %get3A_491] {strides = array<i32>} : memref<128x128xf32, #tpu.memory_space<vmem>>, vector<1x16xf32>,
      %get3A_493 = vector.shape_cast %get3A_492 : vector<1x16xf32> to vector<16xf32>
      %get3A_494 = arith.index_cast %scan3A_420 : i32 to index
      %get3A_495 = arith.constant 80 : index
      %get3A_496 = tpu.vector_load %arg8[%get3A_494, %get3A_495] {strides = array<i32>} : memref<128x128xf32, #tpu.memory_space<vmem>>, vector<1x16xf32>,
      %get3A_497 = vector.shape_cast %get3A_496 : vector<1x16xf32> to vector<16xf32>
      %add3A_498 = arith.addf %get3A_497, %get3A_493 : vector<16xf32>
      %swap3A_499 = arith.index_cast %scan3A_420 : i32 to index
      %swap3A_500 = arith.constant 80 : index
      %swap3A_501 = tpu.vector_load %arg8[%swap3A_499, %swap3A_500] {strides = array<i32>} : memref<128x128xf32, #tpu.memory_space<vmem>>, vector<1x16xf32>,
      %swap3A_502 = vector.shape_cast %swap3A_501 : vector<1x16xf32> to vector<16xf32>
      %swap3A_503 = vector.shape_cast %add3A_498 : vector<16xf32> to vector<1x16xf32>
      tpu.vector_store %arg8[%swap3A_499, %swap3A_500], %swap3A_503 {strides = array<i32>} : memref<128x128xf32, #tpu.memory_space<vmem>>, vector<1x16xf32>,
      %get3A_504 = arith.index_cast %scan3A_420 : i32 to index
      %get3A_505 = arith.constant 96 : index
      %get3A_506 = tpu.vector_load %arg6[%get3A_504, %get3A_505] {strides = array<i32>} : memref<128x128xf32, #tpu.memory_space<vmem>>, vector<1x16xf32>,
      %get3A_507 = vector.shape_cast %get3A_506 : vector<1x16xf32> to vector<16xf32>
      %get3A_508 = arith.index_cast %scan3A_420 : i32 to index
      %get3A_509 = arith.constant 96 : index
      %get3A_510 = tpu.vector_load %arg8[%get3A_508, %get3A_509] {strides = array<i32>} : memref<128x128xf32, #tpu.memory_space<vmem>>, vector<1x16xf32>,
      %get3A_511 = vector.shape_cast %get3A_510 : vector<1x16xf32> to vector<16xf32>
      %add3A_512 = arith.addf %get3A_511, %get3A_507 : vector<16xf32>
      %swap3A_513 = arith.index_cast %scan3A_420 : i32 to index
      %swap3A_514 = arith.constant 96 : index
      %swap3A_515 = tpu.vector_load %arg8[%swap3A_513, %swap3A_514] {strides = array<i32>} : memref<128x128xf32, #tpu.memory_space<vmem>>, vector<1x16xf32>,
      %swap3A_516 = vector.shape_cast %swap3A_515 : vector<1x16xf32> to vector<16xf32>
      %swap3A_517 = vector.shape_cast %add3A_512 : vector<16xf32> to vector<1x16xf32>
      tpu.vector_store %arg8[%swap3A_513, %swap3A_514], %swap3A_517 {strides = array<i32>} : memref<128x128xf32, #tpu.memory_space<vmem>>, vector<1x16xf32>,
      %get3A_518 = arith.index_cast %scan3A_420 : i32 to index
      %get3A_519 = arith.constant 112 : index
      %get3A_520 = tpu.vector_load %arg6[%get3A_518, %get3A_519] {strides = array<i32>} : memref<128x128xf32, #tpu.memory_space<vmem>>, vector<1x16xf32>,
      %get3A_521 = vector.shape_cast %get3A_520 : vector<1x16xf32> to vector<16xf32>
      %get3A_522 = arith.index_cast %scan3A_420 : i32 to index
      %get3A_523 = arith.constant 112 : index
      %get3A_524 = tpu.vector_load %arg8[%get3A_522, %get3A_523] {strides = array<i32>} : memref<128x128xf32, #tpu.memory_space<vmem>>, vector<1x16xf32>,
      %get3A_525 = vector.shape_cast %get3A_524 : vector<1x16xf32> to vector<16xf32>
      %add3A_526 = arith.addf %get3A_525, %get3A_521 : vector<16xf32>
      %swap3A_527 = arith.index_cast %scan3A_420 : i32 to index
      %swap3A_528 = arith.constant 112 : index
      %swap3A_529 = tpu.vector_load %arg8[%swap3A_527, %swap3A_528] {strides = array<i32>} : memref<128x128xf32, #tpu.memory_space<vmem>>, vector<1x16xf32>,
      %swap3A_530 = vector.shape_cast %swap3A_529 : vector<1x16xf32> to vector<16xf32>
      %swap3A_531 = vector.shape_cast %add3A_526 : vector<16xf32> to vector<1x16xf32>
      tpu.vector_store %arg8[%swap3A_527, %swap3A_528], %swap3A_531 {strides = array<i32>} : memref<128x128xf32, #tpu.memory_space<vmem>>, vector<1x16xf32>,
      %scan3A_532 = arith.constant 0 : i32
      scf.yield %scan3A_532 : i32
    }
    %scan3A_405 = arith.constant 128 : i32
    %dma_wait3A_406 = arith.constant 19 : i32
    %dma_wait3A_407 = arith.constant 0 : i32
    %dma_wait3A_408 = tpu.memref_slice %arg5[%dma_wait3A_406, %dma_wait3A_407] : memref<20x128xi32, #tpu.memory_space<vmem>> -> memref<1x128xi32, #tpu.memory_space<vmem>>
    %dma_wait3A_409 = tpu.memref_squeeze %dma_wait3A_408 : memref<1x128xi32, #tpu.memory_space<vmem>> -> memref<128xi32, #tpu.memory_space<vmem>>
    %dma_wait3A_410 = arith.constant 0 : i32
    %dma_wait3A_411 = arith.constant 0 : i32
    %dma_wait3A_412 = tpu.memref_slice %arg2[%dma_wait3A_410, %dma_wait3A_411] : memref<100000x128xf32, #tpu.memory_space<hbm>> -> memref<100000x128xf32, #tpu.memory_space<hbm>>
    tpu.wait_indirect_dma semaphore(%arg10 : memref<!tpu.dma_semaphore, #tpu.memory_space<semaphore_mem>>) src(%dma_wait3A_412 : memref<100000x128xf32, #tpu.memory_space<hbm>>) dst(%arg7 : memref<128x128xf32, #tpu.memory_space<vmem>>)
    %scan3A_413 = arith.constant 0 : i32
    %scan3A_414 = arith.constant 0 : i32
    %scan3A_415 = arith.constant 128 : i32
    %scan3A_416 = arith.addi %scan3A_414, %scan3A_415 : i32
    %scan3A_417 = arith.constant 1 : i32
    %scan3A_418 = scf.for %scan3A_420 = %scan3A_414 to %scan3A_416 step %scan3A_417 iter_args(%scan3A_421 = %scan3A_413) -> (i32)  : i32 {
      %get3A = arith.index_cast %scan3A_420 : i32 to index
      %get3A_422 = arith.constant 0 : index
      %get3A_423 = tpu.vector_load %arg7[%get3A, %get3A_422] {strides = array<i32>} : memref<128x128xf32, #tpu.memory_space<vmem>>, vector<1x16xf32>,
      %get3A_424 = vector.shape_cast %get3A_423 : vector<1x16xf32> to vector<16xf32>
      %get3A_425 = arith.index_cast %scan3A_420 : i32 to index
      %get3A_426 = arith.constant 0 : index
      %get3A_427 = tpu.vector_load %arg8[%get3A_425, %get3A_426] {strides = array<i32>} : memref<128x128xf32, #tpu.memory_space<vmem>>, vector<1x16xf32>,
      %get3A_428 = vector.shape_cast %get3A_427 : vector<1x16xf32> to vector<16xf32>
      %add3A_429 = arith.addf %get3A_428, %get3A_424 : vector<16xf32>
      %mul3A_430 = arith.constant 5.000000e-02 : f32
      %mul3A_431 = vector.broadcast %mul3A_430 : f32 to vector<16xf32>
      %mul3A_432 = arith.mulf %add3A_429, %mul3A_431 : vector<16xf32>
      %swap3A = arith.index_cast %scan3A_420 : i32 to index
      %swap3A_433 = arith.constant 0 : index
      %swap3A_434 = tpu.vector_load %arg8[%swap3A, %swap3A_433] {strides = array<i32>} : memref<128x128xf32, #tpu.memory_space<vmem>>, vector<1x16xf32>,
      %swap3A_435 = vector.shape_cast %swap3A_434 : vector<1x16xf32> to vector<16xf32>
      %swap3A_436 = vector.shape_cast %mul3A_432 : vector<16xf32> to vector<1x16xf32>
      tpu.vector_store %arg8[%swap3A, %swap3A_433], %swap3A_436 {strides = array<i32>} : memref<128x128xf32, #tpu.memory_space<vmem>>, vector<1x16xf32>,
      %get3A_437 = arith.index_cast %scan3A_420 : i32 to index
      %get3A_438 = arith.constant 16 : index
      %get3A_439 = tpu.vector_load %arg7[%get3A_437, %get3A_438] {strides = array<i32>} : memref<128x128xf32, #tpu.memory_space<vmem>>, vector<1x16xf32>,
      %get3A_440 = vector.shape_cast %get3A_439 : vector<1x16xf32> to vector<16xf32>
      %get3A_441 = arith.index_cast %scan3A_420 : i32 to index
      %get3A_442 = arith.constant 16 : index
      %get3A_443 = tpu.vector_load %arg8[%get3A_441, %get3A_442] {strides = array<i32>} : memref<128x128xf32, #tpu.memory_space<vmem>>, vector<1x16xf32>,
      %get3A_444 = vector.shape_cast %get3A_443 : vector<1x16xf32> to vector<16xf32>
      %add3A_445 = arith.addf %get3A_444, %get3A_440 : vector<16xf32>
      %mul3A_446 = arith.constant 5.000000e-02 : f32
      %mul3A_447 = vector.broadcast %mul3A_446 : f32 to vector<16xf32>
      %mul3A_448 = arith.mulf %add3A_445, %mul3A_447 : vector<16xf32>
      %swap3A_449 = arith.index_cast %scan3A_420 : i32 to index
      %swap3A_450 = arith.constant 16 : index
      %swap3A_451 = tpu.vector_load %arg8[%swap3A_449, %swap3A_450] {strides = array<i32>} : memref<128x128xf32, #tpu.memory_space<vmem>>, vector<1x16xf32>,
      %swap3A_452 = vector.shape_cast %swap3A_451 : vector<1x16xf32> to vector<16xf32>
      %swap3A_453 = vector.shape_cast %mul3A_448 : vector<16xf32> to vector<1x16xf32>
      tpu.vector_store %arg8[%swap3A_449, %swap3A_450], %swap3A_453 {strides = array<i32>} : memref<128x128xf32, #tpu.memory_space<vmem>>, vector<1x16xf32>,
      %get3A_454 = arith.index_cast %scan3A_420 : i32 to index
      %get3A_455 = arith.constant 32 : index
      %get3A_456 = tpu.vector_load %arg7[%get3A_454, %get3A_455] {strides = array<i32>} : memref<128x128xf32, #tpu.memory_space<vmem>>, vector<1x16xf32>,
      %get3A_457 = vector.shape_cast %get3A_456 : vector<1x16xf32> to vector<16xf32>
      %get3A_458 = arith.index_cast %scan3A_420 : i32 to index
      %get3A_459 = arith.constant 32 : index
      %get3A_460 = tpu.vector_load %arg8[%get3A_458, %get3A_459] {strides = array<i32>} : memref<128x128xf32, #tpu.memory_space<vmem>>, vector<1x16xf32>,
      %get3A_461 = vector.shape_cast %get3A_460 : vector<1x16xf32> to vector<16xf32>
      %add3A_462 = arith.addf %get3A_461, %get3A_457 : vector<16xf32>
      %mul3A_463 = arith.constant 5.000000e-02 : f32
      %mul3A_464 = vector.broadcast %mul3A_463 : f32 to vector<16xf32>
      %mul3A_465 = arith.mulf %add3A_462, %mul3A_464 : vector<16xf32>
      %swap3A_466 = arith.index_cast %scan3A_420 : i32 to index
      %swap3A_467 = arith.constant 32 : index
      %swap3A_468 = tpu.vector_load %arg8[%swap3A_466, %swap3A_467] {strides = array<i32>} : memref<128x128xf32, #tpu.memory_space<vmem>>, vector<1x16xf32>,
      %swap3A_469 = vector.shape_cast %swap3A_468 : vector<1x16xf32> to vector<16xf32>
      %swap3A_470 = vector.shape_cast %mul3A_465 : vector<16xf32> to vector<1x16xf32>
      tpu.vector_store %arg8[%swap3A_466, %swap3A_467], %swap3A_470 {strides = array<i32>} : memref<128x128xf32, #tpu.memory_space<vmem>>, vector<1x16xf32>,
      %get3A_471 = arith.index_cast %scan3A_420 : i32 to index
      %get3A_472 = arith.constant 48 : index
      %get3A_473 = tpu.vector_load %arg7[%get3A_471, %get3A_472] {strides = array<i32>} : memref<128x128xf32, #tpu.memory_space<vmem>>, vector<1x16xf32>,
      %get3A_474 = vector.shape_cast %get3A_473 : vector<1x16xf32> to vector<16xf32>
      %get3A_475 = arith.index_cast %scan3A_420 : i32 to index
      %get3A_476 = arith.constant 48 : index
      %get3A_477 = tpu.vector_load %arg8[%get3A_475, %get3A_476] {strides = array<i32>} : memref<128x128xf32, #tpu.memory_space<vmem>>, vector<1x16xf32>,
      %get3A_478 = vector.shape_cast %get3A_477 : vector<1x16xf32> to vector<16xf32>
      %add3A_479 = arith.addf %get3A_478, %get3A_474 : vector<16xf32>
      %mul3A_480 = arith.constant 5.000000e-02 : f32
      %mul3A_481 = vector.broadcast %mul3A_480 : f32 to vector<16xf32>
      %mul3A_482 = arith.mulf %add3A_479, %mul3A_481 : vector<16xf32>
      %swap3A_483 = arith.index_cast %scan3A_420 : i32 to index
      %swap3A_484 = arith.constant 48 : index
      %swap3A_485 = tpu.vector_load %arg8[%swap3A_483, %swap3A_484] {strides = array<i32>} : memref<128x128xf32, #tpu.memory_space<vmem>>, vector<1x16xf32>,
      %swap3A_486 = vector.shape_cast %swap3A_485 : vector<1x16xf32> to vector<16xf32>
      %swap3A_487 = vector.shape_cast %mul3A_482 : vector<16xf32> to vector<1x16xf32>
      tpu.vector_store %arg8[%swap3A_483, %swap3A_484], %swap3A_487 {strides = array<i32>} : memref<128x128xf32, #tpu.memory_space<vmem>>, vector<1x16xf32>,
      %get3A_488 = arith.index_cast %scan3A_420 : i32 to index
      %get3A_489 = arith.constant 64 : index
      %get3A_490 = tpu.vector_load %arg7[%get3A_488, %get3A_489] {strides = array<i32>} : memref<128x128xf32, #tpu.memory_space<vmem>>, vector<1x16xf32>,
      %get3A_491 = vector.shape_cast %get3A_490 : vector<1x16xf32> to vector<16xf32>
      %get3A_492 = arith.index_cast %scan3A_420 : i32 to index
      %get3A_493 = arith.constant 64 : index
      %get3A_494 = tpu.vector_load %arg8[%get3A_492, %get3A_493] {strides = array<i32>} : memref<128x128xf32, #tpu.memory_space<vmem>>, vector<1x16xf32>,
      %get3A_495 = vector.shape_cast %get3A_494 : vector<1x16xf32> to vector<16xf32>
      %add3A_496 = arith.addf %get3A_495, %get3A_491 : vector<16xf32>
      %mul3A_497 = arith.constant 5.000000e-02 : f32
      %mul3A_498 = vector.broadcast %mul3A_497 : f32 to vector<16xf32>
      %mul3A_499 = arith.mulf %add3A_496, %mul3A_498 : vector<16xf32>
      %swap3A_500 = arith.index_cast %scan3A_420 : i32 to index
      %swap3A_501 = arith.constant 64 : index
      %swap3A_502 = tpu.vector_load %arg8[%swap3A_500, %swap3A_501] {strides = array<i32>} : memref<128x128xf32, #tpu.memory_space<vmem>>, vector<1x16xf32>,
      %swap3A_503 = vector.shape_cast %swap3A_502 : vector<1x16xf32> to vector<16xf32>
      %swap3A_504 = vector.shape_cast %mul3A_499 : vector<16xf32> to vector<1x16xf32>
      tpu.vector_store %arg8[%swap3A_500, %swap3A_501], %swap3A_504 {strides = array<i32>} : memref<128x128xf32, #tpu.memory_space<vmem>>, vector<1x16xf32>,
      %get3A_505 = arith.index_cast %scan3A_420 : i32 to index
      %get3A_506 = arith.constant 80 : index
      %get3A_507 = tpu.vector_load %arg7[%get3A_505, %get3A_506] {strides = array<i32>} : memref<128x128xf32, #tpu.memory_space<vmem>>, vector<1x16xf32>,
      %get3A_508 = vector.shape_cast %get3A_507 : vector<1x16xf32> to vector<16xf32>
      %get3A_509 = arith.index_cast %scan3A_420 : i32 to index
      %get3A_510 = arith.constant 80 : index
      %get3A_511 = tpu.vector_load %arg8[%get3A_509, %get3A_510] {strides = array<i32>} : memref<128x128xf32, #tpu.memory_space<vmem>>, vector<1x16xf32>,
      %get3A_512 = vector.shape_cast %get3A_511 : vector<1x16xf32> to vector<16xf32>
      %add3A_513 = arith.addf %get3A_512, %get3A_508 : vector<16xf32>
      %mul3A_514 = arith.constant 5.000000e-02 : f32
      %mul3A_515 = vector.broadcast %mul3A_514 : f32 to vector<16xf32>
      %mul3A_516 = arith.mulf %add3A_513, %mul3A_515 : vector<16xf32>
      %swap3A_517 = arith.index_cast %scan3A_420 : i32 to index
      %swap3A_518 = arith.constant 80 : index
      %swap3A_519 = tpu.vector_load %arg8[%swap3A_517, %swap3A_518] {strides = array<i32>} : memref<128x128xf32, #tpu.memory_space<vmem>>, vector<1x16xf32>,
      %swap3A_520 = vector.shape_cast %swap3A_519 : vector<1x16xf32> to vector<16xf32>
      %swap3A_521 = vector.shape_cast %mul3A_516 : vector<16xf32> to vector<1x16xf32>
      tpu.vector_store %arg8[%swap3A_517, %swap3A_518], %swap3A_521 {strides = array<i32>} : memref<128x128xf32, #tpu.memory_space<vmem>>, vector<1x16xf32>,
      %get3A_522 = arith.index_cast %scan3A_420 : i32 to index
      %get3A_523 = arith.constant 96 : index
      %get3A_524 = tpu.vector_load %arg7[%get3A_522, %get3A_523] {strides = array<i32>} : memref<128x128xf32, #tpu.memory_space<vmem>>, vector<1x16xf32>,
      %get3A_525 = vector.shape_cast %get3A_524 : vector<1x16xf32> to vector<16xf32>
      %get3A_526 = arith.index_cast %scan3A_420 : i32 to index
      %get3A_527 = arith.constant 96 : index
      %get3A_528 = tpu.vector_load %arg8[%get3A_526, %get3A_527] {strides = array<i32>} : memref<128x128xf32, #tpu.memory_space<vmem>>, vector<1x16xf32>,
      %get3A_529 = vector.shape_cast %get3A_528 : vector<1x16xf32> to vector<16xf32>
      %add3A_530 = arith.addf %get3A_529, %get3A_525 : vector<16xf32>
      %mul3A_531 = arith.constant 5.000000e-02 : f32
      %mul3A_532 = vector.broadcast %mul3A_531 : f32 to vector<16xf32>
      %mul3A_533 = arith.mulf %add3A_530, %mul3A_532 : vector<16xf32>
      %swap3A_534 = arith.index_cast %scan3A_420 : i32 to index
      %swap3A_535 = arith.constant 96 : index
      %swap3A_536 = tpu.vector_load %arg8[%swap3A_534, %swap3A_535] {strides = array<i32>} : memref<128x128xf32, #tpu.memory_space<vmem>>, vector<1x16xf32>,
      %swap3A_537 = vector.shape_cast %swap3A_536 : vector<1x16xf32> to vector<16xf32>
      %swap3A_538 = vector.shape_cast %mul3A_533 : vector<16xf32> to vector<1x16xf32>
      tpu.vector_store %arg8[%swap3A_534, %swap3A_535], %swap3A_538 {strides = array<i32>} : memref<128x128xf32, #tpu.memory_space<vmem>>, vector<1x16xf32>,
      %get3A_539 = arith.index_cast %scan3A_420 : i32 to index
      %get3A_540 = arith.constant 112 : index
      %get3A_541 = tpu.vector_load %arg7[%get3A_539, %get3A_540] {strides = array<i32>} : memref<128x128xf32, #tpu.memory_space<vmem>>, vector<1x16xf32>,
      %get3A_542 = vector.shape_cast %get3A_541 : vector<1x16xf32> to vector<16xf32>
      %get3A_543 = arith.index_cast %scan3A_420 : i32 to index
      %get3A_544 = arith.constant 112 : index
      %get3A_545 = tpu.vector_load %arg8[%get3A_543, %get3A_544] {strides = array<i32>} : memref<128x128xf32, #tpu.memory_space<vmem>>, vector<1x16xf32>,
      %get3A_546 = vector.shape_cast %get3A_545 : vector<1x16xf32> to vector<16xf32>
      %add3A_547 = arith.addf %get3A_546, %get3A_542 : vector<16xf32>
      %mul3A_548 = arith.constant 5.000000e-02 : f32
      %mul3A_549 = vector.broadcast %mul3A_548 : f32 to vector<16xf32>
      %mul3A_550 = arith.mulf %add3A_547, %mul3A_549 : vector<16xf32>
      %swap3A_551 = arith.index_cast %scan3A_420 : i32 to index
      %swap3A_552 = arith.constant 112 : index
      %swap3A_553 = tpu.vector_load %arg8[%swap3A_551, %swap3A_552] {strides = array<i32>} : memref<128x128xf32, #tpu.memory_space<vmem>>, vector<1x16xf32>,
      %swap3A_554 = vector.shape_cast %swap3A_553 : vector<1x16xf32> to vector<16xf32>
      %swap3A_555 = vector.shape_cast %mul3A_550 : vector<16xf32> to vector<1x16xf32>
      tpu.vector_store %arg8[%swap3A_551, %swap3A_552], %swap3A_555 {strides = array<i32>} : memref<128x128xf32, #tpu.memory_space<vmem>>, vector<1x16xf32>,
      %scan3A_556 = arith.constant 0 : i32
      scf.yield %scan3A_556 : i32
    }
    %scan3A_419 = arith.constant 128 : i32
    "tpu.region"() ({
      %run_scoped3A = tpu.sem_alloc : memref<!tpu.dma_semaphore, #tpu.memory_space<semaphore_mem>>
      %dma_start3A_420 = arith.constant 0 : i32
      %dma_start3A_421 = tpu.memref_slice %arg4[%mul3A_2, %dma_start3A_420] : memref<4096x128xf32, #tpu.memory_space<hbm>> -> memref<128x128xf32, #tpu.memory_space<hbm>>
      %dma_start3A_422 = arith.constant 0 : i32
      %dma_start3A_423 = tpu.memref_slice %arg4[%mul3A_2, %dma_start3A_422] : memref<4096x128xf32, #tpu.memory_space<hbm>> -> memref<128x128xf32, #tpu.memory_space<hbm>>
      tpu.enqueue_dma source(%arg8 : memref<128x128xf32, #tpu.memory_space<vmem>>) target(%dma_start3A_423 : memref<128x128xf32, #tpu.memory_space<hbm>>) target_semaphore(%run_scoped3A : memref<!tpu.dma_semaphore, #tpu.memory_space<semaphore_mem>>)
      %dma_wait3A_424 = arith.constant 0 : i32
      %dma_wait3A_425 = tpu.memref_slice %arg4[%mul3A_2, %dma_wait3A_424] : memref<4096x128xf32, #tpu.memory_space<hbm>> -> memref<128x128xf32, #tpu.memory_space<hbm>>
      %dma_wait3A_426 = arith.constant 0 : i32
      %dma_wait3A_427 = tpu.memref_slice %arg4[%mul3A_2, %dma_wait3A_426] : memref<4096x128xf32, #tpu.memory_space<hbm>> -> memref<128x128xf32, #tpu.memory_space<hbm>>
      tpu.wait_dma2 semaphore(%run_scoped3A : memref<!tpu.dma_semaphore, #tpu.memory_space<semaphore_mem>>) src(%arg8 : memref<128x128xf32, #tpu.memory_space<vmem>>) dst(%dma_wait3A_427 : memref<128x128xf32, #tpu.memory_space<hbm>>)
      tpu.yield
    }) : () -> ()
    return
  }
}

module attributes {stable_mosaic.version = 14 : i64} {
  func.func @_proj_body(%arg0: i32, %arg1: memref<512x128xbf16, #tpu.memory_space<vmem>>, %arg2: memref<4096x128xbf16, #tpu.memory_space<vmem>>, %arg3: memref<512x1xf32, #tpu.memory_space<vmem>>, %arg4: memref<512x4096xf32, #tpu.memory_space<vmem>>) attributes {dimension_semantics = [#tpu.dimension_semantics<arbitrary>], iteration_bounds = array<i64: 196>, scalar_prefetch = 0 : i64, scratch_operands = 0 : i64, tpu.core_type = #tpu.core_type<tc>, window_params = [{transform_indices = @transform_0, window_bounds = array<i64: 512, 128>}, {pipeline_mode = #tpu.pipeline_mode<synchronous>, transform_indices = @transform_1, window_bounds = array<i64: 4096, 128>}, {transform_indices = @transform_2, window_bounds = array<i64: 512, 1>}, {transform_indices = @transform_3, window_bounds = array<i64: 512, 4096>}]} {
    %get3A = arith.constant 0 : index
    %get3A_0 = arith.constant 0 : index
    %get3A_1 = vector.load %arg1[%get3A, %get3A_0] : memref<512x128xbf16, #tpu.memory_space<vmem>>, vector<512x128xbf16>
    %get3A_2 = arith.constant 0 : index
    %get3A_3 = arith.constant 0 : index
    %get3A_4 = vector.load %arg2[%get3A_2, %get3A_3] : memref<4096x128xbf16, #tpu.memory_space<vmem>>, vector<4096x128xbf16>
    %dot_general3A = arith.constant dense<0.000000e+00> : vector<512x4096xf32>
    %dot_general3A_5 = tpu.matmul %get3A_1, %get3A_4, %dot_general3A {dimension_numbers = #tpu.dot_dimension_numbers<[1], [1], [0], [0], [0, 0, 1, 0], [], []>, transpose_lhs_hint = false} : vector<512x128xbf16>, vector<4096x128xbf16>, vector<512x4096xf32> -> vector<512x4096xf32>
    %get3A_6 = arith.constant 0 : index
    %get3A_7 = arith.constant 0 : index
    %get3A_8 = vector.load %arg3[%get3A_6, %get3A_7] : memref<512x1xf32, #tpu.memory_space<vmem>>, vector<512x1xf32>
    %add3A = vector.broadcast %get3A_8 : vector<512x1xf32> to vector<512x4096xf32>
    %add3A_9 = arith.addf %dot_general3A_5, %add3A : vector<512x4096xf32>
    %swap3A = arith.constant 0 : index
    %swap3A_10 = arith.constant 0 : index
    %swap3A_11 = vector.load %arg4[%swap3A, %swap3A_10] : memref<512x4096xf32, #tpu.memory_space<vmem>>, vector<512x4096xf32>
    tpu.vector_store %arg4[%swap3A, %swap3A_10], %add3A_9 {strides = array<i32>} : memref<512x4096xf32, #tpu.memory_space<vmem>>, vector<512x4096xf32>,
    return
  }
  func.func @transform_0(%arg0: i32) -> (i32, i32) {
    %c0_i32 = arith.constant 0 : i32
    %c0_i32_0 = arith.constant 0 : i32
    return %arg0, %c0_i32 : i32, i32
  }
  func.func @transform_1(%arg0: i32) -> (i32, i32) {
    %c0_i32 = arith.constant 0 : i32
    %c0_i32_0 = arith.constant 0 : i32
    %c0_i32_1 = arith.constant 0 : i32
    return %c0_i32, %c0_i32_0 : i32, i32
  }
  func.func @transform_2(%arg0: i32) -> (i32, i32) {
    %c0_i32 = arith.constant 0 : i32
    %c0_i32_0 = arith.constant 0 : i32
    return %arg0, %c0_i32 : i32, i32
  }
  func.func @transform_3(%arg0: i32) -> (i32, i32) {
    %c0_i32 = arith.constant 0 : i32
    %c0_i32_0 = arith.constant 0 : i32
    return %arg0, %c0_i32 : i32, i32
  }
}

</mosaic_0001>

<sc_bundles>
// kernel: kernel.4.cloned.1.call-start
scs
__scs_entry_jumppad:
0x0: {  	(pc) =	sbr.rel $0x88, $3  }
0x1: {  	(tag) =	ssettag $0x0;
	lr =	simm.s32 $0x1  }
0x2: {  	[smem:$0x3F9D] =	sst lr;
	_ =	strace $0xD0000000  }
0x3: {  	_ = 	snop  }
0x4: {  	_ = 	snop  }
0x5: {  	_ = 	snop  }
0x6: {  	_ = 	snop  }
0x7: {  	_ = 	snop  }
__scs_overlays_trampoline_lowered:
0x8: {  	[smem:$0x3FAC] =	sst s0  }
0x9: {  	[smem:$0x3FAD] =	sst s1  }
0xa: {  	[smem:$0x3FAE] =	sst s2  }
0xb: {  	[smem:$0x3FAF] =	sst s3  }
0xc: {  	[smem:$0x3FB0] =	sst s4  }
0xd: {  	[smem:$0x3FB1] =	sst s5  }
0xe: {  	[smem:$0x3FB2] =	sst s6  }
0xf: {  	[smem:$0x3FB3] =	sst s7  }
0x10: {  	[smem:$0x3FB4] =	sst s8  }
0x11: {  	[smem:$0x3FB5] =	sst s9;
	s0 =	simm.s32 @!p0 $0x0  }
0x12: {  	s1 =	sld [smem:$0x3F9B];
	s0 =	simm.s32 @p0 $0x1  }
0x13: {  	[smem:$0x3FB6] =	sst s0;
	s0 =	simm.s32 @!p1 $0x0  }
0x14: {  	s2 =	sld [smem:$0x3F9A];
	s0 =	simm.s32 @p1 $0x1  }
0x15: {  	[smem:$0x3FB7] =	sst s0;
	s0 =	simm.s32 @!p2 $0x0  }
0x16: {  	s3 =	sld [smem:$0x3FDB];
	s0 =	simm.s32 @p2 $0x1  }
0x17: {  	s4 =	simm.s32 $0x1BF5;
	[smem:$0x3FB9] =	sst s0  }
0x18: {  	s0 =	sld [smem:$0x3F9C];
	_ =	swait.ge [sflag:s4], $0x0  }
0x19: {  	s7 =	sld [smem:$0x3F9D]  }
0x1a: {  	s8 =	sadd.s32 $0xFFFFE003, lr  }
0x1b: {  	s9 =	sadd.s32 $0xFFFFFEF7, lr;
	s5 =	simm.s32 $0xFFFFFFFF;
	p2 =	slt.u32 s8, $0xFFFFF086  }
0x1c: {  	p1 =	slt.u32 s9, $0xF7A;
	s5 =	simm.s32 @!p2 $0x0  }
0x1d: {  	s5 =	simm.s32 @p1 $0x1;
	p0 =	seq.s32 s7, s2  }
0x1e: {  	s7 =	smul.u32 @!p0 $0xF7A, s2;
	p2 =	seq.s32 @!p0 s5, $0x0  }
0x1f: {  	s9 =	smul.u32 $0xF7A, s1;
	s8 =	simm.s32 @!p0 $0x1BF5;
	p2 =	por !p2, p0  }
0x20: {  	[sflag:s8] =	ssyncset.s32 @!p0 $0xFFFFF086;
	s6 =	sadd.s32 @!p0 s3, s7;
	s7 =	simm.s32 @!p0 $0x108  }
0x21: {  	s3 =	sadd.s32 s3, s9;
	s6 =	sadd.s32 @!p0 $0x88, s6;
	s7 =	simm.s32 @p2 $0x1082  }
0x22: {  	[simem:s7], [sflag:s8] =	dma.local @!p0 [hbm:s6], $0xF7A  }
0x23: {  	s9 =	sor.u32 $0xD0000000, s2;
	s6 =	simm.s32 $0x108;
	_ =	swait.ge @!p0 [sflag:s8], $0x0  }
0x24: {  	s3 =	sadd.s32 $0x88, s3;
	s6 =	simm.s32 @!p1 $0x1082;
	[sflag:s4] =	ssyncset.s32 $0xFFFFF086  }
0x25: {  	[simem:s6], [sflag:s4] =	dma.local [hbm:s3], $0xF7A  }
0x26: {  	[smem:$0x3F9D] =	sst s1;
	(tag) =	ssettag s2;
	_ =	strace s9  }
0x27: {  	s1 =	sld [smem:$0x3FAD]  }
0x28: {  	s2 =	sld [smem:$0x3FAE]  }
0x29: {  	s4 =	sld [smem:$0x3FB0]  }
0x2a: {  	p0 =	seq.s32 s5, $0x0;
	s5 =	sld [smem:$0x3FB1]  }
0x2b: {  	s6 =	sld [smem:$0x3FB2]  }
0x2c: {  	s7 =	sld [smem:$0x3FB3]  }
0x2d: {  	s3 =	simm.s32 $0x108;
	s8 =	sld [smem:$0x3FB4]  }
0x2e: {  	s3 =	simm.s32 @!p0 $0x1082;
	s9 =	sld [smem:$0x3FB5]  }
0x2f: {  	lr =	sadd.s32 s0, s3;
	s0 =	sld [smem:$0x3FAC]  }
0x30: {  	s3 =	sld [smem:$0x3FAF]  }
0x31: {  	[smem:$0x3FB8] =	sst s10  }
0x32: {  	s10 =	sld [smem:$0x3FB6];
	_ =	sdelay $0x3  }
0x33: {  	p0 =	seq.s32 s10, $0x1;
	s10 =	sld [smem:$0x3FB8];
	_ =	sdelay $0x3  }
0x34: {  	[smem:$0x3FB8] =	sst s10  }
0x35: {  	s10 =	sld [smem:$0x3FB7];
	_ =	sdelay $0x3  }
0x36: {  	p1 =	seq.s32 s10, $0x1;
	s10 =	sld [smem:$0x3FB8];
	_ =	sdelay $0x3  }
0x37: {  	[smem:$0x3FB8] =	sst s10  }
0x38: {  	s10 =	sld [smem:$0x3FB9]  }
0x39: {  	_ = 	snop;
	(pc) =	sbr.ind lr, $3  }
0x3a: {  	_ = 	snop  }
0x3b: {  	_ = 	snop  }
0x3c: {  	p2 =	seq.s32 s10, $0x1;
	s10 =	sld [smem:$0x3FB8]  }
0x3d: {  	_ =	shalt  }
0x3e: {  	_ =	shalt  }
0x3f: {  	_ =	shalt  }
0x40: {  	_ =	shalt  }
0x41: {  	_ =	shalt  }
0x42: {  	_ =	shalt  }
0x43: {  	_ =	shalt  }
0x44: {  	_ =	shalt  }
0x45: {  	_ =	shalt  }
0x46: {  	_ =	shalt  }
0x47: {  	_ =	shalt  }
0x48: {  	_ =	shalt  }
0x49: {  	_ =	shalt  }
0x4a: {  	_ =	shalt  }
0x4b: {  	_ =	shalt  }
0x4c: {  	_ =	shalt  }
0x4d: {  	_ =	shalt  }
0x4e: {  	_ =	shalt  }
0x4f: {  	_ =	shalt  }
0x50: {  	_ =	shalt  }
0x51: {  	_ =	shalt  }
0x52: {  	_ =	shalt  }
0x53: {  	_ =	shalt  }
0x54: {  	_ =	shalt  }
0x55: {  	_ =	shalt  }
0x56: {  	_ =	shalt  }
0x57: {  	_ =	shalt  }
0x58: {  	_ =	shalt  }
0x59: {  	_ =	shalt  }
0x5a: {  	_ =	shalt  }
0x5b: {  	_ =	shalt  }
0x5c: {  	_ =	shalt  }
0x5d: {  	_ =	shalt  }
0x5e: {  	_ =	shalt  }
0x5f: {  	_ =	shalt  }
0x60: {  	_ =	shalt  }
0x61: {  	_ =	shalt  }
0x62: {  	_ =	shalt  }
0x63: {  	_ =	shalt  }
0x64: {  	_ =	shalt  }
0x65: {  	_ =	shalt  }
0x66: {  	_ =	shalt  }
0x67: {  	_ =	shalt  }
0x68: {  	_ =	shalt  }
0x69: {  	_ =	shalt  }
0x6a: {  	_ =	shalt  }
0x6b: {  	_ =	shalt  }
0x6c: {  	_ =	shalt  }
0x6d: {  	_ =	shalt  }
0x6e: {  	_ =	shalt  }
0x6f: {  	_ =	shalt  }
0x70: {  	_ =	shalt  }
0x71: {  	_ =	shalt  }
0x72: {  	_ =	shalt  }
0x73: {  	_ =	shalt  }
0x74: {  	_ =	shalt  }
0x75: {  	_ =	shalt  }
0x76: {  	_ =	shalt  }
0x77: {  	_ =	shalt  }
0x78: {  	_ =	shalt  }
0x79: {  	_ =	shalt  }
0x7a: {  	_ =	shalt  }
0x7b: {  	_ =	shalt  }
0x7c: {  	_ =	shalt  }
0x7d: {  	_ =	shalt  }
0x7e: {  	_ =	shalt  }
0x7f: {  	_ =	shalt  }
0x80: {  	_ =	shalt  }
0x81: {  	_ =	shalt  }
0x82: {  	_ =	shalt  }
0x83: {  	_ =	shalt  }
0x84: {  	_ =	shalt  }
0x85: {  	_ =	shalt  }
0x86: {  	_ =	shalt  }
0x87: {  	_ =	shalt  }
.Lfunc_end0:
.L_simem_size_0:
called_computation_lowered:
.L_overlay_start_0:
0x88: {  	s2 =	sld [smem:$0x3FD9]  }
0x89: {  	s3 =	sld [smem:$0x3FFE];
	_ =	sdelay $0x1  }
0x8a: {  	s1 =	srdreg.scid  }
0x8b: {  	s0 =	sand.u32 $0x1, s1  }
0x8c: {  	s18 =	sshll.u32 s0, $0xA;
	s2 =	sadd.s32 s3, s2  }
0x8d: {  	s2 =	sadd.s32 s2, s18  }
0x8e: {  	[smem:$0x3FC4] =	sst s2  }
0x8f: {  	_ = 	snop  }
0x90: {  	s2 =	sld [smem:$0x3FC9]  }
0x91: {  	s19 =	sld [smem:$0x3FC8]  }
0x92: {  	s4 =	sld [smem:$0x3FD0];
	(tm) =	ssettm $0x1  }
0x93: {  	s5 =	sld [smem:$0x3FFB];
	_ =	sdelay $0x3  }
0x94: {  	_ =	strace s5  }
0x95: {  	s5 =	sld [smem:$0x3FFC];
	_ =	sdelay $0x3  }
0x96: {  	_ =	strace s5  }
0x97: {  	s5 =	sld [smem:$0x3FFD];
	_ =	sdelay $0x3  }
0x98: {  	_ =	strace s5  }
0x99: {  	_ =	strace $0x8FFFFFFF  }
0x9a: {  	s20 =	sld [smem:$0x3FDB];
	_ =	sdelay $0x1  }
0x9b: {  	s6 =	simm.s32 $_scs_section_size  }
0x9c: {  	s7 =	simm.s32 $_size__tile_overlayer_lowered;
	s8 =	simm.s32 $_tile_overlayer_lowered  }
0x9d: {  	s23 =	simm.s32 $0x1BFF;
	s22 =	sshll.u32 s8, $0x1;
	s5 =	sadd.s32 s6, s20  }
0x9e: {  	s9 =	simm.s32 $0x0;
	s21 =	sshll.u32 s7, $0x1;
	s7 =	sadd.s32 s22, s5  }
0x9f: {  	[timem:s9], [sflag:s23] =	dma.local [hbm:s7], s21  }
0xa0: {  	_ =	swait.ge [sflag:s23], s21  }
0xa1: {  	s6 =	ssub.s32 $0x0, s21;
	[sflag:s23] =	ssyncset.done $0x0  }
0xa2: {  	[sflag:s23] =	ssyncadd.s32 s6;
	_ =	sdelay $0x1  }
0xa3: {  	s24 =	simm.s32 $0x1B8B  }
0xa4: {  	_ =	swait.ge [sflag:s24], $0x1  }
0xa5: {  	[sflag:s24] =	ssyncset.done $0x0  }
0xa6: {  	s25 =	simm.s32 $0x1B8E;
	[sflag:s24] =	ssyncadd.s32 $0xFFFFFFFF  }
0xa7: {  	s26 =	simm.s32 $execute0_lowered;
	[smem:$0x3FD2] =	sst s25  }
0xa8: {  	s6 =	sshll.u32 s26, $0x1;
	_ =	strace $0x80000046;
	[dreg:$0x1] =	wrdreg $0xFFFFFFFF  }
0xa9: {  	s28 =	simm.s32 $_size_execute0_lowered;
	s5 =	sadd.s32 s5, s6;
	[dreg:$0x0] =	wrdreg $0x0  }
0xaa: {  	s6 =	sshll.u32 s28, $0x1;
	[dreg:$0x2] =	wrdreg s5  }
0xab: {  	[dreg:$0x3] =	wrdreg s6  }
0xac: {  	[dreg:$0x4] =	wrdreg $0xC0  }
0xad: {  	_ =	task [dreg:s9], $0x5FFFF  }
0xae: {  	[dreg:$0x1] =	wrdreg $0xFFFFFFFF  }
0xaf: {  	[dreg:$0x0] =	wrdreg $0x60  }
0xb0: {  	[dreg:$0x2] =	wrdreg s19  }
0xb1: {  	[dreg:$0x3] =	wrdreg s2  }
0xb2: {  	[dreg:$0x4] =	wrdreg s4  }
0xb3: {  	[dreg:$0x5] =	wrdreg $0x9  }
0xb4: {  	_ =	task.clear_ibuf [dreg:s9], $0x6FFFF;
	_ =	strace $0x90000046  }
0xb5: {  	s29 =	simm.s32 $0x9;
	_ =	strace $0x80000048  }
0xb6: {  	_ =	swait.ge [sflag:s29], $0x1  }
0xb7: {  	[sflag:s29] =	ssyncadd.s32 $0xFFFFFFFF  }
0xb8: {  	_ =	strace $0x90000048  }
0xb9: {  	_ =	sfence  }
0xba: {  	s30 =	sld [smem:$0x0];
	_ =	sdelay $0x2  }
0xbb: {  	s31 =	sshll.u32 s1, $0xD;
	s1 =	sshrl.u32 s1, $0x2  }
0xbc: {  	s3 =	sand.u32 $0x4000, s31;
	s1 =	sadd.s32 s1, s30  }
0xbd: {  	s0 =	sor.u32 s3, s0;
	s1 =	sshll.u32 s1, $0x11  }
0xbe: {  	s0 =	sor.u32 s1, s0  }
0xbf: {  	s0 =	sadd.s32 $0x8F2B, s0  }
0xc0: {  	[sflag:s0] =	ssyncadd.remote.s32 $0x1  }
0xc1: {  	_ =	sfence.sel $0xFFFF  }
0xc2: {  	[dreg:$0x0] =	wrdreg $0xFFFFFFFF;
	(pc) =	sbr.abs _section_cstart, $3  }
0xc3: {  	[dreg:$0x1] =	wrdreg $0xFFFFFFFF  }
0xc4: {  	_ =	task.clear_ibuf [dreg:s9], $0x2FFFF;
	_ =	strace $0x9FFFFFFF  }
0xc5: {  	(tm) =	ssettm $0x7FFFFFFF  }
tec
execute0_lowered:
.L_overlay_start_1:
0x0: {  	(tag) =	ssettag $0x1  }
0x1: {  	s1 =	rddreg [dreg:$0x0]  }
0x2: {  	s0 =	rddreg [dreg:$0x1]  }
0x3: {  	s2 =	rddreg [dreg:$0x2]  }
0x4: {  	s3 =	simm.s32 $0x0;
	s4 =	srdreg.scid;
	s6 =	stileid.u32  }
0x5: {  	s8 =	simm.s32 $0x400;
	s10 =	simm.s32 $0x800;
	s11 =	simm.s32 $0x3  }
0x6: {  	s12 =	simm.s32 $0x80;
	s13 =	simm.s32 $0xC00;
	s14 =	simm.s32 $0x4C00  }
0x7: {  	s15 =	simm.s32 $0x1;
	s17 =	simm.s32 $0x2;
	s21 =	simm.s32 $0x300  }
0x8: {  	s22 =	simm.s32 $0x380;
	s23 =	simm.s32 $0x480;
	s24 =	simm.s32 $0x500  }
0x9: {  	s25 =	simm.s32 $0x580;
	s28 =	simm.s32 $0x680;
	s29 =	simm.s32 $0x700  }
0xa: {  	s30 =	simm.s32 $0x780;
	s31 =	simm.s32 $0x880;
	s9 =	simm.s32 $0x8C00  }
0xb: {  	s16 =	simm.s32 $0x0;
	[smem:$0x7FF] =	sst s3;
	s4 =	sand.u32 $0x1, s4  }
0xc: {  	s6 =	sshll.u32 s6, $0x7;
	s5 =	ssub.s32 $0x2, s4;
	s4 =	sshll.u32 s4, $0xB  }
0xd: {  	_ =	strace $0x80000047;
	s7 =	sshrl.u32 s5, $0x1;
	s6 =	sor.u32 s6, s4  }
0xe: {  	s7 =	ssub.s32 s5, s7;
	s4 =	sadd.s32 s0, s6;
	s26 =	sshll.u32 s6, $0x4  }
0xf: {  	s0 =	simm.s32 $0x900;
	s5 =	sadd.s32 $0x2000, s4;
	s6 =	sadd.s32 s2, s26  }
0x10: {  	s7 =	smax.u32 s7, $0x1;
	s26 =	simm.s32 $0x600;
	s2 =	simm.s32 $0x980  }
.LBB2_1:
0x11: {  	s18 =	simm.s32 $0x8000  }
0x12: {  	[tilespmem:s3], [sflag:$0x3] =	stream.strided.gather [hbm4b:s4+s8], $0x800, s18, s8, $0x38;
	[tilespmem:$0xCC00] =	vst v63  }
0x13: {  	_ = 	snop  }
0x14: {  	[tilespmem:s10], [sflag:$0x3] =	stream.linear.gather [hbm4b:s5+s3], $0x200, $0x38;
	[tilespmem:$0xCC00] =	vst v63  }
0x15: {  	_ =	swait.ge [sflag:s11], $0xA00  }
0x16: {  	[sflag:s11] =	ssyncset.done $0x0  }
0x17: {  	[sflag:s11] =	ssyncadd.s32 $0xFFFFF600  }
0x18: {  	[tilespmem:s13], [sflag:$0x1] =	stream.indirect.gather [hbm4b:s1+s12], $0x80, s3, s12, $0xb8;
	[tilespmem:$0xCC00] =	vst v63  }
0x19: {  	_ = 	snop  }
0x1a: {  	[tilespmem:s14], [sflag:$0x2] =	stream.indirect.gather [hbm4b:s1+s12], $0x80, s12, s12, $0xb8;
	[tilespmem:$0xCC00] =	vst v63  }
0x1b: {  	_ =	swait.ge [sflag:s15], $0x4000  }
0x1c: {  	[sflag:s15] =	ssyncset.done $0x0  }
0x1d: {  	s18 =	simm.s32 $0x0;
	[sflag:s15] =	ssyncadd.s32 $0xFFFFC000  }
0x1e: {  	v3 =	vld [tilespmem:s18+$0xC70]  }
0x1f: {  	v4 =	vld [tilespmem:s18+$0xC00]  }
0x20: {  	v5 =	vld [tilespmem:s18+$0xC10]  }
0x21: {  	v2 =	vld [tilespmem:s18+$0xC20]  }
0x22: {  	v0 =	vld [tilespmem:s18+$0xC30]  }
0x23: {  	v1 =	vld [tilespmem:s18+$0xC40];
	[tilespmem:s18+$0x8C70] =	vst v3  }
0x24: {  	[tilespmem:s18+$0x8C00] =	vst v4;
	v3 =	vld [tilespmem:s18+$0xC50]  }
0x25: {  	s19 =	simm.s32 $0x80;
	s20 =	simm.s32 $0x400;
	[tilespmem:s18+$0x8C10] =	vst v5;
	v4 =	vld [tilespmem:s18+$0xC60]  }
.LBB2_2:
0x26: {  	p0 =	sne.s32 s20, $0xFE00;
	v5 =	vld [tilespmem:s19+$0xC70];
	[tilespmem:s18+$0x8C20] =	vst v2  }
0x27: {  	v6 =	vld [tilespmem:s19+$0xC00];
	[tilespmem:s18+$0x8C30] =	vst v0  }
0x28: {  	v7 =	vld [tilespmem:s19+$0xC10];
	[tilespmem:s18+$0x8C40] =	vst v1  }
.Ltmp0:
0x29: {  	v2 =	vld [tilespmem:s19+$0xC20];
	[tilespmem:s18+$0x8C50] =	vst v3;
	(pc) =	sbr.rel @p0 .LBB2_2-.Ltmp0, $4  }
0x2a: {  	v0 =	vld [tilespmem:s19+$0xC30];
	[tilespmem:s18+$0x8C60] =	vst v4;
	s18 =	smov.u32 s19  }
0x2b: {  	v1 =	vld [tilespmem:s18+$0xC40];
	[tilespmem:s18+$0x8C70] =	vst v5  }
0x2c: {  	[tilespmem:s18+$0x8C00] =	vst v6;
	v3 =	vld [tilespmem:s18+$0xC50]  }
0x2d: {  	s19 =	sshra.s32 s20, $0x2;
	s20 =	sadd.s32 $0x200, s20;
	[tilespmem:s18+$0x8C10] =	vst v7;
	v4 =	vld [tilespmem:s18+$0xC60]  }
0x2e: {  	v5 =	vld [tilespmem:s19+$0xC70];
	[tilespmem:s18+$0x8C20] =	vst v2  }
0x2f: {  	v2 =	vld [tilespmem:s19+$0xC00];
	[tilespmem:s18+$0x8C30] =	vst v0  }
0x30: {  	v0 =	vld [tilespmem:s19+$0xC10];
	[tilespmem:s18+$0x8C40] =	vst v1  }
0x31: {  	v1 =	vld [tilespmem:s19+$0xC20];
	[tilespmem:s18+$0x8C50] =	vst v3  }
0x32: {  	v3 =	vld [tilespmem:s19+$0xC30];
	[tilespmem:s18+$0x8C60] =	vst v4  }
0x33: {  	v4 =	vld [tilespmem:s19+$0xC40];
	[tilespmem:s19+$0x8C70] =	vst v5  }
0x34: {  	[tilespmem:s19+$0x8C00] =	vst v2;
	v2 =	vld [tilespmem:s19+$0xC50]  }
0x35: {  	[tilespmem:s19+$0x8C10] =	vst v0;
	v0 =	vld [tilespmem:s19+$0xC60]  }
0x36: {  	[tilespmem:s19+$0x8C20] =	vst v1  }
0x37: {  	[tilespmem:s19+$0x8C30] =	vst v3  }
0x38: {  	[tilespmem:s19+$0x8C40] =	vst v4  }
0x39: {  	[tilespmem:s19+$0x8C50] =	vst v2  }
0x3a: {  	s20 =	simm.s32 $0x100;
	[tilespmem:s19+$0x8C60] =	vst v0  }
0x3b: {  	[tilespmem:s13], [sflag:$0x1] =	stream.indirect.gather [hbm4b:s1+s12], $0x80, s20, s12, $0xb8;
	[tilespmem:$0xCC00] =	vst v63  }
0x3c: {  	_ =	swait.ge [sflag:s17], $0x4000  }
0x3d: {  	[sflag:s17] =	ssyncset.done $0x0  }
0x3e: {  	s18 =	simm.s32 $0x0;
	[sflag:s17] =	ssyncadd.s32 $0xFFFFC000  }
0x3f: {  	v7 =	vld [tilespmem:s18+$0x4C00]  }
0x40: {  	v11 =	vld [tilespmem:s18+$0x4C10]  }
0x41: {  	v5 =	vld [tilespmem:s18+$0x4C20]  }
0x42: {  	v4 =	vld [tilespmem:s18+$0x4C30]  }
0x43: {  	v3 =	vld [tilespmem:s18+$0x4C40]  }
0x44: {  	v2 =	vld [tilespmem:s18+$0x4C50]  }
0x45: {  	v1 =	vld [tilespmem:s18+$0x4C60]  }
0x46: {  	v0 =	vld [tilespmem:s18+$0x4C70]  }
0x47: {  	v12 =	vld [tilespmem:s18+$0x8C00]  }
0x48: {  	v13 =	vld [tilespmem:s18+$0x8C10]  }
0x49: {  	v10 =	vld [tilespmem:s18+$0x8C20]  }
0x4a: {  	v9 =	vld [tilespmem:s18+$0x8C30]  }
0x4b: {  	v8 =	vld [tilespmem:s18+$0x8C40]  }
0x4c: {  	v6 =	vld [tilespmem:s18+$0x8C50];
	v12 =	vadd.f32 v12, v7  }
0x4d: {  	s19 =	simm.s32 $0x200;
	v11 =	vadd.f32 v13, v11;
	v7 =	vld [tilespmem:s18+$0x8C60]  }
.LBB2_4:
0x4e: {  	s20 =	sshra.s32 s19, $0x2;
	p0 =	sne.s32 s19, $0xFE00;
	[tilespmem:s18+$0x8C00] =	vst v12;
	v5 =	vadd.f32 v10, v5;
	v10 =	vld [tilespmem:s18+$0x8C70]  }
0x4f: {  	v12 =	vld [tilespmem:s20+$0x4C00];
	[tilespmem:s18+$0x8C10] =	vst v11;
	v4 =	vadd.f32 v9, v4  }
0x50: {  	v11 =	vld [tilespmem:s20+$0x4C10];
	[tilespmem:s18+$0x8C20] =	vst v5;
	v3 =	vadd.f32 v8, v3  }
0x51: {  	v5 =	vld [tilespmem:s20+$0x4C20];
	[tilespmem:s18+$0x8C30] =	vst v4;
	v2 =	vadd.f32 v6, v2  }
0x52: {  	v4 =	vld [tilespmem:s20+$0x4C30];
	[tilespmem:s18+$0x8C40] =	vst v3;
	v1 =	vadd.f32 v7, v1  }
0x53: {  	v3 =	vld [tilespmem:s20+$0x4C40];
	[tilespmem:s18+$0x8C50] =	vst v2;
	v0 =	vadd.f32 v10, v0  }
0x54: {  	v2 =	vld [tilespmem:s20+$0x4C50];
	[tilespmem:s18+$0x8C60] =	vst v1  }
0x55: {  	v1 =	vld [tilespmem:s20+$0x4C60];
	[tilespmem:s18+$0x8C70] =	vst v0;
	s18 =	smov.u32 s20  }
0x56: {  	v0 =	vld [tilespmem:s18+$0x4C70]  }
0x57: {  	v6 =	vld [tilespmem:s18+$0x8C00]  }
0x58: {  	v7 =	vld [tilespmem:s18+$0x8C10]  }
.Ltmp1:
0x59: {  	v10 =	vld [tilespmem:s18+$0x8C20];
	(pc) =	sbr.rel @p0 .LBB2_4-.Ltmp1, $4  }
0x5a: {  	v9 =	vld [tilespmem:s18+$0x8C30]  }
0x5b: {  	v8 =	vld [tilespmem:s18+$0x8C40]  }
0x5c: {  	v12 =	vadd.f32 v6, v12;
	v6 =	vld [tilespmem:s18+$0x8C50]  }
0x5d: {  	s19 =	sadd.s32 $0x200, s19;
	v11 =	vadd.f32 v7, v11;
	v7 =	vld [tilespmem:s18+$0x8C60]  }
0x5e: {  	[tilespmem:s18+$0x8C00] =	vst v12;
	v5 =	vadd.f32 v10, v5;
	v10 =	vld [tilespmem:s18+$0x8C70]  }
0x5f: {  	[tilespmem:s18+$0x8C10] =	vst v11;
	v4 =	vadd.f32 v9, v4  }
0x60: {  	[tilespmem:s18+$0x8C20] =	vst v5;
	v3 =	vadd.f32 v8, v3  }
0x61: {  	[tilespmem:s18+$0x8C30] =	vst v4;
	v2 =	vadd.f32 v6, v2  }
0x62: {  	[tilespmem:s18+$0x8C40] =	vst v3;
	v1 =	vadd.f32 v7, v1  }
0x63: {  	[tilespmem:s18+$0x8C50] =	vst v2;
	v0 =	vadd.f32 v10, v0  }
0x64: {  	[tilespmem:s18+$0x8C60] =	vst v1  }
0x65: {  	s20 =	simm.s32 $0x180;
	[tilespmem:s18+$0x8C70] =	vst v0  }
0x66: {  	[tilespmem:s14], [sflag:$0x2] =	stream.indirect.gather [hbm4b:s1+s12], $0x80, s20, s12, $0xb8;
	[tilespmem:$0xCC00] =	vst v63  }
0x67: {  	_ =	swait.ge [sflag:s15], $0x4000  }
0x68: {  	[sflag:s15] =	ssyncset.done $0x0  }
0x69: {  	s18 =	simm.s32 $0x0;
	[sflag:s15] =	ssyncadd.s32 $0xFFFFC000  }
0x6a: {  	v7 =	vld [tilespmem:s18+$0xC00]  }
0x6b: {  	v11 =	vld [tilespmem:s18+$0xC10]  }
0x6c: {  	v5 =	vld [tilespmem:s18+$0xC20]  }
0x6d: {  	v4 =	vld [tilespmem:s18+$0xC30]  }
0x6e: {  	v3 =	vld [tilespmem:s18+$0xC40]  }
0x6f: {  	v2 =	vld [tilespmem:s18+$0xC50]  }
0x70: {  	v1 =	vld [tilespmem:s18+$0xC60]  }
0x71: {  	v0 =	vld [tilespmem:s18+$0xC70]  }
0x72: {  	v12 =	vld [tilespmem:s18+$0x8C00]  }
0x73: {  	v13 =	vld [tilespmem:s18+$0x8C10]  }
0x74: {  	v10 =	vld [tilespmem:s18+$0x8C20]  }
0x75: {  	v9 =	vld [tilespmem:s18+$0x8C30]  }
0x76: {  	v8 =	vld [tilespmem:s18+$0x8C40]  }
0x77: {  	v6 =	vld [tilespmem:s18+$0x8C50];
	v12 =	vadd.f32 v12, v7  }
0x78: {  	s19 =	simm.s32 $0x200;
	v11 =	vadd.f32 v13, v11;
	v7 =	vld [tilespmem:s18+$0x8C60]  }
.LBB2_6:
0x79: {  	s20 =	sshra.s32 s19, $0x2;
	p0 =	sne.s32 s19, $0xFE00;
	[tilespmem:s18+$0x8C00] =	vst v12;
	v5 =	vadd.f32 v10, v5;
	v10 =	vld [tilespmem:s18+$0x8C70]  }
0x7a: {  	v12 =	vld [tilespmem:s20+$0xC00];
	[tilespmem:s18+$0x8C10] =	vst v11;
	v4 =	vadd.f32 v9, v4  }
0x7b: {  	v11 =	vld [tilespmem:s20+$0xC10];
	[tilespmem:s18+$0x8C20] =	vst v5;
	v3 =	vadd.f32 v8, v3  }
0x7c: {  	v5 =	vld [tilespmem:s20+$0xC20];
	[tilespmem:s18+$0x8C30] =	vst v4;
	v2 =	vadd.f32 v6, v2  }
0x7d: {  	v4 =	vld [tilespmem:s20+$0xC30];
	[tilespmem:s18+$0x8C40] =	vst v3;
	v1 =	vadd.f32 v7, v1  }
0x7e: {  	v3 =	vld [tilespmem:s20+$0xC40];
	[tilespmem:s18+$0x8C50] =	vst v2;
	v0 =	vadd.f32 v10, v0  }
0x7f: {  	v2 =	vld [tilespmem:s20+$0xC50];
	[tilespmem:s18+$0x8C60] =	vst v1  }
0x80: {  	v1 =	vld [tilespmem:s20+$0xC60];
	[tilespmem:s18+$0x8C70] =	vst v0;
	s18 =	smov.u32 s20  }
0x81: {  	v0 =	vld [tilespmem:s18+$0xC70]  }
0x82: {  	v6 =	vld [tilespmem:s18+$0x8C00]  }
0x83: {  	v7 =	vld [tilespmem:s18+$0x8C10]  }
.Ltmp2:
0x84: {  	v10 =	vld [tilespmem:s18+$0x8C20];
	(pc) =	sbr.rel @p0 .LBB2_6-.Ltmp2, $4  }
0x85: {  	v9 =	vld [tilespmem:s18+$0x8C30]  }
0x86: {  	v8 =	vld [tilespmem:s18+$0x8C40]  }
0x87: {  	v12 =	vadd.f32 v6, v12;
	v6 =	vld [tilespmem:s18+$0x8C50]  }
0x88: {  	s19 =	sadd.s32 $0x200, s19;
	v11 =	vadd.f32 v7, v11;
	v7 =	vld [tilespmem:s18+$0x8C60]  }
0x89: {  	[tilespmem:s18+$0x8C00] =	vst v12;
	v5 =	vadd.f32 v10, v5;
	v10 =	vld [tilespmem:s18+$0x8C70]  }
0x8a: {  	[tilespmem:s18+$0x8C10] =	vst v11;
	v4 =	vadd.f32 v9, v4  }
0x8b: {  	[tilespmem:s18+$0x8C20] =	vst v5;
	v3 =	vadd.f32 v8, v3  }
0x8c: {  	[tilespmem:s18+$0x8C30] =	vst v4;
	v2 =	vadd.f32 v6, v2  }
0x8d: {  	[tilespmem:s18+$0x8C40] =	vst v3;
	v1 =	vadd.f32 v7, v1  }
0x8e: {  	[tilespmem:s18+$0x8C50] =	vst v2;
	v0 =	vadd.f32 v10, v0  }
0x8f: {  	[tilespmem:s18+$0x8C60] =	vst v1  }
0x90: {  	s20 =	simm.s32 $0x200;
	[tilespmem:s18+$0x8C70] =	vst v0  }
0x91: {  	[tilespmem:s13], [sflag:$0x1] =	stream.indirect.gather [hbm4b:s1+s12], $0x80, s20, s12, $0xb8;
	[tilespmem:$0xCC00] =	vst v63  }
0x92: {  	_ =	swait.ge [sflag:s17], $0x4000  }
0x93: {  	[sflag:s17] =	ssyncset.done $0x0  }
0x94: {  	s18 =	simm.s32 $0x0;
	[sflag:s17] =	ssyncadd.s32 $0xFFFFC000  }
0x95: {  	v7 =	vld [tilespmem:s18+$0x4C00]  }
0x96: {  	v11 =	vld [tilespmem:s18+$0x4C10]  }
0x97: {  	v5 =	vld [tilespmem:s18+$0x4C20]  }
0x98: {  	v4 =	vld [tilespmem:s18+$0x4C30]  }
0x99: {  	v3 =	vld [tilespmem:s18+$0x4C40]  }
0x9a: {  	v2 =	vld [tilespmem:s18+$0x4C50]  }
0x9b: {  	v1 =	vld [tilespmem:s18+$0x4C60]  }
0x9c: {  	v0 =	vld [tilespmem:s18+$0x4C70]  }
0x9d: {  	v12 =	vld [tilespmem:s18+$0x8C00]  }
0x9e: {  	v13 =	vld [tilespmem:s18+$0x8C10]  }
0x9f: {  	v10 =	vld [tilespmem:s18+$0x8C20]  }
0xa0: {  	v9 =	vld [tilespmem:s18+$0x8C30]  }
0xa1: {  	v8 =	vld [tilespmem:s18+$0x8C40]  }
0xa2: {  	v6 =	vld [tilespmem:s18+$0x8C50];
	v12 =	vadd.f32 v12, v7  }
0xa3: {  	s19 =	simm.s32 $0x200;
	v11 =	vadd.f32 v13, v11;
	v7 =	vld [tilespmem:s18+$0x8C60]  }
.LBB2_8:
0xa4: {  	s20 =	sshra.s32 s19, $0x2;
	p0 =	sne.s32 s19, $0xFE00;
	[tilespmem:s18+$0x8C00] =	vst v12;
	v5 =	vadd.f32 v10, v5;
	v10 =	vld [tilespmem:s18+$0x8C70]  }
0xa5: {  	v12 =	vld [tilespmem:s20+$0x4C00];
	[tilespmem:s18+$0x8C10] =	vst v11;
	v4 =	vadd.f32 v9, v4  }
0xa6: {  	v11 =	vld [tilespmem:s20+$0x4C10];
	[tilespmem:s18+$0x8C20] =	vst v5;
	v3 =	vadd.f32 v8, v3  }
0xa7: {  	v5 =	vld [tilespmem:s20+$0x4C20];
	[tilespmem:s18+$0x8C30] =	vst v4;
	v2 =	vadd.f32 v6, v2  }
0xa8: {  	v4 =	vld [tilespmem:s20+$0x4C30];
	[tilespmem:s18+$0x8C40] =	vst v3;
	v1 =	vadd.f32 v7, v1  }
0xa9: {  	v3 =	vld [tilespmem:s20+$0x4C40];
	[tilespmem:s18+$0x8C50] =	vst v2;
	v0 =	vadd.f32 v10, v0  }
0xaa: {  	v2 =	vld [tilespmem:s20+$0x4C50];
	[tilespmem:s18+$0x8C60] =	vst v1  }
0xab: {  	v1 =	vld [tilespmem:s20+$0x4C60];
	[tilespmem:s18+$0x8C70] =	vst v0;
	s18 =	smov.u32 s20  }
0xac: {  	v0 =	vld [tilespmem:s18+$0x4C70]  }
0xad: {  	v6 =	vld [tilespmem:s18+$0x8C00]  }
0xae: {  	v7 =	vld [tilespmem:s18+$0x8C10]  }
.Ltmp3:
0xaf: {  	v10 =	vld [tilespmem:s18+$0x8C20];
	(pc) =	sbr.rel @p0 .LBB2_8-.Ltmp3, $4  }
0xb0: {  	v9 =	vld [tilespmem:s18+$0x8C30]  }
0xb1: {  	v8 =	vld [tilespmem:s18+$0x8C40]  }
0xb2: {  	v12 =	vadd.f32 v6, v12;
	v6 =	vld [tilespmem:s18+$0x8C50]  }
0xb3: {  	s19 =	sadd.s32 $0x200, s19;
	v11 =	vadd.f32 v7, v11;
	v7 =	vld [tilespmem:s18+$0x8C60]  }
0xb4: {  	[tilespmem:s18+$0x8C00] =	vst v12;
	v5 =	vadd.f32 v10, v5;
	v10 =	vld [tilespmem:s18+$0x8C70]  }
0xb5: {  	[tilespmem:s18+$0x8C10] =	vst v11;
	v4 =	vadd.f32 v9, v4  }
0xb6: {  	[tilespmem:s18+$0x8C20] =	vst v5;
	v3 =	vadd.f32 v8, v3  }
0xb7: {  	[tilespmem:s18+$0x8C30] =	vst v4;
	v2 =	vadd.f32 v6, v2  }
0xb8: {  	[tilespmem:s18+$0x8C40] =	vst v3;
	v1 =	vadd.f32 v7, v1  }
0xb9: {  	[tilespmem:s18+$0x8C50] =	vst v2;
	v0 =	vadd.f32 v10, v0  }
0xba: {  	[tilespmem:s18+$0x8C60] =	vst v1  }
0xbb: {  	s20 =	simm.s32 $0x280;
	[tilespmem:s18+$0x8C70] =	vst v0  }
0xbc: {  	[tilespmem:s14], [sflag:$0x2] =	stream.indirect.gather [hbm4b:s1+s12], $0x80, s20, s12, $0xb8;
	[tilespmem:$0xCC00] =	vst v63  }
0xbd: {  	_ =	swait.ge [sflag:s15], $0x4000  }
0xbe: {  	[sflag:s15] =	ssyncset.done $0x0  }
0xbf: {  	s18 =	simm.s32 $0x0;
	[sflag:s15] =	ssyncadd.s32 $0xFFFFC000  }
0xc0: {  	v7 =	vld [tilespmem:s18+$0xC00]  }
0xc1: {  	v11 =	vld [tilespmem:s18+$0xC10]  }
0xc2: {  	v5 =	vld [tilespmem:s18+$0xC20]  }
0xc3: {  	v4 =	vld [tilespmem:s18+$0xC30]  }
0xc4: {  	v3 =	vld [tilespmem:s18+$0xC40]  }
0xc5: {  	v2 =	vld [tilespmem:s18+$0xC50]  }
0xc6: {  	v1 =	vld [tilespmem:s18+$0xC60]  }
0xc7: {  	v0 =	vld [tilespmem:s18+$0xC70]  }
0xc8: {  	v12 =	vld [tilespmem:s18+$0x8C00]  }
0xc9: {  	v13 =	vld [tilespmem:s18+$0x8C10]  }
0xca: {  	v10 =	vld [tilespmem:s18+$0x8C20]  }
0xcb: {  	v9 =	vld [tilespmem:s18+$0x8C30]  }
0xcc: {  	v8 =	vld [tilespmem:s18+$0x8C40]  }
0xcd: {  	v6 =	vld [tilespmem:s18+$0x8C50];
	v12 =	vadd.f32 v12, v7  }
0xce: {  	s19 =	simm.s32 $0x200;
	v11 =	vadd.f32 v13, v11;
	v7 =	vld [tilespmem:s18+$0x8C60]  }
.LBB2_10:
0xcf: {  	s20 =	sshra.s32 s19, $0x2;
	p0 =	sne.s32 s19, $0xFE00;
	[tilespmem:s18+$0x8C00] =	vst v12;
	v5 =	vadd.f32 v10, v5;
	v10 =	vld [tilespmem:s18+$0x8C70]  }
0xd0: {  	v12 =	vld [tilespmem:s20+$0xC00];
	[tilespmem:s18+$0x8C10] =	vst v11;
	v4 =	vadd.f32 v9, v4  }
0xd1: {  	v11 =	vld [tilespmem:s20+$0xC10];
	[tilespmem:s18+$0x8C20] =	vst v5;
	v3 =	vadd.f32 v8, v3  }
0xd2: {  	v5 =	vld [tilespmem:s20+$0xC20];
	[tilespmem:s18+$0x8C30] =	vst v4;
	v2 =	vadd.f32 v6, v2  }
0xd3: {  	v4 =	vld [tilespmem:s20+$0xC30];
	[tilespmem:s18+$0x8C40] =	vst v3;
	v1 =	vadd.f32 v7, v1  }
0xd4: {  	v3 =	vld [tilespmem:s20+$0xC40];
	[tilespmem:s18+$0x8C50] =	vst v2;
	v0 =	vadd.f32 v10, v0  }
0xd5: {  	v2 =	vld [tilespmem:s20+$0xC50];
	[tilespmem:s18+$0x8C60] =	vst v1  }
0xd6: {  	v1 =	vld [tilespmem:s20+$0xC60];
	[tilespmem:s18+$0x8C70] =	vst v0;
	s18 =	smov.u32 s20  }
0xd7: {  	v0 =	vld [tilespmem:s18+$0xC70]  }
0xd8: {  	v6 =	vld [tilespmem:s18+$0x8C00]  }
0xd9: {  	v7 =	vld [tilespmem:s18+$0x8C10]  }
.Ltmp4:
0xda: {  	v10 =	vld [tilespmem:s18+$0x8C20];
	(pc) =	sbr.rel @p0 .LBB2_10-.Ltmp4, $4  }
0xdb: {  	v9 =	vld [tilespmem:s18+$0x8C30]  }
0xdc: {  	v8 =	vld [tilespmem:s18+$0x8C40]  }
0xdd: {  	v12 =	vadd.f32 v6, v12;
	v6 =	vld [tilespmem:s18+$0x8C50]  }
0xde: {  	s19 =	sadd.s32 $0x200, s19;
	v11 =	vadd.f32 v7, v11;
	v7 =	vld [tilespmem:s18+$0x8C60]  }
0xdf: {  	[tilespmem:s18+$0x8C00] =	vst v12;
	v5 =	vadd.f32 v10, v5;
	v10 =	vld [tilespmem:s18+$0x8C70]  }
0xe0: {  	[tilespmem:s18+$0x8C10] =	vst v11;
	v4 =	vadd.f32 v9, v4  }
0xe1: {  	[tilespmem:s18+$0x8C20] =	vst v5;
	v3 =	vadd.f32 v8, v3  }
0xe2: {  	[tilespmem:s18+$0x8C30] =	vst v4;
	v2 =	vadd.f32 v6, v2  }
0xe3: {  	[tilespmem:s18+$0x8C40] =	vst v3;
	v1 =	vadd.f32 v7, v1  }
0xe4: {  	[tilespmem:s18+$0x8C50] =	vst v2;
	v0 =	vadd.f32 v10, v0  }
0xe5: {  	[tilespmem:s18+$0x8C60] =	vst v1  }
0xe6: {  	[tilespmem:s18+$0x8C70] =	vst v0  }
0xe7: {  	[tilespmem:s13], [sflag:$0x1] =	stream.indirect.gather [hbm4b:s1+s12], $0x80, s21, s12, $0xb8;
	[tilespmem:$0xCC00] =	vst v63  }
0xe8: {  	_ =	swait.ge [sflag:s17], $0x4000  }
0xe9: {  	[sflag:s17] =	ssyncset.done $0x0  }
0xea: {  	s18 =	simm.s32 $0x0;
	[sflag:s17] =	ssyncadd.s32 $0xFFFFC000  }
0xeb: {  	v7 =	vld [tilespmem:s18+$0x4C00]  }
0xec: {  	v11 =	vld [tilespmem:s18+$0x4C10]  }
0xed: {  	v5 =	vld [tilespmem:s18+$0x4C20]  }
0xee: {  	v4 =	vld [tilespmem:s18+$0x4C30]  }
0xef: {  	v3 =	vld [tilespmem:s18+$0x4C40]  }
0xf0: {  	v2 =	vld [tilespmem:s18+$0x4C50]  }
0xf1: {  	v1 =	vld [tilespmem:s18+$0x4C60]  }
0xf2: {  	v0 =	vld [tilespmem:s18+$0x4C70]  }
0xf3: {  	v12 =	vld [tilespmem:s18+$0x8C00]  }
0xf4: {  	v13 =	vld [tilespmem:s18+$0x8C10]  }
0xf5: {  	v10 =	vld [tilespmem:s18+$0x8C20]  }
0xf6: {  	v9 =	vld [tilespmem:s18+$0x8C30]  }
0xf7: {  	v8 =	vld [tilespmem:s18+$0x8C40]  }
0xf8: {  	v6 =	vld [tilespmem:s18+$0x8C50];
	v12 =	vadd.f32 v12, v7  }
0xf9: {  	s19 =	simm.s32 $0x200;
	v11 =	vadd.f32 v13, v11;
	v7 =	vld [tilespmem:s18+$0x8C60]  }
.LBB2_12:
0xfa: {  	s20 =	sshra.s32 s19, $0x2;
	p0 =	sne.s32 s19, $0xFE00;
	[tilespmem:s18+$0x8C00] =	vst v12;
	v5 =	vadd.f32 v10, v5;
	v10 =	vld [tilespmem:s18+$0x8C70]  }
0xfb: {  	v12 =	vld [tilespmem:s20+$0x4C00];
	[tilespmem:s18+$0x8C10] =	vst v11;
	v4 =	vadd.f32 v9, v4  }
0xfc: {  	v11 =	vld [tilespmem:s20+$0x4C10];
	[tilespmem:s18+$0x8C20] =	vst v5;
	v3 =	vadd.f32 v8, v3  }
0xfd: {  	v5 =	vld [tilespmem:s20+$0x4C20];
	[tilespmem:s18+$0x8C30] =	vst v4;
	v2 =	vadd.f32 v6, v2  }
0xfe: {  	v4 =	vld [tilespmem:s20+$0x4C30];
	[tilespmem:s18+$0x8C40] =	vst v3;
	v1 =	vadd.f32 v7, v1  }
0xff: {  	v3 =	vld [tilespmem:s20+$0x4C40];
	[tilespmem:s18+$0x8C50] =	vst v2;
	v0 =	vadd.f32 v10, v0  }
0x100: {  	v2 =	vld [tilespmem:s20+$0x4C50];
	[tilespmem:s18+$0x8C60] =	vst v1  }
0x101: {  	v1 =	vld [tilespmem:s20+$0x4C60];
	[tilespmem:s18+$0x8C70] =	vst v0;
	s18 =	smov.u32 s20  }
0x102: {  	v0 =	vld [tilespmem:s18+$0x4C70]  }
0x103: {  	v6 =	vld [tilespmem:s18+$0x8C00]  }
0x104: {  	v7 =	vld [tilespmem:s18+$0x8C10]  }
.Ltmp5:
0x105: {  	v10 =	vld [tilespmem:s18+$0x8C20];
	(pc) =	sbr.rel @p0 .LBB2_12-.Ltmp5, $4  }
0x106: {  	v9 =	vld [tilespmem:s18+$0x8C30]  }
0x107: {  	v8 =	vld [tilespmem:s18+$0x8C40]  }
0x108: {  	v12 =	vadd.f32 v6, v12;
	v6 =	vld [tilespmem:s18+$0x8C50]  }
0x109: {  	s19 =	sadd.s32 $0x200, s19;
	v11 =	vadd.f32 v7, v11;
	v7 =	vld [tilespmem:s18+$0x8C60]  }
0x10a: {  	[tilespmem:s18+$0x8C00] =	vst v12;
	v5 =	vadd.f32 v10, v5;
	v10 =	vld [tilespmem:s18+$0x8C70]  }
0x10b: {  	[tilespmem:s18+$0x8C10] =	vst v11;
	v4 =	vadd.f32 v9, v4  }
0x10c: {  	[tilespmem:s18+$0x8C20] =	vst v5;
	v3 =	vadd.f32 v8, v3  }
0x10d: {  	[tilespmem:s18+$0x8C30] =	vst v4;
	v2 =	vadd.f32 v6, v2  }
0x10e: {  	[tilespmem:s18+$0x8C40] =	vst v3;
	v1 =	vadd.f32 v7, v1  }
0x10f: {  	[tilespmem:s18+$0x8C50] =	vst v2;
	v0 =	vadd.f32 v10, v0  }
0x110: {  	[tilespmem:s18+$0x8C60] =	vst v1  }
0x111: {  	[tilespmem:s18+$0x8C70] =	vst v0  }
0x112: {  	[tilespmem:s14], [sflag:$0x2] =	stream.indirect.gather [hbm4b:s1+s12], $0x80, s22, s12, $0xb8;
	[tilespmem:$0xCC00] =	vst v63  }
0x113: {  	_ =	swait.ge [sflag:s15], $0x4000  }
0x114: {  	[sflag:s15] =	ssyncset.done $0x0  }
0x115: {  	s18 =	simm.s32 $0x0;
	[sflag:s15] =	ssyncadd.s32 $0xFFFFC000  }
0x116: {  	v7 =	vld [tilespmem:s18+$0xC00]  }
0x117: {  	v11 =	vld [tilespmem:s18+$0xC10]  }
0x118: {  	v5 =	vld [tilespmem:s18+$0xC20]  }
0x119: {  	v4 =	vld [tilespmem:s18+$0xC30]  }
0x11a: {  	v3 =	vld [tilespmem:s18+$0xC40]  }
0x11b: {  	v2 =	vld [tilespmem:s18+$0xC50]  }
0x11c: {  	v1 =	vld [tilespmem:s18+$0xC60]  }
0x11d: {  	v0 =	vld [tilespmem:s18+$0xC70]  }
0x11e: {  	v12 =	vld [tilespmem:s18+$0x8C00]  }
0x11f: {  	v13 =	vld [tilespmem:s18+$0x8C10]  }
0x120: {  	v10 =	vld [tilespmem:s18+$0x8C20]  }
0x121: {  	v9 =	vld [tilespmem:s18+$0x8C30]  }
0x122: {  	v8 =	vld [tilespmem:s18+$0x8C40]  }
0x123: {  	v6 =	vld [tilespmem:s18+$0x8C50];
	v12 =	vadd.f32 v12, v7  }
0x124: {  	s19 =	simm.s32 $0x200;
	v11 =	vadd.f32 v13, v11;
	v7 =	vld [tilespmem:s18+$0x8C60]  }
.LBB2_14:
0x125: {  	s20 =	sshra.s32 s19, $0x2;
	p0 =	sne.s32 s19, $0xFE00;
	[tilespmem:s18+$0x8C00] =	vst v12;
	v5 =	vadd.f32 v10, v5;
	v10 =	vld [tilespmem:s18+$0x8C70]  }
0x126: {  	v12 =	vld [tilespmem:s20+$0xC00];
	[tilespmem:s18+$0x8C10] =	vst v11;
	v4 =	vadd.f32 v9, v4  }
0x127: {  	v11 =	vld [tilespmem:s20+$0xC10];
	[tilespmem:s18+$0x8C20] =	vst v5;
	v3 =	vadd.f32 v8, v3  }
0x128: {  	v5 =	vld [tilespmem:s20+$0xC20];
	[tilespmem:s18+$0x8C30] =	vst v4;
	v2 =	vadd.f32 v6, v2  }
0x129: {  	v4 =	vld [tilespmem:s20+$0xC30];
	[tilespmem:s18+$0x8C40] =	vst v3;
	v1 =	vadd.f32 v7, v1  }
0x12a: {  	v3 =	vld [tilespmem:s20+$0xC40];
	[tilespmem:s18+$0x8C50] =	vst v2;
	v0 =	vadd.f32 v10, v0  }
0x12b: {  	v2 =	vld [tilespmem:s20+$0xC50];
	[tilespmem:s18+$0x8C60] =	vst v1  }
0x12c: {  	v1 =	vld [tilespmem:s20+$0xC60];
	[tilespmem:s18+$0x8C70] =	vst v0;
	s18 =	smov.u32 s20  }
0x12d: {  	v0 =	vld [tilespmem:s18+$0xC70]  }
0x12e: {  	v6 =	vld [tilespmem:s18+$0x8C00]  }
0x12f: {  	v7 =	vld [tilespmem:s18+$0x8C10]  }
.Ltmp6:
0x130: {  	v10 =	vld [tilespmem:s18+$0x8C20];
	(pc) =	sbr.rel @p0 .LBB2_14-.Ltmp6, $4  }
0x131: {  	v9 =	vld [tilespmem:s18+$0x8C30]  }
0x132: {  	v8 =	vld [tilespmem:s18+$0x8C40]  }
0x133: {  	v12 =	vadd.f32 v6, v12;
	v6 =	vld [tilespmem:s18+$0x8C50]  }
0x134: {  	s19 =	sadd.s32 $0x200, s19;
	v11 =	vadd.f32 v7, v11;
	v7 =	vld [tilespmem:s18+$0x8C60]  }
0x135: {  	[tilespmem:s18+$0x8C00] =	vst v12;
	v5 =	vadd.f32 v10, v5;
	v10 =	vld [tilespmem:s18+$0x8C70]  }
0x136: {  	[tilespmem:s18+$0x8C10] =	vst v11;
	v4 =	vadd.f32 v9, v4  }
0x137: {  	[tilespmem:s18+$0x8C20] =	vst v5;
	v3 =	vadd.f32 v8, v3  }
0x138: {  	[tilespmem:s18+$0x8C30] =	vst v4;
	v2 =	vadd.f32 v6, v2  }
0x139: {  	[tilespmem:s18+$0x8C40] =	vst v3;
	v1 =	vadd.f32 v7, v1  }
0x13a: {  	[tilespmem:s18+$0x8C50] =	vst v2;
	v0 =	vadd.f32 v10, v0  }
0x13b: {  	[tilespmem:s18+$0x8C60] =	vst v1  }
0x13c: {  	[tilespmem:s18+$0x8C70] =	vst v0  }
0x13d: {  	[tilespmem:s13], [sflag:$0x1] =	stream.indirect.gather [hbm4b:s1+s12], $0x80, s8, s12, $0xb8;
	[tilespmem:$0xCC00] =	vst v63  }
0x13e: {  	_ =	swait.ge [sflag:s17], $0x4000  }
0x13f: {  	[sflag:s17] =	ssyncset.done $0x0  }
0x140: {  	s18 =	simm.s32 $0x0;
	[sflag:s17] =	ssyncadd.s32 $0xFFFFC000  }
0x141: {  	v7 =	vld [tilespmem:s18+$0x4C00]  }
0x142: {  	v11 =	vld [tilespmem:s18+$0x4C10]  }
0x143: {  	v5 =	vld [tilespmem:s18+$0x4C20]  }
0x144: {  	v4 =	vld [tilespmem:s18+$0x4C30]  }
0x145: {  	v3 =	vld [tilespmem:s18+$0x4C40]  }
0x146: {  	v2 =	vld [tilespmem:s18+$0x4C50]  }
0x147: {  	v1 =	vld [tilespmem:s18+$0x4C60]  }
0x148: {  	v0 =	vld [tilespmem:s18+$0x4C70]  }
0x149: {  	v12 =	vld [tilespmem:s18+$0x8C00]  }
0x14a: {  	v13 =	vld [tilespmem:s18+$0x8C10]  }
0x14b: {  	v10 =	vld [tilespmem:s18+$0x8C20]  }
0x14c: {  	v9 =	vld [tilespmem:s18+$0x8C30]  }
0x14d: {  	v8 =	vld [tilespmem:s18+$0x8C40]  }
0x14e: {  	v6 =	vld [tilespmem:s18+$0x8C50];
	v12 =	vadd.f32 v12, v7  }
0x14f: {  	s19 =	simm.s32 $0x200;
	v11 =	vadd.f32 v13, v11;
	v7 =	vld [tilespmem:s18+$0x8C60]  }
.LBB2_16:
0x150: {  	s20 =	sshra.s32 s19, $0x2;
	p0 =	sne.s32 s19, $0xFE00;
	[tilespmem:s18+$0x8C00] =	vst v12;
	v5 =	vadd.f32 v10, v5;
	v10 =	vld [tilespmem:s18+$0x8C70]  }
0x151: {  	v12 =	vld [tilespmem:s20+$0x4C00];
	[tilespmem:s18+$0x8C10] =	vst v11;
	v4 =	vadd.f32 v9, v4  }
0x152: {  	v11 =	vld [tilespmem:s20+$0x4C10];
	[tilespmem:s18+$0x8C20] =	vst v5;
	v3 =	vadd.f32 v8, v3  }
0x153: {  	v5 =	vld [tilespmem:s20+$0x4C20];
	[tilespmem:s18+$0x8C30] =	vst v4;
	v2 =	vadd.f32 v6, v2  }
0x154: {  	v4 =	vld [tilespmem:s20+$0x4C30];
	[tilespmem:s18+$0x8C40] =	vst v3;
	v1 =	vadd.f32 v7, v1  }
0x155: {  	v3 =	vld [tilespmem:s20+$0x4C40];
	[tilespmem:s18+$0x8C50] =	vst v2;
	v0 =	vadd.f32 v10, v0  }
0x156: {  	v2 =	vld [tilespmem:s20+$0x4C50];
	[tilespmem:s18+$0x8C60] =	vst v1  }
0x157: {  	v1 =	vld [tilespmem:s20+$0x4C60];
	[tilespmem:s18+$0x8C70] =	vst v0;
	s18 =	smov.u32 s20  }
0x158: {  	v0 =	vld [tilespmem:s18+$0x4C70]  }
0x159: {  	v6 =	vld [tilespmem:s18+$0x8C00]  }
0x15a: {  	v7 =	vld [tilespmem:s18+$0x8C10]  }
.Ltmp7:
0x15b: {  	v10 =	vld [tilespmem:s18+$0x8C20];
	(pc) =	sbr.rel @p0 .LBB2_16-.Ltmp7, $4  }
0x15c: {  	v9 =	vld [tilespmem:s18+$0x8C30]  }
0x15d: {  	v8 =	vld [tilespmem:s18+$0x8C40]  }
0x15e: {  	v12 =	vadd.f32 v6, v12;
	v6 =	vld [tilespmem:s18+$0x8C50]  }
0x15f: {  	s19 =	sadd.s32 $0x200, s19;
	v11 =	vadd.f32 v7, v11;
	v7 =	vld [tilespmem:s18+$0x8C60]  }
0x160: {  	[tilespmem:s18+$0x8C00] =	vst v12;
	v5 =	vadd.f32 v10, v5;
	v10 =	vld [tilespmem:s18+$0x8C70]  }
0x161: {  	[tilespmem:s18+$0x8C10] =	vst v11;
	v4 =	vadd.f32 v9, v4  }
0x162: {  	[tilespmem:s18+$0x8C20] =	vst v5;
	v3 =	vadd.f32 v8, v3  }
0x163: {  	[tilespmem:s18+$0x8C30] =	vst v4;
	v2 =	vadd.f32 v6, v2  }
0x164: {  	[tilespmem:s18+$0x8C40] =	vst v3;
	v1 =	vadd.f32 v7, v1  }
0x165: {  	[tilespmem:s18+$0x8C50] =	vst v2;
	v0 =	vadd.f32 v10, v0  }
0x166: {  	[tilespmem:s18+$0x8C60] =	vst v1  }
0x167: {  	[tilespmem:s18+$0x8C70] =	vst v0  }
0x168: {  	[tilespmem:s14], [sflag:$0x2] =	stream.indirect.gather [hbm4b:s1+s12], $0x80, s23, s12, $0xb8;
	[tilespmem:$0xCC00] =	vst v63  }
0x169: {  	_ =	swait.ge [sflag:s15], $0x4000  }
0x16a: {  	[sflag:s15] =	ssyncset.done $0x0  }
0x16b: {  	s18 =	simm.s32 $0x0;
	[sflag:s15] =	ssyncadd.s32 $0xFFFFC000  }
0x16c: {  	v7 =	vld [tilespmem:s18+$0xC00]  }
0x16d: {  	v11 =	vld [tilespmem:s18+$0xC10]  }
0x16e: {  	v5 =	vld [tilespmem:s18+$0xC20]  }
0x16f: {  	v4 =	vld [tilespmem:s18+$0xC30]  }
0x170: {  	v3 =	vld [tilespmem:s18+$0xC40]  }
0x171: {  	v2 =	vld [tilespmem:s18+$0xC50]  }
0x172: {  	v1 =	vld [tilespmem:s18+$0xC60]  }
0x173: {  	v0 =	vld [tilespmem:s18+$0xC70]  }
0x174: {  	v12 =	vld [tilespmem:s18+$0x8C00]  }
0x175: {  	v13 =	vld [tilespmem:s18+$0x8C10]  }
0x176: {  	v10 =	vld [tilespmem:s18+$0x8C20]  }
0x177: {  	v9 =	vld [tilespmem:s18+$0x8C30]  }
0x178: {  	v8 =	vld [tilespmem:s18+$0x8C40]  }
0x179: {  	v6 =	vld [tilespmem:s18+$0x8C50];
	v12 =	vadd.f32 v12, v7  }
0x17a: {  	s19 =	simm.s32 $0x200;
	v11 =	vadd.f32 v13, v11;
	v7 =	vld [tilespmem:s18+$0x8C60]  }
.LBB2_18:
0x17b: {  	s20 =	sshra.s32 s19, $0x2;
	p0 =	sne.s32 s19, $0xFE00;
	[tilespmem:s18+$0x8C00] =	vst v12;
	v5 =	vadd.f32 v10, v5;
	v10 =	vld [tilespmem:s18+$0x8C70]  }
0x17c: {  	v12 =	vld [tilespmem:s20+$0xC00];
	[tilespmem:s18+$0x8C10] =	vst v11;
	v4 =	vadd.f32 v9, v4  }
0x17d: {  	v11 =	vld [tilespmem:s20+$0xC10];
	[tilespmem:s18+$0x8C20] =	vst v5;
	v3 =	vadd.f32 v8, v3  }
0x17e: {  	v5 =	vld [tilespmem:s20+$0xC20];
	[tilespmem:s18+$0x8C30] =	vst v4;
	v2 =	vadd.f32 v6, v2  }
0x17f: {  	v4 =	vld [tilespmem:s20+$0xC30];
	[tilespmem:s18+$0x8C40] =	vst v3;
	v1 =	vadd.f32 v7, v1  }
0x180: {  	v3 =	vld [tilespmem:s20+$0xC40];
	[tilespmem:s18+$0x8C50] =	vst v2;
	v0 =	vadd.f32 v10, v0  }
0x181: {  	v2 =	vld [tilespmem:s20+$0xC50];
	[tilespmem:s18+$0x8C60] =	vst v1  }
0x182: {  	v1 =	vld [tilespmem:s20+$0xC60];
	[tilespmem:s18+$0x8C70] =	vst v0;
	s18 =	smov.u32 s20  }
0x183: {  	v0 =	vld [tilespmem:s18+$0xC70]  }
0x184: {  	v6 =	vld [tilespmem:s18+$0x8C00]  }
0x185: {  	v7 =	vld [tilespmem:s18+$0x8C10]  }
.Ltmp8:
0x186: {  	v10 =	vld [tilespmem:s18+$0x8C20];
	(pc) =	sbr.rel @p0 .LBB2_18-.Ltmp8, $4  }
0x187: {  	v9 =	vld [tilespmem:s18+$0x8C30]  }
0x188: {  	v8 =	vld [tilespmem:s18+$0x8C40]  }
0x189: {  	v12 =	vadd.f32 v6, v12;
	v6 =	vld [tilespmem:s18+$0x8C50]  }
0x18a: {  	s19 =	sadd.s32 $0x200, s19;
	v11 =	vadd.f32 v7, v11;
	v7 =	vld [tilespmem:s18+$0x8C60]  }
0x18b: {  	[tilespmem:s18+$0x8C00] =	vst v12;
	v5 =	vadd.f32 v10, v5;
	v10 =	vld [tilespmem:s18+$0x8C70]  }
0x18c: {  	[tilespmem:s18+$0x8C10] =	vst v11;
	v4 =	vadd.f32 v9, v4  }
0x18d: {  	[tilespmem:s18+$0x8C20] =	vst v5;
	v3 =	vadd.f32 v8, v3  }
0x18e: {  	[tilespmem:s18+$0x8C30] =	vst v4;
	v2 =	vadd.f32 v6, v2  }
0x18f: {  	[tilespmem:s18+$0x8C40] =	vst v3;
	v1 =	vadd.f32 v7, v1  }
0x190: {  	[tilespmem:s18+$0x8C50] =	vst v2;
	v0 =	vadd.f32 v10, v0  }
0x191: {  	[tilespmem:s18+$0x8C60] =	vst v1  }
0x192: {  	[tilespmem:s18+$0x8C70] =	vst v0  }
0x193: {  	[tilespmem:s13], [sflag:$0x1] =	stream.indirect.gather [hbm4b:s1+s12], $0x80, s24, s12, $0xb8;
	[tilespmem:$0xCC00] =	vst v63  }
0x194: {  	_ =	swait.ge [sflag:s17], $0x4000  }
0x195: {  	[sflag:s17] =	ssyncset.done $0x0  }
0x196: {  	s18 =	simm.s32 $0x0;
	[sflag:s17] =	ssyncadd.s32 $0xFFFFC000  }
0x197: {  	v7 =	vld [tilespmem:s18+$0x4C00]  }
0x198: {  	v11 =	vld [tilespmem:s18+$0x4C10]  }
0x199: {  	v5 =	vld [tilespmem:s18+$0x4C20]  }
0x19a: {  	v4 =	vld [tilespmem:s18+$0x4C30]  }
0x19b: {  	v3 =	vld [tilespmem:s18+$0x4C40]  }
0x19c: {  	v2 =	vld [tilespmem:s18+$0x4C50]  }
0x19d: {  	v1 =	vld [tilespmem:s18+$0x4C60]  }
0x19e: {  	v0 =	vld [tilespmem:s18+$0x4C70]  }
0x19f: {  	v12 =	vld [tilespmem:s18+$0x8C00]  }
0x1a0: {  	v13 =	vld [tilespmem:s18+$0x8C10]  }
0x1a1: {  	v10 =	vld [tilespmem:s18+$0x8C20]  }
0x1a2: {  	v9 =	vld [tilespmem:s18+$0x8C30]  }
0x1a3: {  	v8 =	vld [tilespmem:s18+$0x8C40]  }
0x1a4: {  	v6 =	vld [tilespmem:s18+$0x8C50];
	v12 =	vadd.f32 v12, v7  }
0x1a5: {  	s19 =	simm.s32 $0x200;
	v11 =	vadd.f32 v13, v11;
	v7 =	vld [tilespmem:s18+$0x8C60]  }
.LBB2_20:
0x1a6: {  	s20 =	sshra.s32 s19, $0x2;
	p0 =	sne.s32 s19, $0xFE00;
	[tilespmem:s18+$0x8C00] =	vst v12;
	v5 =	vadd.f32 v10, v5;
	v10 =	vld [tilespmem:s18+$0x8C70]  }
0x1a7: {  	v12 =	vld [tilespmem:s20+$0x4C00];
	[tilespmem:s18+$0x8C10] =	vst v11;
	v4 =	vadd.f32 v9, v4  }
0x1a8: {  	v11 =	vld [tilespmem:s20+$0x4C10];
	[tilespmem:s18+$0x8C20] =	vst v5;
	v3 =	vadd.f32 v8, v3  }
0x1a9: {  	v5 =	vld [tilespmem:s20+$0x4C20];
	[tilespmem:s18+$0x8C30] =	vst v4;
	v2 =	vadd.f32 v6, v2  }
0x1aa: {  	v4 =	vld [tilespmem:s20+$0x4C30];
	[tilespmem:s18+$0x8C40] =	vst v3;
	v1 =	vadd.f32 v7, v1  }
0x1ab: {  	v3 =	vld [tilespmem:s20+$0x4C40];
	[tilespmem:s18+$0x8C50] =	vst v2;
	v0 =	vadd.f32 v10, v0  }
0x1ac: {  	v2 =	vld [tilespmem:s20+$0x4C50];
	[tilespmem:s18+$0x8C60] =	vst v1  }
0x1ad: {  	v1 =	vld [tilespmem:s20+$0x4C60];
	[tilespmem:s18+$0x8C70] =	vst v0;
	s18 =	smov.u32 s20  }
0x1ae: {  	v0 =	vld [tilespmem:s18+$0x4C70]  }
0x1af: {  	v6 =	vld [tilespmem:s18+$0x8C00]  }
0x1b0: {  	v7 =	vld [tilespmem:s18+$0x8C10]  }
.Ltmp9:
0x1b1: {  	v10 =	vld [tilespmem:s18+$0x8C20];
	(pc) =	sbr.rel @p0 .LBB2_20-.Ltmp9, $4  }
0x1b2: {  	v9 =	vld [tilespmem:s18+$0x8C30]  }
0x1b3: {  	v8 =	vld [tilespmem:s18+$0x8C40]  }
0x1b4: {  	v12 =	vadd.f32 v6, v12;
	v6 =	vld [tilespmem:s18+$0x8C50]  }
0x1b5: {  	s19 =	sadd.s32 $0x200, s19;
	v11 =	vadd.f32 v7, v11;
	v7 =	vld [tilespmem:s18+$0x8C60]  }
0x1b6: {  	[tilespmem:s18+$0x8C00] =	vst v12;
	v5 =	vadd.f32 v10, v5;
	v10 =	vld [tilespmem:s18+$0x8C70]  }
0x1b7: {  	[tilespmem:s18+$0x8C10] =	vst v11;
	v4 =	vadd.f32 v9, v4  }
0x1b8: {  	[tilespmem:s18+$0x8C20] =	vst v5;
	v3 =	vadd.f32 v8, v3  }
0x1b9: {  	[tilespmem:s18+$0x8C30] =	vst v4;
	v2 =	vadd.f32 v6, v2  }
0x1ba: {  	[tilespmem:s18+$0x8C40] =	vst v3;
	v1 =	vadd.f32 v7, v1  }
0x1bb: {  	[tilespmem:s18+$0x8C50] =	vst v2;
	v0 =	vadd.f32 v10, v0  }
0x1bc: {  	[tilespmem:s18+$0x8C60] =	vst v1  }
0x1bd: {  	[tilespmem:s18+$0x8C70] =	vst v0  }
0x1be: {  	[tilespmem:s14], [sflag:$0x2] =	stream.indirect.gather [hbm4b:s1+s12], $0x80, s25, s12, $0xb8;
	[tilespmem:$0xCC00] =	vst v63  }
0x1bf: {  	_ =	swait.ge [sflag:s15], $0x4000  }
0x1c0: {  	[sflag:s15] =	ssyncset.done $0x0  }
0x1c1: {  	s18 =	simm.s32 $0x0;
	[sflag:s15] =	ssyncadd.s32 $0xFFFFC000  }
0x1c2: {  	v7 =	vld [tilespmem:s18+$0xC00]  }
0x1c3: {  	v11 =	vld [tilespmem:s18+$0xC10]  }
0x1c4: {  	v5 =	vld [tilespmem:s18+$0xC20]  }
0x1c5: {  	v4 =	vld [tilespmem:s18+$0xC30]  }
0x1c6: {  	v3 =	vld [tilespmem:s18+$0xC40]  }
0x1c7: {  	v2 =	vld [tilespmem:s18+$0xC50]  }
0x1c8: {  	v1 =	vld [tilespmem:s18+$0xC60]  }
0x1c9: {  	v0 =	vld [tilespmem:s18+$0xC70]  }
0x1ca: {  	v12 =	vld [tilespmem:s18+$0x8C00]  }
0x1cb: {  	v13 =	vld [tilespmem:s18+$0x8C10]  }
0x1cc: {  	v10 =	vld [tilespmem:s18+$0x8C20]  }
0x1cd: {  	v9 =	vld [tilespmem:s18+$0x8C30]  }
0x1ce: {  	v8 =	vld [tilespmem:s18+$0x8C40]  }
0x1cf: {  	v6 =	vld [tilespmem:s18+$0x8C50];
	v12 =	vadd.f32 v12, v7  }
0x1d0: {  	s19 =	simm.s32 $0x200;
	v11 =	vadd.f32 v13, v11;
	v7 =	vld [tilespmem:s18+$0x8C60]  }
.LBB2_22:
0x1d1: {  	s20 =	sshra.s32 s19, $0x2;
	p0 =	sne.s32 s19, $0xFE00;
	[tilespmem:s18+$0x8C00] =	vst v12;
	v5 =	vadd.f32 v10, v5;
	v10 =	vld [tilespmem:s18+$0x8C70]  }
0x1d2: {  	v12 =	vld [tilespmem:s20+$0xC00];
	[tilespmem:s18+$0x8C10] =	vst v11;
	v4 =	vadd.f32 v9, v4  }
0x1d3: {  	v11 =	vld [tilespmem:s20+$0xC10];
	[tilespmem:s18+$0x8C20] =	vst v5;
	v3 =	vadd.f32 v8, v3  }
0x1d4: {  	v5 =	vld [tilespmem:s20+$0xC20];
	[tilespmem:s18+$0x8C30] =	vst v4;
	v2 =	vadd.f32 v6, v2  }
0x1d5: {  	v4 =	vld [tilespmem:s20+$0xC30];
	[tilespmem:s18+$0x8C40] =	vst v3;
	v1 =	vadd.f32 v7, v1  }
0x1d6: {  	v3 =	vld [tilespmem:s20+$0xC40];
	[tilespmem:s18+$0x8C50] =	vst v2;
	v0 =	vadd.f32 v10, v0  }
0x1d7: {  	v2 =	vld [tilespmem:s20+$0xC50];
	[tilespmem:s18+$0x8C60] =	vst v1  }
0x1d8: {  	v1 =	vld [tilespmem:s20+$0xC60];
	[tilespmem:s18+$0x8C70] =	vst v0;
	s18 =	smov.u32 s20  }
0x1d9: {  	v0 =	vld [tilespmem:s18+$0xC70]  }
0x1da: {  	v6 =	vld [tilespmem:s18+$0x8C00]  }
0x1db: {  	v7 =	vld [tilespmem:s18+$0x8C10]  }
.Ltmp10:
0x1dc: {  	v10 =	vld [tilespmem:s18+$0x8C20];
	(pc) =	sbr.rel @p0 .LBB2_22-.Ltmp10, $4  }
0x1dd: {  	v9 =	vld [tilespmem:s18+$0x8C30]  }
0x1de: {  	v8 =	vld [tilespmem:s18+$0x8C40]  }
0x1df: {  	v12 =	vadd.f32 v6, v12;
	v6 =	vld [tilespmem:s18+$0x8C50]  }
0x1e0: {  	s19 =	sadd.s32 $0x200, s19;
	v11 =	vadd.f32 v7, v11;
	v7 =	vld [tilespmem:s18+$0x8C60]  }
0x1e1: {  	[tilespmem:s18+$0x8C00] =	vst v12;
	v5 =	vadd.f32 v10, v5;
	v10 =	vld [tilespmem:s18+$0x8C70]  }
0x1e2: {  	[tilespmem:s18+$0x8C10] =	vst v11;
	v4 =	vadd.f32 v9, v4  }
0x1e3: {  	[tilespmem:s18+$0x8C20] =	vst v5;
	v3 =	vadd.f32 v8, v3  }
0x1e4: {  	[tilespmem:s18+$0x8C30] =	vst v4;
	v2 =	vadd.f32 v6, v2  }
0x1e5: {  	[tilespmem:s18+$0x8C40] =	vst v3;
	v1 =	vadd.f32 v7, v1  }
0x1e6: {  	[tilespmem:s18+$0x8C50] =	vst v2;
	v0 =	vadd.f32 v10, v0  }
0x1e7: {  	[tilespmem:s18+$0x8C60] =	vst v1  }
0x1e8: {  	[tilespmem:s18+$0x8C70] =	vst v0  }
0x1e9: {  	[tilespmem:s13], [sflag:$0x1] =	stream.indirect.gather [hbm4b:s1+s12], $0x80, s26, s12, $0xb8;
	[tilespmem:$0xCC00] =	vst v63  }
0x1ea: {  	_ =	swait.ge [sflag:s17], $0x4000  }
0x1eb: {  	[sflag:s17] =	ssyncset.done $0x0  }
0x1ec: {  	s18 =	simm.s32 $0x0;
	[sflag:s17] =	ssyncadd.s32 $0xFFFFC000  }
0x1ed: {  	v7 =	vld [tilespmem:s18+$0x4C00]  }
0x1ee: {  	v11 =	vld [tilespmem:s18+$0x4C10]  }
0x1ef: {  	v5 =	vld [tilespmem:s18+$0x4C20]  }
0x1f0: {  	v4 =	vld [tilespmem:s18+$0x4C30]  }
0x1f1: {  	v3 =	vld [tilespmem:s18+$0x4C40]  }
0x1f2: {  	v2 =	vld [tilespmem:s18+$0x4C50]  }
0x1f3: {  	v1 =	vld [tilespmem:s18+$0x4C60]  }
0x1f4: {  	v0 =	vld [tilespmem:s18+$0x4C70]  }
0x1f5: {  	v12 =	vld [tilespmem:s18+$0x8C00]  }
0x1f6: {  	v13 =	vld [tilespmem:s18+$0x8C10]  }
0x1f7: {  	v10 =	vld [tilespmem:s18+$0x8C20]  }
0x1f8: {  	v9 =	vld [tilespmem:s18+$0x8C30]  }
0x1f9: {  	v8 =	vld [tilespmem:s18+$0x8C40]  }
0x1fa: {  	v6 =	vld [tilespmem:s18+$0x8C50];
	v12 =	vadd.f32 v12, v7  }
0x1fb: {  	s19 =	simm.s32 $0x200;
	v11 =	vadd.f32 v13, v11;
	v7 =	vld [tilespmem:s18+$0x8C60]  }
.LBB2_24:
0x1fc: {  	s20 =	sshra.s32 s19, $0x2;
	p0 =	sne.s32 s19, $0xFE00;
	[tilespmem:s18+$0x8C00] =	vst v12;
	v5 =	vadd.f32 v10, v5;
	v10 =	vld [tilespmem:s18+$0x8C70]  }
0x1fd: {  	v12 =	vld [tilespmem:s20+$0x4C00];
	[tilespmem:s18+$0x8C10] =	vst v11;
	v4 =	vadd.f32 v9, v4  }
0x1fe: {  	v11 =	vld [tilespmem:s20+$0x4C10];
	[tilespmem:s18+$0x8C20] =	vst v5;
	v3 =	vadd.f32 v8, v3  }
0x1ff: {  	v5 =	vld [tilespmem:s20+$0x4C20];
	[tilespmem:s18+$0x8C30] =	vst v4;
	v2 =	vadd.f32 v6, v2  }
0x200: {  	v4 =	vld [tilespmem:s20+$0x4C30];
	[tilespmem:s18+$0x8C40] =	vst v3;
	v1 =	vadd.f32 v7, v1  }
0x201: {  	v3 =	vld [tilespmem:s20+$0x4C40];
	[tilespmem:s18+$0x8C50] =	vst v2;
	v0 =	vadd.f32 v10, v0  }
0x202: {  	v2 =	vld [tilespmem:s20+$0x4C50];
	[tilespmem:s18+$0x8C60] =	vst v1  }
0x203: {  	v1 =	vld [tilespmem:s20+$0x4C60];
	[tilespmem:s18+$0x8C70] =	vst v0;
	s18 =	smov.u32 s20  }
0x204: {  	v0 =	vld [tilespmem:s18+$0x4C70]  }
0x205: {  	v6 =	vld [tilespmem:s18+$0x8C00]  }
0x206: {  	v7 =	vld [tilespmem:s18+$0x8C10]  }
.Ltmp11:
0x207: {  	v10 =	vld [tilespmem:s18+$0x8C20];
	(pc) =	sbr.rel @p0 .LBB2_24-.Ltmp11, $4  }
0x208: {  	v9 =	vld [tilespmem:s18+$0x8C30]  }
0x209: {  	v8 =	vld [tilespmem:s18+$0x8C40]  }
0x20a: {  	v12 =	vadd.f32 v6, v12;
	v6 =	vld [tilespmem:s18+$0x8C50]  }
0x20b: {  	s19 =	sadd.s32 $0x200, s19;
	v11 =	vadd.f32 v7, v11;
	v7 =	vld [tilespmem:s18+$0x8C60]  }
0x20c: {  	[tilespmem:s18+$0x8C00] =	vst v12;
	v5 =	vadd.f32 v10, v5;
	v10 =	vld [tilespmem:s18+$0x8C70]  }
0x20d: {  	[tilespmem:s18+$0x8C10] =	vst v11;
	v4 =	vadd.f32 v9, v4  }
0x20e: {  	[tilespmem:s18+$0x8C20] =	vst v5;
	v3 =	vadd.f32 v8, v3  }
0x20f: {  	[tilespmem:s18+$0x8C30] =	vst v4;
	v2 =	vadd.f32 v6, v2  }
0x210: {  	[tilespmem:s18+$0x8C40] =	vst v3;
	v1 =	vadd.f32 v7, v1  }
0x211: {  	[tilespmem:s18+$0x8C50] =	vst v2;
	v0 =	vadd.f32 v10, v0  }
0x212: {  	[tilespmem:s18+$0x8C60] =	vst v1  }
0x213: {  	[tilespmem:s18+$0x8C70] =	vst v0  }
0x214: {  	[tilespmem:s14], [sflag:$0x2] =	stream.indirect.gather [hbm4b:s1+s12], $0x80, s28, s12, $0xb8;
	[tilespmem:$0xCC00] =	vst v63  }
0x215: {  	_ =	swait.ge [sflag:s15], $0x4000  }
0x216: {  	[sflag:s15] =	ssyncset.done $0x0  }
0x217: {  	s18 =	simm.s32 $0x0;
	[sflag:s15] =	ssyncadd.s32 $0xFFFFC000  }
0x218: {  	v7 =	vld [tilespmem:s18+$0xC00]  }
0x219: {  	v11 =	vld [tilespmem:s18+$0xC10]  }
0x21a: {  	v5 =	vld [tilespmem:s18+$0xC20]  }
0x21b: {  	v4 =	vld [tilespmem:s18+$0xC30]  }
0x21c: {  	v3 =	vld [tilespmem:s18+$0xC40]  }
0x21d: {  	v2 =	vld [tilespmem:s18+$0xC50]  }
0x21e: {  	v1 =	vld [tilespmem:s18+$0xC60]  }
0x21f: {  	v0 =	vld [tilespmem:s18+$0xC70]  }
0x220: {  	v12 =	vld [tilespmem:s18+$0x8C00]  }
0x221: {  	v13 =	vld [tilespmem:s18+$0x8C10]  }
0x222: {  	v10 =	vld [tilespmem:s18+$0x8C20]  }
0x223: {  	v9 =	vld [tilespmem:s18+$0x8C30]  }
0x224: {  	v8 =	vld [tilespmem:s18+$0x8C40]  }
0x225: {  	v6 =	vld [tilespmem:s18+$0x8C50];
	v12 =	vadd.f32 v12, v7  }
0x226: {  	s19 =	simm.s32 $0x200;
	v11 =	vadd.f32 v13, v11;
	v7 =	vld [tilespmem:s18+$0x8C60]  }
.LBB2_26:
0x227: {  	s20 =	sshra.s32 s19, $0x2;
	p0 =	sne.s32 s19, $0xFE00;
	[tilespmem:s18+$0x8C00] =	vst v12;
	v5 =	vadd.f32 v10, v5;
	v10 =	vld [tilespmem:s18+$0x8C70]  }
0x228: {  	v12 =	vld [tilespmem:s20+$0xC00];
	[tilespmem:s18+$0x8C10] =	vst v11;
	v4 =	vadd.f32 v9, v4  }
0x229: {  	v11 =	vld [tilespmem:s20+$0xC10];
	[tilespmem:s18+$0x8C20] =	vst v5;
	v3 =	vadd.f32 v8, v3  }
0x22a: {  	v5 =	vld [tilespmem:s20+$0xC20];
	[tilespmem:s18+$0x8C30] =	vst v4;
	v2 =	vadd.f32 v6, v2  }
0x22b: {  	v4 =	vld [tilespmem:s20+$0xC30];
	[tilespmem:s18+$0x8C40] =	vst v3;
	v1 =	vadd.f32 v7, v1  }
0x22c: {  	v3 =	vld [tilespmem:s20+$0xC40];
	[tilespmem:s18+$0x8C50] =	vst v2;
	v0 =	vadd.f32 v10, v0  }
0x22d: {  	v2 =	vld [tilespmem:s20+$0xC50];
	[tilespmem:s18+$0x8C60] =	vst v1  }
0x22e: {  	v1 =	vld [tilespmem:s20+$0xC60];
	[tilespmem:s18+$0x8C70] =	vst v0;
	s18 =	smov.u32 s20  }
0x22f: {  	v0 =	vld [tilespmem:s18+$0xC70]  }
0x230: {  	v6 =	vld [tilespmem:s18+$0x8C00]  }
0x231: {  	v7 =	vld [tilespmem:s18+$0x8C10]  }
.Ltmp12:
0x232: {  	v10 =	vld [tilespmem:s18+$0x8C20];
	(pc) =	sbr.rel @p0 .LBB2_26-.Ltmp12, $4  }
0x233: {  	v9 =	vld [tilespmem:s18+$0x8C30]  }
0x234: {  	v8 =	vld [tilespmem:s18+$0x8C40]  }
0x235: {  	v12 =	vadd.f32 v6, v12;
	v6 =	vld [tilespmem:s18+$0x8C50]  }
0x236: {  	s19 =	sadd.s32 $0x200, s19;
	v11 =	vadd.f32 v7, v11;
	v7 =	vld [tilespmem:s18+$0x8C60]  }
0x237: {  	[tilespmem:s18+$0x8C00] =	vst v12;
	v5 =	vadd.f32 v10, v5;
	v10 =	vld [tilespmem:s18+$0x8C70]  }
0x238: {  	[tilespmem:s18+$0x8C10] =	vst v11;
	v4 =	vadd.f32 v9, v4  }
0x239: {  	[tilespmem:s18+$0x8C20] =	vst v5;
	v3 =	vadd.f32 v8, v3  }
0x23a: {  	[tilespmem:s18+$0x8C30] =	vst v4;
	v2 =	vadd.f32 v6, v2  }
0x23b: {  	[tilespmem:s18+$0x8C40] =	vst v3;
	v1 =	vadd.f32 v7, v1  }
0x23c: {  	[tilespmem:s18+$0x8C50] =	vst v2;
	v0 =	vadd.f32 v10, v0  }
0x23d: {  	[tilespmem:s18+$0x8C60] =	vst v1  }
0x23e: {  	[tilespmem:s18+$0x8C70] =	vst v0  }
0x23f: {  	[tilespmem:s13], [sflag:$0x1] =	stream.indirect.gather [hbm4b:s1+s12], $0x80, s29, s12, $0xb8;
	[tilespmem:$0xCC00] =	vst v63  }
0x240: {  	_ =	swait.ge [sflag:s17], $0x4000  }
0x241: {  	[sflag:s17] =	ssyncset.done $0x0  }
0x242: {  	s18 =	simm.s32 $0x0;
	[sflag:s17] =	ssyncadd.s32 $0xFFFFC000  }
0x243: {  	v7 =	vld [tilespmem:s18+$0x4C00]  }
0x244: {  	v11 =	vld [tilespmem:s18+$0x4C10]  }
0x245: {  	v5 =	vld [tilespmem:s18+$0x4C20]  }
0x246: {  	v4 =	vld [tilespmem:s18+$0x4C30]  }
0x247: {  	v3 =	vld [tilespmem:s18+$0x4C40]  }
0x248: {  	v2 =	vld [tilespmem:s18+$0x4C50]  }
0x249: {  	v1 =	vld [tilespmem:s18+$0x4C60]  }
0x24a: {  	v0 =	vld [tilespmem:s18+$0x4C70]  }
0x24b: {  	v12 =	vld [tilespmem:s18+$0x8C00]  }
0x24c: {  	v13 =	vld [tilespmem:s18+$0x8C10]  }
0x24d: {  	v10 =	vld [tilespmem:s18+$0x8C20]  }
0x24e: {  	v9 =	vld [tilespmem:s18+$0x8C30]  }
0x24f: {  	v8 =	vld [tilespmem:s18+$0x8C40]  }
0x250: {  	v6 =	vld [tilespmem:s18+$0x8C50];
	v12 =	vadd.f32 v12, v7  }
0x251: {  	s19 =	simm.s32 $0x200;
	v11 =	vadd.f32 v13, v11;
	v7 =	vld [tilespmem:s18+$0x8C60]  }
.LBB2_28:
0x252: {  	s20 =	sshra.s32 s19, $0x2;
	p0 =	sne.s32 s19, $0xFE00;
	[tilespmem:s18+$0x8C00] =	vst v12;
	v5 =	vadd.f32 v10, v5;
	v10 =	vld [tilespmem:s18+$0x8C70]  }
0x253: {  	v12 =	vld [tilespmem:s20+$0x4C00];
	[tilespmem:s18+$0x8C10] =	vst v11;
	v4 =	vadd.f32 v9, v4  }
0x254: {  	v11 =	vld [tilespmem:s20+$0x4C10];
	[tilespmem:s18+$0x8C20] =	vst v5;
	v3 =	vadd.f32 v8, v3  }
0x255: {  	v5 =	vld [tilespmem:s20+$0x4C20];
	[tilespmem:s18+$0x8C30] =	vst v4;
	v2 =	vadd.f32 v6, v2  }
0x256: {  	v4 =	vld [tilespmem:s20+$0x4C30];
	[tilespmem:s18+$0x8C40] =	vst v3;
	v1 =	vadd.f32 v7, v1  }
0x257: {  	v3 =	vld [tilespmem:s20+$0x4C40];
	[tilespmem:s18+$0x8C50] =	vst v2;
	v0 =	vadd.f32 v10, v0  }
0x258: {  	v2 =	vld [tilespmem:s20+$0x4C50];
	[tilespmem:s18+$0x8C60] =	vst v1  }
0x259: {  	v1 =	vld [tilespmem:s20+$0x4C60];
	[tilespmem:s18+$0x8C70] =	vst v0;
	s18 =	smov.u32 s20  }
0x25a: {  	v0 =	vld [tilespmem:s18+$0x4C70]  }
0x25b: {  	v6 =	vld [tilespmem:s18+$0x8C00]  }
0x25c: {  	v7 =	vld [tilespmem:s18+$0x8C10]  }
.Ltmp13:
0x25d: {  	v10 =	vld [tilespmem:s18+$0x8C20];
	(pc) =	sbr.rel @p0 .LBB2_28-.Ltmp13, $4  }
0x25e: {  	v9 =	vld [tilespmem:s18+$0x8C30]  }
0x25f: {  	v8 =	vld [tilespmem:s18+$0x8C40]  }
0x260: {  	v12 =	vadd.f32 v6, v12;
	v6 =	vld [tilespmem:s18+$0x8C50]  }
0x261: {  	s19 =	sadd.s32 $0x200, s19;
	v11 =	vadd.f32 v7, v11;
	v7 =	vld [tilespmem:s18+$0x8C60]  }
0x262: {  	[tilespmem:s18+$0x8C00] =	vst v12;
	v5 =	vadd.f32 v10, v5;
	v10 =	vld [tilespmem:s18+$0x8C70]  }
0x263: {  	[tilespmem:s18+$0x8C10] =	vst v11;
	v4 =	vadd.f32 v9, v4  }
0x264: {  	[tilespmem:s18+$0x8C20] =	vst v5;
	v3 =	vadd.f32 v8, v3  }
0x265: {  	[tilespmem:s18+$0x8C30] =	vst v4;
	v2 =	vadd.f32 v6, v2  }
0x266: {  	[tilespmem:s18+$0x8C40] =	vst v3;
	v1 =	vadd.f32 v7, v1  }
0x267: {  	[tilespmem:s18+$0x8C50] =	vst v2;
	v0 =	vadd.f32 v10, v0  }
0x268: {  	[tilespmem:s18+$0x8C60] =	vst v1  }
0x269: {  	[tilespmem:s18+$0x8C70] =	vst v0  }
0x26a: {  	[tilespmem:s14], [sflag:$0x2] =	stream.indirect.gather [hbm4b:s1+s12], $0x80, s30, s12, $0xb8;
	[tilespmem:$0xCC00] =	vst v63  }
0x26b: {  	_ =	swait.ge [sflag:s15], $0x4000  }
0x26c: {  	[sflag:s15] =	ssyncset.done $0x0  }
0x26d: {  	s18 =	simm.s32 $0x0;
	[sflag:s15] =	ssyncadd.s32 $0xFFFFC000  }
0x26e: {  	v7 =	vld [tilespmem:s18+$0xC00]  }
0x26f: {  	v11 =	vld [tilespmem:s18+$0xC10]  }
0x270: {  	v5 =	vld [tilespmem:s18+$0xC20]  }
0x271: {  	v4 =	vld [tilespmem:s18+$0xC30]  }
0x272: {  	v3 =	vld [tilespmem:s18+$0xC40]  }
0x273: {  	v2 =	vld [tilespmem:s18+$0xC50]  }
0x274: {  	v1 =	vld [tilespmem:s18+$0xC60]  }
0x275: {  	v0 =	vld [tilespmem:s18+$0xC70]  }
0x276: {  	v12 =	vld [tilespmem:s18+$0x8C00]  }
0x277: {  	v13 =	vld [tilespmem:s18+$0x8C10]  }
0x278: {  	v10 =	vld [tilespmem:s18+$0x8C20]  }
0x279: {  	v9 =	vld [tilespmem:s18+$0x8C30]  }
0x27a: {  	v8 =	vld [tilespmem:s18+$0x8C40]  }
0x27b: {  	v6 =	vld [tilespmem:s18+$0x8C50];
	v12 =	vadd.f32 v12, v7  }
0x27c: {  	s19 =	simm.s32 $0x200;
	v11 =	vadd.f32 v13, v11;
	v7 =	vld [tilespmem:s18+$0x8C60]  }
.LBB2_30:
0x27d: {  	s20 =	sshra.s32 s19, $0x2;
	p0 =	sne.s32 s19, $0xFE00;
	[tilespmem:s18+$0x8C00] =	vst v12;
	v5 =	vadd.f32 v10, v5;
	v10 =	vld [tilespmem:s18+$0x8C70]  }
0x27e: {  	v12 =	vld [tilespmem:s20+$0xC00];
	[tilespmem:s18+$0x8C10] =	vst v11;
	v4 =	vadd.f32 v9, v4  }
0x27f: {  	v11 =	vld [tilespmem:s20+$0xC10];
	[tilespmem:s18+$0x8C20] =	vst v5;
	v3 =	vadd.f32 v8, v3  }
0x280: {  	v5 =	vld [tilespmem:s20+$0xC20];
	[tilespmem:s18+$0x8C30] =	vst v4;
	v2 =	vadd.f32 v6, v2  }
0x281: {  	v4 =	vld [tilespmem:s20+$0xC30];
	[tilespmem:s18+$0x8C40] =	vst v3;
	v1 =	vadd.f32 v7, v1  }
0x282: {  	v3 =	vld [tilespmem:s20+$0xC40];
	[tilespmem:s18+$0x8C50] =	vst v2;
	v0 =	vadd.f32 v10, v0  }
0x283: {  	v2 =	vld [tilespmem:s20+$0xC50];
	[tilespmem:s18+$0x8C60] =	vst v1  }
0x284: {  	v1 =	vld [tilespmem:s20+$0xC60];
	[tilespmem:s18+$0x8C70] =	vst v0;
	s18 =	smov.u32 s20  }
0x285: {  	v0 =	vld [tilespmem:s18+$0xC70]  }
0x286: {  	v6 =	vld [tilespmem:s18+$0x8C00]  }
0x287: {  	v7 =	vld [tilespmem:s18+$0x8C10]  }
.Ltmp14:
0x288: {  	v10 =	vld [tilespmem:s18+$0x8C20];
	(pc) =	sbr.rel @p0 .LBB2_30-.Ltmp14, $4  }
0x289: {  	v9 =	vld [tilespmem:s18+$0x8C30]  }
0x28a: {  	v8 =	vld [tilespmem:s18+$0x8C40]  }
0x28b: {  	v12 =	vadd.f32 v6, v12;
	v6 =	vld [tilespmem:s18+$0x8C50]  }
0x28c: {  	s19 =	sadd.s32 $0x200, s19;
	v11 =	vadd.f32 v7, v11;
	v7 =	vld [tilespmem:s18+$0x8C60]  }
0x28d: {  	[tilespmem:s18+$0x8C00] =	vst v12;
	v5 =	vadd.f32 v10, v5;
	v10 =	vld [tilespmem:s18+$0x8C70]  }
0x28e: {  	[tilespmem:s18+$0x8C10] =	vst v11;
	v4 =	vadd.f32 v9, v4  }
0x28f: {  	[tilespmem:s18+$0x8C20] =	vst v5;
	v3 =	vadd.f32 v8, v3  }
0x290: {  	[tilespmem:s18+$0x8C30] =	vst v4;
	v2 =	vadd.f32 v6, v2  }
0x291: {  	[tilespmem:s18+$0x8C40] =	vst v3;
	v1 =	vadd.f32 v7, v1  }
0x292: {  	[tilespmem:s18+$0x8C50] =	vst v2;
	v0 =	vadd.f32 v10, v0  }
0x293: {  	[tilespmem:s18+$0x8C60] =	vst v1  }
0x294: {  	[tilespmem:s18+$0x8C70] =	vst v0  }
0x295: {  	[tilespmem:s13], [sflag:$0x1] =	stream.indirect.gather [hbm4b:s1+s12], $0x80, s10, s12, $0xb8;
	[tilespmem:$0xCC00] =	vst v63  }
0x296: {  	_ =	swait.ge [sflag:s17], $0x4000  }
0x297: {  	[sflag:s17] =	ssyncset.done $0x0  }
0x298: {  	s18 =	simm.s32 $0x0;
	[sflag:s17] =	ssyncadd.s32 $0xFFFFC000  }
0x299: {  	v7 =	vld [tilespmem:s18+$0x4C00]  }
0x29a: {  	v11 =	vld [tilespmem:s18+$0x4C10]  }
0x29b: {  	v5 =	vld [tilespmem:s18+$0x4C20]  }
0x29c: {  	v4 =	vld [tilespmem:s18+$0x4C30]  }
0x29d: {  	v3 =	vld [tilespmem:s18+$0x4C40]  }
0x29e: {  	v2 =	vld [tilespmem:s18+$0x4C50]  }
0x29f: {  	v1 =	vld [tilespmem:s18+$0x4C60]  }
0x2a0: {  	v0 =	vld [tilespmem:s18+$0x4C70]  }
0x2a1: {  	v12 =	vld [tilespmem:s18+$0x8C00]  }
0x2a2: {  	v13 =	vld [tilespmem:s18+$0x8C10]  }
0x2a3: {  	v10 =	vld [tilespmem:s18+$0x8C20]  }
0x2a4: {  	v9 =	vld [tilespmem:s18+$0x8C30]  }
0x2a5: {  	v8 =	vld [tilespmem:s18+$0x8C40]  }
0x2a6: {  	v6 =	vld [tilespmem:s18+$0x8C50];
	v12 =	vadd.f32 v12, v7  }
0x2a7: {  	s19 =	simm.s32 $0x200;
	v11 =	vadd.f32 v13, v11;
	v7 =	vld [tilespmem:s18+$0x8C60]  }
.LBB2_32:
0x2a8: {  	s20 =	sshra.s32 s19, $0x2;
	p0 =	sne.s32 s19, $0xFE00;
	[tilespmem:s18+$0x8C00] =	vst v12;
	v5 =	vadd.f32 v10, v5;
	v10 =	vld [tilespmem:s18+$0x8C70]  }
0x2a9: {  	v12 =	vld [tilespmem:s20+$0x4C00];
	[tilespmem:s18+$0x8C10] =	vst v11;
	v4 =	vadd.f32 v9, v4  }
0x2aa: {  	v11 =	vld [tilespmem:s20+$0x4C10];
	[tilespmem:s18+$0x8C20] =	vst v5;
	v3 =	vadd.f32 v8, v3  }
0x2ab: {  	v5 =	vld [tilespmem:s20+$0x4C20];
	[tilespmem:s18+$0x8C30] =	vst v4;
	v2 =	vadd.f32 v6, v2  }
0x2ac: {  	v4 =	vld [tilespmem:s20+$0x4C30];
	[tilespmem:s18+$0x8C40] =	vst v3;
	v1 =	vadd.f32 v7, v1  }
0x2ad: {  	v3 =	vld [tilespmem:s20+$0x4C40];
	[tilespmem:s18+$0x8C50] =	vst v2;
	v0 =	vadd.f32 v10, v0  }
0x2ae: {  	v2 =	vld [tilespmem:s20+$0x4C50];
	[tilespmem:s18+$0x8C60] =	vst v1  }
0x2af: {  	v1 =	vld [tilespmem:s20+$0x4C60];
	[tilespmem:s18+$0x8C70] =	vst v0;
	s18 =	smov.u32 s20  }
0x2b0: {  	v0 =	vld [tilespmem:s18+$0x4C70]  }
0x2b1: {  	v6 =	vld [tilespmem:s18+$0x8C00]  }
0x2b2: {  	v7 =	vld [tilespmem:s18+$0x8C10]  }
.Ltmp15:
0x2b3: {  	v10 =	vld [tilespmem:s18+$0x8C20];
	(pc) =	sbr.rel @p0 .LBB2_32-.Ltmp15, $4  }
0x2b4: {  	v9 =	vld [tilespmem:s18+$0x8C30]  }
0x2b5: {  	v8 =	vld [tilespmem:s18+$0x8C40]  }
0x2b6: {  	v12 =	vadd.f32 v6, v12;
	v6 =	vld [tilespmem:s18+$0x8C50]  }
0x2b7: {  	s19 =	sadd.s32 $0x200, s19;
	v11 =	vadd.f32 v7, v11;
	v7 =	vld [tilespmem:s18+$0x8C60]  }
0x2b8: {  	[tilespmem:s18+$0x8C00] =	vst v12;
	v5 =	vadd.f32 v10, v5;
	v10 =	vld [tilespmem:s18+$0x8C70]  }
0x2b9: {  	[tilespmem:s18+$0x8C10] =	vst v11;
	v4 =	vadd.f32 v9, v4  }
0x2ba: {  	[tilespmem:s18+$0x8C20] =	vst v5;
	v3 =	vadd.f32 v8, v3  }
0x2bb: {  	[tilespmem:s18+$0x8C30] =	vst v4;
	v2 =	vadd.f32 v6, v2  }
0x2bc: {  	[tilespmem:s18+$0x8C40] =	vst v3;
	v1 =	vadd.f32 v7, v1  }
0x2bd: {  	[tilespmem:s18+$0x8C50] =	vst v2;
	v0 =	vadd.f32 v10, v0  }
0x2be: {  	[tilespmem:s18+$0x8C60] =	vst v1  }
0x2bf: {  	[tilespmem:s18+$0x8C70] =	vst v0  }
0x2c0: {  	[tilespmem:s14], [sflag:$0x2] =	stream.indirect.gather [hbm4b:s1+s12], $0x80, s31, s12, $0xb8;
	[tilespmem:$0xCC00] =	vst v63  }
0x2c1: {  	_ =	swait.ge [sflag:s15], $0x4000  }
0x2c2: {  	[sflag:s15] =	ssyncset.done $0x0  }
0x2c3: {  	s18 =	simm.s32 $0x0;
	[sflag:s15] =	ssyncadd.s32 $0xFFFFC000  }
0x2c4: {  	v7 =	vld [tilespmem:s18+$0xC00]  }
0x2c5: {  	v11 =	vld [tilespmem:s18+$0xC10]  }
0x2c6: {  	v5 =	vld [tilespmem:s18+$0xC20]  }
0x2c7: {  	v4 =	vld [tilespmem:s18+$0xC30]  }
0x2c8: {  	v3 =	vld [tilespmem:s18+$0xC40]  }
0x2c9: {  	v2 =	vld [tilespmem:s18+$0xC50]  }
0x2ca: {  	v1 =	vld [tilespmem:s18+$0xC60]  }
0x2cb: {  	v0 =	vld [tilespmem:s18+$0xC70]  }
0x2cc: {  	v12 =	vld [tilespmem:s18+$0x8C00]  }
0x2cd: {  	v13 =	vld [tilespmem:s18+$0x8C10]  }
0x2ce: {  	v10 =	vld [tilespmem:s18+$0x8C20]  }
0x2cf: {  	v9 =	vld [tilespmem:s18+$0x8C30]  }
0x2d0: {  	v8 =	vld [tilespmem:s18+$0x8C40]  }
0x2d1: {  	v6 =	vld [tilespmem:s18+$0x8C50];
	v12 =	vadd.f32 v12, v7  }
0x2d2: {  	s19 =	simm.s32 $0x200;
	v11 =	vadd.f32 v13, v11;
	v7 =	vld [tilespmem:s18+$0x8C60]  }
.LBB2_34:
0x2d3: {  	s20 =	sshra.s32 s19, $0x2;
	p0 =	sne.s32 s19, $0xFE00;
	[tilespmem:s18+$0x8C00] =	vst v12;
	v5 =	vadd.f32 v10, v5;
	v10 =	vld [tilespmem:s18+$0x8C70]  }
0x2d4: {  	v12 =	vld [tilespmem:s20+$0xC00];
	[tilespmem:s18+$0x8C10] =	vst v11;
	v4 =	vadd.f32 v9, v4  }
0x2d5: {  	v11 =	vld [tilespmem:s20+$0xC10];
	[tilespmem:s18+$0x8C20] =	vst v5;
	v3 =	vadd.f32 v8, v3  }
0x2d6: {  	v5 =	vld [tilespmem:s20+$0xC20];
	[tilespmem:s18+$0x8C30] =	vst v4;
	v2 =	vadd.f32 v6, v2  }
0x2d7: {  	v4 =	vld [tilespmem:s20+$0xC30];
	[tilespmem:s18+$0x8C40] =	vst v3;
	v1 =	vadd.f32 v7, v1  }
0x2d8: {  	v3 =	vld [tilespmem:s20+$0xC40];
	[tilespmem:s18+$0x8C50] =	vst v2;
	v0 =	vadd.f32 v10, v0  }
0x2d9: {  	v2 =	vld [tilespmem:s20+$0xC50];
	[tilespmem:s18+$0x8C60] =	vst v1  }
0x2da: {  	v1 =	vld [tilespmem:s20+$0xC60];
	[tilespmem:s18+$0x8C70] =	vst v0;
	s18 =	smov.u32 s20  }
0x2db: {  	v0 =	vld [tilespmem:s18+$0xC70]  }
0x2dc: {  	v6 =	vld [tilespmem:s18+$0x8C00]  }
0x2dd: {  	v7 =	vld [tilespmem:s18+$0x8C10]  }
.Ltmp16:
0x2de: {  	v10 =	vld [tilespmem:s18+$0x8C20];
	(pc) =	sbr.rel @p0 .LBB2_34-.Ltmp16, $4  }
0x2df: {  	v9 =	vld [tilespmem:s18+$0x8C30]  }
0x2e0: {  	v8 =	vld [tilespmem:s18+$0x8C40]  }
0x2e1: {  	v12 =	vadd.f32 v6, v12;
	v6 =	vld [tilespmem:s18+$0x8C50]  }
0x2e2: {  	s19 =	sadd.s32 $0x200, s19;
	v11 =	vadd.f32 v7, v11;
	v7 =	vld [tilespmem:s18+$0x8C60]  }
0x2e3: {  	[tilespmem:s18+$0x8C00] =	vst v12;
	v5 =	vadd.f32 v10, v5;
	v10 =	vld [tilespmem:s18+$0x8C70]  }
0x2e4: {  	[tilespmem:s18+$0x8C10] =	vst v11;
	v4 =	vadd.f32 v9, v4  }
0x2e5: {  	[tilespmem:s18+$0x8C20] =	vst v5;
	v3 =	vadd.f32 v8, v3  }
0x2e6: {  	[tilespmem:s18+$0x8C30] =	vst v4;
	v2 =	vadd.f32 v6, v2  }
0x2e7: {  	[tilespmem:s18+$0x8C40] =	vst v3;
	v1 =	vadd.f32 v7, v1  }
0x2e8: {  	[tilespmem:s18+$0x8C50] =	vst v2;
	v0 =	vadd.f32 v10, v0  }
0x2e9: {  	[tilespmem:s18+$0x8C60] =	vst v1  }
0x2ea: {  	[tilespmem:s18+$0x8C70] =	vst v0  }
0x2eb: {  	[tilespmem:s13], [sflag:$0x1] =	stream.indirect.gather [hbm4b:s1+s12], $0x80, s0, s12, $0xb8;
	[tilespmem:$0xCC00] =	vst v63  }
0x2ec: {  	_ =	swait.ge [sflag:s17], $0x4000  }
0x2ed: {  	[sflag:s17] =	ssyncset.done $0x0  }
0x2ee: {  	s18 =	simm.s32 $0x0;
	[sflag:s17] =	ssyncadd.s32 $0xFFFFC000  }
0x2ef: {  	v7 =	vld [tilespmem:s18+$0x4C00]  }
0x2f0: {  	v11 =	vld [tilespmem:s18+$0x4C10]  }
0x2f1: {  	v5 =	vld [tilespmem:s18+$0x4C20]  }
0x2f2: {  	v4 =	vld [tilespmem:s18+$0x4C30]  }
0x2f3: {  	v3 =	vld [tilespmem:s18+$0x4C40]  }
0x2f4: {  	v2 =	vld [tilespmem:s18+$0x4C50]  }
0x2f5: {  	v1 =	vld [tilespmem:s18+$0x4C60]  }
0x2f6: {  	v0 =	vld [tilespmem:s18+$0x4C70]  }
0x2f7: {  	v12 =	vld [tilespmem:s18+$0x8C00]  }
0x2f8: {  	v13 =	vld [tilespmem:s18+$0x8C10]  }
0x2f9: {  	v10 =	vld [tilespmem:s18+$0x8C20]  }
0x2fa: {  	v9 =	vld [tilespmem:s18+$0x8C30]  }
0x2fb: {  	v8 =	vld [tilespmem:s18+$0x8C40]  }
0x2fc: {  	v6 =	vld [tilespmem:s18+$0x8C50];
	v12 =	vadd.f32 v12, v7  }
0x2fd: {  	s19 =	simm.s32 $0x200;
	v11 =	vadd.f32 v13, v11;
	v7 =	vld [tilespmem:s18+$0x8C60]  }
.LBB2_36:
0x2fe: {  	s20 =	sshra.s32 s19, $0x2;
	p0 =	sne.s32 s19, $0xFE00;
	[tilespmem:s18+$0x8C00] =	vst v12;
	v5 =	vadd.f32 v10, v5;
	v10 =	vld [tilespmem:s18+$0x8C70]  }
0x2ff: {  	v12 =	vld [tilespmem:s20+$0x4C00];
	[tilespmem:s18+$0x8C10] =	vst v11;
	v4 =	vadd.f32 v9, v4  }
0x300: {  	v11 =	vld [tilespmem:s20+$0x4C10];
	[tilespmem:s18+$0x8C20] =	vst v5;
	v3 =	vadd.f32 v8, v3  }
0x301: {  	v5 =	vld [tilespmem:s20+$0x4C20];
	[tilespmem:s18+$0x8C30] =	vst v4;
	v2 =	vadd.f32 v6, v2  }
0x302: {  	v4 =	vld [tilespmem:s20+$0x4C30];
	[tilespmem:s18+$0x8C40] =	vst v3;
	v1 =	vadd.f32 v7, v1  }
0x303: {  	v3 =	vld [tilespmem:s20+$0x4C40];
	[tilespmem:s18+$0x8C50] =	vst v2;
	v0 =	vadd.f32 v10, v0  }
0x304: {  	v2 =	vld [tilespmem:s20+$0x4C50];
	[tilespmem:s18+$0x8C60] =	vst v1  }
0x305: {  	v1 =	vld [tilespmem:s20+$0x4C60];
	[tilespmem:s18+$0x8C70] =	vst v0;
	s18 =	smov.u32 s20  }
0x306: {  	v0 =	vld [tilespmem:s18+$0x4C70]  }
0x307: {  	v6 =	vld [tilespmem:s18+$0x8C00]  }
0x308: {  	v7 =	vld [tilespmem:s18+$0x8C10]  }
.Ltmp17:
0x309: {  	v10 =	vld [tilespmem:s18+$0x8C20];
	(pc) =	sbr.rel @p0 .LBB2_36-.Ltmp17, $4  }
0x30a: {  	v9 =	vld [tilespmem:s18+$0x8C30]  }
0x30b: {  	v8 =	vld [tilespmem:s18+$0x8C40]  }
0x30c: {  	v12 =	vadd.f32 v6, v12;
	v6 =	vld [tilespmem:s18+$0x8C50]  }
0x30d: {  	s19 =	sadd.s32 $0x200, s19;
	v11 =	vadd.f32 v7, v11;
	v7 =	vld [tilespmem:s18+$0x8C60]  }
0x30e: {  	[tilespmem:s18+$0x8C00] =	vst v12;
	v5 =	vadd.f32 v10, v5;
	v10 =	vld [tilespmem:s18+$0x8C70]  }
0x30f: {  	[tilespmem:s18+$0x8C10] =	vst v11;
	v4 =	vadd.f32 v9, v4  }
0x310: {  	[tilespmem:s18+$0x8C20] =	vst v5;
	v3 =	vadd.f32 v8, v3  }
0x311: {  	[tilespmem:s18+$0x8C30] =	vst v4;
	v2 =	vadd.f32 v6, v2  }
0x312: {  	[tilespmem:s18+$0x8C40] =	vst v3;
	v1 =	vadd.f32 v7, v1  }
0x313: {  	[tilespmem:s18+$0x8C50] =	vst v2;
	v0 =	vadd.f32 v10, v0  }
0x314: {  	[tilespmem:s18+$0x8C60] =	vst v1  }
0x315: {  	[tilespmem:s18+$0x8C70] =	vst v0  }
0x316: {  	[tilespmem:s14], [sflag:$0x2] =	stream.indirect.gather [hbm4b:s1+s12], $0x80, s2, s12, $0xb8;
	[tilespmem:$0xCC00] =	vst v63  }
0x317: {  	_ =	swait.ge [sflag:s15], $0x4000  }
0x318: {  	[sflag:s15] =	ssyncset.done $0x0  }
0x319: {  	s18 =	simm.s32 $0x0;
	[sflag:s15] =	ssyncadd.s32 $0xFFFFC000  }
0x31a: {  	v7 =	vld [tilespmem:s18+$0xC00]  }
0x31b: {  	v11 =	vld [tilespmem:s18+$0xC10]  }
0x31c: {  	v5 =	vld [tilespmem:s18+$0xC20]  }
0x31d: {  	v4 =	vld [tilespmem:s18+$0xC30]  }
0x31e: {  	v3 =	vld [tilespmem:s18+$0xC40]  }
0x31f: {  	v2 =	vld [tilespmem:s18+$0xC50]  }
0x320: {  	v1 =	vld [tilespmem:s18+$0xC60]  }
0x321: {  	v0 =	vld [tilespmem:s18+$0xC70]  }
0x322: {  	v12 =	vld [tilespmem:s18+$0x8C00]  }
0x323: {  	v13 =	vld [tilespmem:s18+$0x8C10]  }
0x324: {  	v10 =	vld [tilespmem:s18+$0x8C20]  }
0x325: {  	v9 =	vld [tilespmem:s18+$0x8C30]  }
0x326: {  	v8 =	vld [tilespmem:s18+$0x8C40]  }
0x327: {  	v6 =	vld [tilespmem:s18+$0x8C50];
	v12 =	vadd.f32 v12, v7  }
0x328: {  	s19 =	simm.s32 $0x200;
	v11 =	vadd.f32 v13, v11;
	v7 =	vld [tilespmem:s18+$0x8C60]  }
.LBB2_38:
0x329: {  	s20 =	sshra.s32 s19, $0x2;
	p0 =	sne.s32 s19, $0xFE00;
	[tilespmem:s18+$0x8C00] =	vst v12;
	v5 =	vadd.f32 v10, v5;
	v10 =	vld [tilespmem:s18+$0x8C70]  }
0x32a: {  	v12 =	vld [tilespmem:s20+$0xC00];
	[tilespmem:s18+$0x8C10] =	vst v11;
	v4 =	vadd.f32 v9, v4  }
0x32b: {  	v11 =	vld [tilespmem:s20+$0xC10];
	[tilespmem:s18+$0x8C20] =	vst v5;
	v3 =	vadd.f32 v8, v3  }
0x32c: {  	v5 =	vld [tilespmem:s20+$0xC20];
	[tilespmem:s18+$0x8C30] =	vst v4;
	v2 =	vadd.f32 v6, v2  }
0x32d: {  	v4 =	vld [tilespmem:s20+$0xC30];
	[tilespmem:s18+$0x8C40] =	vst v3;
	v1 =	vadd.f32 v7, v1  }
0x32e: {  	v3 =	vld [tilespmem:s20+$0xC40];
	[tilespmem:s18+$0x8C50] =	vst v2;
	v0 =	vadd.f32 v10, v0  }
0x32f: {  	v2 =	vld [tilespmem:s20+$0xC50];
	[tilespmem:s18+$0x8C60] =	vst v1  }
0x330: {  	v1 =	vld [tilespmem:s20+$0xC60];
	[tilespmem:s18+$0x8C70] =	vst v0;
	s18 =	smov.u32 s20  }
0x331: {  	v0 =	vld [tilespmem:s18+$0xC70]  }
0x332: {  	v6 =	vld [tilespmem:s18+$0x8C00]  }
0x333: {  	v7 =	vld [tilespmem:s18+$0x8C10]  }
.Ltmp18:
0x334: {  	v10 =	vld [tilespmem:s18+$0x8C20];
	(pc) =	sbr.rel @p0 .LBB2_38-.Ltmp18, $4  }
0x335: {  	v9 =	vld [tilespmem:s18+$0x8C30]  }
0x336: {  	v8 =	vld [tilespmem:s18+$0x8C40]  }
0x337: {  	v12 =	vadd.f32 v6, v12;
	v6 =	vld [tilespmem:s18+$0x8C50]  }
0x338: {  	s19 =	sadd.s32 $0x200, s19;
	v11 =	vadd.f32 v7, v11;
	v7 =	vld [tilespmem:s18+$0x8C60]  }
0x339: {  	[tilespmem:s18+$0x8C00] =	vst v12;
	v5 =	vadd.f32 v10, v5;
	v10 =	vld [tilespmem:s18+$0x8C70]  }
0x33a: {  	[tilespmem:s18+$0x8C10] =	vst v11;
	v4 =	vadd.f32 v9, v4  }
0x33b: {  	[tilespmem:s18+$0x8C20] =	vst v5;
	v3 =	vadd.f32 v8, v3  }
0x33c: {  	[tilespmem:s18+$0x8C30] =	vst v4;
	v2 =	vadd.f32 v6, v2  }
0x33d: {  	[tilespmem:s18+$0x8C40] =	vst v3;
	v1 =	vadd.f32 v7, v1  }
0x33e: {  	[tilespmem:s18+$0x8C50] =	vst v2;
	v0 =	vadd.f32 v10, v0  }
0x33f: {  	[tilespmem:s18+$0x8C60] =	vst v1  }
0x340: {  	[tilespmem:s18+$0x8C70] =	vst v0  }
0x341: {  	_ =	swait.ge [sflag:s17], $0x4000  }
0x342: {  	[sflag:s17] =	ssyncset.done $0x0  }
0x343: {  	s18 =	simm.s32 $0x0;
	[sflag:s17] =	ssyncadd.s32 $0xFFFFC000  }
0x344: {  	v6 =	vld [tilespmem:s18+$0x4C00]  }
0x345: {  	v11 =	vld [tilespmem:s18+$0x4C10]  }
0x346: {  	v5 =	vld [tilespmem:s18+$0x4C20]  }
0x347: {  	v4 =	vld [tilespmem:s18+$0x4C30]  }
0x348: {  	v3 =	vld [tilespmem:s18+$0x4C40]  }
0x349: {  	v2 =	vld [tilespmem:s18+$0x4C50]  }
0x34a: {  	v1 =	vld [tilespmem:s18+$0x4C60]  }
0x34b: {  	v0 =	vld [tilespmem:s18+$0x4C70]  }
0x34c: {  	v12 =	vld [tilespmem:s18+$0x8C00]  }
0x34d: {  	v13 =	vld [tilespmem:s18+$0x8C10]  }
0x34e: {  	v10 =	vld [tilespmem:s18+$0x8C20]  }
0x34f: {  	v9 =	vld [tilespmem:s18+$0x8C30]  }
0x350: {  	v8 =	vld [tilespmem:s18+$0x8C40]  }
0x351: {  	v7 =	vld [tilespmem:s18+$0x8C50];
	v12 =	vadd.f32 v12, v6  }
0x352: {  	s19 =	simm.s32 $0x200;
	v11 =	vadd.f32 v13, v11;
	v6 =	vld [tilespmem:s18+$0x8C60]  }
.LBB2_40:
0x353: {  	s20 =	sshra.s32 s19, $0x2;
	p0 =	sne.s32 s19, $0xFE00;
	v12 =	vmul.f32 $5.000000070e-02, v12;
	v5 =	vadd.f32 v10, v5;
	v10 =	vld [tilespmem:s18+$0x8C70]  }
0x354: {  	v13 =	vld [tilespmem:s20+$0x4C00];
	v11 =	vmul.f32 $5.000000070e-02, v11;
	v4 =	vadd.f32 v9, v4  }
0x355: {  	v14 =	vld [tilespmem:s20+$0x4C10];
	[tilespmem:s18+$0x8C00] =	vst v12;
	v9 =	vmul.f32 $5.000000070e-02, v5;
	v3 =	vadd.f32 v8, v3  }
0x356: {  	v5 =	vld [tilespmem:s20+$0x4C20];
	[tilespmem:s18+$0x8C10] =	vst v11;
	v8 =	vmul.f32 $5.000000070e-02, v4;
	v2 =	vadd.f32 v7, v2  }
0x357: {  	v4 =	vld [tilespmem:s20+$0x4C30];
	[tilespmem:s18+$0x8C20] =	vst v9;
	v7 =	vmul.f32 $5.000000070e-02, v3;
	v1 =	vadd.f32 v6, v1  }
0x358: {  	v3 =	vld [tilespmem:s20+$0x4C40];
	[tilespmem:s18+$0x8C30] =	vst v8;
	v6 =	vmul.f32 $5.000000070e-02, v2;
	v0 =	vadd.f32 v10, v0  }
0x359: {  	v2 =	vld [tilespmem:s20+$0x4C50];
	[tilespmem:s18+$0x8C40] =	vst v7;
	v7 =	vmul.f32 $5.000000070e-02, v1  }
0x35a: {  	v1 =	vld [tilespmem:s20+$0x4C60];
	[tilespmem:s18+$0x8C50] =	vst v6;
	v6 =	vmul.f32 $5.000000070e-02, v0  }
0x35b: {  	v0 =	vld [tilespmem:s20+$0x4C70];
	[tilespmem:s18+$0x8C60] =	vst v7  }
0x35c: {  	v7 =	vld [tilespmem:s20+$0x8C00];
	[tilespmem:s18+$0x8C70] =	vst v6;
	s18 =	smov.u32 s20  }
0x35d: {  	v6 =	vld [tilespmem:s18+$0x8C10]  }
.Ltmp19:
0x35e: {  	v10 =	vld [tilespmem:s18+$0x8C20];
	(pc) =	sbr.rel @p0 .LBB2_40-.Ltmp19, $4  }
0x35f: {  	v9 =	vld [tilespmem:s18+$0x8C30]  }
0x360: {  	v8 =	vld [tilespmem:s18+$0x8C40]  }
0x361: {  	v12 =	vadd.f32 v7, v13;
	v7 =	vld [tilespmem:s18+$0x8C50]  }
0x362: {  	s19 =	sadd.s32 $0x200, s19;
	v11 =	vadd.f32 v6, v14;
	v6 =	vld [tilespmem:s18+$0x8C60]  }
0x363: {  	v12 =	vmul.f32 $5.000000070e-02, v12;
	v5 =	vadd.f32 v10, v5;
	v63 =	vld [tilespmem:s18+$0x8C70]  }
0x364: {  	v11 =	vmul.f32 $5.000000070e-02, v11;
	v4 =	vadd.f32 v9, v4  }
0x365: {  	[tilespmem:s18+$0x8C00] =	vst v12;
	v5 =	vmul.f32 $5.000000070e-02, v5;
	v3 =	vadd.f32 v8, v3  }
0x366: {  	[tilespmem:s18+$0x8C10] =	vst v11;
	v4 =	vmul.f32 $5.000000070e-02, v4;
	v2 =	vadd.f32 v7, v2  }
0x367: {  	[tilespmem:s18+$0x8C20] =	vst v5;
	v3 =	vmul.f32 $5.000000070e-02, v3;
	v1 =	vadd.f32 v6, v1  }
0x368: {  	[tilespmem:s18+$0x8C30] =	vst v4;
	v2 =	vmul.f32 $5.000000070e-02, v2;
	v0 =	vadd.f32 v63, v0  }
0x369: {  	[tilespmem:s18+$0x8C40] =	vst v3;
	v1 =	vmul.f32 $5.000000070e-02, v1  }
0x36a: {  	s16 =	sadd.s32 $0x1, s16;
	[tilespmem:s18+$0x8C50] =	vst v2;
	v0 =	vmul.f32 $5.000000070e-02, v0  }
0x36b: {  	p0 =	sne.s32 s16, s7;
	[tilespmem:s18+$0x8C60] =	vst v1  }
.Ltmp20:
0x36c: {  	[tilespmem:s18+$0x8C70] =	vst v0;
	(pc) =	sbr.rel @p0 .LBB2_1-.Ltmp20, $4  }
0x36d: {  	[hbm4b:s6+s3] =	stream.linear.scatter [tilespmem:s9], [sflag:$0x3], $0x4000, $0x38;
	[tilespmem:$0xCC00] =	vst v63  }
0x36e: {  	_ =	swait.ge [sflag:s11], $0x4000  }
0x36f: {  	[sflag:s11] =	ssyncset.done $0x0  }
0x370: {  	[sflag:s11] =	ssyncadd.s32 $0xFFFFC000  }
0x371: {  	_ =	sfence.sel $0x180000  }
0x372: {  	[bflag:$0x0] =	sbarrier.arrive $0xFFFF  }
0x373: {  	_ =	strace $0x90000047  }
0x374: {  	s0 =	stileid.u32;
	[bflag:$0x2] =	sbarrier.arrive $0xFFFF  }
0x375: {  	p0 =	sne.s32 s0, $0x0;
	s0 =	rddreg [dreg:$0x3]  }
0x376: {  	s0 =	sadd.s32 @!p0 $0x100000, s0  }
0x377: {  	[sflag:s0] =	ssyncadd.tile.s32 @!p0 $0x1;
	_ =	shalt  }
.Lfunc_end2:
_tile_overlayer_lowered:
.L_overlay_start_2:
0x378: {  	(tag) =	ssettag $0x2  }
0x379: {  	s0 =	rddreg [dreg:$0x0];
	s2 =	stileid.u32  }
0x37a: {  	s1 =	rddreg [dreg:$0x1];
	p0 =	sne.s32 s2, $0x0  }
0x37b: {  	s3 =	rddreg [dreg:$0x2];
	[bflag:$0x3] =	sbarrier.arrive $0xFFFF;
	s2 =	simm.s32 @!p0 $0x1C03  }
0x37c: {  	[timem:s3], [sflag:s2] =	dma.local @!p0 [hbm:s0], s1  }
0x37d: {  	s0 =	simm.s32 @!p0 $0x3  }
0x37e: {  	_ =	swait.ge @!p0 [sflag:s0], s1  }
0x37f: {  	s1 =	ssub.s32 @!p0 $0x0, s1;
	[sflag:s0] =	ssyncset.done @!p0 $0x0  }
0x380: {  	[sflag:s0] =	ssyncadd.s32 @!p0 s1  }
0x381: {  	[bflag:$0x3] =	sbarrier.arrive $0xFFFF  }
0x382: {  	_ =	shalt  }

</sc_bundles>
